<compile_context>
chip_gen: v7x
topology: tpu7x:2x2x1
jax: 0.10.2.dev20260603
libtpu: 0.0.44.dev20260713+nightly
codegen_flags: <defaults>
</compile_context>

<pallas_src>
import functools

import jax
import jax.numpy as jnp
from jax import lax
from jax.experimental import pallas as pl
from jax.experimental.pallas import tpu as pltpu
from jax.experimental.pallas import tpu_sc as plsc

_B = 16384
_EMB = 32
_H1 = 64
_NROWS = 1000000
_NC = 2
_NS = 16
_NW = _NC * _NS
_BPW = _B // _NW
_L = 16
_HB = 4
_LANES = 128

_MLP_BLK = 2048


def _gather_body(uids, iids, utab, itab, uout, iout, uids_v, iids_v,
                 ring_u, ring_i, ubuf, ibuf, usems, isems):
    wid = lax.axis_index("s") * _NC + lax.axis_index("c")
    base = pl.multiple_of(wid * _BPW, _BPW)
    pltpu.sync_copy(uids.at[pl.ds(base, _BPW)], uids_v.at[pl.ds(0, _BPW)])
    pltpu.sync_copy(iids.at[pl.ds(base, _BPW)], iids_v.at[pl.ds(0, _BPW)])

    lanes = lax.iota(jnp.int32, _L)

    def fire(r, h):
        u4 = uids_v[pl.ds(r * _HB, _L)]
        i4 = iids_v[pl.ds(r * _HB, _L)]
        ucp, icp = [], []
        for t in range(_HB):
            off = pl.multiple_of(
                lax.shift_right_logical(u4[t], 7) * _LANES, _LANES)
            ucp.append(pltpu.async_copy(utab.at[:, pl.ds(off, _LANES)],
                                        ring_u.at[h, t], usems.at[h]))
        for t in range(_HB):
            off = pl.multiple_of(
                lax.shift_right_logical(i4[t], 7) * _LANES, _LANES)
            icp.append(pltpu.async_copy(itab.at[:, pl.ds(off, _LANES)],
                                        ring_i.at[h, t], isems.at[h]))
        return ucp, icp

    def extract(r, h, su4, ring, obuf):
        hv = jnp.full((_L,), h, jnp.int32)
        for t in range(_HB):
            col = jnp.full((_L,), r * _HB + t, jnp.int32)
            suv = jnp.full((_L,), su4[t], jnp.int32)
            tv = jnp.full((_L,), t, jnp.int32)
            lo = plsc.load_gather(ring, [hv, tv, lanes, suv])
            hi = plsc.load_gather(ring, [hv, tv, lanes + _L, suv])
            plsc.store_scatter(obuf, [lanes, col], lo)
            plsc.store_scatter(obuf, [lanes + _L, col], hi)

    def drain(r, h):
        u4 = uids_v[pl.ds(r * _HB, _L)]
        i4 = iids_v[pl.ds(r * _HB, _L)]
        usu = lax.bitwise_and(u4, _LANES - 1)
        isu = lax.bitwise_and(i4, _LANES - 1)
        for t in range(_HB):
            pltpu.make_async_copy(utab.at[:, pl.ds(0, _LANES)],
                                  ring_u.at[h, t], usems.at[h]).wait()
        extract(r, h, usu, ring_u, ubuf)
        for t in range(_HB):
            pltpu.make_async_copy(itab.at[:, pl.ds(0, _LANES)],
                                  ring_i.at[h, t], isems.at[h]).wait()
        extract(r, h, isu, ring_i, ibuf)

    _NR = _BPW // _HB

    def pair(k, _):
        fire(2 * k + 1, 1)
        drain(2 * k, 0)
        fire(2 * k + 2, 0)
        drain(2 * k + 1, 1)
        return 0

    fire(0, 0)
    lax.fori_loop(0, _NR // 2 - 1, pair, 0)
    fire(_NR - 1, 1)
    drain(_NR - 2, 0)
    drain(_NR - 1, 1)
    pltpu.sync_copy(ubuf, uout.at[:, pl.ds(base, _BPW)])
    pltpu.sync_copy(ibuf, iout.at[:, pl.ds(base, _BPW)])


@jax.jit
def _gather(uids, iids, utab, itab):
    mesh = plsc.VectorSubcoreMesh(core_axis_name="c", subcore_axis_name="s")
    fn = functools.partial(
        pl.kernel,
        mesh=mesh,
        out_type=(
            jax.ShapeDtypeStruct((_EMB, _B), jnp.float32),
            jax.ShapeDtypeStruct((_EMB, _B), jnp.float32),
        ),
        scratch_types=[
            pltpu.VMEM((_BPW + _L,), jnp.int32),
            pltpu.VMEM((_BPW + _L,), jnp.int32),
            pltpu.VMEM((2, _HB, _EMB, _LANES), jnp.float32),
            pltpu.VMEM((2, _HB, _EMB, _LANES), jnp.float32),
            pltpu.VMEM((_EMB, _BPW), jnp.float32),
            pltpu.VMEM((_EMB, _BPW), jnp.float32),
            pltpu.SemaphoreType.DMA((2,)),
            pltpu.SemaphoreType.DMA((2,)),
        ],
        compiler_params=pltpu.CompilerParams(needs_layout_passes=False),
    )(_gather_body)
    return fn(uids, iids, utab, itab)


def _mlp_body(u_ref, i_ref, w1a_ref, w1b_ref, b1_ref, w2_ref, b2_ref,
              w3_ref, b3_ref, o_ref):
    u = u_ref[...]
    v = i_ref[...]
    h = jnp.dot(w1a_ref[...], u, preferred_element_type=jnp.float32)
    h = h + jnp.dot(w1b_ref[...], v, preferred_element_type=jnp.float32)
    h = jnp.maximum(h + b1_ref[...], 0.0)
    h = jnp.dot(w2_ref[...], h, preferred_element_type=jnp.float32)
    h = jnp.maximum(h + b2_ref[...], 0.0)
    logit = jnp.sum(h * w3_ref[...], axis=0) + b3_ref[0]
    o_ref[...] = 1.0 / (1.0 + jnp.exp(-logit))


@jax.jit
def _mlp(uembT, iembT, w1aT, w1bT, b1c, w2T, b2c, w3c, b3):
    grid = (_B // _MLP_BLK,)
    return pl.pallas_call(
        _mlp_body,
        grid=grid,
        in_specs=[
            pl.BlockSpec((_EMB, _MLP_BLK), lambda i: (0, i)),
            pl.BlockSpec((_EMB, _MLP_BLK), lambda i: (0, i)),
            pl.BlockSpec((_H1, _EMB), lambda i: (0, 0)),
            pl.BlockSpec((_H1, _EMB), lambda i: (0, 0)),
            pl.BlockSpec((_H1, 1), lambda i: (0, 0)),
            pl.BlockSpec((_EMB, _H1), lambda i: (0, 0)),
            pl.BlockSpec((_EMB, 1), lambda i: (0, 0)),
            pl.BlockSpec((_EMB, 1), lambda i: (0, 0)),
            pl.BlockSpec(memory_space=pltpu.SMEM),
        ],
        out_specs=pl.BlockSpec((_MLP_BLK,), lambda i: (i,)),
        out_shape=jax.ShapeDtypeStruct((_B,), jnp.float32),
    )(uembT, iembT, w1aT, w1bT, b1c, w2T, b2c, w3c, b3)


def kernel(user_ids, item_ids, user_table, item_table, W1, b1, W2, b2, W3,
           b3):
    uids = user_ids.astype(jnp.int32)
    iids = item_ids.astype(jnp.int32)
    uembT, iembT = _gather(uids, iids, user_table.T, item_table.T)
    return _mlp(
        uembT, iembT,
        W1[:_EMB].T, W1[_EMB:].T,
        b1.reshape(_H1, 1),
        W2.T,
        b2.reshape(_EMB, 1),
        W3.reshape(_EMB, 1),
        b3.reshape(1),
    )

# --- scband reference (transcript-rebuilt; emitter-appended) ---
"""Pipeline reference for scband-ncfmodel-88098369175676 (READ-ONLY COPY).

The authoritative reference and input builder live on the scoring server;
editing this copy changes nothing except your own understanding.
"""

import jax, jax.numpy as jnp
import numpy as np

N_USERS = 1000000
N_ITEMS = 1000000
EMB = 32
BATCH = 16384

def setup_inputs(seed: int = 0) -> dict:
    key = jax.random.key(seed)
    ks = jax.random.split(key, 12)
    user_ids = jax.random.randint(ks[0], (BATCH,), 0, N_USERS, dtype=jnp.int64) if jax.config.jax_enable_x64 else jax.random.randint(ks[0], (BATCH,), 0, N_USERS, dtype=jnp.int32)
    item_ids = jax.random.randint(ks[1], (BATCH,), 0, N_ITEMS, dtype=user_ids.dtype)
    user_table = jax.random.normal(ks[2], (N_USERS, EMB), dtype=jnp.float32) * 0.01
    item_table = jax.random.normal(ks[3], (N_ITEMS, EMB), dtype=jnp.float32) * 0.01
    # MLP: input 2*EMB=64 -> 64 -> relu -> 32 -> relu -> 1 -> sigmoid
    W1 = jax.random.normal(ks[4], (2 * EMB, 64), dtype=jnp.float32) * (1.0 / np.sqrt(2 * EMB))
    b1 = jnp.zeros((64,), dtype=jnp.float32)
    W2 = jax.random.normal(ks[5], (64, 32), dtype=jnp.float32) * (1.0 / np.sqrt(64))
    b2 = jnp.zeros((32,), dtype=jnp.float32)
    W3 = jax.random.normal(ks[6], (32, 1), dtype=jnp.float32) * (1.0 / np.sqrt(32))
    b3 = jnp.zeros((1,), dtype=jnp.float32)
    return {"user_ids": user_ids, "item_ids": item_ids, "user_table": user_table, "item_table": item_table, "W1": W1, "b1": b1, "W2": W2, "b2": b2, "W3": W3, "b3": b3}

def reference(user_ids, item_ids, user_table, item_table, W1, b1, W2, b2, W3, b3):
    user_emb = jnp.take(user_table, user_ids, axis=0)
    item_emb = jnp.take(item_table, item_ids, axis=0)
    concat = jnp.concatenate([user_emb, item_emb], axis=1)
    h = jax.nn.relu(concat @ W1 + b1)
    h = jax.nn.relu(h @ W2 + b2)
    out = jax.nn.sigmoid(h @ W3 + b3)
    return jnp.squeeze(out, axis=-1)

if __name__ == "__main__":
    import jax
    _d = setup_inputs()
    print(jax.jit(kernel)(*tuple(_d.values())))

</pallas_src>

<mosaic_0001>
#map = affine_map<(d0, d1) -> (0)>
#map1 = affine_map<(d0, d1) -> (0, 0)>
module attributes {stable_mosaic.version = 14 : i64} {
  func.func @_gather_body(%arg0: i32, %arg1: i32, %arg2: memref<16384xi32, #tpu.memory_space<hbm>>, %arg3: memref<16384xi32, #tpu.memory_space<hbm>>, %arg4: memref<32x1000000xf32, #tpu.memory_space<hbm>>, %arg5: memref<32x1000000xf32, #tpu.memory_space<hbm>>, %arg6: memref<32x16384xf32, #tpu.memory_space<hbm>>, %arg7: memref<32x16384xf32, #tpu.memory_space<hbm>>, %arg8: memref<528xi32, #tpu.memory_space<vmem>>, %arg9: memref<528xi32, #tpu.memory_space<vmem>>, %arg10: memref<2x4x32x128xf32, #tpu.memory_space<vmem>>, %arg11: memref<2x4x32x128xf32, #tpu.memory_space<vmem>>, %arg12: memref<32x512xf32, #tpu.memory_space<vmem>>, %arg13: memref<32x512xf32, #tpu.memory_space<vmem>>, %arg14: memref<2x!tpu.dma_semaphore, #tpu.memory_space<semaphore_mem>>, %arg15: memref<2x!tpu.dma_semaphore, #tpu.memory_space<semaphore_mem>>) attributes {dimension_semantics = [#tpu.dimension_semantics<core_parallel>, #tpu.dimension_semantics<subcore_parallel>], iteration_bounds = array<i64: 2, 16>, scalar_prefetch = 0 : i64, scratch_operands = 8 : i64, tpu.core_type = #tpu.core_type<sc_vector_subcore>, window_params = [{transform_indices = #map}, {transform_indices = #map}, {transform_indices = #map1}, {transform_indices = #map1}, {transform_indices = #map1}, {transform_indices = #map1}]} {
    %mul3A = arith.constant 2 : i32
    %mul3A_0 = arith.muli %arg1, %mul3A : i32
    %add3A = arith.addi %mul3A_0, %arg0 : i32
    %mul3A_1 = arith.constant 512 : i32
    %mul3A_2 = arith.muli %add3A, %mul3A_1 : i32
    %multiple_of3A = tpu.assume_multiple %mul3A_2, 512 : i32
    "tpu.region"() ({
      %run_scoped3A = tpu.sem_alloc : memref<!tpu.dma_semaphore, #tpu.memory_space<semaphore_mem>>
      %dma_start3A_964 = arith.constant 0 : i32
      %dma_start3A_965 = tpu.memref_slice %arg8[%dma_start3A_964] : memref<528xi32, #tpu.memory_space<vmem>> -> memref<512xi32, #tpu.memory_space<vmem>>
      %dma_start3A_966 = tpu.memref_slice %arg2[%multiple_of3A] : memref<16384xi32, #tpu.memory_space<hbm>> -> memref<512xi32, #tpu.memory_space<hbm>>
      %dma_start3A_967 = arith.constant 0 : i32
      %dma_start3A_968 = tpu.memref_slice %arg8[%dma_start3A_967] : memref<528xi32, #tpu.memory_space<vmem>> -> memref<512xi32, #tpu.memory_space<vmem>>
      %dma_start3A_969 = tpu.memref_slice %arg2[%multiple_of3A] : memref<16384xi32, #tpu.memory_space<hbm>> -> memref<512xi32, #tpu.memory_space<hbm>>
      tpu.enqueue_dma source(%dma_start3A_969 : memref<512xi32, #tpu.memory_space<hbm>>) target(%dma_start3A_968 : memref<512xi32, #tpu.memory_space<vmem>>) target_semaphore(%run_scoped3A : memref<!tpu.dma_semaphore, #tpu.memory_space<semaphore_mem>>)
      %dma_wait3A_970 = arith.constant 0 : i32
      %dma_wait3A_971 = tpu.memref_slice %arg8[%dma_wait3A_970] : memref<528xi32, #tpu.memory_space<vmem>> -> memref<512xi32, #tpu.memory_space<vmem>>
      %dma_wait3A_972 = tpu.memref_slice %arg2[%multiple_of3A] : memref<16384xi32, #tpu.memory_space<hbm>> -> memref<512xi32, #tpu.memory_space<hbm>>
      %dma_wait3A_973 = arith.constant 0 : i32
      %dma_wait3A_974 = tpu.memref_slice %arg8[%dma_wait3A_973] : memref<528xi32, #tpu.memory_space<vmem>> -> memref<512xi32, #tpu.memory_space<vmem>>
      %dma_wait3A_975 = tpu.memref_slice %arg2[%multiple_of3A] : memref<16384xi32, #tpu.memory_space<hbm>> -> memref<512xi32, #tpu.memory_space<hbm>>
      tpu.wait_dma2 semaphore(%run_scoped3A : memref<!tpu.dma_semaphore, #tpu.memory_space<semaphore_mem>>) src(%dma_wait3A_975 : memref<512xi32, #tpu.memory_space<hbm>>) dst(%dma_wait3A_974 : memref<512xi32, #tpu.memory_space<vmem>>)
      tpu.yield
    }) : () -> ()
    "tpu.region"() ({
      %run_scoped3A = tpu.sem_alloc : memref<!tpu.dma_semaphore, #tpu.memory_space<semaphore_mem>>
      %dma_start3A_964 = arith.constant 0 : i32
      %dma_start3A_965 = tpu.memref_slice %arg9[%dma_start3A_964] : memref<528xi32, #tpu.memory_space<vmem>> -> memref<512xi32, #tpu.memory_space<vmem>>
      %dma_start3A_966 = tpu.memref_slice %arg3[%multiple_of3A] : memref<16384xi32, #tpu.memory_space<hbm>> -> memref<512xi32, #tpu.memory_space<hbm>>
      %dma_start3A_967 = arith.constant 0 : i32
      %dma_start3A_968 = tpu.memref_slice %arg9[%dma_start3A_967] : memref<528xi32, #tpu.memory_space<vmem>> -> memref<512xi32, #tpu.memory_space<vmem>>
      %dma_start3A_969 = tpu.memref_slice %arg3[%multiple_of3A] : memref<16384xi32, #tpu.memory_space<hbm>> -> memref<512xi32, #tpu.memory_space<hbm>>
      tpu.enqueue_dma source(%dma_start3A_969 : memref<512xi32, #tpu.memory_space<hbm>>) target(%dma_start3A_968 : memref<512xi32, #tpu.memory_space<vmem>>) target_semaphore(%run_scoped3A : memref<!tpu.dma_semaphore, #tpu.memory_space<semaphore_mem>>)
      %dma_wait3A_970 = arith.constant 0 : i32
      %dma_wait3A_971 = tpu.memref_slice %arg9[%dma_wait3A_970] : memref<528xi32, #tpu.memory_space<vmem>> -> memref<512xi32, #tpu.memory_space<vmem>>
      %dma_wait3A_972 = tpu.memref_slice %arg3[%multiple_of3A] : memref<16384xi32, #tpu.memory_space<hbm>> -> memref<512xi32, #tpu.memory_space<hbm>>
      %dma_wait3A_973 = arith.constant 0 : i32
      %dma_wait3A_974 = tpu.memref_slice %arg9[%dma_wait3A_973] : memref<528xi32, #tpu.memory_space<vmem>> -> memref<512xi32, #tpu.memory_space<vmem>>
      %dma_wait3A_975 = tpu.memref_slice %arg3[%multiple_of3A] : memref<16384xi32, #tpu.memory_space<hbm>> -> memref<512xi32, #tpu.memory_space<hbm>>
      tpu.wait_dma2 semaphore(%run_scoped3A : memref<!tpu.dma_semaphore, #tpu.memory_space<semaphore_mem>>) src(%dma_wait3A_975 : memref<512xi32, #tpu.memory_space<hbm>>) dst(%dma_wait3A_974 : memref<512xi32, #tpu.memory_space<vmem>>)
      tpu.yield
    }) : () -> ()
    %iota3A = tpu.iota {dimensions = array<i32: 0>} : vector<16xi32>
    %get3A = arith.constant 0 : index
    %get3A_3 = tpu.vector_load %arg8[%get3A] {strides = array<i32>} : memref<528xi32, #tpu.memory_space<vmem>>, vector<16xi32>,
    %get3A_4 = arith.constant 0 : index
    %get3A_5 = tpu.vector_load %arg9[%get3A_4] {strides = array<i32>} : memref<528xi32, #tpu.memory_space<vmem>>, vector<16xi32>,
    %slice3A = vector.extract_strided_slice %get3A_3 {offsets = [0], sizes = [1], strides = [1]} : vector<16xi32> to vector<1xi32>
    %squeeze3A = vector.extract %slice3A[0] : i32 from vector<1xi32>
    %shift_right_logical3A = arith.constant 7 : i32
    %shift_right_logical3A_6 = arith.shrui %squeeze3A, %shift_right_logical3A : i32
    %mul3A_7 = arith.constant 128 : i32
    %mul3A_8 = arith.muli %shift_right_logical3A_6, %mul3A_7 : i32
    %multiple_of3A_9 = tpu.assume_multiple %mul3A_8, 128 : i32
    %dma_start3A = arith.constant 0 : i32
    %dma_start3A_10 = arith.constant 0 : i32
    %dma_start3A_11 = arith.constant 0 : i32
    %dma_start3A_12 = arith.constant 0 : i32
    %dma_start3A_13 = arith.constant 0 : i32
    %dma_start3A_14 = tpu.memref_slice %arg10[%dma_start3A, %dma_start3A_10, %dma_start3A_12, %dma_start3A_13] : memref<2x4x32x128xf32, #tpu.memory_space<vmem>> -> memref<1x1x32x128xf32, #tpu.memory_space<vmem>>
    %dma_start3A_15 = tpu.memref_squeeze %dma_start3A_14 : memref<1x1x32x128xf32, #tpu.memory_space<vmem>> -> memref<32x128xf32, #tpu.memory_space<vmem>>
    %dma_start3A_16 = arith.constant 0 : i32
    %dma_start3A_17 = tpu.memref_slice %arg4[%dma_start3A_16, %multiple_of3A_9] : memref<32x1000000xf32, #tpu.memory_space<hbm>> -> memref<32x128xf32, #tpu.memory_space<hbm>>
    %dma_start3A_18 = tpu.memref_slice %arg14[%dma_start3A_11] : memref<2x!tpu.dma_semaphore, #tpu.memory_space<semaphore_mem>> -> memref<1x!tpu.dma_semaphore, #tpu.memory_space<semaphore_mem>>
    %dma_start3A_19 = tpu.memref_squeeze %dma_start3A_18 : memref<1x!tpu.dma_semaphore, #tpu.memory_space<semaphore_mem>> -> memref<!tpu.dma_semaphore, #tpu.memory_space<semaphore_mem>>
    %dma_start3A_20 = arith.constant 0 : i32
    %dma_start3A_21 = arith.constant 0 : i32
    %dma_start3A_22 = tpu.memref_slice %arg10[%dma_start3A, %dma_start3A_10, %dma_start3A_20, %dma_start3A_21] : memref<2x4x32x128xf32, #tpu.memory_space<vmem>> -> memref<1x1x32x128xf32, #tpu.memory_space<vmem>>
    %dma_start3A_23 = tpu.memref_squeeze %dma_start3A_22 : memref<1x1x32x128xf32, #tpu.memory_space<vmem>> -> memref<32x128xf32, #tpu.memory_space<vmem>>
    %dma_start3A_24 = arith.constant 0 : i32
    %dma_start3A_25 = tpu.memref_slice %arg4[%dma_start3A_24, %multiple_of3A_9] : memref<32x1000000xf32, #tpu.memory_space<hbm>> -> memref<32x128xf32, #tpu.memory_space<hbm>>
    tpu.enqueue_dma source(%dma_start3A_25 : memref<32x128xf32, #tpu.memory_space<hbm>>) target(%dma_start3A_23 : memref<32x128xf32, #tpu.memory_space<vmem>>) target_semaphore(%dma_start3A_19 : memref<!tpu.dma_semaphore, #tpu.memory_space<semaphore_mem>>)
    %slice3A_26 = vector.extract_strided_slice %get3A_3 {offsets = [1], sizes = [1], strides = [1]} : vector<16xi32> to vector<1xi32>
    %squeeze3A_27 = vector.extract %slice3A_26[0] : i32 from vector<1xi32>
    %shift_right_logical3A_28 = arith.constant 7 : i32
    %shift_right_logical3A_29 = arith.shrui %squeeze3A_27, %shift_right_logical3A_28 : i32
    %mul3A_30 = arith.constant 128 : i32
    %mul3A_31 = arith.muli %shift_right_logical3A_29, %mul3A_30 : i32
    %multiple_of3A_32 = tpu.assume_multiple %mul3A_31, 128 : i32
    %dma_start3A_33 = arith.constant 0 : i32
    %dma_start3A_34 = arith.constant 1 : i32
    %dma_start3A_35 = arith.constant 0 : i32
    %dma_start3A_36 = arith.constant 0 : i32
    %dma_start3A_37 = arith.constant 0 : i32
    %dma_start3A_38 = tpu.memref_slice %arg10[%dma_start3A_33, %dma_start3A_34, %dma_start3A_36, %dma_start3A_37] : memref<2x4x32x128xf32, #tpu.memory_space<vmem>> -> memref<1x1x32x128xf32, #tpu.memory_space<vmem>>
    %dma_start3A_39 = tpu.memref_squeeze %dma_start3A_38 : memref<1x1x32x128xf32, #tpu.memory_space<vmem>> -> memref<32x128xf32, #tpu.memory_space<vmem>>
    %dma_start3A_40 = arith.constant 0 : i32
    %dma_start3A_41 = tpu.memref_slice %arg4[%dma_start3A_40, %multiple_of3A_32] : memref<32x1000000xf32, #tpu.memory_space<hbm>> -> memref<32x128xf32, #tpu.memory_space<hbm>>
    %dma_start3A_42 = tpu.memref_slice %arg14[%dma_start3A_35] : memref<2x!tpu.dma_semaphore, #tpu.memory_space<semaphore_mem>> -> memref<1x!tpu.dma_semaphore, #tpu.memory_space<semaphore_mem>>
    %dma_start3A_43 = tpu.memref_squeeze %dma_start3A_42 : memref<1x!tpu.dma_semaphore, #tpu.memory_space<semaphore_mem>> -> memref<!tpu.dma_semaphore, #tpu.memory_space<semaphore_mem>>
    %dma_start3A_44 = arith.constant 0 : i32
    %dma_start3A_45 = arith.constant 0 : i32
    %dma_start3A_46 = tpu.memref_slice %arg10[%dma_start3A_33, %dma_start3A_34, %dma_start3A_44, %dma_start3A_45] : memref<2x4x32x128xf32, #tpu.memory_space<vmem>> -> memref<1x1x32x128xf32, #tpu.memory_space<vmem>>
    %dma_start3A_47 = tpu.memref_squeeze %dma_start3A_46 : memref<1x1x32x128xf32, #tpu.memory_space<vmem>> -> memref<32x128xf32, #tpu.memory_space<vmem>>
    %dma_start3A_48 = arith.constant 0 : i32
    %dma_start3A_49 = tpu.memref_slice %arg4[%dma_start3A_48, %multiple_of3A_32] : memref<32x1000000xf32, #tpu.memory_space<hbm>> -> memref<32x128xf32, #tpu.memory_space<hbm>>
    tpu.enqueue_dma source(%dma_start3A_49 : memref<32x128xf32, #tpu.memory_space<hbm>>) target(%dma_start3A_47 : memref<32x128xf32, #tpu.memory_space<vmem>>) target_semaphore(%dma_start3A_43 : memref<!tpu.dma_semaphore, #tpu.memory_space<semaphore_mem>>)
    %slice3A_50 = vector.extract_strided_slice %get3A_3 {offsets = [2], sizes = [1], strides = [1]} : vector<16xi32> to vector<1xi32>
    %squeeze3A_51 = vector.extract %slice3A_50[0] : i32 from vector<1xi32>
    %shift_right_logical3A_52 = arith.constant 7 : i32
    %shift_right_logical3A_53 = arith.shrui %squeeze3A_51, %shift_right_logical3A_52 : i32
    %mul3A_54 = arith.constant 128 : i32
    %mul3A_55 = arith.muli %shift_right_logical3A_53, %mul3A_54 : i32
    %multiple_of3A_56 = tpu.assume_multiple %mul3A_55, 128 : i32
    %dma_start3A_57 = arith.constant 0 : i32
    %dma_start3A_58 = arith.constant 2 : i32
    %dma_start3A_59 = arith.constant 0 : i32
    %dma_start3A_60 = arith.constant 0 : i32
    %dma_start3A_61 = arith.constant 0 : i32
    %dma_start3A_62 = tpu.memref_slice %arg10[%dma_start3A_57, %dma_start3A_58, %dma_start3A_60, %dma_start3A_61] : memref<2x4x32x128xf32, #tpu.memory_space<vmem>> -> memref<1x1x32x128xf32, #tpu.memory_space<vmem>>
    %dma_start3A_63 = tpu.memref_squeeze %dma_start3A_62 : memref<1x1x32x128xf32, #tpu.memory_space<vmem>> -> memref<32x128xf32, #tpu.memory_space<vmem>>
    %dma_start3A_64 = arith.constant 0 : i32
    %dma_start3A_65 = tpu.memref_slice %arg4[%dma_start3A_64, %multiple_of3A_56] : memref<32x1000000xf32, #tpu.memory_space<hbm>> -> memref<32x128xf32, #tpu.memory_space<hbm>>
    %dma_start3A_66 = tpu.memref_slice %arg14[%dma_start3A_59] : memref<2x!tpu.dma_semaphore, #tpu.memory_space<semaphore_mem>> -> memref<1x!tpu.dma_semaphore, #tpu.memory_space<semaphore_mem>>
    %dma_start3A_67 = tpu.memref_squeeze %dma_start3A_66 : memref<1x!tpu.dma_semaphore, #tpu.memory_space<semaphore_mem>> -> memref<!tpu.dma_semaphore, #tpu.memory_space<semaphore_mem>>
    %dma_start3A_68 = arith.constant 0 : i32
    %dma_start3A_69 = arith.constant 0 : i32
    %dma_start3A_70 = tpu.memref_slice %arg10[%dma_start3A_57, %dma_start3A_58, %dma_start3A_68, %dma_start3A_69] : memref<2x4x32x128xf32, #tpu.memory_space<vmem>> -> memref<1x1x32x128xf32, #tpu.memory_space<vmem>>
    %dma_start3A_71 = tpu.memref_squeeze %dma_start3A_70 : memref<1x1x32x128xf32, #tpu.memory_space<vmem>> -> memref<32x128xf32, #tpu.memory_space<vmem>>
    %dma_start3A_72 = arith.constant 0 : i32
    %dma_start3A_73 = tpu.memref_slice %arg4[%dma_start3A_72, %multiple_of3A_56] : memref<32x1000000xf32, #tpu.memory_space<hbm>> -> memref<32x128xf32, #tpu.memory_space<hbm>>
    tpu.enqueue_dma source(%dma_start3A_73 : memref<32x128xf32, #tpu.memory_space<hbm>>) target(%dma_start3A_71 : memref<32x128xf32, #tpu.memory_space<vmem>>) target_semaphore(%dma_start3A_67 : memref<!tpu.dma_semaphore, #tpu.memory_space<semaphore_mem>>)
    %slice3A_74 = vector.extract_strided_slice %get3A_3 {offsets = [3], sizes = [1], strides = [1]} : vector<16xi32> to vector<1xi32>
    %squeeze3A_75 = vector.extract %slice3A_74[0] : i32 from vector<1xi32>
    %shift_right_logical3A_76 = arith.constant 7 : i32
    %shift_right_logical3A_77 = arith.shrui %squeeze3A_75, %shift_right_logical3A_76 : i32
    %mul3A_78 = arith.constant 128 : i32
    %mul3A_79 = arith.muli %shift_right_logical3A_77, %mul3A_78 : i32
    %multiple_of3A_80 = tpu.assume_multiple %mul3A_79, 128 : i32
    %dma_start3A_81 = arith.constant 0 : i32
    %dma_start3A_82 = arith.constant 3 : i32
    %dma_start3A_83 = arith.constant 0 : i32
    %dma_start3A_84 = arith.constant 0 : i32
    %dma_start3A_85 = arith.constant 0 : i32
    %dma_start3A_86 = tpu.memref_slice %arg10[%dma_start3A_81, %dma_start3A_82, %dma_start3A_84, %dma_start3A_85] : memref<2x4x32x128xf32, #tpu.memory_space<vmem>> -> memref<1x1x32x128xf32, #tpu.memory_space<vmem>>
    %dma_start3A_87 = tpu.memref_squeeze %dma_start3A_86 : memref<1x1x32x128xf32, #tpu.memory_space<vmem>> -> memref<32x128xf32, #tpu.memory_space<vmem>>
    %dma_start3A_88 = arith.constant 0 : i32
    %dma_start3A_89 = tpu.memref_slice %arg4[%dma_start3A_88, %multiple_of3A_80] : memref<32x1000000xf32, #tpu.memory_space<hbm>> -> memref<32x128xf32, #tpu.memory_space<hbm>>
    %dma_start3A_90 = tpu.memref_slice %arg14[%dma_start3A_83] : memref<2x!tpu.dma_semaphore, #tpu.memory_space<semaphore_mem>> -> memref<1x!tpu.dma_semaphore, #tpu.memory_space<semaphore_mem>>
    %dma_start3A_91 = tpu.memref_squeeze %dma_start3A_90 : memref<1x!tpu.dma_semaphore, #tpu.memory_space<semaphore_mem>> -> memref<!tpu.dma_semaphore, #tpu.memory_space<semaphore_mem>>
    %dma_start3A_92 = arith.constant 0 : i32
    %dma_start3A_93 = arith.constant 0 : i32
    %dma_start3A_94 = tpu.memref_slice %arg10[%dma_start3A_81, %dma_start3A_82, %dma_start3A_92, %dma_start3A_93] : memref<2x4x32x128xf32, #tpu.memory_space<vmem>> -> memref<1x1x32x128xf32, #tpu.memory_space<vmem>>
    %dma_start3A_95 = tpu.memref_squeeze %dma_start3A_94 : memref<1x1x32x128xf32, #tpu.memory_space<vmem>> -> memref<32x128xf32, #tpu.memory_space<vmem>>
    %dma_start3A_96 = arith.constant 0 : i32
    %dma_start3A_97 = tpu.memref_slice %arg4[%dma_start3A_96, %multiple_of3A_80] : memref<32x1000000xf32, #tpu.memory_space<hbm>> -> memref<32x128xf32, #tpu.memory_space<hbm>>
    tpu.enqueue_dma source(%dma_start3A_97 : memref<32x128xf32, #tpu.memory_space<hbm>>) target(%dma_start3A_95 : memref<32x128xf32, #tpu.memory_space<vmem>>) target_semaphore(%dma_start3A_91 : memref<!tpu.dma_semaphore, #tpu.memory_space<semaphore_mem>>)
    %slice3A_98 = vector.extract_strided_slice %get3A_5 {offsets = [0], sizes = [1], strides = [1]} : vector<16xi32> to vector<1xi32>
    %squeeze3A_99 = vector.extract %slice3A_98[0] : i32 from vector<1xi32>
    %shift_right_logical3A_100 = arith.constant 7 : i32
    %shift_right_logical3A_101 = arith.shrui %squeeze3A_99, %shift_right_logical3A_100 : i32
    %mul3A_102 = arith.constant 128 : i32
    %mul3A_103 = arith.muli %shift_right_logical3A_101, %mul3A_102 : i32
    %multiple_of3A_104 = tpu.assume_multiple %mul3A_103, 128 : i32
    %dma_start3A_105 = arith.constant 0 : i32
    %dma_start3A_106 = arith.constant 0 : i32
    %dma_start3A_107 = arith.constant 0 : i32
    %dma_start3A_108 = arith.constant 0 : i32
    %dma_start3A_109 = arith.constant 0 : i32
    %dma_start3A_110 = tpu.memref_slice %arg11[%dma_start3A_105, %dma_start3A_106, %dma_start3A_108, %dma_start3A_109] : memref<2x4x32x128xf32, #tpu.memory_space<vmem>> -> memref<1x1x32x128xf32, #tpu.memory_space<vmem>>
    %dma_start3A_111 = tpu.memref_squeeze %dma_start3A_110 : memref<1x1x32x128xf32, #tpu.memory_space<vmem>> -> memref<32x128xf32, #tpu.memory_space<vmem>>
    %dma_start3A_112 = arith.constant 0 : i32
    %dma_start3A_113 = tpu.memref_slice %arg5[%dma_start3A_112, %multiple_of3A_104] : memref<32x1000000xf32, #tpu.memory_space<hbm>> -> memref<32x128xf32, #tpu.memory_space<hbm>>
    %dma_start3A_114 = tpu.memref_slice %arg15[%dma_start3A_107] : memref<2x!tpu.dma_semaphore, #tpu.memory_space<semaphore_mem>> -> memref<1x!tpu.dma_semaphore, #tpu.memory_space<semaphore_mem>>
    %dma_start3A_115 = tpu.memref_squeeze %dma_start3A_114 : memref<1x!tpu.dma_semaphore, #tpu.memory_space<semaphore_mem>> -> memref<!tpu.dma_semaphore, #tpu.memory_space<semaphore_mem>>
    %dma_start3A_116 = arith.constant 0 : i32
    %dma_start3A_117 = arith.constant 0 : i32
    %dma_start3A_118 = tpu.memref_slice %arg11[%dma_start3A_105, %dma_start3A_106, %dma_start3A_116, %dma_start3A_117] : memref<2x4x32x128xf32, #tpu.memory_space<vmem>> -> memref<1x1x32x128xf32, #tpu.memory_space<vmem>>
    %dma_start3A_119 = tpu.memref_squeeze %dma_start3A_118 : memref<1x1x32x128xf32, #tpu.memory_space<vmem>> -> memref<32x128xf32, #tpu.memory_space<vmem>>
    %dma_start3A_120 = arith.constant 0 : i32
    %dma_start3A_121 = tpu.memref_slice %arg5[%dma_start3A_120, %multiple_of3A_104] : memref<32x1000000xf32, #tpu.memory_space<hbm>> -> memref<32x128xf32, #tpu.memory_space<hbm>>
    tpu.enqueue_dma source(%dma_start3A_121 : memref<32x128xf32, #tpu.memory_space<hbm>>) target(%dma_start3A_119 : memref<32x128xf32, #tpu.memory_space<vmem>>) target_semaphore(%dma_start3A_115 : memref<!tpu.dma_semaphore, #tpu.memory_space<semaphore_mem>>)
    %slice3A_122 = vector.extract_strided_slice %get3A_5 {offsets = [1], sizes = [1], strides = [1]} : vector<16xi32> to vector<1xi32>
    %squeeze3A_123 = vector.extract %slice3A_122[0] : i32 from vector<1xi32>
    %shift_right_logical3A_124 = arith.constant 7 : i32
    %shift_right_logical3A_125 = arith.shrui %squeeze3A_123, %shift_right_logical3A_124 : i32
    %mul3A_126 = arith.constant 128 : i32
    %mul3A_127 = arith.muli %shift_right_logical3A_125, %mul3A_126 : i32
    %multiple_of3A_128 = tpu.assume_multiple %mul3A_127, 128 : i32
    %dma_start3A_129 = arith.constant 0 : i32
    %dma_start3A_130 = arith.constant 1 : i32
    %dma_start3A_131 = arith.constant 0 : i32
    %dma_start3A_132 = arith.constant 0 : i32
    %dma_start3A_133 = arith.constant 0 : i32
    %dma_start3A_134 = tpu.memref_slice %arg11[%dma_start3A_129, %dma_start3A_130, %dma_start3A_132, %dma_start3A_133] : memref<2x4x32x128xf32, #tpu.memory_space<vmem>> -> memref<1x1x32x128xf32, #tpu.memory_space<vmem>>
    %dma_start3A_135 = tpu.memref_squeeze %dma_start3A_134 : memref<1x1x32x128xf32, #tpu.memory_space<vmem>> -> memref<32x128xf32, #tpu.memory_space<vmem>>
    %dma_start3A_136 = arith.constant 0 : i32
    %dma_start3A_137 = tpu.memref_slice %arg5[%dma_start3A_136, %multiple_of3A_128] : memref<32x1000000xf32, #tpu.memory_space<hbm>> -> memref<32x128xf32, #tpu.memory_space<hbm>>
    %dma_start3A_138 = tpu.memref_slice %arg15[%dma_start3A_131] : memref<2x!tpu.dma_semaphore, #tpu.memory_space<semaphore_mem>> -> memref<1x!tpu.dma_semaphore, #tpu.memory_space<semaphore_mem>>
    %dma_start3A_139 = tpu.memref_squeeze %dma_start3A_138 : memref<1x!tpu.dma_semaphore, #tpu.memory_space<semaphore_mem>> -> memref<!tpu.dma_semaphore, #tpu.memory_space<semaphore_mem>>
    %dma_start3A_140 = arith.constant 0 : i32
    %dma_start3A_141 = arith.constant 0 : i32
    %dma_start3A_142 = tpu.memref_slice %arg11[%dma_start3A_129, %dma_start3A_130, %dma_start3A_140, %dma_start3A_141] : memref<2x4x32x128xf32, #tpu.memory_space<vmem>> -> memref<1x1x32x128xf32, #tpu.memory_space<vmem>>
    %dma_start3A_143 = tpu.memref_squeeze %dma_start3A_142 : memref<1x1x32x128xf32, #tpu.memory_space<vmem>> -> memref<32x128xf32, #tpu.memory_space<vmem>>
    %dma_start3A_144 = arith.constant 0 : i32
    %dma_start3A_145 = tpu.memref_slice %arg5[%dma_start3A_144, %multiple_of3A_128] : memref<32x1000000xf32, #tpu.memory_space<hbm>> -> memref<32x128xf32, #tpu.memory_space<hbm>>
    tpu.enqueue_dma source(%dma_start3A_145 : memref<32x128xf32, #tpu.memory_space<hbm>>) target(%dma_start3A_143 : memref<32x128xf32, #tpu.memory_space<vmem>>) target_semaphore(%dma_start3A_139 : memref<!tpu.dma_semaphore, #tpu.memory_space<semaphore_mem>>)
    %slice3A_146 = vector.extract_strided_slice %get3A_5 {offsets = [2], sizes = [1], strides = [1]} : vector<16xi32> to vector<1xi32>
    %squeeze3A_147 = vector.extract %slice3A_146[0] : i32 from vector<1xi32>
    %shift_right_logical3A_148 = arith.constant 7 : i32
    %shift_right_logical3A_149 = arith.shrui %squeeze3A_147, %shift_right_logical3A_148 : i32
    %mul3A_150 = arith.constant 128 : i32
    %mul3A_151 = arith.muli %shift_right_logical3A_149, %mul3A_150 : i32
    %multiple_of3A_152 = tpu.assume_multiple %mul3A_151, 128 : i32
    %dma_start3A_153 = arith.constant 0 : i32
    %dma_start3A_154 = arith.constant 2 : i32
    %dma_start3A_155 = arith.constant 0 : i32
    %dma_start3A_156 = arith.constant 0 : i32
    %dma_start3A_157 = arith.constant 0 : i32
    %dma_start3A_158 = tpu.memref_slice %arg11[%dma_start3A_153, %dma_start3A_154, %dma_start3A_156, %dma_start3A_157] : memref<2x4x32x128xf32, #tpu.memory_space<vmem>> -> memref<1x1x32x128xf32, #tpu.memory_space<vmem>>
    %dma_start3A_159 = tpu.memref_squeeze %dma_start3A_158 : memref<1x1x32x128xf32, #tpu.memory_space<vmem>> -> memref<32x128xf32, #tpu.memory_space<vmem>>
    %dma_start3A_160 = arith.constant 0 : i32
    %dma_start3A_161 = tpu.memref_slice %arg5[%dma_start3A_160, %multiple_of3A_152] : memref<32x1000000xf32, #tpu.memory_space<hbm>> -> memref<32x128xf32, #tpu.memory_space<hbm>>
    %dma_start3A_162 = tpu.memref_slice %arg15[%dma_start3A_155] : memref<2x!tpu.dma_semaphore, #tpu.memory_space<semaphore_mem>> -> memref<1x!tpu.dma_semaphore, #tpu.memory_space<semaphore_mem>>
    %dma_start3A_163 = tpu.memref_squeeze %dma_start3A_162 : memref<1x!tpu.dma_semaphore, #tpu.memory_space<semaphore_mem>> -> memref<!tpu.dma_semaphore, #tpu.memory_space<semaphore_mem>>
    %dma_start3A_164 = arith.constant 0 : i32
    %dma_start3A_165 = arith.constant 0 : i32
    %dma_start3A_166 = tpu.memref_slice %arg11[%dma_start3A_153, %dma_start3A_154, %dma_start3A_164, %dma_start3A_165] : memref<2x4x32x128xf32, #tpu.memory_space<vmem>> -> memref<1x1x32x128xf32, #tpu.memory_space<vmem>>
    %dma_start3A_167 = tpu.memref_squeeze %dma_start3A_166 : memref<1x1x32x128xf32, #tpu.memory_space<vmem>> -> memref<32x128xf32, #tpu.memory_space<vmem>>
    %dma_start3A_168 = arith.constant 0 : i32
    %dma_start3A_169 = tpu.memref_slice %arg5[%dma_start3A_168, %multiple_of3A_152] : memref<32x1000000xf32, #tpu.memory_space<hbm>> -> memref<32x128xf32, #tpu.memory_space<hbm>>
    tpu.enqueue_dma source(%dma_start3A_169 : memref<32x128xf32, #tpu.memory_space<hbm>>) target(%dma_start3A_167 : memref<32x128xf32, #tpu.memory_space<vmem>>) target_semaphore(%dma_start3A_163 : memref<!tpu.dma_semaphore, #tpu.memory_space<semaphore_mem>>)
    %slice3A_170 = vector.extract_strided_slice %get3A_5 {offsets = [3], sizes = [1], strides = [1]} : vector<16xi32> to vector<1xi32>
    %squeeze3A_171 = vector.extract %slice3A_170[0] : i32 from vector<1xi32>
    %shift_right_logical3A_172 = arith.constant 7 : i32
    %shift_right_logical3A_173 = arith.shrui %squeeze3A_171, %shift_right_logical3A_172 : i32
    %mul3A_174 = arith.constant 128 : i32
    %mul3A_175 = arith.muli %shift_right_logical3A_173, %mul3A_174 : i32
    %multiple_of3A_176 = tpu.assume_multiple %mul3A_175, 128 : i32
    %dma_start3A_177 = arith.constant 0 : i32
    %dma_start3A_178 = arith.constant 3 : i32
    %dma_start3A_179 = arith.constant 0 : i32
    %dma_start3A_180 = arith.constant 0 : i32
    %dma_start3A_181 = arith.constant 0 : i32
    %dma_start3A_182 = tpu.memref_slice %arg11[%dma_start3A_177, %dma_start3A_178, %dma_start3A_180, %dma_start3A_181] : memref<2x4x32x128xf32, #tpu.memory_space<vmem>> -> memref<1x1x32x128xf32, #tpu.memory_space<vmem>>
    %dma_start3A_183 = tpu.memref_squeeze %dma_start3A_182 : memref<1x1x32x128xf32, #tpu.memory_space<vmem>> -> memref<32x128xf32, #tpu.memory_space<vmem>>
    %dma_start3A_184 = arith.constant 0 : i32
    %dma_start3A_185 = tpu.memref_slice %arg5[%dma_start3A_184, %multiple_of3A_176] : memref<32x1000000xf32, #tpu.memory_space<hbm>> -> memref<32x128xf32, #tpu.memory_space<hbm>>
    %dma_start3A_186 = tpu.memref_slice %arg15[%dma_start3A_179] : memref<2x!tpu.dma_semaphore, #tpu.memory_space<semaphore_mem>> -> memref<1x!tpu.dma_semaphore, #tpu.memory_space<semaphore_mem>>
    %dma_start3A_187 = tpu.memref_squeeze %dma_start3A_186 : memref<1x!tpu.dma_semaphore, #tpu.memory_space<semaphore_mem>> -> memref<!tpu.dma_semaphore, #tpu.memory_space<semaphore_mem>>
    %dma_start3A_188 = arith.constant 0 : i32
    %dma_start3A_189 = arith.constant 0 : i32
    %dma_start3A_190 = tpu.memref_slice %arg11[%dma_start3A_177, %dma_start3A_178, %dma_start3A_188, %dma_start3A_189] : memref<2x4x32x128xf32, #tpu.memory_space<vmem>> -> memref<1x1x32x128xf32, #tpu.memory_space<vmem>>
    %dma_start3A_191 = tpu.memref_squeeze %dma_start3A_190 : memref<1x1x32x128xf32, #tpu.memory_space<vmem>> -> memref<32x128xf32, #tpu.memory_space<vmem>>
    %dma_start3A_192 = arith.constant 0 : i32
    %dma_start3A_193 = tpu.memref_slice %arg5[%dma_start3A_192, %multiple_of3A_176] : memref<32x1000000xf32, #tpu.memory_space<hbm>> -> memref<32x128xf32, #tpu.memory_space<hbm>>
    tpu.enqueue_dma source(%dma_start3A_193 : memref<32x128xf32, #tpu.memory_space<hbm>>) target(%dma_start3A_191 : memref<32x128xf32, #tpu.memory_space<vmem>>) target_semaphore(%dma_start3A_187 : memref<!tpu.dma_semaphore, #tpu.memory_space<semaphore_mem>>)
    %scan3A = arith.constant 0 : i32
    %scan3A_194 = arith.constant 0 : i32
    %scan3A_195 = arith.constant 63 : i32
    %scan3A_196 = arith.addi %scan3A_194, %scan3A_195 : i32
    %scan3A_197 = arith.constant 1 : i32
    %scan3A_198 = scf.for %scan3A_964 = %scan3A_194 to %scan3A_196 step %scan3A_197 iter_args(%scan3A_965 = %scan3A) -> (i32)  : i32 {
      %mul3A_966 = arith.constant 2 : i32
      %mul3A_967 = arith.muli %mul3A_966, %scan3A_964 : i32
      %add3A_968 = arith.constant 1 : i32
      %add3A_969 = arith.addi %mul3A_967, %add3A_968 : i32
      %mul3A_970 = arith.constant 4 : i32
      %mul3A_971 = arith.muli %add3A_969, %mul3A_970 : i32
      %get3A_972 = arith.index_cast %mul3A_971 : i32 to index
      %get3A_973 = tpu.vector_load %arg8[%get3A_972] {strides = array<i32>} : memref<528xi32, #tpu.memory_space<vmem>>, vector<16xi32>,
      %mul3A_974 = arith.constant 4 : i32
      %mul3A_975 = arith.muli %add3A_969, %mul3A_974 : i32
      %get3A_976 = arith.index_cast %mul3A_975 : i32 to index
      %get3A_977 = tpu.vector_load %arg9[%get3A_976] {strides = array<i32>} : memref<528xi32, #tpu.memory_space<vmem>>, vector<16xi32>,
      %slice3A_978 = vector.extract_strided_slice %get3A_973 {offsets = [0], sizes = [1], strides = [1]} : vector<16xi32> to vector<1xi32>
      %squeeze3A_979 = vector.extract %slice3A_978[0] : i32 from vector<1xi32>
      %shift_right_logical3A_980 = arith.constant 7 : i32
      %shift_right_logical3A_981 = arith.shrui %squeeze3A_979, %shift_right_logical3A_980 : i32
      %mul3A_982 = arith.constant 128 : i32
      %mul3A_983 = arith.muli %shift_right_logical3A_981, %mul3A_982 : i32
      %multiple_of3A_984 = tpu.assume_multiple %mul3A_983, 128 : i32
      %dma_start3A_985 = arith.constant 1 : i32
      %dma_start3A_986 = arith.constant 0 : i32
      %dma_start3A_987 = arith.constant 1 : i32
      %dma_start3A_988 = arith.constant 0 : i32
      %dma_start3A_989 = arith.constant 0 : i32
      %dma_start3A_990 = tpu.memref_slice %arg10[%dma_start3A_985, %dma_start3A_986, %dma_start3A_988, %dma_start3A_989] : memref<2x4x32x128xf32, #tpu.memory_space<vmem>> -> memref<1x1x32x128xf32, #tpu.memory_space<vmem>>
      %dma_start3A_991 = tpu.memref_squeeze %dma_start3A_990 : memref<1x1x32x128xf32, #tpu.memory_space<vmem>> -> memref<32x128xf32, #tpu.memory_space<vmem>>
      %dma_start3A_992 = arith.constant 0 : i32
      %dma_start3A_993 = tpu.memref_slice %arg4[%dma_start3A_992, %multiple_of3A_984] : memref<32x1000000xf32, #tpu.memory_space<hbm>> -> memref<32x128xf32, #tpu.memory_space<hbm>>
      %dma_start3A_994 = tpu.memref_slice %arg14[%dma_start3A_987] : memref<2x!tpu.dma_semaphore, #tpu.memory_space<semaphore_mem>> -> memref<1x!tpu.dma_semaphore, #tpu.memory_space<semaphore_mem>>
      %dma_start3A_995 = tpu.memref_squeeze %dma_start3A_994 : memref<1x!tpu.dma_semaphore, #tpu.memory_space<semaphore_mem>> -> memref<!tpu.dma_semaphore, #tpu.memory_space<semaphore_mem>>
      %dma_start3A_996 = arith.constant 0 : i32
      %dma_start3A_997 = arith.constant 0 : i32
      %dma_start3A_998 = tpu.memref_slice %arg10[%dma_start3A_985, %dma_start3A_986, %dma_start3A_996, %dma_start3A_997] : memref<2x4x32x128xf32, #tpu.memory_space<vmem>> -> memref<1x1x32x128xf32, #tpu.memory_space<vmem>>
      %dma_start3A_999 = tpu.memref_squeeze %dma_start3A_998 : memref<1x1x32x128xf32, #tpu.memory_space<vmem>> -> memref<32x128xf32, #tpu.memory_space<vmem>>
      %dma_start3A_1000 = arith.constant 0 : i32
      %dma_start3A_1001 = tpu.memref_slice %arg4[%dma_start3A_1000, %multiple_of3A_984] : memref<32x1000000xf32, #tpu.memory_space<hbm>> -> memref<32x128xf32, #tpu.memory_space<hbm>>
      tpu.enqueue_dma source(%dma_start3A_1001 : memref<32x128xf32, #tpu.memory_space<hbm>>) target(%dma_start3A_999 : memref<32x128xf32, #tpu.memory_space<vmem>>) target_semaphore(%dma_start3A_995 : memref<!tpu.dma_semaphore, #tpu.memory_space<semaphore_mem>>)
      %slice3A_1002 = vector.extract_strided_slice %get3A_973 {offsets = [1], sizes = [1], strides = [1]} : vector<16xi32> to vector<1xi32>
      %squeeze3A_1003 = vector.extract %slice3A_1002[0] : i32 from vector<1xi32>
      %shift_right_logical3A_1004 = arith.constant 7 : i32
      %shift_right_logical3A_1005 = arith.shrui %squeeze3A_1003, %shift_right_logical3A_1004 : i32
      %mul3A_1006 = arith.constant 128 : i32
      %mul3A_1007 = arith.muli %shift_right_logical3A_1005, %mul3A_1006 : i32
      %multiple_of3A_1008 = tpu.assume_multiple %mul3A_1007, 128 : i32
      %dma_start3A_1009 = arith.constant 1 : i32
      %dma_start3A_1010 = arith.constant 1 : i32
      %dma_start3A_1011 = arith.constant 1 : i32
      %dma_start3A_1012 = arith.constant 0 : i32
      %dma_start3A_1013 = arith.constant 0 : i32
      %dma_start3A_1014 = tpu.memref_slice %arg10[%dma_start3A_1009, %dma_start3A_1010, %dma_start3A_1012, %dma_start3A_1013] : memref<2x4x32x128xf32, #tpu.memory_space<vmem>> -> memref<1x1x32x128xf32, #tpu.memory_space<vmem>>
      %dma_start3A_1015 = tpu.memref_squeeze %dma_start3A_1014 : memref<1x1x32x128xf32, #tpu.memory_space<vmem>> -> memref<32x128xf32, #tpu.memory_space<vmem>>
      %dma_start3A_1016 = arith.constant 0 : i32
      %dma_start3A_1017 = tpu.memref_slice %arg4[%dma_start3A_1016, %multiple_of3A_1008] : memref<32x1000000xf32, #tpu.memory_space<hbm>> -> memref<32x128xf32, #tpu.memory_space<hbm>>
      %dma_start3A_1018 = tpu.memref_slice %arg14[%dma_start3A_1011] : memref<2x!tpu.dma_semaphore, #tpu.memory_space<semaphore_mem>> -> memref<1x!tpu.dma_semaphore, #tpu.memory_space<semaphore_mem>>
      %dma_start3A_1019 = tpu.memref_squeeze %dma_start3A_1018 : memref<1x!tpu.dma_semaphore, #tpu.memory_space<semaphore_mem>> -> memref<!tpu.dma_semaphore, #tpu.memory_space<semaphore_mem>>
      %dma_start3A_1020 = arith.constant 0 : i32
      %dma_start3A_1021 = arith.constant 0 : i32
      %dma_start3A_1022 = tpu.memref_slice %arg10[%dma_start3A_1009, %dma_start3A_1010, %dma_start3A_1020, %dma_start3A_1021] : memref<2x4x32x128xf32, #tpu.memory_space<vmem>> -> memref<1x1x32x128xf32, #tpu.memory_space<vmem>>
      %dma_start3A_1023 = tpu.memref_squeeze %dma_start3A_1022 : memref<1x1x32x128xf32, #tpu.memory_space<vmem>> -> memref<32x128xf32, #tpu.memory_space<vmem>>
      %dma_start3A_1024 = arith.constant 0 : i32
      %dma_start3A_1025 = tpu.memref_slice %arg4[%dma_start3A_1024, %multiple_of3A_1008] : memref<32x1000000xf32, #tpu.memory_space<hbm>> -> memref<32x128xf32, #tpu.memory_space<hbm>>
      tpu.enqueue_dma source(%dma_start3A_1025 : memref<32x128xf32, #tpu.memory_space<hbm>>) target(%dma_start3A_1023 : memref<32x128xf32, #tpu.memory_space<vmem>>) target_semaphore(%dma_start3A_1019 : memref<!tpu.dma_semaphore, #tpu.memory_space<semaphore_mem>>)
      %slice3A_1026 = vector.extract_strided_slice %get3A_973 {offsets = [2], sizes = [1], strides = [1]} : vector<16xi32> to vector<1xi32>
      %squeeze3A_1027 = vector.extract %slice3A_1026[0] : i32 from vector<1xi32>
      %shift_right_logical3A_1028 = arith.constant 7 : i32
      %shift_right_logical3A_1029 = arith.shrui %squeeze3A_1027, %shift_right_logical3A_1028 : i32
      %mul3A_1030 = arith.constant 128 : i32
      %mul3A_1031 = arith.muli %shift_right_logical3A_1029, %mul3A_1030 : i32
      %multiple_of3A_1032 = tpu.assume_multiple %mul3A_1031, 128 : i32
      %dma_start3A_1033 = arith.constant 1 : i32
      %dma_start3A_1034 = arith.constant 2 : i32
      %dma_start3A_1035 = arith.constant 1 : i32
      %dma_start3A_1036 = arith.constant 0 : i32
      %dma_start3A_1037 = arith.constant 0 : i32
      %dma_start3A_1038 = tpu.memref_slice %arg10[%dma_start3A_1033, %dma_start3A_1034, %dma_start3A_1036, %dma_start3A_1037] : memref<2x4x32x128xf32, #tpu.memory_space<vmem>> -> memref<1x1x32x128xf32, #tpu.memory_space<vmem>>
      %dma_start3A_1039 = tpu.memref_squeeze %dma_start3A_1038 : memref<1x1x32x128xf32, #tpu.memory_space<vmem>> -> memref<32x128xf32, #tpu.memory_space<vmem>>
      %dma_start3A_1040 = arith.constant 0 : i32
      %dma_start3A_1041 = tpu.memref_slice %arg4[%dma_start3A_1040, %multiple_of3A_1032] : memref<32x1000000xf32, #tpu.memory_space<hbm>> -> memref<32x128xf32, #tpu.memory_space<hbm>>
      %dma_start3A_1042 = tpu.memref_slice %arg14[%dma_start3A_1035] : memref<2x!tpu.dma_semaphore, #tpu.memory_space<semaphore_mem>> -> memref<1x!tpu.dma_semaphore, #tpu.memory_space<semaphore_mem>>
      %dma_start3A_1043 = tpu.memref_squeeze %dma_start3A_1042 : memref<1x!tpu.dma_semaphore, #tpu.memory_space<semaphore_mem>> -> memref<!tpu.dma_semaphore, #tpu.memory_space<semaphore_mem>>
      %dma_start3A_1044 = arith.constant 0 : i32
      %dma_start3A_1045 = arith.constant 0 : i32
      %dma_start3A_1046 = tpu.memref_slice %arg10[%dma_start3A_1033, %dma_start3A_1034, %dma_start3A_1044, %dma_start3A_1045] : memref<2x4x32x128xf32, #tpu.memory_space<vmem>> -> memref<1x1x32x128xf32, #tpu.memory_space<vmem>>
      %dma_start3A_1047 = tpu.memref_squeeze %dma_start3A_1046 : memref<1x1x32x128xf32, #tpu.memory_space<vmem>> -> memref<32x128xf32, #tpu.memory_space<vmem>>
      %dma_start3A_1048 = arith.constant 0 : i32
      %dma_start3A_1049 = tpu.memref_slice %arg4[%dma_start3A_1048, %multiple_of3A_1032] : memref<32x1000000xf32, #tpu.memory_space<hbm>> -> memref<32x128xf32, #tpu.memory_space<hbm>>
      tpu.enqueue_dma source(%dma_start3A_1049 : memref<32x128xf32, #tpu.memory_space<hbm>>) target(%dma_start3A_1047 : memref<32x128xf32, #tpu.memory_space<vmem>>) target_semaphore(%dma_start3A_1043 : memref<!tpu.dma_semaphore, #tpu.memory_space<semaphore_mem>>)
      %slice3A_1050 = vector.extract_strided_slice %get3A_973 {offsets = [3], sizes = [1], strides = [1]} : vector<16xi32> to vector<1xi32>
      %squeeze3A_1051 = vector.extract %slice3A_1050[0] : i32 from vector<1xi32>
      %shift_right_logical3A_1052 = arith.constant 7 : i32
      %shift_right_logical3A_1053 = arith.shrui %squeeze3A_1051, %shift_right_logical3A_1052 : i32
      %mul3A_1054 = arith.constant 128 : i32
      %mul3A_1055 = arith.muli %shift_right_logical3A_1053, %mul3A_1054 : i32
      %multiple_of3A_1056 = tpu.assume_multiple %mul3A_1055, 128 : i32
      %dma_start3A_1057 = arith.constant 1 : i32
      %dma_start3A_1058 = arith.constant 3 : i32
      %dma_start3A_1059 = arith.constant 1 : i32
      %dma_start3A_1060 = arith.constant 0 : i32
      %dma_start3A_1061 = arith.constant 0 : i32
      %dma_start3A_1062 = tpu.memref_slice %arg10[%dma_start3A_1057, %dma_start3A_1058, %dma_start3A_1060, %dma_start3A_1061] : memref<2x4x32x128xf32, #tpu.memory_space<vmem>> -> memref<1x1x32x128xf32, #tpu.memory_space<vmem>>
      %dma_start3A_1063 = tpu.memref_squeeze %dma_start3A_1062 : memref<1x1x32x128xf32, #tpu.memory_space<vmem>> -> memref<32x128xf32, #tpu.memory_space<vmem>>
      %dma_start3A_1064 = arith.constant 0 : i32
      %dma_start3A_1065 = tpu.memref_slice %arg4[%dma_start3A_1064, %multiple_of3A_1056] : memref<32x1000000xf32, #tpu.memory_space<hbm>> -> memref<32x128xf32, #tpu.memory_space<hbm>>
      %dma_start3A_1066 = tpu.memref_slice %arg14[%dma_start3A_1059] : memref<2x!tpu.dma_semaphore, #tpu.memory_space<semaphore_mem>> -> memref<1x!tpu.dma_semaphore, #tpu.memory_space<semaphore_mem>>
      %dma_start3A_1067 = tpu.memref_squeeze %dma_start3A_1066 : memref<1x!tpu.dma_semaphore, #tpu.memory_space<semaphore_mem>> -> memref<!tpu.dma_semaphore, #tpu.memory_space<semaphore_mem>>
      %dma_start3A_1068 = arith.constant 0 : i32
      %dma_start3A_1069 = arith.constant 0 : i32
      %dma_start3A_1070 = tpu.memref_slice %arg10[%dma_start3A_1057, %dma_start3A_1058, %dma_start3A_1068, %dma_start3A_1069] : memref<2x4x32x128xf32, #tpu.memory_space<vmem>> -> memref<1x1x32x128xf32, #tpu.memory_space<vmem>>
      %dma_start3A_1071 = tpu.memref_squeeze %dma_start3A_1070 : memref<1x1x32x128xf32, #tpu.memory_space<vmem>> -> memref<32x128xf32, #tpu.memory_space<vmem>>
      %dma_start3A_1072 = arith.constant 0 : i32
      %dma_start3A_1073 = tpu.memref_slice %arg4[%dma_start3A_1072, %multiple_of3A_1056] : memref<32x1000000xf32, #tpu.memory_space<hbm>> -> memref<32x128xf32, #tpu.memory_space<hbm>>
      tpu.enqueue_dma source(%dma_start3A_1073 : memref<32x128xf32, #tpu.memory_space<hbm>>) target(%dma_start3A_1071 : memref<32x128xf32, #tpu.memory_space<vmem>>) target_semaphore(%dma_start3A_1067 : memref<!tpu.dma_semaphore, #tpu.memory_space<semaphore_mem>>)
      %slice3A_1074 = vector.extract_strided_slice %get3A_977 {offsets = [0], sizes = [1], strides = [1]} : vector<16xi32> to vector<1xi32>
      %squeeze3A_1075 = vector.extract %slice3A_1074[0] : i32 from vector<1xi32>
      %shift_right_logical3A_1076 = arith.constant 7 : i32
      %shift_right_logical3A_1077 = arith.shrui %squeeze3A_1075, %shift_right_logical3A_1076 : i32
      %mul3A_1078 = arith.constant 128 : i32
      %mul3A_1079 = arith.muli %shift_right_logical3A_1077, %mul3A_1078 : i32
      %multiple_of3A_1080 = tpu.assume_multiple %mul3A_1079, 128 : i32
      %dma_start3A_1081 = arith.constant 1 : i32
      %dma_start3A_1082 = arith.constant 0 : i32
      %dma_start3A_1083 = arith.constant 1 : i32
      %dma_start3A_1084 = arith.constant 0 : i32
      %dma_start3A_1085 = arith.constant 0 : i32
      %dma_start3A_1086 = tpu.memref_slice %arg11[%dma_start3A_1081, %dma_start3A_1082, %dma_start3A_1084, %dma_start3A_1085] : memref<2x4x32x128xf32, #tpu.memory_space<vmem>> -> memref<1x1x32x128xf32, #tpu.memory_space<vmem>>
      %dma_start3A_1087 = tpu.memref_squeeze %dma_start3A_1086 : memref<1x1x32x128xf32, #tpu.memory_space<vmem>> -> memref<32x128xf32, #tpu.memory_space<vmem>>
      %dma_start3A_1088 = arith.constant 0 : i32
      %dma_start3A_1089 = tpu.memref_slice %arg5[%dma_start3A_1088, %multiple_of3A_1080] : memref<32x1000000xf32, #tpu.memory_space<hbm>> -> memref<32x128xf32, #tpu.memory_space<hbm>>
      %dma_start3A_1090 = tpu.memref_slice %arg15[%dma_start3A_1083] : memref<2x!tpu.dma_semaphore, #tpu.memory_space<semaphore_mem>> -> memref<1x!tpu.dma_semaphore, #tpu.memory_space<semaphore_mem>>
      %dma_start3A_1091 = tpu.memref_squeeze %dma_start3A_1090 : memref<1x!tpu.dma_semaphore, #tpu.memory_space<semaphore_mem>> -> memref<!tpu.dma_semaphore, #tpu.memory_space<semaphore_mem>>
      %dma_start3A_1092 = arith.constant 0 : i32
      %dma_start3A_1093 = arith.constant 0 : i32
      %dma_start3A_1094 = tpu.memref_slice %arg11[%dma_start3A_1081, %dma_start3A_1082, %dma_start3A_1092, %dma_start3A_1093] : memref<2x4x32x128xf32, #tpu.memory_space<vmem>> -> memref<1x1x32x128xf32, #tpu.memory_space<vmem>>
      %dma_start3A_1095 = tpu.memref_squeeze %dma_start3A_1094 : memref<1x1x32x128xf32, #tpu.memory_space<vmem>> -> memref<32x128xf32, #tpu.memory_space<vmem>>
      %dma_start3A_1096 = arith.constant 0 : i32
      %dma_start3A_1097 = tpu.memref_slice %arg5[%dma_start3A_1096, %multiple_of3A_1080] : memref<32x1000000xf32, #tpu.memory_space<hbm>> -> memref<32x128xf32, #tpu.memory_space<hbm>>
      tpu.enqueue_dma source(%dma_start3A_1097 : memref<32x128xf32, #tpu.memory_space<hbm>>) target(%dma_start3A_1095 : memref<32x128xf32, #tpu.memory_space<vmem>>) target_semaphore(%dma_start3A_1091 : memref<!tpu.dma_semaphore, #tpu.memory_space<semaphore_mem>>)
      %slice3A_1098 = vector.extract_strided_slice %get3A_977 {offsets = [1], sizes = [1], strides = [1]} : vector<16xi32> to vector<1xi32>
      %squeeze3A_1099 = vector.extract %slice3A_1098[0] : i32 from vector<1xi32>
      %shift_right_logical3A_1100 = arith.constant 7 : i32
      %shift_right_logical3A_1101 = arith.shrui %squeeze3A_1099, %shift_right_logical3A_1100 : i32
      %mul3A_1102 = arith.constant 128 : i32
      %mul3A_1103 = arith.muli %shift_right_logical3A_1101, %mul3A_1102 : i32
      %multiple_of3A_1104 = tpu.assume_multiple %mul3A_1103, 128 : i32
      %dma_start3A_1105 = arith.constant 1 : i32
      %dma_start3A_1106 = arith.constant 1 : i32
      %dma_start3A_1107 = arith.constant 1 : i32
      %dma_start3A_1108 = arith.constant 0 : i32
      %dma_start3A_1109 = arith.constant 0 : i32
      %dma_start3A_1110 = tpu.memref_slice %arg11[%dma_start3A_1105, %dma_start3A_1106, %dma_start3A_1108, %dma_start3A_1109] : memref<2x4x32x128xf32, #tpu.memory_space<vmem>> -> memref<1x1x32x128xf32, #tpu.memory_space<vmem>>
      %dma_start3A_1111 = tpu.memref_squeeze %dma_start3A_1110 : memref<1x1x32x128xf32, #tpu.memory_space<vmem>> -> memref<32x128xf32, #tpu.memory_space<vmem>>
      %dma_start3A_1112 = arith.constant 0 : i32
      %dma_start3A_1113 = tpu.memref_slice %arg5[%dma_start3A_1112, %multiple_of3A_1104] : memref<32x1000000xf32, #tpu.memory_space<hbm>> -> memref<32x128xf32, #tpu.memory_space<hbm>>
      %dma_start3A_1114 = tpu.memref_slice %arg15[%dma_start3A_1107] : memref<2x!tpu.dma_semaphore, #tpu.memory_space<semaphore_mem>> -> memref<1x!tpu.dma_semaphore, #tpu.memory_space<semaphore_mem>>
      %dma_start3A_1115 = tpu.memref_squeeze %dma_start3A_1114 : memref<1x!tpu.dma_semaphore, #tpu.memory_space<semaphore_mem>> -> memref<!tpu.dma_semaphore, #tpu.memory_space<semaphore_mem>>
      %dma_start3A_1116 = arith.constant 0 : i32
      %dma_start3A_1117 = arith.constant 0 : i32
      %dma_start3A_1118 = tpu.memref_slice %arg11[%dma_start3A_1105, %dma_start3A_1106, %dma_start3A_1116, %dma_start3A_1117] : memref<2x4x32x128xf32, #tpu.memory_space<vmem>> -> memref<1x1x32x128xf32, #tpu.memory_space<vmem>>
      %dma_start3A_1119 = tpu.memref_squeeze %dma_start3A_1118 : memref<1x1x32x128xf32, #tpu.memory_space<vmem>> -> memref<32x128xf32, #tpu.memory_space<vmem>>
      %dma_start3A_1120 = arith.constant 0 : i32
      %dma_start3A_1121 = tpu.memref_slice %arg5[%dma_start3A_1120, %multiple_of3A_1104] : memref<32x1000000xf32, #tpu.memory_space<hbm>> -> memref<32x128xf32, #tpu.memory_space<hbm>>
      tpu.enqueue_dma source(%dma_start3A_1121 : memref<32x128xf32, #tpu.memory_space<hbm>>) target(%dma_start3A_1119 : memref<32x128xf32, #tpu.memory_space<vmem>>) target_semaphore(%dma_start3A_1115 : memref<!tpu.dma_semaphore, #tpu.memory_space<semaphore_mem>>)
      %slice3A_1122 = vector.extract_strided_slice %get3A_977 {offsets = [2], sizes = [1], strides = [1]} : vector<16xi32> to vector<1xi32>
      %squeeze3A_1123 = vector.extract %slice3A_1122[0] : i32 from vector<1xi32>
      %shift_right_logical3A_1124 = arith.constant 7 : i32
      %shift_right_logical3A_1125 = arith.shrui %squeeze3A_1123, %shift_right_logical3A_1124 : i32
      %mul3A_1126 = arith.constant 128 : i32
      %mul3A_1127 = arith.muli %shift_right_logical3A_1125, %mul3A_1126 : i32
      %multiple_of3A_1128 = tpu.assume_multiple %mul3A_1127, 128 : i32
      %dma_start3A_1129 = arith.constant 1 : i32
      %dma_start3A_1130 = arith.constant 2 : i32
      %dma_start3A_1131 = arith.constant 1 : i32
      %dma_start3A_1132 = arith.constant 0 : i32
      %dma_start3A_1133 = arith.constant 0 : i32
      %dma_start3A_1134 = tpu.memref_slice %arg11[%dma_start3A_1129, %dma_start3A_1130, %dma_start3A_1132, %dma_start3A_1133] : memref<2x4x32x128xf32, #tpu.memory_space<vmem>> -> memref<1x1x32x128xf32, #tpu.memory_space<vmem>>
      %dma_start3A_1135 = tpu.memref_squeeze %dma_start3A_1134 : memref<1x1x32x128xf32, #tpu.memory_space<vmem>> -> memref<32x128xf32, #tpu.memory_space<vmem>>
      %dma_start3A_1136 = arith.constant 0 : i32
      %dma_start3A_1137 = tpu.memref_slice %arg5[%dma_start3A_1136, %multiple_of3A_1128] : memref<32x1000000xf32, #tpu.memory_space<hbm>> -> memref<32x128xf32, #tpu.memory_space<hbm>>
      %dma_start3A_1138 = tpu.memref_slice %arg15[%dma_start3A_1131] : memref<2x!tpu.dma_semaphore, #tpu.memory_space<semaphore_mem>> -> memref<1x!tpu.dma_semaphore, #tpu.memory_space<semaphore_mem>>
      %dma_start3A_1139 = tpu.memref_squeeze %dma_start3A_1138 : memref<1x!tpu.dma_semaphore, #tpu.memory_space<semaphore_mem>> -> memref<!tpu.dma_semaphore, #tpu.memory_space<semaphore_mem>>
      %dma_start3A_1140 = arith.constant 0 : i32
      %dma_start3A_1141 = arith.constant 0 : i32
      %dma_start3A_1142 = tpu.memref_slice %arg11[%dma_start3A_1129, %dma_start3A_1130, %dma_start3A_1140, %dma_start3A_1141] : memref<2x4x32x128xf32, #tpu.memory_space<vmem>> -> memref<1x1x32x128xf32, #tpu.memory_space<vmem>>
      %dma_start3A_1143 = tpu.memref_squeeze %dma_start3A_1142 : memref<1x1x32x128xf32, #tpu.memory_space<vmem>> -> memref<32x128xf32, #tpu.memory_space<vmem>>
      %dma_start3A_1144 = arith.constant 0 : i32
      %dma_start3A_1145 = tpu.memref_slice %arg5[%dma_start3A_1144, %multiple_of3A_1128] : memref<32x1000000xf32, #tpu.memory_space<hbm>> -> memref<32x128xf32, #tpu.memory_space<hbm>>
      tpu.enqueue_dma source(%dma_start3A_1145 : memref<32x128xf32, #tpu.memory_space<hbm>>) target(%dma_start3A_1143 : memref<32x128xf32, #tpu.memory_space<vmem>>) target_semaphore(%dma_start3A_1139 : memref<!tpu.dma_semaphore, #tpu.memory_space<semaphore_mem>>)
      %slice3A_1146 = vector.extract_strided_slice %get3A_977 {offsets = [3], sizes = [1], strides = [1]} : vector<16xi32> to vector<1xi32>
      %squeeze3A_1147 = vector.extract %slice3A_1146[0] : i32 from vector<1xi32>
      %shift_right_logical3A_1148 = arith.constant 7 : i32
      %shift_right_logical3A_1149 = arith.shrui %squeeze3A_1147, %shift_right_logical3A_1148 : i32
      %mul3A_1150 = arith.constant 128 : i32
      %mul3A_1151 = arith.muli %shift_right_logical3A_1149, %mul3A_1150 : i32
      %multiple_of3A_1152 = tpu.assume_multiple %mul3A_1151, 128 : i32
      %dma_start3A_1153 = arith.constant 1 : i32
      %dma_start3A_1154 = arith.constant 3 : i32
      %dma_start3A_1155 = arith.constant 1 : i32
      %dma_start3A_1156 = arith.constant 0 : i32
      %dma_start3A_1157 = arith.constant 0 : i32
      %dma_start3A_1158 = tpu.memref_slice %arg11[%dma_start3A_1153, %dma_start3A_1154, %dma_start3A_1156, %dma_start3A_1157] : memref<2x4x32x128xf32, #tpu.memory_space<vmem>> -> memref<1x1x32x128xf32, #tpu.memory_space<vmem>>
      %dma_start3A_1159 = tpu.memref_squeeze %dma_start3A_1158 : memref<1x1x32x128xf32, #tpu.memory_space<vmem>> -> memref<32x128xf32, #tpu.memory_space<vmem>>
      %dma_start3A_1160 = arith.constant 0 : i32
      %dma_start3A_1161 = tpu.memref_slice %arg5[%dma_start3A_1160, %multiple_of3A_1152] : memref<32x1000000xf32, #tpu.memory_space<hbm>> -> memref<32x128xf32, #tpu.memory_space<hbm>>
      %dma_start3A_1162 = tpu.memref_slice %arg15[%dma_start3A_1155] : memref<2x!tpu.dma_semaphore, #tpu.memory_space<semaphore_mem>> -> memref<1x!tpu.dma_semaphore, #tpu.memory_space<semaphore_mem>>
      %dma_start3A_1163 = tpu.memref_squeeze %dma_start3A_1162 : memref<1x!tpu.dma_semaphore, #tpu.memory_space<semaphore_mem>> -> memref<!tpu.dma_semaphore, #tpu.memory_space<semaphore_mem>>
      %dma_start3A_1164 = arith.constant 0 : i32
      %dma_start3A_1165 = arith.constant 0 : i32
      %dma_start3A_1166 = tpu.memref_slice %arg11[%dma_start3A_1153, %dma_start3A_1154, %dma_start3A_1164, %dma_start3A_1165] : memref<2x4x32x128xf32, #tpu.memory_space<vmem>> -> memref<1x1x32x128xf32, #tpu.memory_space<vmem>>
      %dma_start3A_1167 = tpu.memref_squeeze %dma_start3A_1166 : memref<1x1x32x128xf32, #tpu.memory_space<vmem>> -> memref<32x128xf32, #tpu.memory_space<vmem>>
      %dma_start3A_1168 = arith.constant 0 : i32
      %dma_start3A_1169 = tpu.memref_slice %arg5[%dma_start3A_1168, %multiple_of3A_1152] : memref<32x1000000xf32, #tpu.memory_space<hbm>> -> memref<32x128xf32, #tpu.memory_space<hbm>>
      tpu.enqueue_dma source(%dma_start3A_1169 : memref<32x128xf32, #tpu.memory_space<hbm>>) target(%dma_start3A_1167 : memref<32x128xf32, #tpu.memory_space<vmem>>) target_semaphore(%dma_start3A_1163 : memref<!tpu.dma_semaphore, #tpu.memory_space<semaphore_mem>>)
      %mul3A_1170 = arith.constant 2 : i32
      %mul3A_1171 = arith.muli %mul3A_1170, %scan3A_964 : i32
      %mul3A_1172 = arith.constant 4 : i32
      %mul3A_1173 = arith.muli %mul3A_1171, %mul3A_1172 : i32
      %get3A_1174 = arith.index_cast %mul3A_1173 : i32 to index
      %get3A_1175 = tpu.vector_load %arg8[%get3A_1174] {strides = array<i32>} : memref<528xi32, #tpu.memory_space<vmem>>, vector<16xi32>,
      %mul3A_1176 = arith.constant 4 : i32
      %mul3A_1177 = arith.muli %mul3A_1171, %mul3A_1176 : i32
      %get3A_1178 = arith.index_cast %mul3A_1177 : i32 to index
      %get3A_1179 = tpu.vector_load %arg9[%get3A_1178] {strides = array<i32>} : memref<528xi32, #tpu.memory_space<vmem>>, vector<16xi32>,
      %and3A_1180 = arith.constant 127 : i32
      %and3A_1181 = vector.broadcast %and3A_1180 : i32 to vector<16xi32>
      %and3A_1182 = arith.andi %get3A_1175, %and3A_1181 : vector<16xi32>
      %and3A_1183 = arith.constant 127 : i32
      %and3A_1184 = vector.broadcast %and3A_1183 : i32 to vector<16xi32>
      %and3A_1185 = arith.andi %get3A_1179, %and3A_1184 : vector<16xi32>
      %dma_wait3A_1186 = arith.constant 0 : i32
      %dma_wait3A_1187 = arith.constant 0 : i32
      %dma_wait3A_1188 = arith.constant 0 : i32
      %dma_wait3A_1189 = arith.constant 0 : i32
      %dma_wait3A_1190 = arith.constant 0 : i32
      %dma_wait3A_1191 = tpu.memref_slice %arg10[%dma_wait3A_1186, %dma_wait3A_1187, %dma_wait3A_1189, %dma_wait3A_1190] : memref<2x4x32x128xf32, #tpu.memory_space<vmem>> -> memref<1x1x32x128xf32, #tpu.memory_space<vmem>>
      %dma_wait3A_1192 = tpu.memref_squeeze %dma_wait3A_1191 : memref<1x1x32x128xf32, #tpu.memory_space<vmem>> -> memref<32x128xf32, #tpu.memory_space<vmem>>
      %dma_wait3A_1193 = arith.constant 0 : i32
      %dma_wait3A_1194 = arith.constant 0 : i32
      %dma_wait3A_1195 = tpu.memref_slice %arg4[%dma_wait3A_1193, %dma_wait3A_1194] : memref<32x1000000xf32, #tpu.memory_space<hbm>> -> memref<32x128xf32, #tpu.memory_space<hbm>>
      %dma_wait3A_1196 = tpu.memref_slice %arg14[%dma_wait3A_1188] : memref<2x!tpu.dma_semaphore, #tpu.memory_space<semaphore_mem>> -> memref<1x!tpu.dma_semaphore, #tpu.memory_space<semaphore_mem>>
      %dma_wait3A_1197 = tpu.memref_squeeze %dma_wait3A_1196 : memref<1x!tpu.dma_semaphore, #tpu.memory_space<semaphore_mem>> -> memref<!tpu.dma_semaphore, #tpu.memory_space<semaphore_mem>>
      %dma_wait3A_1198 = arith.constant 0 : i32
      %dma_wait3A_1199 = arith.constant 0 : i32
      %dma_wait3A_1200 = tpu.memref_slice %arg10[%dma_wait3A_1186, %dma_wait3A_1187, %dma_wait3A_1198, %dma_wait3A_1199] : memref<2x4x32x128xf32, #tpu.memory_space<vmem>> -> memref<1x1x32x128xf32, #tpu.memory_space<vmem>>
      %dma_wait3A_1201 = tpu.memref_squeeze %dma_wait3A_1200 : memref<1x1x32x128xf32, #tpu.memory_space<vmem>> -> memref<32x128xf32, #tpu.memory_space<vmem>>
      %dma_wait3A_1202 = arith.constant 0 : i32
      %dma_wait3A_1203 = arith.constant 0 : i32
      %dma_wait3A_1204 = tpu.memref_slice %arg4[%dma_wait3A_1202, %dma_wait3A_1203] : memref<32x1000000xf32, #tpu.memory_space<hbm>> -> memref<32x128xf32, #tpu.memory_space<hbm>>
      tpu.wait_dma2 semaphore(%dma_wait3A_1197 : memref<!tpu.dma_semaphore, #tpu.memory_space<semaphore_mem>>) src(%dma_wait3A_1204 : memref<32x128xf32, #tpu.memory_space<hbm>>) dst(%dma_wait3A_1201 : memref<32x128xf32, #tpu.memory_space<vmem>>)
      %dma_wait3A_1205 = arith.constant 0 : i32
      %dma_wait3A_1206 = arith.constant 1 : i32
      %dma_wait3A_1207 = arith.constant 0 : i32
      %dma_wait3A_1208 = arith.constant 0 : i32
      %dma_wait3A_1209 = arith.constant 0 : i32
      %dma_wait3A_1210 = tpu.memref_slice %arg10[%dma_wait3A_1205, %dma_wait3A_1206, %dma_wait3A_1208, %dma_wait3A_1209] : memref<2x4x32x128xf32, #tpu.memory_space<vmem>> -> memref<1x1x32x128xf32, #tpu.memory_space<vmem>>
      %dma_wait3A_1211 = tpu.memref_squeeze %dma_wait3A_1210 : memref<1x1x32x128xf32, #tpu.memory_space<vmem>> -> memref<32x128xf32, #tpu.memory_space<vmem>>
      %dma_wait3A_1212 = arith.constant 0 : i32
      %dma_wait3A_1213 = arith.constant 0 : i32
      %dma_wait3A_1214 = tpu.memref_slice %arg4[%dma_wait3A_1212, %dma_wait3A_1213] : memref<32x1000000xf32, #tpu.memory_space<hbm>> -> memref<32x128xf32, #tpu.memory_space<hbm>>
      %dma_wait3A_1215 = tpu.memref_slice %arg14[%dma_wait3A_1207] : memref<2x!tpu.dma_semaphore, #tpu.memory_space<semaphore_mem>> -> memref<1x!tpu.dma_semaphore, #tpu.memory_space<semaphore_mem>>
      %dma_wait3A_1216 = tpu.memref_squeeze %dma_wait3A_1215 : memref<1x!tpu.dma_semaphore, #tpu.memory_space<semaphore_mem>> -> memref<!tpu.dma_semaphore, #tpu.memory_space<semaphore_mem>>
      %dma_wait3A_1217 = arith.constant 0 : i32
      %dma_wait3A_1218 = arith.constant 0 : i32
      %dma_wait3A_1219 = tpu.memref_slice %arg10[%dma_wait3A_1205, %dma_wait3A_1206, %dma_wait3A_1217, %dma_wait3A_1218] : memref<2x4x32x128xf32, #tpu.memory_space<vmem>> -> memref<1x1x32x128xf32, #tpu.memory_space<vmem>>
      %dma_wait3A_1220 = tpu.memref_squeeze %dma_wait3A_1219 : memref<1x1x32x128xf32, #tpu.memory_space<vmem>> -> memref<32x128xf32, #tpu.memory_space<vmem>>
      %dma_wait3A_1221 = arith.constant 0 : i32
      %dma_wait3A_1222 = arith.constant 0 : i32
      %dma_wait3A_1223 = tpu.memref_slice %arg4[%dma_wait3A_1221, %dma_wait3A_1222] : memref<32x1000000xf32, #tpu.memory_space<hbm>> -> memref<32x128xf32, #tpu.memory_space<hbm>>
      tpu.wait_dma2 semaphore(%dma_wait3A_1216 : memref<!tpu.dma_semaphore, #tpu.memory_space<semaphore_mem>>) src(%dma_wait3A_1223 : memref<32x128xf32, #tpu.memory_space<hbm>>) dst(%dma_wait3A_1220 : memref<32x128xf32, #tpu.memory_space<vmem>>)
      %dma_wait3A_1224 = arith.constant 0 : i32
      %dma_wait3A_1225 = arith.constant 2 : i32
      %dma_wait3A_1226 = arith.constant 0 : i32
      %dma_wait3A_1227 = arith.constant 0 : i32
      %dma_wait3A_1228 = arith.constant 0 : i32
      %dma_wait3A_1229 = tpu.memref_slice %arg10[%dma_wait3A_1224, %dma_wait3A_1225, %dma_wait3A_1227, %dma_wait3A_1228] : memref<2x4x32x128xf32, #tpu.memory_space<vmem>> -> memref<1x1x32x128xf32, #tpu.memory_space<vmem>>
      %dma_wait3A_1230 = tpu.memref_squeeze %dma_wait3A_1229 : memref<1x1x32x128xf32, #tpu.memory_space<vmem>> -> memref<32x128xf32, #tpu.memory_space<vmem>>
      %dma_wait3A_1231 = arith.constant 0 : i32
      %dma_wait3A_1232 = arith.constant 0 : i32
      %dma_wait3A_1233 = tpu.memref_slice %arg4[%dma_wait3A_1231, %dma_wait3A_1232] : memref<32x1000000xf32, #tpu.memory_space<hbm>> -> memref<32x128xf32, #tpu.memory_space<hbm>>
      %dma_wait3A_1234 = tpu.memref_slice %arg14[%dma_wait3A_1226] : memref<2x!tpu.dma_semaphore, #tpu.memory_space<semaphore_mem>> -> memref<1x!tpu.dma_semaphore, #tpu.memory_space<semaphore_mem>>
      %dma_wait3A_1235 = tpu.memref_squeeze %dma_wait3A_1234 : memref<1x!tpu.dma_semaphore, #tpu.memory_space<semaphore_mem>> -> memref<!tpu.dma_semaphore, #tpu.memory_space<semaphore_mem>>
      %dma_wait3A_1236 = arith.constant 0 : i32
      %dma_wait3A_1237 = arith.constant 0 : i32
      %dma_wait3A_1238 = tpu.memref_slice %arg10[%dma_wait3A_1224, %dma_wait3A_1225, %dma_wait3A_1236, %dma_wait3A_1237] : memref<2x4x32x128xf32, #tpu.memory_space<vmem>> -> memref<1x1x32x128xf32, #tpu.memory_space<vmem>>
      %dma_wait3A_1239 = tpu.memref_squeeze %dma_wait3A_1238 : memref<1x1x32x128xf32, #tpu.memory_space<vmem>> -> memref<32x128xf32, #tpu.memory_space<vmem>>
      %dma_wait3A_1240 = arith.constant 0 : i32
      %dma_wait3A_1241 = arith.constant 0 : i32
      %dma_wait3A_1242 = tpu.memref_slice %arg4[%dma_wait3A_1240, %dma_wait3A_1241] : memref<32x1000000xf32, #tpu.memory_space<hbm>> -> memref<32x128xf32, #tpu.memory_space<hbm>>
      tpu.wait_dma2 semaphore(%dma_wait3A_1235 : memref<!tpu.dma_semaphore, #tpu.memory_space<semaphore_mem>>) src(%dma_wait3A_1242 : memref<32x128xf32, #tpu.memory_space<hbm>>) dst(%dma_wait3A_1239 : memref<32x128xf32, #tpu.memory_space<vmem>>)
      %dma_wait3A_1243 = arith.constant 0 : i32
      %dma_wait3A_1244 = arith.constant 3 : i32
      %dma_wait3A_1245 = arith.constant 0 : i32
      %dma_wait3A_1246 = arith.constant 0 : i32
      %dma_wait3A_1247 = arith.constant 0 : i32
      %dma_wait3A_1248 = tpu.memref_slice %arg10[%dma_wait3A_1243, %dma_wait3A_1244, %dma_wait3A_1246, %dma_wait3A_1247] : memref<2x4x32x128xf32, #tpu.memory_space<vmem>> -> memref<1x1x32x128xf32, #tpu.memory_space<vmem>>
      %dma_wait3A_1249 = tpu.memref_squeeze %dma_wait3A_1248 : memref<1x1x32x128xf32, #tpu.memory_space<vmem>> -> memref<32x128xf32, #tpu.memory_space<vmem>>
      %dma_wait3A_1250 = arith.constant 0 : i32
      %dma_wait3A_1251 = arith.constant 0 : i32
      %dma_wait3A_1252 = tpu.memref_slice %arg4[%dma_wait3A_1250, %dma_wait3A_1251] : memref<32x1000000xf32, #tpu.memory_space<hbm>> -> memref<32x128xf32, #tpu.memory_space<hbm>>
      %dma_wait3A_1253 = tpu.memref_slice %arg14[%dma_wait3A_1245] : memref<2x!tpu.dma_semaphore, #tpu.memory_space<semaphore_mem>> -> memref<1x!tpu.dma_semaphore, #tpu.memory_space<semaphore_mem>>
      %dma_wait3A_1254 = tpu.memref_squeeze %dma_wait3A_1253 : memref<1x!tpu.dma_semaphore, #tpu.memory_space<semaphore_mem>> -> memref<!tpu.dma_semaphore, #tpu.memory_space<semaphore_mem>>
      %dma_wait3A_1255 = arith.constant 0 : i32
      %dma_wait3A_1256 = arith.constant 0 : i32
      %dma_wait3A_1257 = tpu.memref_slice %arg10[%dma_wait3A_1243, %dma_wait3A_1244, %dma_wait3A_1255, %dma_wait3A_1256] : memref<2x4x32x128xf32, #tpu.memory_space<vmem>> -> memref<1x1x32x128xf32, #tpu.memory_space<vmem>>
      %dma_wait3A_1258 = tpu.memref_squeeze %dma_wait3A_1257 : memref<1x1x32x128xf32, #tpu.memory_space<vmem>> -> memref<32x128xf32, #tpu.memory_space<vmem>>
      %dma_wait3A_1259 = arith.constant 0 : i32
      %dma_wait3A_1260 = arith.constant 0 : i32
      %dma_wait3A_1261 = tpu.memref_slice %arg4[%dma_wait3A_1259, %dma_wait3A_1260] : memref<32x1000000xf32, #tpu.memory_space<hbm>> -> memref<32x128xf32, #tpu.memory_space<hbm>>
      tpu.wait_dma2 semaphore(%dma_wait3A_1254 : memref<!tpu.dma_semaphore, #tpu.memory_space<semaphore_mem>>) src(%dma_wait3A_1261 : memref<32x128xf32, #tpu.memory_space<hbm>>) dst(%dma_wait3A_1258 : memref<32x128xf32, #tpu.memory_space<vmem>>)
      %broadcast_in_dim3A_1262 = arith.constant 0 : i32
      %broadcast_in_dim3A_1263 = vector.broadcast %broadcast_in_dim3A_1262 : i32 to vector<16xi32>
      %mul3A_1264 = arith.constant 4 : i32
      %mul3A_1265 = arith.muli %mul3A_1171, %mul3A_1264 : i32
      %add3A_1266 = arith.constant 0 : i32
      %add3A_1267 = arith.addi %mul3A_1265, %add3A_1266 : i32
      %broadcast_in_dim3A_1268 = vector.broadcast %add3A_1267 : i32 to vector<16xi32>
      %slice3A_1269 = vector.extract_strided_slice %and3A_1182 {offsets = [0], sizes = [1], strides = [1]} : vector<16xi32> to vector<1xi32>
      %squeeze3A_1270 = vector.extract %slice3A_1269[0] : i32 from vector<1xi32>
      %broadcast_in_dim3A_1271 = vector.broadcast %squeeze3A_1270 : i32 to vector<16xi32>
      %broadcast_in_dim3A_1272 = arith.constant 0 : i32
      %broadcast_in_dim3A_1273 = vector.broadcast %broadcast_in_dim3A_1272 : i32 to vector<16xi32>
      %gather3A_1274 = tpu.vector_load_idx %arg10[%broadcast_in_dim3A_1263, %broadcast_in_dim3A_1273, %iota3A, %broadcast_in_dim3A_1271] : memref<2x4x32x128xf32, #tpu.memory_space<vmem>>[vector<16xi32>, vector<16xi32>, vector<16xi32>, vector<16xi32>], vector<16xf32>,
      %add3A_1275 = arith.constant 16 : i32
      %add3A_1276 = vector.broadcast %add3A_1275 : i32 to vector<16xi32>
      %add3A_1277 = arith.addi %iota3A, %add3A_1276 : vector<16xi32>
      %gather3A_1278 = tpu.vector_load_idx %arg10[%broadcast_in_dim3A_1263, %broadcast_in_dim3A_1273, %add3A_1277, %broadcast_in_dim3A_1271] : memref<2x4x32x128xf32, #tpu.memory_space<vmem>>[vector<16xi32>, vector<16xi32>, vector<16xi32>, vector<16xi32>], vector<16xf32>,
      tpu.vector_store_idx %arg12[%iota3A, %broadcast_in_dim3A_1268], %gather3A_1274 : memref<32x512xf32, #tpu.memory_space<vmem>>[vector<16xi32>, vector<16xi32>], vector<16xf32>,
      %add3A_1279 = arith.constant 16 : i32
      %add3A_1280 = vector.broadcast %add3A_1279 : i32 to vector<16xi32>
      %add3A_1281 = arith.addi %iota3A, %add3A_1280 : vector<16xi32>
      tpu.vector_store_idx %arg12[%add3A_1281, %broadcast_in_dim3A_1268], %gather3A_1278 : memref<32x512xf32, #tpu.memory_space<vmem>>[vector<16xi32>, vector<16xi32>], vector<16xf32>,
      %mul3A_1282 = arith.constant 4 : i32
      %mul3A_1283 = arith.muli %mul3A_1171, %mul3A_1282 : i32
      %add3A_1284 = arith.constant 1 : i32
      %add3A_1285 = arith.addi %mul3A_1283, %add3A_1284 : i32
      %broadcast_in_dim3A_1286 = vector.broadcast %add3A_1285 : i32 to vector<16xi32>
      %slice3A_1287 = vector.extract_strided_slice %and3A_1182 {offsets = [1], sizes = [1], strides = [1]} : vector<16xi32> to vector<1xi32>
      %squeeze3A_1288 = vector.extract %slice3A_1287[0] : i32 from vector<1xi32>
      %broadcast_in_dim3A_1289 = vector.broadcast %squeeze3A_1288 : i32 to vector<16xi32>
      %broadcast_in_dim3A_1290 = arith.constant 1 : i32
      %broadcast_in_dim3A_1291 = vector.broadcast %broadcast_in_dim3A_1290 : i32 to vector<16xi32>
      %gather3A_1292 = tpu.vector_load_idx %arg10[%broadcast_in_dim3A_1263, %broadcast_in_dim3A_1291, %iota3A, %broadcast_in_dim3A_1289] : memref<2x4x32x128xf32, #tpu.memory_space<vmem>>[vector<16xi32>, vector<16xi32>, vector<16xi32>, vector<16xi32>], vector<16xf32>,
      %add3A_1293 = arith.constant 16 : i32
      %add3A_1294 = vector.broadcast %add3A_1293 : i32 to vector<16xi32>
      %add3A_1295 = arith.addi %iota3A, %add3A_1294 : vector<16xi32>
      %gather3A_1296 = tpu.vector_load_idx %arg10[%broadcast_in_dim3A_1263, %broadcast_in_dim3A_1291, %add3A_1295, %broadcast_in_dim3A_1289] : memref<2x4x32x128xf32, #tpu.memory_space<vmem>>[vector<16xi32>, vector<16xi32>, vector<16xi32>, vector<16xi32>], vector<16xf32>,
      tpu.vector_store_idx %arg12[%iota3A, %broadcast_in_dim3A_1286], %gather3A_1292 : memref<32x512xf32, #tpu.memory_space<vmem>>[vector<16xi32>, vector<16xi32>], vector<16xf32>,
      %add3A_1297 = arith.constant 16 : i32
      %add3A_1298 = vector.broadcast %add3A_1297 : i32 to vector<16xi32>
      %add3A_1299 = arith.addi %iota3A, %add3A_1298 : vector<16xi32>
      tpu.vector_store_idx %arg12[%add3A_1299, %broadcast_in_dim3A_1286], %gather3A_1296 : memref<32x512xf32, #tpu.memory_space<vmem>>[vector<16xi32>, vector<16xi32>], vector<16xf32>,
      %mul3A_1300 = arith.constant 4 : i32
      %mul3A_1301 = arith.muli %mul3A_1171, %mul3A_1300 : i32
      %add3A_1302 = arith.constant 2 : i32
      %add3A_1303 = arith.addi %mul3A_1301, %add3A_1302 : i32
      %broadcast_in_dim3A_1304 = vector.broadcast %add3A_1303 : i32 to vector<16xi32>
      %slice3A_1305 = vector.extract_strided_slice %and3A_1182 {offsets = [2], sizes = [1], strides = [1]} : vector<16xi32> to vector<1xi32>
      %squeeze3A_1306 = vector.extract %slice3A_1305[0] : i32 from vector<1xi32>
      %broadcast_in_dim3A_1307 = vector.broadcast %squeeze3A_1306 : i32 to vector<16xi32>
      %broadcast_in_dim3A_1308 = arith.constant 2 : i32
      %broadcast_in_dim3A_1309 = vector.broadcast %broadcast_in_dim3A_1308 : i32 to vector<16xi32>
      %gather3A_1310 = tpu.vector_load_idx %arg10[%broadcast_in_dim3A_1263, %broadcast_in_dim3A_1309, %iota3A, %broadcast_in_dim3A_1307] : memref<2x4x32x128xf32, #tpu.memory_space<vmem>>[vector<16xi32>, vector<16xi32>, vector<16xi32>, vector<16xi32>], vector<16xf32>,
      %add3A_1311 = arith.constant 16 : i32
      %add3A_1312 = vector.broadcast %add3A_1311 : i32 to vector<16xi32>
      %add3A_1313 = arith.addi %iota3A, %add3A_1312 : vector<16xi32>
      %gather3A_1314 = tpu.vector_load_idx %arg10[%broadcast_in_dim3A_1263, %broadcast_in_dim3A_1309, %add3A_1313, %broadcast_in_dim3A_1307] : memref<2x4x32x128xf32, #tpu.memory_space<vmem>>[vector<16xi32>, vector<16xi32>, vector<16xi32>, vector<16xi32>], vector<16xf32>,
      tpu.vector_store_idx %arg12[%iota3A, %broadcast_in_dim3A_1304], %gather3A_1310 : memref<32x512xf32, #tpu.memory_space<vmem>>[vector<16xi32>, vector<16xi32>], vector<16xf32>,
      %add3A_1315 = arith.constant 16 : i32
      %add3A_1316 = vector.broadcast %add3A_1315 : i32 to vector<16xi32>
      %add3A_1317 = arith.addi %iota3A, %add3A_1316 : vector<16xi32>
      tpu.vector_store_idx %arg12[%add3A_1317, %broadcast_in_dim3A_1304], %gather3A_1314 : memref<32x512xf32, #tpu.memory_space<vmem>>[vector<16xi32>, vector<16xi32>], vector<16xf32>,
      %mul3A_1318 = arith.constant 4 : i32
      %mul3A_1319 = arith.muli %mul3A_1171, %mul3A_1318 : i32
      %add3A_1320 = arith.constant 3 : i32
      %add3A_1321 = arith.addi %mul3A_1319, %add3A_1320 : i32
      %broadcast_in_dim3A_1322 = vector.broadcast %add3A_1321 : i32 to vector<16xi32>
      %slice3A_1323 = vector.extract_strided_slice %and3A_1182 {offsets = [3], sizes = [1], strides = [1]} : vector<16xi32> to vector<1xi32>
      %squeeze3A_1324 = vector.extract %slice3A_1323[0] : i32 from vector<1xi32>
      %broadcast_in_dim3A_1325 = vector.broadcast %squeeze3A_1324 : i32 to vector<16xi32>
      %broadcast_in_dim3A_1326 = arith.constant 3 : i32
      %broadcast_in_dim3A_1327 = vector.broadcast %broadcast_in_dim3A_1326 : i32 to vector<16xi32>
      %gather3A_1328 = tpu.vector_load_idx %arg10[%broadcast_in_dim3A_1263, %broadcast_in_dim3A_1327, %iota3A, %broadcast_in_dim3A_1325] : memref<2x4x32x128xf32, #tpu.memory_space<vmem>>[vector<16xi32>, vector<16xi32>, vector<16xi32>, vector<16xi32>], vector<16xf32>,
      %add3A_1329 = arith.constant 16 : i32
      %add3A_1330 = vector.broadcast %add3A_1329 : i32 to vector<16xi32>
      %add3A_1331 = arith.addi %iota3A, %add3A_1330 : vector<16xi32>
      %gather3A_1332 = tpu.vector_load_idx %arg10[%broadcast_in_dim3A_1263, %broadcast_in_dim3A_1327, %add3A_1331, %broadcast_in_dim3A_1325] : memref<2x4x32x128xf32, #tpu.memory_space<vmem>>[vector<16xi32>, vector<16xi32>, vector<16xi32>, vector<16xi32>], vector<16xf32>,
      tpu.vector_store_idx %arg12[%iota3A, %broadcast_in_dim3A_1322], %gather3A_1328 : memref<32x512xf32, #tpu.memory_space<vmem>>[vector<16xi32>, vector<16xi32>], vector<16xf32>,
      %add3A_1333 = arith.constant 16 : i32
      %add3A_1334 = vector.broadcast %add3A_1333 : i32 to vector<16xi32>
      %add3A_1335 = arith.addi %iota3A, %add3A_1334 : vector<16xi32>
      tpu.vector_store_idx %arg12[%add3A_1335, %broadcast_in_dim3A_1322], %gather3A_1332 : memref<32x512xf32, #tpu.memory_space<vmem>>[vector<16xi32>, vector<16xi32>], vector<16xf32>,
      %dma_wait3A_1336 = arith.constant 0 : i32
      %dma_wait3A_1337 = arith.constant 0 : i32
      %dma_wait3A_1338 = arith.constant 0 : i32
      %dma_wait3A_1339 = arith.constant 0 : i32
      %dma_wait3A_1340 = arith.constant 0 : i32
      %dma_wait3A_1341 = tpu.memref_slice %arg11[%dma_wait3A_1336, %dma_wait3A_1337, %dma_wait3A_1339, %dma_wait3A_1340] : memref<2x4x32x128xf32, #tpu.memory_space<vmem>> -> memref<1x1x32x128xf32, #tpu.memory_space<vmem>>
      %dma_wait3A_1342 = tpu.memref_squeeze %dma_wait3A_1341 : memref<1x1x32x128xf32, #tpu.memory_space<vmem>> -> memref<32x128xf32, #tpu.memory_space<vmem>>
      %dma_wait3A_1343 = arith.constant 0 : i32
      %dma_wait3A_1344 = arith.constant 0 : i32
      %dma_wait3A_1345 = tpu.memref_slice %arg5[%dma_wait3A_1343, %dma_wait3A_1344] : memref<32x1000000xf32, #tpu.memory_space<hbm>> -> memref<32x128xf32, #tpu.memory_space<hbm>>
      %dma_wait3A_1346 = tpu.memref_slice %arg15[%dma_wait3A_1338] : memref<2x!tpu.dma_semaphore, #tpu.memory_space<semaphore_mem>> -> memref<1x!tpu.dma_semaphore, #tpu.memory_space<semaphore_mem>>
      %dma_wait3A_1347 = tpu.memref_squeeze %dma_wait3A_1346 : memref<1x!tpu.dma_semaphore, #tpu.memory_space<semaphore_mem>> -> memref<!tpu.dma_semaphore, #tpu.memory_space<semaphore_mem>>
      %dma_wait3A_1348 = arith.constant 0 : i32
      %dma_wait3A_1349 = arith.constant 0 : i32
      %dma_wait3A_1350 = tpu.memref_slice %arg11[%dma_wait3A_1336, %dma_wait3A_1337, %dma_wait3A_1348, %dma_wait3A_1349] : memref<2x4x32x128xf32, #tpu.memory_space<vmem>> -> memref<1x1x32x128xf32, #tpu.memory_space<vmem>>
      %dma_wait3A_1351 = tpu.memref_squeeze %dma_wait3A_1350 : memref<1x1x32x128xf32, #tpu.memory_space<vmem>> -> memref<32x128xf32, #tpu.memory_space<vmem>>
      %dma_wait3A_1352 = arith.constant 0 : i32
      %dma_wait3A_1353 = arith.constant 0 : i32
      %dma_wait3A_1354 = tpu.memref_slice %arg5[%dma_wait3A_1352, %dma_wait3A_1353] : memref<32x1000000xf32, #tpu.memory_space<hbm>> -> memref<32x128xf32, #tpu.memory_space<hbm>>
      tpu.wait_dma2 semaphore(%dma_wait3A_1347 : memref<!tpu.dma_semaphore, #tpu.memory_space<semaphore_mem>>) src(%dma_wait3A_1354 : memref<32x128xf32, #tpu.memory_space<hbm>>) dst(%dma_wait3A_1351 : memref<32x128xf32, #tpu.memory_space<vmem>>)
      %dma_wait3A_1355 = arith.constant 0 : i32
      %dma_wait3A_1356 = arith.constant 1 : i32
      %dma_wait3A_1357 = arith.constant 0 : i32
      %dma_wait3A_1358 = arith.constant 0 : i32
      %dma_wait3A_1359 = arith.constant 0 : i32
      %dma_wait3A_1360 = tpu.memref_slice %arg11[%dma_wait3A_1355, %dma_wait3A_1356, %dma_wait3A_1358, %dma_wait3A_1359] : memref<2x4x32x128xf32, #tpu.memory_space<vmem>> -> memref<1x1x32x128xf32, #tpu.memory_space<vmem>>
      %dma_wait3A_1361 = tpu.memref_squeeze %dma_wait3A_1360 : memref<1x1x32x128xf32, #tpu.memory_space<vmem>> -> memref<32x128xf32, #tpu.memory_space<vmem>>
      %dma_wait3A_1362 = arith.constant 0 : i32
      %dma_wait3A_1363 = arith.constant 0 : i32
      %dma_wait3A_1364 = tpu.memref_slice %arg5[%dma_wait3A_1362, %dma_wait3A_1363] : memref<32x1000000xf32, #tpu.memory_space<hbm>> -> memref<32x128xf32, #tpu.memory_space<hbm>>
      %dma_wait3A_1365 = tpu.memref_slice %arg15[%dma_wait3A_1357] : memref<2x!tpu.dma_semaphore, #tpu.memory_space<semaphore_mem>> -> memref<1x!tpu.dma_semaphore, #tpu.memory_space<semaphore_mem>>
      %dma_wait3A_1366 = tpu.memref_squeeze %dma_wait3A_1365 : memref<1x!tpu.dma_semaphore, #tpu.memory_space<semaphore_mem>> -> memref<!tpu.dma_semaphore, #tpu.memory_space<semaphore_mem>>
      %dma_wait3A_1367 = arith.constant 0 : i32
      %dma_wait3A_1368 = arith.constant 0 : i32
      %dma_wait3A_1369 = tpu.memref_slice %arg11[%dma_wait3A_1355, %dma_wait3A_1356, %dma_wait3A_1367, %dma_wait3A_1368] : memref<2x4x32x128xf32, #tpu.memory_space<vmem>> -> memref<1x1x32x128xf32, #tpu.memory_space<vmem>>
      %dma_wait3A_1370 = tpu.memref_squeeze %dma_wait3A_1369 : memref<1x1x32x128xf32, #tpu.memory_space<vmem>> -> memref<32x128xf32, #tpu.memory_space<vmem>>
      %dma_wait3A_1371 = arith.constant 0 : i32
      %dma_wait3A_1372 = arith.constant 0 : i32
      %dma_wait3A_1373 = tpu.memref_slice %arg5[%dma_wait3A_1371, %dma_wait3A_1372] : memref<32x1000000xf32, #tpu.memory_space<hbm>> -> memref<32x128xf32, #tpu.memory_space<hbm>>
      tpu.wait_dma2 semaphore(%dma_wait3A_1366 : memref<!tpu.dma_semaphore, #tpu.memory_space<semaphore_mem>>) src(%dma_wait3A_1373 : memref<32x128xf32, #tpu.memory_space<hbm>>) dst(%dma_wait3A_1370 : memref<32x128xf32, #tpu.memory_space<vmem>>)
      %dma_wait3A_1374 = arith.constant 0 : i32
      %dma_wait3A_1375 = arith.constant 2 : i32
      %dma_wait3A_1376 = arith.constant 0 : i32
      %dma_wait3A_1377 = arith.constant 0 : i32
      %dma_wait3A_1378 = arith.constant 0 : i32
      %dma_wait3A_1379 = tpu.memref_slice %arg11[%dma_wait3A_1374, %dma_wait3A_1375, %dma_wait3A_1377, %dma_wait3A_1378] : memref<2x4x32x128xf32, #tpu.memory_space<vmem>> -> memref<1x1x32x128xf32, #tpu.memory_space<vmem>>
      %dma_wait3A_1380 = tpu.memref_squeeze %dma_wait3A_1379 : memref<1x1x32x128xf32, #tpu.memory_space<vmem>> -> memref<32x128xf32, #tpu.memory_space<vmem>>
      %dma_wait3A_1381 = arith.constant 0 : i32
      %dma_wait3A_1382 = arith.constant 0 : i32
      %dma_wait3A_1383 = tpu.memref_slice %arg5[%dma_wait3A_1381, %dma_wait3A_1382] : memref<32x1000000xf32, #tpu.memory_space<hbm>> -> memref<32x128xf32, #tpu.memory_space<hbm>>
      %dma_wait3A_1384 = tpu.memref_slice %arg15[%dma_wait3A_1376] : memref<2x!tpu.dma_semaphore, #tpu.memory_space<semaphore_mem>> -> memref<1x!tpu.dma_semaphore, #tpu.memory_space<semaphore_mem>>
      %dma_wait3A_1385 = tpu.memref_squeeze %dma_wait3A_1384 : memref<1x!tpu.dma_semaphore, #tpu.memory_space<semaphore_mem>> -> memref<!tpu.dma_semaphore, #tpu.memory_space<semaphore_mem>>
      %dma_wait3A_1386 = arith.constant 0 : i32
      %dma_wait3A_1387 = arith.constant 0 : i32
      %dma_wait3A_1388 = tpu.memref_slice %arg11[%dma_wait3A_1374, %dma_wait3A_1375, %dma_wait3A_1386, %dma_wait3A_1387] : memref<2x4x32x128xf32, #tpu.memory_space<vmem>> -> memref<1x1x32x128xf32, #tpu.memory_space<vmem>>
      %dma_wait3A_1389 = tpu.memref_squeeze %dma_wait3A_1388 : memref<1x1x32x128xf32, #tpu.memory_space<vmem>> -> memref<32x128xf32, #tpu.memory_space<vmem>>
      %dma_wait3A_1390 = arith.constant 0 : i32
      %dma_wait3A_1391 = arith.constant 0 : i32
      %dma_wait3A_1392 = tpu.memref_slice %arg5[%dma_wait3A_1390, %dma_wait3A_1391] : memref<32x1000000xf32, #tpu.memory_space<hbm>> -> memref<32x128xf32, #tpu.memory_space<hbm>>
      tpu.wait_dma2 semaphore(%dma_wait3A_1385 : memref<!tpu.dma_semaphore, #tpu.memory_space<semaphore_mem>>) src(%dma_wait3A_1392 : memref<32x128xf32, #tpu.memory_space<hbm>>) dst(%dma_wait3A_1389 : memref<32x128xf32, #tpu.memory_space<vmem>>)
      %dma_wait3A_1393 = arith.constant 0 : i32
      %dma_wait3A_1394 = arith.constant 3 : i32
      %dma_wait3A_1395 = arith.constant 0 : i32
      %dma_wait3A_1396 = arith.constant 0 : i32
      %dma_wait3A_1397 = arith.constant 0 : i32
      %dma_wait3A_1398 = tpu.memref_slice %arg11[%dma_wait3A_1393, %dma_wait3A_1394, %dma_wait3A_1396, %dma_wait3A_1397] : memref<2x4x32x128xf32, #tpu.memory_space<vmem>> -> memref<1x1x32x128xf32, #tpu.memory_space<vmem>>
      %dma_wait3A_1399 = tpu.memref_squeeze %dma_wait3A_1398 : memref<1x1x32x128xf32, #tpu.memory_space<vmem>> -> memref<32x128xf32, #tpu.memory_space<vmem>>
      %dma_wait3A_1400 = arith.constant 0 : i32
      %dma_wait3A_1401 = arith.constant 0 : i32
      %dma_wait3A_1402 = tpu.memref_slice %arg5[%dma_wait3A_1400, %dma_wait3A_1401] : memref<32x1000000xf32, #tpu.memory_space<hbm>> -> memref<32x128xf32, #tpu.memory_space<hbm>>
      %dma_wait3A_1403 = tpu.memref_slice %arg15[%dma_wait3A_1395] : memref<2x!tpu.dma_semaphore, #tpu.memory_space<semaphore_mem>> -> memref<1x!tpu.dma_semaphore, #tpu.memory_space<semaphore_mem>>
      %dma_wait3A_1404 = tpu.memref_squeeze %dma_wait3A_1403 : memref<1x!tpu.dma_semaphore, #tpu.memory_space<semaphore_mem>> -> memref<!tpu.dma_semaphore, #tpu.memory_space<semaphore_mem>>
      %dma_wait3A_1405 = arith.constant 0 : i32
      %dma_wait3A_1406 = arith.constant 0 : i32
      %dma_wait3A_1407 = tpu.memref_slice %arg11[%dma_wait3A_1393, %dma_wait3A_1394, %dma_wait3A_1405, %dma_wait3A_1406] : memref<2x4x32x128xf32, #tpu.memory_space<vmem>> -> memref<1x1x32x128xf32, #tpu.memory_space<vmem>>
      %dma_wait3A_1408 = tpu.memref_squeeze %dma_wait3A_1407 : memref<1x1x32x128xf32, #tpu.memory_space<vmem>> -> memref<32x128xf32, #tpu.memory_space<vmem>>
      %dma_wait3A_1409 = arith.constant 0 : i32
      %dma_wait3A_1410 = arith.constant 0 : i32
      %dma_wait3A_1411 = tpu.memref_slice %arg5[%dma_wait3A_1409, %dma_wait3A_1410] : memref<32x1000000xf32, #tpu.memory_space<hbm>> -> memref<32x128xf32, #tpu.memory_space<hbm>>
      tpu.wait_dma2 semaphore(%dma_wait3A_1404 : memref<!tpu.dma_semaphore, #tpu.memory_space<semaphore_mem>>) src(%dma_wait3A_1411 : memref<32x128xf32, #tpu.memory_space<hbm>>) dst(%dma_wait3A_1408 : memref<32x128xf32, #tpu.memory_space<vmem>>)
      %broadcast_in_dim3A_1412 = arith.constant 0 : i32
      %broadcast_in_dim3A_1413 = vector.broadcast %broadcast_in_dim3A_1412 : i32 to vector<16xi32>
      %mul3A_1414 = arith.constant 4 : i32
      %mul3A_1415 = arith.muli %mul3A_1171, %mul3A_1414 : i32
      %add3A_1416 = arith.constant 0 : i32
      %add3A_1417 = arith.addi %mul3A_1415, %add3A_1416 : i32
      %broadcast_in_dim3A_1418 = vector.broadcast %add3A_1417 : i32 to vector<16xi32>
      %slice3A_1419 = vector.extract_strided_slice %and3A_1185 {offsets = [0], sizes = [1], strides = [1]} : vector<16xi32> to vector<1xi32>
      %squeeze3A_1420 = vector.extract %slice3A_1419[0] : i32 from vector<1xi32>
      %broadcast_in_dim3A_1421 = vector.broadcast %squeeze3A_1420 : i32 to vector<16xi32>
      %broadcast_in_dim3A_1422 = arith.constant 0 : i32
      %broadcast_in_dim3A_1423 = vector.broadcast %broadcast_in_dim3A_1422 : i32 to vector<16xi32>
      %gather3A_1424 = tpu.vector_load_idx %arg11[%broadcast_in_dim3A_1413, %broadcast_in_dim3A_1423, %iota3A, %broadcast_in_dim3A_1421] : memref<2x4x32x128xf32, #tpu.memory_space<vmem>>[vector<16xi32>, vector<16xi32>, vector<16xi32>, vector<16xi32>], vector<16xf32>,
      %add3A_1425 = arith.constant 16 : i32
      %add3A_1426 = vector.broadcast %add3A_1425 : i32 to vector<16xi32>
      %add3A_1427 = arith.addi %iota3A, %add3A_1426 : vector<16xi32>
      %gather3A_1428 = tpu.vector_load_idx %arg11[%broadcast_in_dim3A_1413, %broadcast_in_dim3A_1423, %add3A_1427, %broadcast_in_dim3A_1421] : memref<2x4x32x128xf32, #tpu.memory_space<vmem>>[vector<16xi32>, vector<16xi32>, vector<16xi32>, vector<16xi32>], vector<16xf32>,
      tpu.vector_store_idx %arg13[%iota3A, %broadcast_in_dim3A_1418], %gather3A_1424 : memref<32x512xf32, #tpu.memory_space<vmem>>[vector<16xi32>, vector<16xi32>], vector<16xf32>,
      %add3A_1429 = arith.constant 16 : i32
      %add3A_1430 = vector.broadcast %add3A_1429 : i32 to vector<16xi32>
      %add3A_1431 = arith.addi %iota3A, %add3A_1430 : vector<16xi32>
      tpu.vector_store_idx %arg13[%add3A_1431, %broadcast_in_dim3A_1418], %gather3A_1428 : memref<32x512xf32, #tpu.memory_space<vmem>>[vector<16xi32>, vector<16xi32>], vector<16xf32>,
      %mul3A_1432 = arith.constant 4 : i32
      %mul3A_1433 = arith.muli %mul3A_1171, %mul3A_1432 : i32
      %add3A_1434 = arith.constant 1 : i32
      %add3A_1435 = arith.addi %mul3A_1433, %add3A_1434 : i32
      %broadcast_in_dim3A_1436 = vector.broadcast %add3A_1435 : i32 to vector<16xi32>
      %slice3A_1437 = vector.extract_strided_slice %and3A_1185 {offsets = [1], sizes = [1], strides = [1]} : vector<16xi32> to vector<1xi32>
      %squeeze3A_1438 = vector.extract %slice3A_1437[0] : i32 from vector<1xi32>
      %broadcast_in_dim3A_1439 = vector.broadcast %squeeze3A_1438 : i32 to vector<16xi32>
      %broadcast_in_dim3A_1440 = arith.constant 1 : i32
      %broadcast_in_dim3A_1441 = vector.broadcast %broadcast_in_dim3A_1440 : i32 to vector<16xi32>
      %gather3A_1442 = tpu.vector_load_idx %arg11[%broadcast_in_dim3A_1413, %broadcast_in_dim3A_1441, %iota3A, %broadcast_in_dim3A_1439] : memref<2x4x32x128xf32, #tpu.memory_space<vmem>>[vector<16xi32>, vector<16xi32>, vector<16xi32>, vector<16xi32>], vector<16xf32>,
      %add3A_1443 = arith.constant 16 : i32
      %add3A_1444 = vector.broadcast %add3A_1443 : i32 to vector<16xi32>
      %add3A_1445 = arith.addi %iota3A, %add3A_1444 : vector<16xi32>
      %gather3A_1446 = tpu.vector_load_idx %arg11[%broadcast_in_dim3A_1413, %broadcast_in_dim3A_1441, %add3A_1445, %broadcast_in_dim3A_1439] : memref<2x4x32x128xf32, #tpu.memory_space<vmem>>[vector<16xi32>, vector<16xi32>, vector<16xi32>, vector<16xi32>], vector<16xf32>,
      tpu.vector_store_idx %arg13[%iota3A, %broadcast_in_dim3A_1436], %gather3A_1442 : memref<32x512xf32, #tpu.memory_space<vmem>>[vector<16xi32>, vector<16xi32>], vector<16xf32>,
      %add3A_1447 = arith.constant 16 : i32
      %add3A_1448 = vector.broadcast %add3A_1447 : i32 to vector<16xi32>
      %add3A_1449 = arith.addi %iota3A, %add3A_1448 : vector<16xi32>
      tpu.vector_store_idx %arg13[%add3A_1449, %broadcast_in_dim3A_1436], %gather3A_1446 : memref<32x512xf32, #tpu.memory_space<vmem>>[vector<16xi32>, vector<16xi32>], vector<16xf32>,
      %mul3A_1450 = arith.constant 4 : i32
      %mul3A_1451 = arith.muli %mul3A_1171, %mul3A_1450 : i32
      %add3A_1452 = arith.constant 2 : i32
      %add3A_1453 = arith.addi %mul3A_1451, %add3A_1452 : i32
      %broadcast_in_dim3A_1454 = vector.broadcast %add3A_1453 : i32 to vector<16xi32>
      %slice3A_1455 = vector.extract_strided_slice %and3A_1185 {offsets = [2], sizes = [1], strides = [1]} : vector<16xi32> to vector<1xi32>
      %squeeze3A_1456 = vector.extract %slice3A_1455[0] : i32 from vector<1xi32>
      %broadcast_in_dim3A_1457 = vector.broadcast %squeeze3A_1456 : i32 to vector<16xi32>
      %broadcast_in_dim3A_1458 = arith.constant 2 : i32
      %broadcast_in_dim3A_1459 = vector.broadcast %broadcast_in_dim3A_1458 : i32 to vector<16xi32>
      %gather3A_1460 = tpu.vector_load_idx %arg11[%broadcast_in_dim3A_1413, %broadcast_in_dim3A_1459, %iota3A, %broadcast_in_dim3A_1457] : memref<2x4x32x128xf32, #tpu.memory_space<vmem>>[vector<16xi32>, vector<16xi32>, vector<16xi32>, vector<16xi32>], vector<16xf32>,
      %add3A_1461 = arith.constant 16 : i32
      %add3A_1462 = vector.broadcast %add3A_1461 : i32 to vector<16xi32>
      %add3A_1463 = arith.addi %iota3A, %add3A_1462 : vector<16xi32>
      %gather3A_1464 = tpu.vector_load_idx %arg11[%broadcast_in_dim3A_1413, %broadcast_in_dim3A_1459, %add3A_1463, %broadcast_in_dim3A_1457] : memref<2x4x32x128xf32, #tpu.memory_space<vmem>>[vector<16xi32>, vector<16xi32>, vector<16xi32>, vector<16xi32>], vector<16xf32>,
      tpu.vector_store_idx %arg13[%iota3A, %broadcast_in_dim3A_1454], %gather3A_1460 : memref<32x512xf32, #tpu.memory_space<vmem>>[vector<16xi32>, vector<16xi32>], vector<16xf32>,
      %add3A_1465 = arith.constant 16 : i32
      %add3A_1466 = vector.broadcast %add3A_1465 : i32 to vector<16xi32>
      %add3A_1467 = arith.addi %iota3A, %add3A_1466 : vector<16xi32>
      tpu.vector_store_idx %arg13[%add3A_1467, %broadcast_in_dim3A_1454], %gather3A_1464 : memref<32x512xf32, #tpu.memory_space<vmem>>[vector<16xi32>, vector<16xi32>], vector<16xf32>,
      %mul3A_1468 = arith.constant 4 : i32
      %mul3A_1469 = arith.muli %mul3A_1171, %mul3A_1468 : i32
      %add3A_1470 = arith.constant 3 : i32
      %add3A_1471 = arith.addi %mul3A_1469, %add3A_1470 : i32
      %broadcast_in_dim3A_1472 = vector.broadcast %add3A_1471 : i32 to vector<16xi32>
      %slice3A_1473 = vector.extract_strided_slice %and3A_1185 {offsets = [3], sizes = [1], strides = [1]} : vector<16xi32> to vector<1xi32>
      %squeeze3A_1474 = vector.extract %slice3A_1473[0] : i32 from vector<1xi32>
      %broadcast_in_dim3A_1475 = vector.broadcast %squeeze3A_1474 : i32 to vector<16xi32>
      %broadcast_in_dim3A_1476 = arith.constant 3 : i32
      %broadcast_in_dim3A_1477 = vector.broadcast %broadcast_in_dim3A_1476 : i32 to vector<16xi32>
      %gather3A_1478 = tpu.vector_load_idx %arg11[%broadcast_in_dim3A_1413, %broadcast_in_dim3A_1477, %iota3A, %broadcast_in_dim3A_1475] : memref<2x4x32x128xf32, #tpu.memory_space<vmem>>[vector<16xi32>, vector<16xi32>, vector<16xi32>, vector<16xi32>], vector<16xf32>,
      %add3A_1479 = arith.constant 16 : i32
      %add3A_1480 = vector.broadcast %add3A_1479 : i32 to vector<16xi32>
      %add3A_1481 = arith.addi %iota3A, %add3A_1480 : vector<16xi32>
      %gather3A_1482 = tpu.vector_load_idx %arg11[%broadcast_in_dim3A_1413, %broadcast_in_dim3A_1477, %add3A_1481, %broadcast_in_dim3A_1475] : memref<2x4x32x128xf32, #tpu.memory_space<vmem>>[vector<16xi32>, vector<16xi32>, vector<16xi32>, vector<16xi32>], vector<16xf32>,
      tpu.vector_store_idx %arg13[%iota3A, %broadcast_in_dim3A_1472], %gather3A_1478 : memref<32x512xf32, #tpu.memory_space<vmem>>[vector<16xi32>, vector<16xi32>], vector<16xf32>,
      %add3A_1483 = arith.constant 16 : i32
      %add3A_1484 = vector.broadcast %add3A_1483 : i32 to vector<16xi32>
      %add3A_1485 = arith.addi %iota3A, %add3A_1484 : vector<16xi32>
      tpu.vector_store_idx %arg13[%add3A_1485, %broadcast_in_dim3A_1472], %gather3A_1482 : memref<32x512xf32, #tpu.memory_space<vmem>>[vector<16xi32>, vector<16xi32>], vector<16xf32>,
      %mul3A_1486 = arith.constant 2 : i32
      %mul3A_1487 = arith.muli %mul3A_1486, %scan3A_964 : i32
      %add3A_1488 = arith.constant 2 : i32
      %add3A_1489 = arith.addi %mul3A_1487, %add3A_1488 : i32
      %mul3A_1490 = arith.constant 4 : i32
      %mul3A_1491 = arith.muli %add3A_1489, %mul3A_1490 : i32
      %get3A_1492 = arith.index_cast %mul3A_1491 : i32 to index
      %get3A_1493 = tpu.vector_load %arg8[%get3A_1492] {strides = array<i32>} : memref<528xi32, #tpu.memory_space<vmem>>, vector<16xi32>,
      %mul3A_1494 = arith.constant 4 : i32
      %mul3A_1495 = arith.muli %add3A_1489, %mul3A_1494 : i32
      %get3A_1496 = arith.index_cast %mul3A_1495 : i32 to index
      %get3A_1497 = tpu.vector_load %arg9[%get3A_1496] {strides = array<i32>} : memref<528xi32, #tpu.memory_space<vmem>>, vector<16xi32>,
      %slice3A_1498 = vector.extract_strided_slice %get3A_1493 {offsets = [0], sizes = [1], strides = [1]} : vector<16xi32> to vector<1xi32>
      %squeeze3A_1499 = vector.extract %slice3A_1498[0] : i32 from vector<1xi32>
      %shift_right_logical3A_1500 = arith.constant 7 : i32
      %shift_right_logical3A_1501 = arith.shrui %squeeze3A_1499, %shift_right_logical3A_1500 : i32
      %mul3A_1502 = arith.constant 128 : i32
      %mul3A_1503 = arith.muli %shift_right_logical3A_1501, %mul3A_1502 : i32
      %multiple_of3A_1504 = tpu.assume_multiple %mul3A_1503, 128 : i32
      %dma_start3A_1505 = arith.constant 0 : i32
      %dma_start3A_1506 = arith.constant 0 : i32
      %dma_start3A_1507 = arith.constant 0 : i32
      %dma_start3A_1508 = arith.constant 0 : i32
      %dma_start3A_1509 = arith.constant 0 : i32
      %dma_start3A_1510 = tpu.memref_slice %arg10[%dma_start3A_1505, %dma_start3A_1506, %dma_start3A_1508, %dma_start3A_1509] : memref<2x4x32x128xf32, #tpu.memory_space<vmem>> -> memref<1x1x32x128xf32, #tpu.memory_space<vmem>>
      %dma_start3A_1511 = tpu.memref_squeeze %dma_start3A_1510 : memref<1x1x32x128xf32, #tpu.memory_space<vmem>> -> memref<32x128xf32, #tpu.memory_space<vmem>>
      %dma_start3A_1512 = arith.constant 0 : i32
      %dma_start3A_1513 = tpu.memref_slice %arg4[%dma_start3A_1512, %multiple_of3A_1504] : memref<32x1000000xf32, #tpu.memory_space<hbm>> -> memref<32x128xf32, #tpu.memory_space<hbm>>
      %dma_start3A_1514 = tpu.memref_slice %arg14[%dma_start3A_1507] : memref<2x!tpu.dma_semaphore, #tpu.memory_space<semaphore_mem>> -> memref<1x!tpu.dma_semaphore, #tpu.memory_space<semaphore_mem>>
      %dma_start3A_1515 = tpu.memref_squeeze %dma_start3A_1514 : memref<1x!tpu.dma_semaphore, #tpu.memory_space<semaphore_mem>> -> memref<!tpu.dma_semaphore, #tpu.memory_space<semaphore_mem>>
      %dma_start3A_1516 = arith.constant 0 : i32
      %dma_start3A_1517 = arith.constant 0 : i32
      %dma_start3A_1518 = tpu.memref_slice %arg10[%dma_start3A_1505, %dma_start3A_1506, %dma_start3A_1516, %dma_start3A_1517] : memref<2x4x32x128xf32, #tpu.memory_space<vmem>> -> memref<1x1x32x128xf32, #tpu.memory_space<vmem>>
      %dma_start3A_1519 = tpu.memref_squeeze %dma_start3A_1518 : memref<1x1x32x128xf32, #tpu.memory_space<vmem>> -> memref<32x128xf32, #tpu.memory_space<vmem>>
      %dma_start3A_1520 = arith.constant 0 : i32
      %dma_start3A_1521 = tpu.memref_slice %arg4[%dma_start3A_1520, %multiple_of3A_1504] : memref<32x1000000xf32, #tpu.memory_space<hbm>> -> memref<32x128xf32, #tpu.memory_space<hbm>>
      tpu.enqueue_dma source(%dma_start3A_1521 : memref<32x128xf32, #tpu.memory_space<hbm>>) target(%dma_start3A_1519 : memref<32x128xf32, #tpu.memory_space<vmem>>) target_semaphore(%dma_start3A_1515 : memref<!tpu.dma_semaphore, #tpu.memory_space<semaphore_mem>>)
      %slice3A_1522 = vector.extract_strided_slice %get3A_1493 {offsets = [1], sizes = [1], strides = [1]} : vector<16xi32> to vector<1xi32>
      %squeeze3A_1523 = vector.extract %slice3A_1522[0] : i32 from vector<1xi32>
      %shift_right_logical3A_1524 = arith.constant 7 : i32
      %shift_right_logical3A_1525 = arith.shrui %squeeze3A_1523, %shift_right_logical3A_1524 : i32
      %mul3A_1526 = arith.constant 128 : i32
      %mul3A_1527 = arith.muli %shift_right_logical3A_1525, %mul3A_1526 : i32
      %multiple_of3A_1528 = tpu.assume_multiple %mul3A_1527, 128 : i32
      %dma_start3A_1529 = arith.constant 0 : i32
      %dma_start3A_1530 = arith.constant 1 : i32
      %dma_start3A_1531 = arith.constant 0 : i32
      %dma_start3A_1532 = arith.constant 0 : i32
      %dma_start3A_1533 = arith.constant 0 : i32
      %dma_start3A_1534 = tpu.memref_slice %arg10[%dma_start3A_1529, %dma_start3A_1530, %dma_start3A_1532, %dma_start3A_1533] : memref<2x4x32x128xf32, #tpu.memory_space<vmem>> -> memref<1x1x32x128xf32, #tpu.memory_space<vmem>>
      %dma_start3A_1535 = tpu.memref_squeeze %dma_start3A_1534 : memref<1x1x32x128xf32, #tpu.memory_space<vmem>> -> memref<32x128xf32, #tpu.memory_space<vmem>>
      %dma_start3A_1536 = arith.constant 0 : i32
      %dma_start3A_1537 = tpu.memref_slice %arg4[%dma_start3A_1536, %multiple_of3A_1528] : memref<32x1000000xf32, #tpu.memory_space<hbm>> -> memref<32x128xf32, #tpu.memory_space<hbm>>
      %dma_start3A_1538 = tpu.memref_slice %arg14[%dma_start3A_1531] : memref<2x!tpu.dma_semaphore, #tpu.memory_space<semaphore_mem>> -> memref<1x!tpu.dma_semaphore, #tpu.memory_space<semaphore_mem>>
      %dma_start3A_1539 = tpu.memref_squeeze %dma_start3A_1538 : memref<1x!tpu.dma_semaphore, #tpu.memory_space<semaphore_mem>> -> memref<!tpu.dma_semaphore, #tpu.memory_space<semaphore_mem>>
      %dma_start3A_1540 = arith.constant 0 : i32
      %dma_start3A_1541 = arith.constant 0 : i32
      %dma_start3A_1542 = tpu.memref_slice %arg10[%dma_start3A_1529, %dma_start3A_1530, %dma_start3A_1540, %dma_start3A_1541] : memref<2x4x32x128xf32, #tpu.memory_space<vmem>> -> memref<1x1x32x128xf32, #tpu.memory_space<vmem>>
      %dma_start3A_1543 = tpu.memref_squeeze %dma_start3A_1542 : memref<1x1x32x128xf32, #tpu.memory_space<vmem>> -> memref<32x128xf32, #tpu.memory_space<vmem>>
      %dma_start3A_1544 = arith.constant 0 : i32
      %dma_start3A_1545 = tpu.memref_slice %arg4[%dma_start3A_1544, %multiple_of3A_1528] : memref<32x1000000xf32, #tpu.memory_space<hbm>> -> memref<32x128xf32, #tpu.memory_space<hbm>>
      tpu.enqueue_dma source(%dma_start3A_1545 : memref<32x128xf32, #tpu.memory_space<hbm>>) target(%dma_start3A_1543 : memref<32x128xf32, #tpu.memory_space<vmem>>) target_semaphore(%dma_start3A_1539 : memref<!tpu.dma_semaphore, #tpu.memory_space<semaphore_mem>>)
      %slice3A_1546 = vector.extract_strided_slice %get3A_1493 {offsets = [2], sizes = [1], strides = [1]} : vector<16xi32> to vector<1xi32>
      %squeeze3A_1547 = vector.extract %slice3A_1546[0] : i32 from vector<1xi32>
      %shift_right_logical3A_1548 = arith.constant 7 : i32
      %shift_right_logical3A_1549 = arith.shrui %squeeze3A_1547, %shift_right_logical3A_1548 : i32
      %mul3A_1550 = arith.constant 128 : i32
      %mul3A_1551 = arith.muli %shift_right_logical3A_1549, %mul3A_1550 : i32
      %multiple_of3A_1552 = tpu.assume_multiple %mul3A_1551, 128 : i32
      %dma_start3A_1553 = arith.constant 0 : i32
      %dma_start3A_1554 = arith.constant 2 : i32
      %dma_start3A_1555 = arith.constant 0 : i32
      %dma_start3A_1556 = arith.constant 0 : i32
      %dma_start3A_1557 = arith.constant 0 : i32
      %dma_start3A_1558 = tpu.memref_slice %arg10[%dma_start3A_1553, %dma_start3A_1554, %dma_start3A_1556, %dma_start3A_1557] : memref<2x4x32x128xf32, #tpu.memory_space<vmem>> -> memref<1x1x32x128xf32, #tpu.memory_space<vmem>>
      %dma_start3A_1559 = tpu.memref_squeeze %dma_start3A_1558 : memref<1x1x32x128xf32, #tpu.memory_space<vmem>> -> memref<32x128xf32, #tpu.memory_space<vmem>>
      %dma_start3A_1560 = arith.constant 0 : i32
      %dma_start3A_1561 = tpu.memref_slice %arg4[%dma_start3A_1560, %multiple_of3A_1552] : memref<32x1000000xf32, #tpu.memory_space<hbm>> -> memref<32x128xf32, #tpu.memory_space<hbm>>
      %dma_start3A_1562 = tpu.memref_slice %arg14[%dma_start3A_1555] : memref<2x!tpu.dma_semaphore, #tpu.memory_space<semaphore_mem>> -> memref<1x!tpu.dma_semaphore, #tpu.memory_space<semaphore_mem>>
      %dma_start3A_1563 = tpu.memref_squeeze %dma_start3A_1562 : memref<1x!tpu.dma_semaphore, #tpu.memory_space<semaphore_mem>> -> memref<!tpu.dma_semaphore, #tpu.memory_space<semaphore_mem>>
      %dma_start3A_1564 = arith.constant 0 : i32
      %dma_start3A_1565 = arith.constant 0 : i32
      %dma_start3A_1566 = tpu.memref_slice %arg10[%dma_start3A_1553, %dma_start3A_1554, %dma_start3A_1564, %dma_start3A_1565] : memref<2x4x32x128xf32, #tpu.memory_space<vmem>> -> memref<1x1x32x128xf32, #tpu.memory_space<vmem>>
      %dma_start3A_1567 = tpu.memref_squeeze %dma_start3A_1566 : memref<1x1x32x128xf32, #tpu.memory_space<vmem>> -> memref<32x128xf32, #tpu.memory_space<vmem>>
      %dma_start3A_1568 = arith.constant 0 : i32
      %dma_start3A_1569 = tpu.memref_slice %arg4[%dma_start3A_1568, %multiple_of3A_1552] : memref<32x1000000xf32, #tpu.memory_space<hbm>> -> memref<32x128xf32, #tpu.memory_space<hbm>>
      tpu.enqueue_dma source(%dma_start3A_1569 : memref<32x128xf32, #tpu.memory_space<hbm>>) target(%dma_start3A_1567 : memref<32x128xf32, #tpu.memory_space<vmem>>) target_semaphore(%dma_start3A_1563 : memref<!tpu.dma_semaphore, #tpu.memory_space<semaphore_mem>>)
      %slice3A_1570 = vector.extract_strided_slice %get3A_1493 {offsets = [3], sizes = [1], strides = [1]} : vector<16xi32> to vector<1xi32>
      %squeeze3A_1571 = vector.extract %slice3A_1570[0] : i32 from vector<1xi32>
      %shift_right_logical3A_1572 = arith.constant 7 : i32
      %shift_right_logical3A_1573 = arith.shrui %squeeze3A_1571, %shift_right_logical3A_1572 : i32
      %mul3A_1574 = arith.constant 128 : i32
      %mul3A_1575 = arith.muli %shift_right_logical3A_1573, %mul3A_1574 : i32
      %multiple_of3A_1576 = tpu.assume_multiple %mul3A_1575, 128 : i32
      %dma_start3A_1577 = arith.constant 0 : i32
      %dma_start3A_1578 = arith.constant 3 : i32
      %dma_start3A_1579 = arith.constant 0 : i32
      %dma_start3A_1580 = arith.constant 0 : i32
      %dma_start3A_1581 = arith.constant 0 : i32
      %dma_start3A_1582 = tpu.memref_slice %arg10[%dma_start3A_1577, %dma_start3A_1578, %dma_start3A_1580, %dma_start3A_1581] : memref<2x4x32x128xf32, #tpu.memory_space<vmem>> -> memref<1x1x32x128xf32, #tpu.memory_space<vmem>>
      %dma_start3A_1583 = tpu.memref_squeeze %dma_start3A_1582 : memref<1x1x32x128xf32, #tpu.memory_space<vmem>> -> memref<32x128xf32, #tpu.memory_space<vmem>>
      %dma_start3A_1584 = arith.constant 0 : i32
      %dma_start3A_1585 = tpu.memref_slice %arg4[%dma_start3A_1584, %multiple_of3A_1576] : memref<32x1000000xf32, #tpu.memory_space<hbm>> -> memref<32x128xf32, #tpu.memory_space<hbm>>
      %dma_start3A_1586 = tpu.memref_slice %arg14[%dma_start3A_1579] : memref<2x!tpu.dma_semaphore, #tpu.memory_space<semaphore_mem>> -> memref<1x!tpu.dma_semaphore, #tpu.memory_space<semaphore_mem>>
      %dma_start3A_1587 = tpu.memref_squeeze %dma_start3A_1586 : memref<1x!tpu.dma_semaphore, #tpu.memory_space<semaphore_mem>> -> memref<!tpu.dma_semaphore, #tpu.memory_space<semaphore_mem>>
      %dma_start3A_1588 = arith.constant 0 : i32
      %dma_start3A_1589 = arith.constant 0 : i32
      %dma_start3A_1590 = tpu.memref_slice %arg10[%dma_start3A_1577, %dma_start3A_1578, %dma_start3A_1588, %dma_start3A_1589] : memref<2x4x32x128xf32, #tpu.memory_space<vmem>> -> memref<1x1x32x128xf32, #tpu.memory_space<vmem>>
      %dma_start3A_1591 = tpu.memref_squeeze %dma_start3A_1590 : memref<1x1x32x128xf32, #tpu.memory_space<vmem>> -> memref<32x128xf32, #tpu.memory_space<vmem>>
      %dma_start3A_1592 = arith.constant 0 : i32
      %dma_start3A_1593 = tpu.memref_slice %arg4[%dma_start3A_1592, %multiple_of3A_1576] : memref<32x1000000xf32, #tpu.memory_space<hbm>> -> memref<32x128xf32, #tpu.memory_space<hbm>>
      tpu.enqueue_dma source(%dma_start3A_1593 : memref<32x128xf32, #tpu.memory_space<hbm>>) target(%dma_start3A_1591 : memref<32x128xf32, #tpu.memory_space<vmem>>) target_semaphore(%dma_start3A_1587 : memref<!tpu.dma_semaphore, #tpu.memory_space<semaphore_mem>>)
      %slice3A_1594 = vector.extract_strided_slice %get3A_1497 {offsets = [0], sizes = [1], strides = [1]} : vector<16xi32> to vector<1xi32>
      %squeeze3A_1595 = vector.extract %slice3A_1594[0] : i32 from vector<1xi32>
      %shift_right_logical3A_1596 = arith.constant 7 : i32
      %shift_right_logical3A_1597 = arith.shrui %squeeze3A_1595, %shift_right_logical3A_1596 : i32
      %mul3A_1598 = arith.constant 128 : i32
      %mul3A_1599 = arith.muli %shift_right_logical3A_1597, %mul3A_1598 : i32
      %multiple_of3A_1600 = tpu.assume_multiple %mul3A_1599, 128 : i32
      %dma_start3A_1601 = arith.constant 0 : i32
      %dma_start3A_1602 = arith.constant 0 : i32
      %dma_start3A_1603 = arith.constant 0 : i32
      %dma_start3A_1604 = arith.constant 0 : i32
      %dma_start3A_1605 = arith.constant 0 : i32
      %dma_start3A_1606 = tpu.memref_slice %arg11[%dma_start3A_1601, %dma_start3A_1602, %dma_start3A_1604, %dma_start3A_1605] : memref<2x4x32x128xf32, #tpu.memory_space<vmem>> -> memref<1x1x32x128xf32, #tpu.memory_space<vmem>>
      %dma_start3A_1607 = tpu.memref_squeeze %dma_start3A_1606 : memref<1x1x32x128xf32, #tpu.memory_space<vmem>> -> memref<32x128xf32, #tpu.memory_space<vmem>>
      %dma_start3A_1608 = arith.constant 0 : i32
      %dma_start3A_1609 = tpu.memref_slice %arg5[%dma_start3A_1608, %multiple_of3A_1600] : memref<32x1000000xf32, #tpu.memory_space<hbm>> -> memref<32x128xf32, #tpu.memory_space<hbm>>
      %dma_start3A_1610 = tpu.memref_slice %arg15[%dma_start3A_1603] : memref<2x!tpu.dma_semaphore, #tpu.memory_space<semaphore_mem>> -> memref<1x!tpu.dma_semaphore, #tpu.memory_space<semaphore_mem>>
      %dma_start3A_1611 = tpu.memref_squeeze %dma_start3A_1610 : memref<1x!tpu.dma_semaphore, #tpu.memory_space<semaphore_mem>> -> memref<!tpu.dma_semaphore, #tpu.memory_space<semaphore_mem>>
      %dma_start3A_1612 = arith.constant 0 : i32
      %dma_start3A_1613 = arith.constant 0 : i32
      %dma_start3A_1614 = tpu.memref_slice %arg11[%dma_start3A_1601, %dma_start3A_1602, %dma_start3A_1612, %dma_start3A_1613] : memref<2x4x32x128xf32, #tpu.memory_space<vmem>> -> memref<1x1x32x128xf32, #tpu.memory_space<vmem>>
      %dma_start3A_1615 = tpu.memref_squeeze %dma_start3A_1614 : memref<1x1x32x128xf32, #tpu.memory_space<vmem>> -> memref<32x128xf32, #tpu.memory_space<vmem>>
      %dma_start3A_1616 = arith.constant 0 : i32
      %dma_start3A_1617 = tpu.memref_slice %arg5[%dma_start3A_1616, %multiple_of3A_1600] : memref<32x1000000xf32, #tpu.memory_space<hbm>> -> memref<32x128xf32, #tpu.memory_space<hbm>>
      tpu.enqueue_dma source(%dma_start3A_1617 : memref<32x128xf32, #tpu.memory_space<hbm>>) target(%dma_start3A_1615 : memref<32x128xf32, #tpu.memory_space<vmem>>) target_semaphore(%dma_start3A_1611 : memref<!tpu.dma_semaphore, #tpu.memory_space<semaphore_mem>>)
      %slice3A_1618 = vector.extract_strided_slice %get3A_1497 {offsets = [1], sizes = [1], strides = [1]} : vector<16xi32> to vector<1xi32>
      %squeeze3A_1619 = vector.extract %slice3A_1618[0] : i32 from vector<1xi32>
      %shift_right_logical3A_1620 = arith.constant 7 : i32
      %shift_right_logical3A_1621 = arith.shrui %squeeze3A_1619, %shift_right_logical3A_1620 : i32
      %mul3A_1622 = arith.constant 128 : i32
      %mul3A_1623 = arith.muli %shift_right_logical3A_1621, %mul3A_1622 : i32
      %multiple_of3A_1624 = tpu.assume_multiple %mul3A_1623, 128 : i32
      %dma_start3A_1625 = arith.constant 0 : i32
      %dma_start3A_1626 = arith.constant 1 : i32
      %dma_start3A_1627 = arith.constant 0 : i32
      %dma_start3A_1628 = arith.constant 0 : i32
      %dma_start3A_1629 = arith.constant 0 : i32
      %dma_start3A_1630 = tpu.memref_slice %arg11[%dma_start3A_1625, %dma_start3A_1626, %dma_start3A_1628, %dma_start3A_1629] : memref<2x4x32x128xf32, #tpu.memory_space<vmem>> -> memref<1x1x32x128xf32, #tpu.memory_space<vmem>>
      %dma_start3A_1631 = tpu.memref_squeeze %dma_start3A_1630 : memref<1x1x32x128xf32, #tpu.memory_space<vmem>> -> memref<32x128xf32, #tpu.memory_space<vmem>>
      %dma_start3A_1632 = arith.constant 0 : i32
      %dma_start3A_1633 = tpu.memref_slice %arg5[%dma_start3A_1632, %multiple_of3A_1624] : memref<32x1000000xf32, #tpu.memory_space<hbm>> -> memref<32x128xf32, #tpu.memory_space<hbm>>
      %dma_start3A_1634 = tpu.memref_slice %arg15[%dma_start3A_1627] : memref<2x!tpu.dma_semaphore, #tpu.memory_space<semaphore_mem>> -> memref<1x!tpu.dma_semaphore, #tpu.memory_space<semaphore_mem>>
      %dma_start3A_1635 = tpu.memref_squeeze %dma_start3A_1634 : memref<1x!tpu.dma_semaphore, #tpu.memory_space<semaphore_mem>> -> memref<!tpu.dma_semaphore, #tpu.memory_space<semaphore_mem>>
      %dma_start3A_1636 = arith.constant 0 : i32
      %dma_start3A_1637 = arith.constant 0 : i32
      %dma_start3A_1638 = tpu.memref_slice %arg11[%dma_start3A_1625, %dma_start3A_1626, %dma_start3A_1636, %dma_start3A_1637] : memref<2x4x32x128xf32, #tpu.memory_space<vmem>> -> memref<1x1x32x128xf32, #tpu.memory_space<vmem>>
      %dma_start3A_1639 = tpu.memref_squeeze %dma_start3A_1638 : memref<1x1x32x128xf32, #tpu.memory_space<vmem>> -> memref<32x128xf32, #tpu.memory_space<vmem>>
      %dma_start3A_1640 = arith.constant 0 : i32
      %dma_start3A_1641 = tpu.memref_slice %arg5[%dma_start3A_1640, %multiple_of3A_1624] : memref<32x1000000xf32, #tpu.memory_space<hbm>> -> memref<32x128xf32, #tpu.memory_space<hbm>>
      tpu.enqueue_dma source(%dma_start3A_1641 : memref<32x128xf32, #tpu.memory_space<hbm>>) target(%dma_start3A_1639 : memref<32x128xf32, #tpu.memory_space<vmem>>) target_semaphore(%dma_start3A_1635 : memref<!tpu.dma_semaphore, #tpu.memory_space<semaphore_mem>>)
      %slice3A_1642 = vector.extract_strided_slice %get3A_1497 {offsets = [2], sizes = [1], strides = [1]} : vector<16xi32> to vector<1xi32>
      %squeeze3A_1643 = vector.extract %slice3A_1642[0] : i32 from vector<1xi32>
      %shift_right_logical3A_1644 = arith.constant 7 : i32
      %shift_right_logical3A_1645 = arith.shrui %squeeze3A_1643, %shift_right_logical3A_1644 : i32
      %mul3A_1646 = arith.constant 128 : i32
      %mul3A_1647 = arith.muli %shift_right_logical3A_1645, %mul3A_1646 : i32
      %multiple_of3A_1648 = tpu.assume_multiple %mul3A_1647, 128 : i32
      %dma_start3A_1649 = arith.constant 0 : i32
      %dma_start3A_1650 = arith.constant 2 : i32
      %dma_start3A_1651 = arith.constant 0 : i32
      %dma_start3A_1652 = arith.constant 0 : i32
      %dma_start3A_1653 = arith.constant 0 : i32
      %dma_start3A_1654 = tpu.memref_slice %arg11[%dma_start3A_1649, %dma_start3A_1650, %dma_start3A_1652, %dma_start3A_1653] : memref<2x4x32x128xf32, #tpu.memory_space<vmem>> -> memref<1x1x32x128xf32, #tpu.memory_space<vmem>>
      %dma_start3A_1655 = tpu.memref_squeeze %dma_start3A_1654 : memref<1x1x32x128xf32, #tpu.memory_space<vmem>> -> memref<32x128xf32, #tpu.memory_space<vmem>>
      %dma_start3A_1656 = arith.constant 0 : i32
      %dma_start3A_1657 = tpu.memref_slice %arg5[%dma_start3A_1656, %multiple_of3A_1648] : memref<32x1000000xf32, #tpu.memory_space<hbm>> -> memref<32x128xf32, #tpu.memory_space<hbm>>
      %dma_start3A_1658 = tpu.memref_slice %arg15[%dma_start3A_1651] : memref<2x!tpu.dma_semaphore, #tpu.memory_space<semaphore_mem>> -> memref<1x!tpu.dma_semaphore, #tpu.memory_space<semaphore_mem>>
      %dma_start3A_1659 = tpu.memref_squeeze %dma_start3A_1658 : memref<1x!tpu.dma_semaphore, #tpu.memory_space<semaphore_mem>> -> memref<!tpu.dma_semaphore, #tpu.memory_space<semaphore_mem>>
      %dma_start3A_1660 = arith.constant 0 : i32
      %dma_start3A_1661 = arith.constant 0 : i32
      %dma_start3A_1662 = tpu.memref_slice %arg11[%dma_start3A_1649, %dma_start3A_1650, %dma_start3A_1660, %dma_start3A_1661] : memref<2x4x32x128xf32, #tpu.memory_space<vmem>> -> memref<1x1x32x128xf32, #tpu.memory_space<vmem>>
      %dma_start3A_1663 = tpu.memref_squeeze %dma_start3A_1662 : memref<1x1x32x128xf32, #tpu.memory_space<vmem>> -> memref<32x128xf32, #tpu.memory_space<vmem>>
      %dma_start3A_1664 = arith.constant 0 : i32
      %dma_start3A_1665 = tpu.memref_slice %arg5[%dma_start3A_1664, %multiple_of3A_1648] : memref<32x1000000xf32, #tpu.memory_space<hbm>> -> memref<32x128xf32, #tpu.memory_space<hbm>>
      tpu.enqueue_dma source(%dma_start3A_1665 : memref<32x128xf32, #tpu.memory_space<hbm>>) target(%dma_start3A_1663 : memref<32x128xf32, #tpu.memory_space<vmem>>) target_semaphore(%dma_start3A_1659 : memref<!tpu.dma_semaphore, #tpu.memory_space<semaphore_mem>>)
      %slice3A_1666 = vector.extract_strided_slice %get3A_1497 {offsets = [3], sizes = [1], strides = [1]} : vector<16xi32> to vector<1xi32>
      %squeeze3A_1667 = vector.extract %slice3A_1666[0] : i32 from vector<1xi32>
      %shift_right_logical3A_1668 = arith.constant 7 : i32
      %shift_right_logical3A_1669 = arith.shrui %squeeze3A_1667, %shift_right_logical3A_1668 : i32
      %mul3A_1670 = arith.constant 128 : i32
      %mul3A_1671 = arith.muli %shift_right_logical3A_1669, %mul3A_1670 : i32
      %multiple_of3A_1672 = tpu.assume_multiple %mul3A_1671, 128 : i32
      %dma_start3A_1673 = arith.constant 0 : i32
      %dma_start3A_1674 = arith.constant 3 : i32
      %dma_start3A_1675 = arith.constant 0 : i32
      %dma_start3A_1676 = arith.constant 0 : i32
      %dma_start3A_1677 = arith.constant 0 : i32
      %dma_start3A_1678 = tpu.memref_slice %arg11[%dma_start3A_1673, %dma_start3A_1674, %dma_start3A_1676, %dma_start3A_1677] : memref<2x4x32x128xf32, #tpu.memory_space<vmem>> -> memref<1x1x32x128xf32, #tpu.memory_space<vmem>>
      %dma_start3A_1679 = tpu.memref_squeeze %dma_start3A_1678 : memref<1x1x32x128xf32, #tpu.memory_space<vmem>> -> memref<32x128xf32, #tpu.memory_space<vmem>>
      %dma_start3A_1680 = arith.constant 0 : i32
      %dma_start3A_1681 = tpu.memref_slice %arg5[%dma_start3A_1680, %multiple_of3A_1672] : memref<32x1000000xf32, #tpu.memory_space<hbm>> -> memref<32x128xf32, #tpu.memory_space<hbm>>
      %dma_start3A_1682 = tpu.memref_slice %arg15[%dma_start3A_1675] : memref<2x!tpu.dma_semaphore, #tpu.memory_space<semaphore_mem>> -> memref<1x!tpu.dma_semaphore, #tpu.memory_space<semaphore_mem>>
      %dma_start3A_1683 = tpu.memref_squeeze %dma_start3A_1682 : memref<1x!tpu.dma_semaphore, #tpu.memory_space<semaphore_mem>> -> memref<!tpu.dma_semaphore, #tpu.memory_space<semaphore_mem>>
      %dma_start3A_1684 = arith.constant 0 : i32
      %dma_start3A_1685 = arith.constant 0 : i32
      %dma_start3A_1686 = tpu.memref_slice %arg11[%dma_start3A_1673, %dma_start3A_1674, %dma_start3A_1684, %dma_start3A_1685] : memref<2x4x32x128xf32, #tpu.memory_space<vmem>> -> memref<1x1x32x128xf32, #tpu.memory_space<vmem>>
      %dma_start3A_1687 = tpu.memref_squeeze %dma_start3A_1686 : memref<1x1x32x128xf32, #tpu.memory_space<vmem>> -> memref<32x128xf32, #tpu.memory_space<vmem>>
      %dma_start3A_1688 = arith.constant 0 : i32
      %dma_start3A_1689 = tpu.memref_slice %arg5[%dma_start3A_1688, %multiple_of3A_1672] : memref<32x1000000xf32, #tpu.memory_space<hbm>> -> memref<32x128xf32, #tpu.memory_space<hbm>>
      tpu.enqueue_dma source(%dma_start3A_1689 : memref<32x128xf32, #tpu.memory_space<hbm>>) target(%dma_start3A_1687 : memref<32x128xf32, #tpu.memory_space<vmem>>) target_semaphore(%dma_start3A_1683 : memref<!tpu.dma_semaphore, #tpu.memory_space<semaphore_mem>>)
      %mul3A_1690 = arith.constant 2 : i32
      %mul3A_1691 = arith.muli %mul3A_1690, %scan3A_964 : i32
      %add3A_1692 = arith.constant 1 : i32
      %add3A_1693 = arith.addi %mul3A_1691, %add3A_1692 : i32
      %mul3A_1694 = arith.constant 4 : i32
      %mul3A_1695 = arith.muli %add3A_1693, %mul3A_1694 : i32
      %get3A_1696 = arith.index_cast %mul3A_1695 : i32 to index
      %get3A_1697 = tpu.vector_load %arg8[%get3A_1696] {strides = array<i32>} : memref<528xi32, #tpu.memory_space<vmem>>, vector<16xi32>,
      %mul3A_1698 = arith.constant 4 : i32
      %mul3A_1699 = arith.muli %add3A_1693, %mul3A_1698 : i32
      %get3A_1700 = arith.index_cast %mul3A_1699 : i32 to index
      %get3A_1701 = tpu.vector_load %arg9[%get3A_1700] {strides = array<i32>} : memref<528xi32, #tpu.memory_space<vmem>>, vector<16xi32>,
      %and3A_1702 = arith.constant 127 : i32
      %and3A_1703 = vector.broadcast %and3A_1702 : i32 to vector<16xi32>
      %and3A_1704 = arith.andi %get3A_1697, %and3A_1703 : vector<16xi32>
      %and3A_1705 = arith.constant 127 : i32
      %and3A_1706 = vector.broadcast %and3A_1705 : i32 to vector<16xi32>
      %and3A_1707 = arith.andi %get3A_1701, %and3A_1706 : vector<16xi32>
      %dma_wait3A_1708 = arith.constant 1 : i32
      %dma_wait3A_1709 = arith.constant 0 : i32
      %dma_wait3A_1710 = arith.constant 1 : i32
      %dma_wait3A_1711 = arith.constant 0 : i32
      %dma_wait3A_1712 = arith.constant 0 : i32
      %dma_wait3A_1713 = tpu.memref_slice %arg10[%dma_wait3A_1708, %dma_wait3A_1709, %dma_wait3A_1711, %dma_wait3A_1712] : memref<2x4x32x128xf32, #tpu.memory_space<vmem>> -> memref<1x1x32x128xf32, #tpu.memory_space<vmem>>
      %dma_wait3A_1714 = tpu.memref_squeeze %dma_wait3A_1713 : memref<1x1x32x128xf32, #tpu.memory_space<vmem>> -> memref<32x128xf32, #tpu.memory_space<vmem>>
      %dma_wait3A_1715 = arith.constant 0 : i32
      %dma_wait3A_1716 = arith.constant 0 : i32
      %dma_wait3A_1717 = tpu.memref_slice %arg4[%dma_wait3A_1715, %dma_wait3A_1716] : memref<32x1000000xf32, #tpu.memory_space<hbm>> -> memref<32x128xf32, #tpu.memory_space<hbm>>
      %dma_wait3A_1718 = tpu.memref_slice %arg14[%dma_wait3A_1710] : memref<2x!tpu.dma_semaphore, #tpu.memory_space<semaphore_mem>> -> memref<1x!tpu.dma_semaphore, #tpu.memory_space<semaphore_mem>>
      %dma_wait3A_1719 = tpu.memref_squeeze %dma_wait3A_1718 : memref<1x!tpu.dma_semaphore, #tpu.memory_space<semaphore_mem>> -> memref<!tpu.dma_semaphore, #tpu.memory_space<semaphore_mem>>
      %dma_wait3A_1720 = arith.constant 0 : i32
      %dma_wait3A_1721 = arith.constant 0 : i32
      %dma_wait3A_1722 = tpu.memref_slice %arg10[%dma_wait3A_1708, %dma_wait3A_1709, %dma_wait3A_1720, %dma_wait3A_1721] : memref<2x4x32x128xf32, #tpu.memory_space<vmem>> -> memref<1x1x32x128xf32, #tpu.memory_space<vmem>>
      %dma_wait3A_1723 = tpu.memref_squeeze %dma_wait3A_1722 : memref<1x1x32x128xf32, #tpu.memory_space<vmem>> -> memref<32x128xf32, #tpu.memory_space<vmem>>
      %dma_wait3A_1724 = arith.constant 0 : i32
      %dma_wait3A_1725 = arith.constant 0 : i32
      %dma_wait3A_1726 = tpu.memref_slice %arg4[%dma_wait3A_1724, %dma_wait3A_1725] : memref<32x1000000xf32, #tpu.memory_space<hbm>> -> memref<32x128xf32, #tpu.memory_space<hbm>>
      tpu.wait_dma2 semaphore(%dma_wait3A_1719 : memref<!tpu.dma_semaphore, #tpu.memory_space<semaphore_mem>>) src(%dma_wait3A_1726 : memref<32x128xf32, #tpu.memory_space<hbm>>) dst(%dma_wait3A_1723 : memref<32x128xf32, #tpu.memory_space<vmem>>)
      %dma_wait3A_1727 = arith.constant 1 : i32
      %dma_wait3A_1728 = arith.constant 1 : i32
      %dma_wait3A_1729 = arith.constant 1 : i32
      %dma_wait3A_1730 = arith.constant 0 : i32
      %dma_wait3A_1731 = arith.constant 0 : i32
      %dma_wait3A_1732 = tpu.memref_slice %arg10[%dma_wait3A_1727, %dma_wait3A_1728, %dma_wait3A_1730, %dma_wait3A_1731] : memref<2x4x32x128xf32, #tpu.memory_space<vmem>> -> memref<1x1x32x128xf32, #tpu.memory_space<vmem>>
      %dma_wait3A_1733 = tpu.memref_squeeze %dma_wait3A_1732 : memref<1x1x32x128xf32, #tpu.memory_space<vmem>> -> memref<32x128xf32, #tpu.memory_space<vmem>>
      %dma_wait3A_1734 = arith.constant 0 : i32
      %dma_wait3A_1735 = arith.constant 0 : i32
      %dma_wait3A_1736 = tpu.memref_slice %arg4[%dma_wait3A_1734, %dma_wait3A_1735] : memref<32x1000000xf32, #tpu.memory_space<hbm>> -> memref<32x128xf32, #tpu.memory_space<hbm>>
      %dma_wait3A_1737 = tpu.memref_slice %arg14[%dma_wait3A_1729] : memref<2x!tpu.dma_semaphore, #tpu.memory_space<semaphore_mem>> -> memref<1x!tpu.dma_semaphore, #tpu.memory_space<semaphore_mem>>
      %dma_wait3A_1738 = tpu.memref_squeeze %dma_wait3A_1737 : memref<1x!tpu.dma_semaphore, #tpu.memory_space<semaphore_mem>> -> memref<!tpu.dma_semaphore, #tpu.memory_space<semaphore_mem>>
      %dma_wait3A_1739 = arith.constant 0 : i32
      %dma_wait3A_1740 = arith.constant 0 : i32
      %dma_wait3A_1741 = tpu.memref_slice %arg10[%dma_wait3A_1727, %dma_wait3A_1728, %dma_wait3A_1739, %dma_wait3A_1740] : memref<2x4x32x128xf32, #tpu.memory_space<vmem>> -> memref<1x1x32x128xf32, #tpu.memory_space<vmem>>
      %dma_wait3A_1742 = tpu.memref_squeeze %dma_wait3A_1741 : memref<1x1x32x128xf32, #tpu.memory_space<vmem>> -> memref<32x128xf32, #tpu.memory_space<vmem>>
      %dma_wait3A_1743 = arith.constant 0 : i32
      %dma_wait3A_1744 = arith.constant 0 : i32
      %dma_wait3A_1745 = tpu.memref_slice %arg4[%dma_wait3A_1743, %dma_wait3A_1744] : memref<32x1000000xf32, #tpu.memory_space<hbm>> -> memref<32x128xf32, #tpu.memory_space<hbm>>
      tpu.wait_dma2 semaphore(%dma_wait3A_1738 : memref<!tpu.dma_semaphore, #tpu.memory_space<semaphore_mem>>) src(%dma_wait3A_1745 : memref<32x128xf32, #tpu.memory_space<hbm>>) dst(%dma_wait3A_1742 : memref<32x128xf32, #tpu.memory_space<vmem>>)
      %dma_wait3A_1746 = arith.constant 1 : i32
      %dma_wait3A_1747 = arith.constant 2 : i32
      %dma_wait3A_1748 = arith.constant 1 : i32
      %dma_wait3A_1749 = arith.constant 0 : i32
      %dma_wait3A_1750 = arith.constant 0 : i32
      %dma_wait3A_1751 = tpu.memref_slice %arg10[%dma_wait3A_1746, %dma_wait3A_1747, %dma_wait3A_1749, %dma_wait3A_1750] : memref<2x4x32x128xf32, #tpu.memory_space<vmem>> -> memref<1x1x32x128xf32, #tpu.memory_space<vmem>>
      %dma_wait3A_1752 = tpu.memref_squeeze %dma_wait3A_1751 : memref<1x1x32x128xf32, #tpu.memory_space<vmem>> -> memref<32x128xf32, #tpu.memory_space<vmem>>
      %dma_wait3A_1753 = arith.constant 0 : i32
      %dma_wait3A_1754 = arith.constant 0 : i32
      %dma_wait3A_1755 = tpu.memref_slice %arg4[%dma_wait3A_1753, %dma_wait3A_1754] : memref<32x1000000xf32, #tpu.memory_space<hbm>> -> memref<32x128xf32, #tpu.memory_space<hbm>>
      %dma_wait3A_1756 = tpu.memref_slice %arg14[%dma_wait3A_1748] : memref<2x!tpu.dma_semaphore, #tpu.memory_space<semaphore_mem>> -> memref<1x!tpu.dma_semaphore, #tpu.memory_space<semaphore_mem>>
      %dma_wait3A_1757 = tpu.memref_squeeze %dma_wait3A_1756 : memref<1x!tpu.dma_semaphore, #tpu.memory_space<semaphore_mem>> -> memref<!tpu.dma_semaphore, #tpu.memory_space<semaphore_mem>>
      %dma_wait3A_1758 = arith.constant 0 : i32
      %dma_wait3A_1759 = arith.constant 0 : i32
      %dma_wait3A_1760 = tpu.memref_slice %arg10[%dma_wait3A_1746, %dma_wait3A_1747, %dma_wait3A_1758, %dma_wait3A_1759] : memref<2x4x32x128xf32, #tpu.memory_space<vmem>> -> memref<1x1x32x128xf32, #tpu.memory_space<vmem>>
      %dma_wait3A_1761 = tpu.memref_squeeze %dma_wait3A_1760 : memref<1x1x32x128xf32, #tpu.memory_space<vmem>> -> memref<32x128xf32, #tpu.memory_space<vmem>>
      %dma_wait3A_1762 = arith.constant 0 : i32
      %dma_wait3A_1763 = arith.constant 0 : i32
      %dma_wait3A_1764 = tpu.memref_slice %arg4[%dma_wait3A_1762, %dma_wait3A_1763] : memref<32x1000000xf32, #tpu.memory_space<hbm>> -> memref<32x128xf32, #tpu.memory_space<hbm>>
      tpu.wait_dma2 semaphore(%dma_wait3A_1757 : memref<!tpu.dma_semaphore, #tpu.memory_space<semaphore_mem>>) src(%dma_wait3A_1764 : memref<32x128xf32, #tpu.memory_space<hbm>>) dst(%dma_wait3A_1761 : memref<32x128xf32, #tpu.memory_space<vmem>>)
      %dma_wait3A_1765 = arith.constant 1 : i32
      %dma_wait3A_1766 = arith.constant 3 : i32
      %dma_wait3A_1767 = arith.constant 1 : i32
      %dma_wait3A_1768 = arith.constant 0 : i32
      %dma_wait3A_1769 = arith.constant 0 : i32
      %dma_wait3A_1770 = tpu.memref_slice %arg10[%dma_wait3A_1765, %dma_wait3A_1766, %dma_wait3A_1768, %dma_wait3A_1769] : memref<2x4x32x128xf32, #tpu.memory_space<vmem>> -> memref<1x1x32x128xf32, #tpu.memory_space<vmem>>
      %dma_wait3A_1771 = tpu.memref_squeeze %dma_wait3A_1770 : memref<1x1x32x128xf32, #tpu.memory_space<vmem>> -> memref<32x128xf32, #tpu.memory_space<vmem>>
      %dma_wait3A_1772 = arith.constant 0 : i32
      %dma_wait3A_1773 = arith.constant 0 : i32
      %dma_wait3A_1774 = tpu.memref_slice %arg4[%dma_wait3A_1772, %dma_wait3A_1773] : memref<32x1000000xf32, #tpu.memory_space<hbm>> -> memref<32x128xf32, #tpu.memory_space<hbm>>
      %dma_wait3A_1775 = tpu.memref_slice %arg14[%dma_wait3A_1767] : memref<2x!tpu.dma_semaphore, #tpu.memory_space<semaphore_mem>> -> memref<1x!tpu.dma_semaphore, #tpu.memory_space<semaphore_mem>>
      %dma_wait3A_1776 = tpu.memref_squeeze %dma_wait3A_1775 : memref<1x!tpu.dma_semaphore, #tpu.memory_space<semaphore_mem>> -> memref<!tpu.dma_semaphore, #tpu.memory_space<semaphore_mem>>
      %dma_wait3A_1777 = arith.constant 0 : i32
      %dma_wait3A_1778 = arith.constant 0 : i32
      %dma_wait3A_1779 = tpu.memref_slice %arg10[%dma_wait3A_1765, %dma_wait3A_1766, %dma_wait3A_1777, %dma_wait3A_1778] : memref<2x4x32x128xf32, #tpu.memory_space<vmem>> -> memref<1x1x32x128xf32, #tpu.memory_space<vmem>>
      %dma_wait3A_1780 = tpu.memref_squeeze %dma_wait3A_1779 : memref<1x1x32x128xf32, #tpu.memory_space<vmem>> -> memref<32x128xf32, #tpu.memory_space<vmem>>
      %dma_wait3A_1781 = arith.constant 0 : i32
      %dma_wait3A_1782 = arith.constant 0 : i32
      %dma_wait3A_1783 = tpu.memref_slice %arg4[%dma_wait3A_1781, %dma_wait3A_1782] : memref<32x1000000xf32, #tpu.memory_space<hbm>> -> memref<32x128xf32, #tpu.memory_space<hbm>>
      tpu.wait_dma2 semaphore(%dma_wait3A_1776 : memref<!tpu.dma_semaphore, #tpu.memory_space<semaphore_mem>>) src(%dma_wait3A_1783 : memref<32x128xf32, #tpu.memory_space<hbm>>) dst(%dma_wait3A_1780 : memref<32x128xf32, #tpu.memory_space<vmem>>)
      %broadcast_in_dim3A_1784 = arith.constant 1 : i32
      %broadcast_in_dim3A_1785 = vector.broadcast %broadcast_in_dim3A_1784 : i32 to vector<16xi32>
      %mul3A_1786 = arith.constant 4 : i32
      %mul3A_1787 = arith.muli %add3A_1693, %mul3A_1786 : i32
      %add3A_1788 = arith.constant 0 : i32
      %add3A_1789 = arith.addi %mul3A_1787, %add3A_1788 : i32
      %broadcast_in_dim3A_1790 = vector.broadcast %add3A_1789 : i32 to vector<16xi32>
      %slice3A_1791 = vector.extract_strided_slice %and3A_1704 {offsets = [0], sizes = [1], strides = [1]} : vector<16xi32> to vector<1xi32>
      %squeeze3A_1792 = vector.extract %slice3A_1791[0] : i32 from vector<1xi32>
      %broadcast_in_dim3A_1793 = vector.broadcast %squeeze3A_1792 : i32 to vector<16xi32>
      %broadcast_in_dim3A_1794 = arith.constant 0 : i32
      %broadcast_in_dim3A_1795 = vector.broadcast %broadcast_in_dim3A_1794 : i32 to vector<16xi32>
      %gather3A_1796 = tpu.vector_load_idx %arg10[%broadcast_in_dim3A_1785, %broadcast_in_dim3A_1795, %iota3A, %broadcast_in_dim3A_1793] : memref<2x4x32x128xf32, #tpu.memory_space<vmem>>[vector<16xi32>, vector<16xi32>, vector<16xi32>, vector<16xi32>], vector<16xf32>,
      %add3A_1797 = arith.constant 16 : i32
      %add3A_1798 = vector.broadcast %add3A_1797 : i32 to vector<16xi32>
      %add3A_1799 = arith.addi %iota3A, %add3A_1798 : vector<16xi32>
      %gather3A_1800 = tpu.vector_load_idx %arg10[%broadcast_in_dim3A_1785, %broadcast_in_dim3A_1795, %add3A_1799, %broadcast_in_dim3A_1793] : memref<2x4x32x128xf32, #tpu.memory_space<vmem>>[vector<16xi32>, vector<16xi32>, vector<16xi32>, vector<16xi32>], vector<16xf32>,
      tpu.vector_store_idx %arg12[%iota3A, %broadcast_in_dim3A_1790], %gather3A_1796 : memref<32x512xf32, #tpu.memory_space<vmem>>[vector<16xi32>, vector<16xi32>], vector<16xf32>,
      %add3A_1801 = arith.constant 16 : i32
      %add3A_1802 = vector.broadcast %add3A_1801 : i32 to vector<16xi32>
      %add3A_1803 = arith.addi %iota3A, %add3A_1802 : vector<16xi32>
      tpu.vector_store_idx %arg12[%add3A_1803, %broadcast_in_dim3A_1790], %gather3A_1800 : memref<32x512xf32, #tpu.memory_space<vmem>>[vector<16xi32>, vector<16xi32>], vector<16xf32>,
      %mul3A_1804 = arith.constant 4 : i32
      %mul3A_1805 = arith.muli %add3A_1693, %mul3A_1804 : i32
      %add3A_1806 = arith.constant 1 : i32
      %add3A_1807 = arith.addi %mul3A_1805, %add3A_1806 : i32
      %broadcast_in_dim3A_1808 = vector.broadcast %add3A_1807 : i32 to vector<16xi32>
      %slice3A_1809 = vector.extract_strided_slice %and3A_1704 {offsets = [1], sizes = [1], strides = [1]} : vector<16xi32> to vector<1xi32>
      %squeeze3A_1810 = vector.extract %slice3A_1809[0] : i32 from vector<1xi32>
      %broadcast_in_dim3A_1811 = vector.broadcast %squeeze3A_1810 : i32 to vector<16xi32>
      %broadcast_in_dim3A_1812 = arith.constant 1 : i32
      %broadcast_in_dim3A_1813 = vector.broadcast %broadcast_in_dim3A_1812 : i32 to vector<16xi32>
      %gather3A_1814 = tpu.vector_load_idx %arg10[%broadcast_in_dim3A_1785, %broadcast_in_dim3A_1813, %iota3A, %broadcast_in_dim3A_1811] : memref<2x4x32x128xf32, #tpu.memory_space<vmem>>[vector<16xi32>, vector<16xi32>, vector<16xi32>, vector<16xi32>], vector<16xf32>,
      %add3A_1815 = arith.constant 16 : i32
      %add3A_1816 = vector.broadcast %add3A_1815 : i32 to vector<16xi32>
      %add3A_1817 = arith.addi %iota3A, %add3A_1816 : vector<16xi32>
      %gather3A_1818 = tpu.vector_load_idx %arg10[%broadcast_in_dim3A_1785, %broadcast_in_dim3A_1813, %add3A_1817, %broadcast_in_dim3A_1811] : memref<2x4x32x128xf32, #tpu.memory_space<vmem>>[vector<16xi32>, vector<16xi32>, vector<16xi32>, vector<16xi32>], vector<16xf32>,
      tpu.vector_store_idx %arg12[%iota3A, %broadcast_in_dim3A_1808], %gather3A_1814 : memref<32x512xf32, #tpu.memory_space<vmem>>[vector<16xi32>, vector<16xi32>], vector<16xf32>,
      %add3A_1819 = arith.constant 16 : i32
      %add3A_1820 = vector.broadcast %add3A_1819 : i32 to vector<16xi32>
      %add3A_1821 = arith.addi %iota3A, %add3A_1820 : vector<16xi32>
      tpu.vector_store_idx %arg12[%add3A_1821, %broadcast_in_dim3A_1808], %gather3A_1818 : memref<32x512xf32, #tpu.memory_space<vmem>>[vector<16xi32>, vector<16xi32>], vector<16xf32>,
      %mul3A_1822 = arith.constant 4 : i32
      %mul3A_1823 = arith.muli %add3A_1693, %mul3A_1822 : i32
      %add3A_1824 = arith.constant 2 : i32
      %add3A_1825 = arith.addi %mul3A_1823, %add3A_1824 : i32
      %broadcast_in_dim3A_1826 = vector.broadcast %add3A_1825 : i32 to vector<16xi32>
      %slice3A_1827 = vector.extract_strided_slice %and3A_1704 {offsets = [2], sizes = [1], strides = [1]} : vector<16xi32> to vector<1xi32>
      %squeeze3A_1828 = vector.extract %slice3A_1827[0] : i32 from vector<1xi32>
      %broadcast_in_dim3A_1829 = vector.broadcast %squeeze3A_1828 : i32 to vector<16xi32>
      %broadcast_in_dim3A_1830 = arith.constant 2 : i32
      %broadcast_in_dim3A_1831 = vector.broadcast %broadcast_in_dim3A_1830 : i32 to vector<16xi32>
      %gather3A_1832 = tpu.vector_load_idx %arg10[%broadcast_in_dim3A_1785, %broadcast_in_dim3A_1831, %iota3A, %broadcast_in_dim3A_1829] : memref<2x4x32x128xf32, #tpu.memory_space<vmem>>[vector<16xi32>, vector<16xi32>, vector<16xi32>, vector<16xi32>], vector<16xf32>,
      %add3A_1833 = arith.constant 16 : i32
      %add3A_1834 = vector.broadcast %add3A_1833 : i32 to vector<16xi32>
      %add3A_1835 = arith.addi %iota3A, %add3A_1834 : vector<16xi32>
      %gather3A_1836 = tpu.vector_load_idx %arg10[%broadcast_in_dim3A_1785, %broadcast_in_dim3A_1831, %add3A_1835, %broadcast_in_dim3A_1829] : memref<2x4x32x128xf32, #tpu.memory_space<vmem>>[vector<16xi32>, vector<16xi32>, vector<16xi32>, vector<16xi32>], vector<16xf32>,
      tpu.vector_store_idx %arg12[%iota3A, %broadcast_in_dim3A_1826], %gather3A_1832 : memref<32x512xf32, #tpu.memory_space<vmem>>[vector<16xi32>, vector<16xi32>], vector<16xf32>,
      %add3A_1837 = arith.constant 16 : i32
      %add3A_1838 = vector.broadcast %add3A_1837 : i32 to vector<16xi32>
      %add3A_1839 = arith.addi %iota3A, %add3A_1838 : vector<16xi32>
      tpu.vector_store_idx %arg12[%add3A_1839, %broadcast_in_dim3A_1826], %gather3A_1836 : memref<32x512xf32, #tpu.memory_space<vmem>>[vector<16xi32>, vector<16xi32>], vector<16xf32>,
      %mul3A_1840 = arith.constant 4 : i32
      %mul3A_1841 = arith.muli %add3A_1693, %mul3A_1840 : i32
      %add3A_1842 = arith.constant 3 : i32
      %add3A_1843 = arith.addi %mul3A_1841, %add3A_1842 : i32
      %broadcast_in_dim3A_1844 = vector.broadcast %add3A_1843 : i32 to vector<16xi32>
      %slice3A_1845 = vector.extract_strided_slice %and3A_1704 {offsets = [3], sizes = [1], strides = [1]} : vector<16xi32> to vector<1xi32>
      %squeeze3A_1846 = vector.extract %slice3A_1845[0] : i32 from vector<1xi32>
      %broadcast_in_dim3A_1847 = vector.broadcast %squeeze3A_1846 : i32 to vector<16xi32>
      %broadcast_in_dim3A_1848 = arith.constant 3 : i32
      %broadcast_in_dim3A_1849 = vector.broadcast %broadcast_in_dim3A_1848 : i32 to vector<16xi32>
      %gather3A_1850 = tpu.vector_load_idx %arg10[%broadcast_in_dim3A_1785, %broadcast_in_dim3A_1849, %iota3A, %broadcast_in_dim3A_1847] : memref<2x4x32x128xf32, #tpu.memory_space<vmem>>[vector<16xi32>, vector<16xi32>, vector<16xi32>, vector<16xi32>], vector<16xf32>,
      %add3A_1851 = arith.constant 16 : i32
      %add3A_1852 = vector.broadcast %add3A_1851 : i32 to vector<16xi32>
      %add3A_1853 = arith.addi %iota3A, %add3A_1852 : vector<16xi32>
      %gather3A_1854 = tpu.vector_load_idx %arg10[%broadcast_in_dim3A_1785, %broadcast_in_dim3A_1849, %add3A_1853, %broadcast_in_dim3A_1847] : memref<2x4x32x128xf32, #tpu.memory_space<vmem>>[vector<16xi32>, vector<16xi32>, vector<16xi32>, vector<16xi32>], vector<16xf32>,
      tpu.vector_store_idx %arg12[%iota3A, %broadcast_in_dim3A_1844], %gather3A_1850 : memref<32x512xf32, #tpu.memory_space<vmem>>[vector<16xi32>, vector<16xi32>], vector<16xf32>,
      %add3A_1855 = arith.constant 16 : i32
      %add3A_1856 = vector.broadcast %add3A_1855 : i32 to vector<16xi32>
      %add3A_1857 = arith.addi %iota3A, %add3A_1856 : vector<16xi32>
      tpu.vector_store_idx %arg12[%add3A_1857, %broadcast_in_dim3A_1844], %gather3A_1854 : memref<32x512xf32, #tpu.memory_space<vmem>>[vector<16xi32>, vector<16xi32>], vector<16xf32>,
      %dma_wait3A_1858 = arith.constant 1 : i32
      %dma_wait3A_1859 = arith.constant 0 : i32
      %dma_wait3A_1860 = arith.constant 1 : i32
      %dma_wait3A_1861 = arith.constant 0 : i32
      %dma_wait3A_1862 = arith.constant 0 : i32
      %dma_wait3A_1863 = tpu.memref_slice %arg11[%dma_wait3A_1858, %dma_wait3A_1859, %dma_wait3A_1861, %dma_wait3A_1862] : memref<2x4x32x128xf32, #tpu.memory_space<vmem>> -> memref<1x1x32x128xf32, #tpu.memory_space<vmem>>
      %dma_wait3A_1864 = tpu.memref_squeeze %dma_wait3A_1863 : memref<1x1x32x128xf32, #tpu.memory_space<vmem>> -> memref<32x128xf32, #tpu.memory_space<vmem>>
      %dma_wait3A_1865 = arith.constant 0 : i32
      %dma_wait3A_1866 = arith.constant 0 : i32
      %dma_wait3A_1867 = tpu.memref_slice %arg5[%dma_wait3A_1865, %dma_wait3A_1866] : memref<32x1000000xf32, #tpu.memory_space<hbm>> -> memref<32x128xf32, #tpu.memory_space<hbm>>
      %dma_wait3A_1868 = tpu.memref_slice %arg15[%dma_wait3A_1860] : memref<2x!tpu.dma_semaphore, #tpu.memory_space<semaphore_mem>> -> memref<1x!tpu.dma_semaphore, #tpu.memory_space<semaphore_mem>>
      %dma_wait3A_1869 = tpu.memref_squeeze %dma_wait3A_1868 : memref<1x!tpu.dma_semaphore, #tpu.memory_space<semaphore_mem>> -> memref<!tpu.dma_semaphore, #tpu.memory_space<semaphore_mem>>
      %dma_wait3A_1870 = arith.constant 0 : i32
      %dma_wait3A_1871 = arith.constant 0 : i32
      %dma_wait3A_1872 = tpu.memref_slice %arg11[%dma_wait3A_1858, %dma_wait3A_1859, %dma_wait3A_1870, %dma_wait3A_1871] : memref<2x4x32x128xf32, #tpu.memory_space<vmem>> -> memref<1x1x32x128xf32, #tpu.memory_space<vmem>>
      %dma_wait3A_1873 = tpu.memref_squeeze %dma_wait3A_1872 : memref<1x1x32x128xf32, #tpu.memory_space<vmem>> -> memref<32x128xf32, #tpu.memory_space<vmem>>
      %dma_wait3A_1874 = arith.constant 0 : i32
      %dma_wait3A_1875 = arith.constant 0 : i32
      %dma_wait3A_1876 = tpu.memref_slice %arg5[%dma_wait3A_1874, %dma_wait3A_1875] : memref<32x1000000xf32, #tpu.memory_space<hbm>> -> memref<32x128xf32, #tpu.memory_space<hbm>>
      tpu.wait_dma2 semaphore(%dma_wait3A_1869 : memref<!tpu.dma_semaphore, #tpu.memory_space<semaphore_mem>>) src(%dma_wait3A_1876 : memref<32x128xf32, #tpu.memory_space<hbm>>) dst(%dma_wait3A_1873 : memref<32x128xf32, #tpu.memory_space<vmem>>)
      %dma_wait3A_1877 = arith.constant 1 : i32
      %dma_wait3A_1878 = arith.constant 1 : i32
      %dma_wait3A_1879 = arith.constant 1 : i32
      %dma_wait3A_1880 = arith.constant 0 : i32
      %dma_wait3A_1881 = arith.constant 0 : i32
      %dma_wait3A_1882 = tpu.memref_slice %arg11[%dma_wait3A_1877, %dma_wait3A_1878, %dma_wait3A_1880, %dma_wait3A_1881] : memref<2x4x32x128xf32, #tpu.memory_space<vmem>> -> memref<1x1x32x128xf32, #tpu.memory_space<vmem>>
      %dma_wait3A_1883 = tpu.memref_squeeze %dma_wait3A_1882 : memref<1x1x32x128xf32, #tpu.memory_space<vmem>> -> memref<32x128xf32, #tpu.memory_space<vmem>>
      %dma_wait3A_1884 = arith.constant 0 : i32
      %dma_wait3A_1885 = arith.constant 0 : i32
      %dma_wait3A_1886 = tpu.memref_slice %arg5[%dma_wait3A_1884, %dma_wait3A_1885] : memref<32x1000000xf32, #tpu.memory_space<hbm>> -> memref<32x128xf32, #tpu.memory_space<hbm>>
      %dma_wait3A_1887 = tpu.memref_slice %arg15[%dma_wait3A_1879] : memref<2x!tpu.dma_semaphore, #tpu.memory_space<semaphore_mem>> -> memref<1x!tpu.dma_semaphore, #tpu.memory_space<semaphore_mem>>
      %dma_wait3A_1888 = tpu.memref_squeeze %dma_wait3A_1887 : memref<1x!tpu.dma_semaphore, #tpu.memory_space<semaphore_mem>> -> memref<!tpu.dma_semaphore, #tpu.memory_space<semaphore_mem>>
      %dma_wait3A_1889 = arith.constant 0 : i32
      %dma_wait3A_1890 = arith.constant 0 : i32
      %dma_wait3A_1891 = tpu.memref_slice %arg11[%dma_wait3A_1877, %dma_wait3A_1878, %dma_wait3A_1889, %dma_wait3A_1890] : memref<2x4x32x128xf32, #tpu.memory_space<vmem>> -> memref<1x1x32x128xf32, #tpu.memory_space<vmem>>
      %dma_wait3A_1892 = tpu.memref_squeeze %dma_wait3A_1891 : memref<1x1x32x128xf32, #tpu.memory_space<vmem>> -> memref<32x128xf32, #tpu.memory_space<vmem>>
      %dma_wait3A_1893 = arith.constant 0 : i32
      %dma_wait3A_1894 = arith.constant 0 : i32
      %dma_wait3A_1895 = tpu.memref_slice %arg5[%dma_wait3A_1893, %dma_wait3A_1894] : memref<32x1000000xf32, #tpu.memory_space<hbm>> -> memref<32x128xf32, #tpu.memory_space<hbm>>
      tpu.wait_dma2 semaphore(%dma_wait3A_1888 : memref<!tpu.dma_semaphore, #tpu.memory_space<semaphore_mem>>) src(%dma_wait3A_1895 : memref<32x128xf32, #tpu.memory_space<hbm>>) dst(%dma_wait3A_1892 : memref<32x128xf32, #tpu.memory_space<vmem>>)
      %dma_wait3A_1896 = arith.constant 1 : i32
      %dma_wait3A_1897 = arith.constant 2 : i32
      %dma_wait3A_1898 = arith.constant 1 : i32
      %dma_wait3A_1899 = arith.constant 0 : i32
      %dma_wait3A_1900 = arith.constant 0 : i32
      %dma_wait3A_1901 = tpu.memref_slice %arg11[%dma_wait3A_1896, %dma_wait3A_1897, %dma_wait3A_1899, %dma_wait3A_1900] : memref<2x4x32x128xf32, #tpu.memory_space<vmem>> -> memref<1x1x32x128xf32, #tpu.memory_space<vmem>>
      %dma_wait3A_1902 = tpu.memref_squeeze %dma_wait3A_1901 : memref<1x1x32x128xf32, #tpu.memory_space<vmem>> -> memref<32x128xf32, #tpu.memory_space<vmem>>
      %dma_wait3A_1903 = arith.constant 0 : i32
      %dma_wait3A_1904 = arith.constant 0 : i32
      %dma_wait3A_1905 = tpu.memref_slice %arg5[%dma_wait3A_1903, %dma_wait3A_1904] : memref<32x1000000xf32, #tpu.memory_space<hbm>> -> memref<32x128xf32, #tpu.memory_space<hbm>>
      %dma_wait3A_1906 = tpu.memref_slice %arg15[%dma_wait3A_1898] : memref<2x!tpu.dma_semaphore, #tpu.memory_space<semaphore_mem>> -> memref<1x!tpu.dma_semaphore, #tpu.memory_space<semaphore_mem>>
      %dma_wait3A_1907 = tpu.memref_squeeze %dma_wait3A_1906 : memref<1x!tpu.dma_semaphore, #tpu.memory_space<semaphore_mem>> -> memref<!tpu.dma_semaphore, #tpu.memory_space<semaphore_mem>>
      %dma_wait3A_1908 = arith.constant 0 : i32
      %dma_wait3A_1909 = arith.constant 0 : i32
      %dma_wait3A_1910 = tpu.memref_slice %arg11[%dma_wait3A_1896, %dma_wait3A_1897, %dma_wait3A_1908, %dma_wait3A_1909] : memref<2x4x32x128xf32, #tpu.memory_space<vmem>> -> memref<1x1x32x128xf32, #tpu.memory_space<vmem>>
      %dma_wait3A_1911 = tpu.memref_squeeze %dma_wait3A_1910 : memref<1x1x32x128xf32, #tpu.memory_space<vmem>> -> memref<32x128xf32, #tpu.memory_space<vmem>>
      %dma_wait3A_1912 = arith.constant 0 : i32
      %dma_wait3A_1913 = arith.constant 0 : i32
      %dma_wait3A_1914 = tpu.memref_slice %arg5[%dma_wait3A_1912, %dma_wait3A_1913] : memref<32x1000000xf32, #tpu.memory_space<hbm>> -> memref<32x128xf32, #tpu.memory_space<hbm>>
      tpu.wait_dma2 semaphore(%dma_wait3A_1907 : memref<!tpu.dma_semaphore, #tpu.memory_space<semaphore_mem>>) src(%dma_wait3A_1914 : memref<32x128xf32, #tpu.memory_space<hbm>>) dst(%dma_wait3A_1911 : memref<32x128xf32, #tpu.memory_space<vmem>>)
      %dma_wait3A_1915 = arith.constant 1 : i32
      %dma_wait3A_1916 = arith.constant 3 : i32
      %dma_wait3A_1917 = arith.constant 1 : i32
      %dma_wait3A_1918 = arith.constant 0 : i32
      %dma_wait3A_1919 = arith.constant 0 : i32
      %dma_wait3A_1920 = tpu.memref_slice %arg11[%dma_wait3A_1915, %dma_wait3A_1916, %dma_wait3A_1918, %dma_wait3A_1919] : memref<2x4x32x128xf32, #tpu.memory_space<vmem>> -> memref<1x1x32x128xf32, #tpu.memory_space<vmem>>
      %dma_wait3A_1921 = tpu.memref_squeeze %dma_wait3A_1920 : memref<1x1x32x128xf32, #tpu.memory_space<vmem>> -> memref<32x128xf32, #tpu.memory_space<vmem>>
      %dma_wait3A_1922 = arith.constant 0 : i32
      %dma_wait3A_1923 = arith.constant 0 : i32
      %dma_wait3A_1924 = tpu.memref_slice %arg5[%dma_wait3A_1922, %dma_wait3A_1923] : memref<32x1000000xf32, #tpu.memory_space<hbm>> -> memref<32x128xf32, #tpu.memory_space<hbm>>
      %dma_wait3A_1925 = tpu.memref_slice %arg15[%dma_wait3A_1917] : memref<2x!tpu.dma_semaphore, #tpu.memory_space<semaphore_mem>> -> memref<1x!tpu.dma_semaphore, #tpu.memory_space<semaphore_mem>>
      %dma_wait3A_1926 = tpu.memref_squeeze %dma_wait3A_1925 : memref<1x!tpu.dma_semaphore, #tpu.memory_space<semaphore_mem>> -> memref<!tpu.dma_semaphore, #tpu.memory_space<semaphore_mem>>
      %dma_wait3A_1927 = arith.constant 0 : i32
      %dma_wait3A_1928 = arith.constant 0 : i32
      %dma_wait3A_1929 = tpu.memref_slice %arg11[%dma_wait3A_1915, %dma_wait3A_1916, %dma_wait3A_1927, %dma_wait3A_1928] : memref<2x4x32x128xf32, #tpu.memory_space<vmem>> -> memref<1x1x32x128xf32, #tpu.memory_space<vmem>>
      %dma_wait3A_1930 = tpu.memref_squeeze %dma_wait3A_1929 : memref<1x1x32x128xf32, #tpu.memory_space<vmem>> -> memref<32x128xf32, #tpu.memory_space<vmem>>
      %dma_wait3A_1931 = arith.constant 0 : i32
      %dma_wait3A_1932 = arith.constant 0 : i32
      %dma_wait3A_1933 = tpu.memref_slice %arg5[%dma_wait3A_1931, %dma_wait3A_1932] : memref<32x1000000xf32, #tpu.memory_space<hbm>> -> memref<32x128xf32, #tpu.memory_space<hbm>>
      tpu.wait_dma2 semaphore(%dma_wait3A_1926 : memref<!tpu.dma_semaphore, #tpu.memory_space<semaphore_mem>>) src(%dma_wait3A_1933 : memref<32x128xf32, #tpu.memory_space<hbm>>) dst(%dma_wait3A_1930 : memref<32x128xf32, #tpu.memory_space<vmem>>)
      %broadcast_in_dim3A_1934 = arith.constant 1 : i32
      %broadcast_in_dim3A_1935 = vector.broadcast %broadcast_in_dim3A_1934 : i32 to vector<16xi32>
      %mul3A_1936 = arith.constant 4 : i32
      %mul3A_1937 = arith.muli %add3A_1693, %mul3A_1936 : i32
      %add3A_1938 = arith.constant 0 : i32
      %add3A_1939 = arith.addi %mul3A_1937, %add3A_1938 : i32
      %broadcast_in_dim3A_1940 = vector.broadcast %add3A_1939 : i32 to vector<16xi32>
      %slice3A_1941 = vector.extract_strided_slice %and3A_1707 {offsets = [0], sizes = [1], strides = [1]} : vector<16xi32> to vector<1xi32>
      %squeeze3A_1942 = vector.extract %slice3A_1941[0] : i32 from vector<1xi32>
      %broadcast_in_dim3A_1943 = vector.broadcast %squeeze3A_1942 : i32 to vector<16xi32>
      %broadcast_in_dim3A_1944 = arith.constant 0 : i32
      %broadcast_in_dim3A_1945 = vector.broadcast %broadcast_in_dim3A_1944 : i32 to vector<16xi32>
      %gather3A_1946 = tpu.vector_load_idx %arg11[%broadcast_in_dim3A_1935, %broadcast_in_dim3A_1945, %iota3A, %broadcast_in_dim3A_1943] : memref<2x4x32x128xf32, #tpu.memory_space<vmem>>[vector<16xi32>, vector<16xi32>, vector<16xi32>, vector<16xi32>], vector<16xf32>,
      %add3A_1947 = arith.constant 16 : i32
      %add3A_1948 = vector.broadcast %add3A_1947 : i32 to vector<16xi32>
      %add3A_1949 = arith.addi %iota3A, %add3A_1948 : vector<16xi32>
      %gather3A_1950 = tpu.vector_load_idx %arg11[%broadcast_in_dim3A_1935, %broadcast_in_dim3A_1945, %add3A_1949, %broadcast_in_dim3A_1943] : memref<2x4x32x128xf32, #tpu.memory_space<vmem>>[vector<16xi32>, vector<16xi32>, vector<16xi32>, vector<16xi32>], vector<16xf32>,
      tpu.vector_store_idx %arg13[%iota3A, %broadcast_in_dim3A_1940], %gather3A_1946 : memref<32x512xf32, #tpu.memory_space<vmem>>[vector<16xi32>, vector<16xi32>], vector<16xf32>,
      %add3A_1951 = arith.constant 16 : i32
      %add3A_1952 = vector.broadcast %add3A_1951 : i32 to vector<16xi32>
      %add3A_1953 = arith.addi %iota3A, %add3A_1952 : vector<16xi32>
      tpu.vector_store_idx %arg13[%add3A_1953, %broadcast_in_dim3A_1940], %gather3A_1950 : memref<32x512xf32, #tpu.memory_space<vmem>>[vector<16xi32>, vector<16xi32>], vector<16xf32>,
      %mul3A_1954 = arith.constant 4 : i32
      %mul3A_1955 = arith.muli %add3A_1693, %mul3A_1954 : i32
      %add3A_1956 = arith.constant 1 : i32
      %add3A_1957 = arith.addi %mul3A_1955, %add3A_1956 : i32
      %broadcast_in_dim3A_1958 = vector.broadcast %add3A_1957 : i32 to vector<16xi32>
      %slice3A_1959 = vector.extract_strided_slice %and3A_1707 {offsets = [1], sizes = [1], strides = [1]} : vector<16xi32> to vector<1xi32>
      %squeeze3A_1960 = vector.extract %slice3A_1959[0] : i32 from vector<1xi32>
      %broadcast_in_dim3A_1961 = vector.broadcast %squeeze3A_1960 : i32 to vector<16xi32>
      %broadcast_in_dim3A_1962 = arith.constant 1 : i32
      %broadcast_in_dim3A_1963 = vector.broadcast %broadcast_in_dim3A_1962 : i32 to vector<16xi32>
      %gather3A_1964 = tpu.vector_load_idx %arg11[%broadcast_in_dim3A_1935, %broadcast_in_dim3A_1963, %iota3A, %broadcast_in_dim3A_1961] : memref<2x4x32x128xf32, #tpu.memory_space<vmem>>[vector<16xi32>, vector<16xi32>, vector<16xi32>, vector<16xi32>], vector<16xf32>,
      %add3A_1965 = arith.constant 16 : i32
      %add3A_1966 = vector.broadcast %add3A_1965 : i32 to vector<16xi32>
      %add3A_1967 = arith.addi %iota3A, %add3A_1966 : vector<16xi32>
      %gather3A_1968 = tpu.vector_load_idx %arg11[%broadcast_in_dim3A_1935, %broadcast_in_dim3A_1963, %add3A_1967, %broadcast_in_dim3A_1961] : memref<2x4x32x128xf32, #tpu.memory_space<vmem>>[vector<16xi32>, vector<16xi32>, vector<16xi32>, vector<16xi32>], vector<16xf32>,
      tpu.vector_store_idx %arg13[%iota3A, %broadcast_in_dim3A_1958], %gather3A_1964 : memref<32x512xf32, #tpu.memory_space<vmem>>[vector<16xi32>, vector<16xi32>], vector<16xf32>,
      %add3A_1969 = arith.constant 16 : i32
      %add3A_1970 = vector.broadcast %add3A_1969 : i32 to vector<16xi32>
      %add3A_1971 = arith.addi %iota3A, %add3A_1970 : vector<16xi32>
      tpu.vector_store_idx %arg13[%add3A_1971, %broadcast_in_dim3A_1958], %gather3A_1968 : memref<32x512xf32, #tpu.memory_space<vmem>>[vector<16xi32>, vector<16xi32>], vector<16xf32>,
      %mul3A_1972 = arith.constant 4 : i32
      %mul3A_1973 = arith.muli %add3A_1693, %mul3A_1972 : i32
      %add3A_1974 = arith.constant 2 : i32
      %add3A_1975 = arith.addi %mul3A_1973, %add3A_1974 : i32
      %broadcast_in_dim3A_1976 = vector.broadcast %add3A_1975 : i32 to vector<16xi32>
      %slice3A_1977 = vector.extract_strided_slice %and3A_1707 {offsets = [2], sizes = [1], strides = [1]} : vector<16xi32> to vector<1xi32>
      %squeeze3A_1978 = vector.extract %slice3A_1977[0] : i32 from vector<1xi32>
      %broadcast_in_dim3A_1979 = vector.broadcast %squeeze3A_1978 : i32 to vector<16xi32>
      %broadcast_in_dim3A_1980 = arith.constant 2 : i32
      %broadcast_in_dim3A_1981 = vector.broadcast %broadcast_in_dim3A_1980 : i32 to vector<16xi32>
      %gather3A_1982 = tpu.vector_load_idx %arg11[%broadcast_in_dim3A_1935, %broadcast_in_dim3A_1981, %iota3A, %broadcast_in_dim3A_1979] : memref<2x4x32x128xf32, #tpu.memory_space<vmem>>[vector<16xi32>, vector<16xi32>, vector<16xi32>, vector<16xi32>], vector<16xf32>,
      %add3A_1983 = arith.constant 16 : i32
      %add3A_1984 = vector.broadcast %add3A_1983 : i32 to vector<16xi32>
      %add3A_1985 = arith.addi %iota3A, %add3A_1984 : vector<16xi32>
      %gather3A_1986 = tpu.vector_load_idx %arg11[%broadcast_in_dim3A_1935, %broadcast_in_dim3A_1981, %add3A_1985, %broadcast_in_dim3A_1979] : memref<2x4x32x128xf32, #tpu.memory_space<vmem>>[vector<16xi32>, vector<16xi32>, vector<16xi32>, vector<16xi32>], vector<16xf32>,
      tpu.vector_store_idx %arg13[%iota3A, %broadcast_in_dim3A_1976], %gather3A_1982 : memref<32x512xf32, #tpu.memory_space<vmem>>[vector<16xi32>, vector<16xi32>], vector<16xf32>,
      %add3A_1987 = arith.constant 16 : i32
      %add3A_1988 = vector.broadcast %add3A_1987 : i32 to vector<16xi32>
      %add3A_1989 = arith.addi %iota3A, %add3A_1988 : vector<16xi32>
      tpu.vector_store_idx %arg13[%add3A_1989, %broadcast_in_dim3A_1976], %gather3A_1986 : memref<32x512xf32, #tpu.memory_space<vmem>>[vector<16xi32>, vector<16xi32>], vector<16xf32>,
      %mul3A_1990 = arith.constant 4 : i32
      %mul3A_1991 = arith.muli %add3A_1693, %mul3A_1990 : i32
      %add3A_1992 = arith.constant 3 : i32
      %add3A_1993 = arith.addi %mul3A_1991, %add3A_1992 : i32
      %broadcast_in_dim3A_1994 = vector.broadcast %add3A_1993 : i32 to vector<16xi32>
      %slice3A_1995 = vector.extract_strided_slice %and3A_1707 {offsets = [3], sizes = [1], strides = [1]} : vector<16xi32> to vector<1xi32>
      %squeeze3A_1996 = vector.extract %slice3A_1995[0] : i32 from vector<1xi32>
      %broadcast_in_dim3A_1997 = vector.broadcast %squeeze3A_1996 : i32 to vector<16xi32>
      %broadcast_in_dim3A_1998 = arith.constant 3 : i32
      %broadcast_in_dim3A_1999 = vector.broadcast %broadcast_in_dim3A_1998 : i32 to vector<16xi32>
      %gather3A_2000 = tpu.vector_load_idx %arg11[%broadcast_in_dim3A_1935, %broadcast_in_dim3A_1999, %iota3A, %broadcast_in_dim3A_1997] : memref<2x4x32x128xf32, #tpu.memory_space<vmem>>[vector<16xi32>, vector<16xi32>, vector<16xi32>, vector<16xi32>], vector<16xf32>,
      %add3A_2001 = arith.constant 16 : i32
      %add3A_2002 = vector.broadcast %add3A_2001 : i32 to vector<16xi32>
      %add3A_2003 = arith.addi %iota3A, %add3A_2002 : vector<16xi32>
      %gather3A_2004 = tpu.vector_load_idx %arg11[%broadcast_in_dim3A_1935, %broadcast_in_dim3A_1999, %add3A_2003, %broadcast_in_dim3A_1997] : memref<2x4x32x128xf32, #tpu.memory_space<vmem>>[vector<16xi32>, vector<16xi32>, vector<16xi32>, vector<16xi32>], vector<16xf32>,
      tpu.vector_store_idx %arg13[%iota3A, %broadcast_in_dim3A_1994], %gather3A_2000 : memref<32x512xf32, #tpu.memory_space<vmem>>[vector<16xi32>, vector<16xi32>], vector<16xf32>,
      %add3A_2005 = arith.constant 16 : i32
      %add3A_2006 = vector.broadcast %add3A_2005 : i32 to vector<16xi32>
      %add3A_2007 = arith.addi %iota3A, %add3A_2006 : vector<16xi32>
      tpu.vector_store_idx %arg13[%add3A_2007, %broadcast_in_dim3A_1994], %gather3A_2004 : memref<32x512xf32, #tpu.memory_space<vmem>>[vector<16xi32>, vector<16xi32>], vector<16xf32>,
      %scan3A_2008 = arith.constant 0 : i32
      scf.yield %scan3A_2008 : i32
    }
    %scan3A_199 = arith.constant 63 : i32
    %get3A_200 = arith.constant 508 : index
    %get3A_201 = tpu.vector_load %arg8[%get3A_200] {strides = array<i32>} : memref<528xi32, #tpu.memory_space<vmem>>, vector<16xi32>,
    %get3A_202 = arith.constant 508 : index
    %get3A_203 = tpu.vector_load %arg9[%get3A_202] {strides = array<i32>} : memref<528xi32, #tpu.memory_space<vmem>>, vector<16xi32>,
    %slice3A_204 = vector.extract_strided_slice %get3A_201 {offsets = [0], sizes = [1], strides = [1]} : vector<16xi32> to vector<1xi32>
    %squeeze3A_205 = vector.extract %slice3A_204[0] : i32 from vector<1xi32>
    %shift_right_logical3A_206 = arith.constant 7 : i32
    %shift_right_logical3A_207 = arith.shrui %squeeze3A_205, %shift_right_logical3A_206 : i32
    %mul3A_208 = arith.constant 128 : i32
    %mul3A_209 = arith.muli %shift_right_logical3A_207, %mul3A_208 : i32
    %multiple_of3A_210 = tpu.assume_multiple %mul3A_209, 128 : i32
    %dma_start3A_211 = arith.constant 1 : i32
    %dma_start3A_212 = arith.constant 0 : i32
    %dma_start3A_213 = arith.constant 1 : i32
    %dma_start3A_214 = arith.constant 0 : i32
    %dma_start3A_215 = arith.constant 0 : i32
    %dma_start3A_216 = tpu.memref_slice %arg10[%dma_start3A_211, %dma_start3A_212, %dma_start3A_214, %dma_start3A_215] : memref<2x4x32x128xf32, #tpu.memory_space<vmem>> -> memref<1x1x32x128xf32, #tpu.memory_space<vmem>>
    %dma_start3A_217 = tpu.memref_squeeze %dma_start3A_216 : memref<1x1x32x128xf32, #tpu.memory_space<vmem>> -> memref<32x128xf32, #tpu.memory_space<vmem>>
    %dma_start3A_218 = arith.constant 0 : i32
    %dma_start3A_219 = tpu.memref_slice %arg4[%dma_start3A_218, %multiple_of3A_210] : memref<32x1000000xf32, #tpu.memory_space<hbm>> -> memref<32x128xf32, #tpu.memory_space<hbm>>
    %dma_start3A_220 = tpu.memref_slice %arg14[%dma_start3A_213] : memref<2x!tpu.dma_semaphore, #tpu.memory_space<semaphore_mem>> -> memref<1x!tpu.dma_semaphore, #tpu.memory_space<semaphore_mem>>
    %dma_start3A_221 = tpu.memref_squeeze %dma_start3A_220 : memref<1x!tpu.dma_semaphore, #tpu.memory_space<semaphore_mem>> -> memref<!tpu.dma_semaphore, #tpu.memory_space<semaphore_mem>>
    %dma_start3A_222 = arith.constant 0 : i32
    %dma_start3A_223 = arith.constant 0 : i32
    %dma_start3A_224 = tpu.memref_slice %arg10[%dma_start3A_211, %dma_start3A_212, %dma_start3A_222, %dma_start3A_223] : memref<2x4x32x128xf32, #tpu.memory_space<vmem>> -> memref<1x1x32x128xf32, #tpu.memory_space<vmem>>
    %dma_start3A_225 = tpu.memref_squeeze %dma_start3A_224 : memref<1x1x32x128xf32, #tpu.memory_space<vmem>> -> memref<32x128xf32, #tpu.memory_space<vmem>>
    %dma_start3A_226 = arith.constant 0 : i32
    %dma_start3A_227 = tpu.memref_slice %arg4[%dma_start3A_226, %multiple_of3A_210] : memref<32x1000000xf32, #tpu.memory_space<hbm>> -> memref<32x128xf32, #tpu.memory_space<hbm>>
    tpu.enqueue_dma source(%dma_start3A_227 : memref<32x128xf32, #tpu.memory_space<hbm>>) target(%dma_start3A_225 : memref<32x128xf32, #tpu.memory_space<vmem>>) target_semaphore(%dma_start3A_221 : memref<!tpu.dma_semaphore, #tpu.memory_space<semaphore_mem>>)
    %slice3A_228 = vector.extract_strided_slice %get3A_201 {offsets = [1], sizes = [1], strides = [1]} : vector<16xi32> to vector<1xi32>
    %squeeze3A_229 = vector.extract %slice3A_228[0] : i32 from vector<1xi32>
    %shift_right_logical3A_230 = arith.constant 7 : i32
    %shift_right_logical3A_231 = arith.shrui %squeeze3A_229, %shift_right_logical3A_230 : i32
    %mul3A_232 = arith.constant 128 : i32
    %mul3A_233 = arith.muli %shift_right_logical3A_231, %mul3A_232 : i32
    %multiple_of3A_234 = tpu.assume_multiple %mul3A_233, 128 : i32
    %dma_start3A_235 = arith.constant 1 : i32
    %dma_start3A_236 = arith.constant 1 : i32
    %dma_start3A_237 = arith.constant 1 : i32
    %dma_start3A_238 = arith.constant 0 : i32
    %dma_start3A_239 = arith.constant 0 : i32
    %dma_start3A_240 = tpu.memref_slice %arg10[%dma_start3A_235, %dma_start3A_236, %dma_start3A_238, %dma_start3A_239] : memref<2x4x32x128xf32, #tpu.memory_space<vmem>> -> memref<1x1x32x128xf32, #tpu.memory_space<vmem>>
    %dma_start3A_241 = tpu.memref_squeeze %dma_start3A_240 : memref<1x1x32x128xf32, #tpu.memory_space<vmem>> -> memref<32x128xf32, #tpu.memory_space<vmem>>
    %dma_start3A_242 = arith.constant 0 : i32
    %dma_start3A_243 = tpu.memref_slice %arg4[%dma_start3A_242, %multiple_of3A_234] : memref<32x1000000xf32, #tpu.memory_space<hbm>> -> memref<32x128xf32, #tpu.memory_space<hbm>>
    %dma_start3A_244 = tpu.memref_slice %arg14[%dma_start3A_237] : memref<2x!tpu.dma_semaphore, #tpu.memory_space<semaphore_mem>> -> memref<1x!tpu.dma_semaphore, #tpu.memory_space<semaphore_mem>>
    %dma_start3A_245 = tpu.memref_squeeze %dma_start3A_244 : memref<1x!tpu.dma_semaphore, #tpu.memory_space<semaphore_mem>> -> memref<!tpu.dma_semaphore, #tpu.memory_space<semaphore_mem>>
    %dma_start3A_246 = arith.constant 0 : i32
    %dma_start3A_247 = arith.constant 0 : i32
    %dma_start3A_248 = tpu.memref_slice %arg10[%dma_start3A_235, %dma_start3A_236, %dma_start3A_246, %dma_start3A_247] : memref<2x4x32x128xf32, #tpu.memory_space<vmem>> -> memref<1x1x32x128xf32, #tpu.memory_space<vmem>>
    %dma_start3A_249 = tpu.memref_squeeze %dma_start3A_248 : memref<1x1x32x128xf32, #tpu.memory_space<vmem>> -> memref<32x128xf32, #tpu.memory_space<vmem>>
    %dma_start3A_250 = arith.constant 0 : i32
    %dma_start3A_251 = tpu.memref_slice %arg4[%dma_start3A_250, %multiple_of3A_234] : memref<32x1000000xf32, #tpu.memory_space<hbm>> -> memref<32x128xf32, #tpu.memory_space<hbm>>
    tpu.enqueue_dma source(%dma_start3A_251 : memref<32x128xf32, #tpu.memory_space<hbm>>) target(%dma_start3A_249 : memref<32x128xf32, #tpu.memory_space<vmem>>) target_semaphore(%dma_start3A_245 : memref<!tpu.dma_semaphore, #tpu.memory_space<semaphore_mem>>)
    %slice3A_252 = vector.extract_strided_slice %get3A_201 {offsets = [2], sizes = [1], strides = [1]} : vector<16xi32> to vector<1xi32>
    %squeeze3A_253 = vector.extract %slice3A_252[0] : i32 from vector<1xi32>
    %shift_right_logical3A_254 = arith.constant 7 : i32
    %shift_right_logical3A_255 = arith.shrui %squeeze3A_253, %shift_right_logical3A_254 : i32
    %mul3A_256 = arith.constant 128 : i32
    %mul3A_257 = arith.muli %shift_right_logical3A_255, %mul3A_256 : i32
    %multiple_of3A_258 = tpu.assume_multiple %mul3A_257, 128 : i32
    %dma_start3A_259 = arith.constant 1 : i32
    %dma_start3A_260 = arith.constant 2 : i32
    %dma_start3A_261 = arith.constant 1 : i32
    %dma_start3A_262 = arith.constant 0 : i32
    %dma_start3A_263 = arith.constant 0 : i32
    %dma_start3A_264 = tpu.memref_slice %arg10[%dma_start3A_259, %dma_start3A_260, %dma_start3A_262, %dma_start3A_263] : memref<2x4x32x128xf32, #tpu.memory_space<vmem>> -> memref<1x1x32x128xf32, #tpu.memory_space<vmem>>
    %dma_start3A_265 = tpu.memref_squeeze %dma_start3A_264 : memref<1x1x32x128xf32, #tpu.memory_space<vmem>> -> memref<32x128xf32, #tpu.memory_space<vmem>>
    %dma_start3A_266 = arith.constant 0 : i32
    %dma_start3A_267 = tpu.memref_slice %arg4[%dma_start3A_266, %multiple_of3A_258] : memref<32x1000000xf32, #tpu.memory_space<hbm>> -> memref<32x128xf32, #tpu.memory_space<hbm>>
    %dma_start3A_268 = tpu.memref_slice %arg14[%dma_start3A_261] : memref<2x!tpu.dma_semaphore, #tpu.memory_space<semaphore_mem>> -> memref<1x!tpu.dma_semaphore, #tpu.memory_space<semaphore_mem>>
    %dma_start3A_269 = tpu.memref_squeeze %dma_start3A_268 : memref<1x!tpu.dma_semaphore, #tpu.memory_space<semaphore_mem>> -> memref<!tpu.dma_semaphore, #tpu.memory_space<semaphore_mem>>
    %dma_start3A_270 = arith.constant 0 : i32
    %dma_start3A_271 = arith.constant 0 : i32
    %dma_start3A_272 = tpu.memref_slice %arg10[%dma_start3A_259, %dma_start3A_260, %dma_start3A_270, %dma_start3A_271] : memref<2x4x32x128xf32, #tpu.memory_space<vmem>> -> memref<1x1x32x128xf32, #tpu.memory_space<vmem>>
    %dma_start3A_273 = tpu.memref_squeeze %dma_start3A_272 : memref<1x1x32x128xf32, #tpu.memory_space<vmem>> -> memref<32x128xf32, #tpu.memory_space<vmem>>
    %dma_start3A_274 = arith.constant 0 : i32
    %dma_start3A_275 = tpu.memref_slice %arg4[%dma_start3A_274, %multiple_of3A_258] : memref<32x1000000xf32, #tpu.memory_space<hbm>> -> memref<32x128xf32, #tpu.memory_space<hbm>>
    tpu.enqueue_dma source(%dma_start3A_275 : memref<32x128xf32, #tpu.memory_space<hbm>>) target(%dma_start3A_273 : memref<32x128xf32, #tpu.memory_space<vmem>>) target_semaphore(%dma_start3A_269 : memref<!tpu.dma_semaphore, #tpu.memory_space<semaphore_mem>>)
    %slice3A_276 = vector.extract_strided_slice %get3A_201 {offsets = [3], sizes = [1], strides = [1]} : vector<16xi32> to vector<1xi32>
    %squeeze3A_277 = vector.extract %slice3A_276[0] : i32 from vector<1xi32>
    %shift_right_logical3A_278 = arith.constant 7 : i32
    %shift_right_logical3A_279 = arith.shrui %squeeze3A_277, %shift_right_logical3A_278 : i32
    %mul3A_280 = arith.constant 128 : i32
    %mul3A_281 = arith.muli %shift_right_logical3A_279, %mul3A_280 : i32
    %multiple_of3A_282 = tpu.assume_multiple %mul3A_281, 128 : i32
    %dma_start3A_283 = arith.constant 1 : i32
    %dma_start3A_284 = arith.constant 3 : i32
    %dma_start3A_285 = arith.constant 1 : i32
    %dma_start3A_286 = arith.constant 0 : i32
    %dma_start3A_287 = arith.constant 0 : i32
    %dma_start3A_288 = tpu.memref_slice %arg10[%dma_start3A_283, %dma_start3A_284, %dma_start3A_286, %dma_start3A_287] : memref<2x4x32x128xf32, #tpu.memory_space<vmem>> -> memref<1x1x32x128xf32, #tpu.memory_space<vmem>>
    %dma_start3A_289 = tpu.memref_squeeze %dma_start3A_288 : memref<1x1x32x128xf32, #tpu.memory_space<vmem>> -> memref<32x128xf32, #tpu.memory_space<vmem>>
    %dma_start3A_290 = arith.constant 0 : i32
    %dma_start3A_291 = tpu.memref_slice %arg4[%dma_start3A_290, %multiple_of3A_282] : memref<32x1000000xf32, #tpu.memory_space<hbm>> -> memref<32x128xf32, #tpu.memory_space<hbm>>
    %dma_start3A_292 = tpu.memref_slice %arg14[%dma_start3A_285] : memref<2x!tpu.dma_semaphore, #tpu.memory_space<semaphore_mem>> -> memref<1x!tpu.dma_semaphore, #tpu.memory_space<semaphore_mem>>
    %dma_start3A_293 = tpu.memref_squeeze %dma_start3A_292 : memref<1x!tpu.dma_semaphore, #tpu.memory_space<semaphore_mem>> -> memref<!tpu.dma_semaphore, #tpu.memory_space<semaphore_mem>>
    %dma_start3A_294 = arith.constant 0 : i32
    %dma_start3A_295 = arith.constant 0 : i32
    %dma_start3A_296 = tpu.memref_slice %arg10[%dma_start3A_283, %dma_start3A_284, %dma_start3A_294, %dma_start3A_295] : memref<2x4x32x128xf32, #tpu.memory_space<vmem>> -> memref<1x1x32x128xf32, #tpu.memory_space<vmem>>
    %dma_start3A_297 = tpu.memref_squeeze %dma_start3A_296 : memref<1x1x32x128xf32, #tpu.memory_space<vmem>> -> memref<32x128xf32, #tpu.memory_space<vmem>>
    %dma_start3A_298 = arith.constant 0 : i32
    %dma_start3A_299 = tpu.memref_slice %arg4[%dma_start3A_298, %multiple_of3A_282] : memref<32x1000000xf32, #tpu.memory_space<hbm>> -> memref<32x128xf32, #tpu.memory_space<hbm>>
    tpu.enqueue_dma source(%dma_start3A_299 : memref<32x128xf32, #tpu.memory_space<hbm>>) target(%dma_start3A_297 : memref<32x128xf32, #tpu.memory_space<vmem>>) target_semaphore(%dma_start3A_293 : memref<!tpu.dma_semaphore, #tpu.memory_space<semaphore_mem>>)
    %slice3A_300 = vector.extract_strided_slice %get3A_203 {offsets = [0], sizes = [1], strides = [1]} : vector<16xi32> to vector<1xi32>
    %squeeze3A_301 = vector.extract %slice3A_300[0] : i32 from vector<1xi32>
    %shift_right_logical3A_302 = arith.constant 7 : i32
    %shift_right_logical3A_303 = arith.shrui %squeeze3A_301, %shift_right_logical3A_302 : i32
    %mul3A_304 = arith.constant 128 : i32
    %mul3A_305 = arith.muli %shift_right_logical3A_303, %mul3A_304 : i32
    %multiple_of3A_306 = tpu.assume_multiple %mul3A_305, 128 : i32
    %dma_start3A_307 = arith.constant 1 : i32
    %dma_start3A_308 = arith.constant 0 : i32
    %dma_start3A_309 = arith.constant 1 : i32
    %dma_start3A_310 = arith.constant 0 : i32
    %dma_start3A_311 = arith.constant 0 : i32
    %dma_start3A_312 = tpu.memref_slice %arg11[%dma_start3A_307, %dma_start3A_308, %dma_start3A_310, %dma_start3A_311] : memref<2x4x32x128xf32, #tpu.memory_space<vmem>> -> memref<1x1x32x128xf32, #tpu.memory_space<vmem>>
    %dma_start3A_313 = tpu.memref_squeeze %dma_start3A_312 : memref<1x1x32x128xf32, #tpu.memory_space<vmem>> -> memref<32x128xf32, #tpu.memory_space<vmem>>
    %dma_start3A_314 = arith.constant 0 : i32
    %dma_start3A_315 = tpu.memref_slice %arg5[%dma_start3A_314, %multiple_of3A_306] : memref<32x1000000xf32, #tpu.memory_space<hbm>> -> memref<32x128xf32, #tpu.memory_space<hbm>>
    %dma_start3A_316 = tpu.memref_slice %arg15[%dma_start3A_309] : memref<2x!tpu.dma_semaphore, #tpu.memory_space<semaphore_mem>> -> memref<1x!tpu.dma_semaphore, #tpu.memory_space<semaphore_mem>>
    %dma_start3A_317 = tpu.memref_squeeze %dma_start3A_316 : memref<1x!tpu.dma_semaphore, #tpu.memory_space<semaphore_mem>> -> memref<!tpu.dma_semaphore, #tpu.memory_space<semaphore_mem>>
    %dma_start3A_318 = arith.constant 0 : i32
    %dma_start3A_319 = arith.constant 0 : i32
    %dma_start3A_320 = tpu.memref_slice %arg11[%dma_start3A_307, %dma_start3A_308, %dma_start3A_318, %dma_start3A_319] : memref<2x4x32x128xf32, #tpu.memory_space<vmem>> -> memref<1x1x32x128xf32, #tpu.memory_space<vmem>>
    %dma_start3A_321 = tpu.memref_squeeze %dma_start3A_320 : memref<1x1x32x128xf32, #tpu.memory_space<vmem>> -> memref<32x128xf32, #tpu.memory_space<vmem>>
    %dma_start3A_322 = arith.constant 0 : i32
    %dma_start3A_323 = tpu.memref_slice %arg5[%dma_start3A_322, %multiple_of3A_306] : memref<32x1000000xf32, #tpu.memory_space<hbm>> -> memref<32x128xf32, #tpu.memory_space<hbm>>
    tpu.enqueue_dma source(%dma_start3A_323 : memref<32x128xf32, #tpu.memory_space<hbm>>) target(%dma_start3A_321 : memref<32x128xf32, #tpu.memory_space<vmem>>) target_semaphore(%dma_start3A_317 : memref<!tpu.dma_semaphore, #tpu.memory_space<semaphore_mem>>)
    %slice3A_324 = vector.extract_strided_slice %get3A_203 {offsets = [1], sizes = [1], strides = [1]} : vector<16xi32> to vector<1xi32>
    %squeeze3A_325 = vector.extract %slice3A_324[0] : i32 from vector<1xi32>
    %shift_right_logical3A_326 = arith.constant 7 : i32
    %shift_right_logical3A_327 = arith.shrui %squeeze3A_325, %shift_right_logical3A_326 : i32
    %mul3A_328 = arith.constant 128 : i32
    %mul3A_329 = arith.muli %shift_right_logical3A_327, %mul3A_328 : i32
    %multiple_of3A_330 = tpu.assume_multiple %mul3A_329, 128 : i32
    %dma_start3A_331 = arith.constant 1 : i32
    %dma_start3A_332 = arith.constant 1 : i32
    %dma_start3A_333 = arith.constant 1 : i32
    %dma_start3A_334 = arith.constant 0 : i32
    %dma_start3A_335 = arith.constant 0 : i32
    %dma_start3A_336 = tpu.memref_slice %arg11[%dma_start3A_331, %dma_start3A_332, %dma_start3A_334, %dma_start3A_335] : memref<2x4x32x128xf32, #tpu.memory_space<vmem>> -> memref<1x1x32x128xf32, #tpu.memory_space<vmem>>
    %dma_start3A_337 = tpu.memref_squeeze %dma_start3A_336 : memref<1x1x32x128xf32, #tpu.memory_space<vmem>> -> memref<32x128xf32, #tpu.memory_space<vmem>>
    %dma_start3A_338 = arith.constant 0 : i32
    %dma_start3A_339 = tpu.memref_slice %arg5[%dma_start3A_338, %multiple_of3A_330] : memref<32x1000000xf32, #tpu.memory_space<hbm>> -> memref<32x128xf32, #tpu.memory_space<hbm>>
    %dma_start3A_340 = tpu.memref_slice %arg15[%dma_start3A_333] : memref<2x!tpu.dma_semaphore, #tpu.memory_space<semaphore_mem>> -> memref<1x!tpu.dma_semaphore, #tpu.memory_space<semaphore_mem>>
    %dma_start3A_341 = tpu.memref_squeeze %dma_start3A_340 : memref<1x!tpu.dma_semaphore, #tpu.memory_space<semaphore_mem>> -> memref<!tpu.dma_semaphore, #tpu.memory_space<semaphore_mem>>
    %dma_start3A_342 = arith.constant 0 : i32
    %dma_start3A_343 = arith.constant 0 : i32
    %dma_start3A_344 = tpu.memref_slice %arg11[%dma_start3A_331, %dma_start3A_332, %dma_start3A_342, %dma_start3A_343] : memref<2x4x32x128xf32, #tpu.memory_space<vmem>> -> memref<1x1x32x128xf32, #tpu.memory_space<vmem>>
    %dma_start3A_345 = tpu.memref_squeeze %dma_start3A_344 : memref<1x1x32x128xf32, #tpu.memory_space<vmem>> -> memref<32x128xf32, #tpu.memory_space<vmem>>
    %dma_start3A_346 = arith.constant 0 : i32
    %dma_start3A_347 = tpu.memref_slice %arg5[%dma_start3A_346, %multiple_of3A_330] : memref<32x1000000xf32, #tpu.memory_space<hbm>> -> memref<32x128xf32, #tpu.memory_space<hbm>>
    tpu.enqueue_dma source(%dma_start3A_347 : memref<32x128xf32, #tpu.memory_space<hbm>>) target(%dma_start3A_345 : memref<32x128xf32, #tpu.memory_space<vmem>>) target_semaphore(%dma_start3A_341 : memref<!tpu.dma_semaphore, #tpu.memory_space<semaphore_mem>>)
    %slice3A_348 = vector.extract_strided_slice %get3A_203 {offsets = [2], sizes = [1], strides = [1]} : vector<16xi32> to vector<1xi32>
    %squeeze3A_349 = vector.extract %slice3A_348[0] : i32 from vector<1xi32>
    %shift_right_logical3A_350 = arith.constant 7 : i32
    %shift_right_logical3A_351 = arith.shrui %squeeze3A_349, %shift_right_logical3A_350 : i32
    %mul3A_352 = arith.constant 128 : i32
    %mul3A_353 = arith.muli %shift_right_logical3A_351, %mul3A_352 : i32
    %multiple_of3A_354 = tpu.assume_multiple %mul3A_353, 128 : i32
    %dma_start3A_355 = arith.constant 1 : i32
    %dma_start3A_356 = arith.constant 2 : i32
    %dma_start3A_357 = arith.constant 1 : i32
    %dma_start3A_358 = arith.constant 0 : i32
    %dma_start3A_359 = arith.constant 0 : i32
    %dma_start3A_360 = tpu.memref_slice %arg11[%dma_start3A_355, %dma_start3A_356, %dma_start3A_358, %dma_start3A_359] : memref<2x4x32x128xf32, #tpu.memory_space<vmem>> -> memref<1x1x32x128xf32, #tpu.memory_space<vmem>>
    %dma_start3A_361 = tpu.memref_squeeze %dma_start3A_360 : memref<1x1x32x128xf32, #tpu.memory_space<vmem>> -> memref<32x128xf32, #tpu.memory_space<vmem>>
    %dma_start3A_362 = arith.constant 0 : i32
    %dma_start3A_363 = tpu.memref_slice %arg5[%dma_start3A_362, %multiple_of3A_354] : memref<32x1000000xf32, #tpu.memory_space<hbm>> -> memref<32x128xf32, #tpu.memory_space<hbm>>
    %dma_start3A_364 = tpu.memref_slice %arg15[%dma_start3A_357] : memref<2x!tpu.dma_semaphore, #tpu.memory_space<semaphore_mem>> -> memref<1x!tpu.dma_semaphore, #tpu.memory_space<semaphore_mem>>
    %dma_start3A_365 = tpu.memref_squeeze %dma_start3A_364 : memref<1x!tpu.dma_semaphore, #tpu.memory_space<semaphore_mem>> -> memref<!tpu.dma_semaphore, #tpu.memory_space<semaphore_mem>>
    %dma_start3A_366 = arith.constant 0 : i32
    %dma_start3A_367 = arith.constant 0 : i32
    %dma_start3A_368 = tpu.memref_slice %arg11[%dma_start3A_355, %dma_start3A_356, %dma_start3A_366, %dma_start3A_367] : memref<2x4x32x128xf32, #tpu.memory_space<vmem>> -> memref<1x1x32x128xf32, #tpu.memory_space<vmem>>
    %dma_start3A_369 = tpu.memref_squeeze %dma_start3A_368 : memref<1x1x32x128xf32, #tpu.memory_space<vmem>> -> memref<32x128xf32, #tpu.memory_space<vmem>>
    %dma_start3A_370 = arith.constant 0 : i32
    %dma_start3A_371 = tpu.memref_slice %arg5[%dma_start3A_370, %multiple_of3A_354] : memref<32x1000000xf32, #tpu.memory_space<hbm>> -> memref<32x128xf32, #tpu.memory_space<hbm>>
    tpu.enqueue_dma source(%dma_start3A_371 : memref<32x128xf32, #tpu.memory_space<hbm>>) target(%dma_start3A_369 : memref<32x128xf32, #tpu.memory_space<vmem>>) target_semaphore(%dma_start3A_365 : memref<!tpu.dma_semaphore, #tpu.memory_space<semaphore_mem>>)
    %slice3A_372 = vector.extract_strided_slice %get3A_203 {offsets = [3], sizes = [1], strides = [1]} : vector<16xi32> to vector<1xi32>
    %squeeze3A_373 = vector.extract %slice3A_372[0] : i32 from vector<1xi32>
    %shift_right_logical3A_374 = arith.constant 7 : i32
    %shift_right_logical3A_375 = arith.shrui %squeeze3A_373, %shift_right_logical3A_374 : i32
    %mul3A_376 = arith.constant 128 : i32
    %mul3A_377 = arith.muli %shift_right_logical3A_375, %mul3A_376 : i32
    %multiple_of3A_378 = tpu.assume_multiple %mul3A_377, 128 : i32
    %dma_start3A_379 = arith.constant 1 : i32
    %dma_start3A_380 = arith.constant 3 : i32
    %dma_start3A_381 = arith.constant 1 : i32
    %dma_start3A_382 = arith.constant 0 : i32
    %dma_start3A_383 = arith.constant 0 : i32
    %dma_start3A_384 = tpu.memref_slice %arg11[%dma_start3A_379, %dma_start3A_380, %dma_start3A_382, %dma_start3A_383] : memref<2x4x32x128xf32, #tpu.memory_space<vmem>> -> memref<1x1x32x128xf32, #tpu.memory_space<vmem>>
    %dma_start3A_385 = tpu.memref_squeeze %dma_start3A_384 : memref<1x1x32x128xf32, #tpu.memory_space<vmem>> -> memref<32x128xf32, #tpu.memory_space<vmem>>
    %dma_start3A_386 = arith.constant 0 : i32
    %dma_start3A_387 = tpu.memref_slice %arg5[%dma_start3A_386, %multiple_of3A_378] : memref<32x1000000xf32, #tpu.memory_space<hbm>> -> memref<32x128xf32, #tpu.memory_space<hbm>>
    %dma_start3A_388 = tpu.memref_slice %arg15[%dma_start3A_381] : memref<2x!tpu.dma_semaphore, #tpu.memory_space<semaphore_mem>> -> memref<1x!tpu.dma_semaphore, #tpu.memory_space<semaphore_mem>>
    %dma_start3A_389 = tpu.memref_squeeze %dma_start3A_388 : memref<1x!tpu.dma_semaphore, #tpu.memory_space<semaphore_mem>> -> memref<!tpu.dma_semaphore, #tpu.memory_space<semaphore_mem>>
    %dma_start3A_390 = arith.constant 0 : i32
    %dma_start3A_391 = arith.constant 0 : i32
    %dma_start3A_392 = tpu.memref_slice %arg11[%dma_start3A_379, %dma_start3A_380, %dma_start3A_390, %dma_start3A_391] : memref<2x4x32x128xf32, #tpu.memory_space<vmem>> -> memref<1x1x32x128xf32, #tpu.memory_space<vmem>>
    %dma_start3A_393 = tpu.memref_squeeze %dma_start3A_392 : memref<1x1x32x128xf32, #tpu.memory_space<vmem>> -> memref<32x128xf32, #tpu.memory_space<vmem>>
    %dma_start3A_394 = arith.constant 0 : i32
    %dma_start3A_395 = tpu.memref_slice %arg5[%dma_start3A_394, %multiple_of3A_378] : memref<32x1000000xf32, #tpu.memory_space<hbm>> -> memref<32x128xf32, #tpu.memory_space<hbm>>
    tpu.enqueue_dma source(%dma_start3A_395 : memref<32x128xf32, #tpu.memory_space<hbm>>) target(%dma_start3A_393 : memref<32x128xf32, #tpu.memory_space<vmem>>) target_semaphore(%dma_start3A_389 : memref<!tpu.dma_semaphore, #tpu.memory_space<semaphore_mem>>)
    %get3A_396 = arith.constant 504 : index
    %get3A_397 = tpu.vector_load %arg8[%get3A_396] {strides = array<i32>} : memref<528xi32, #tpu.memory_space<vmem>>, vector<16xi32>,
    %get3A_398 = arith.constant 504 : index
    %get3A_399 = tpu.vector_load %arg9[%get3A_398] {strides = array<i32>} : memref<528xi32, #tpu.memory_space<vmem>>, vector<16xi32>,
    %and3A = arith.constant 127 : i32
    %and3A_400 = vector.broadcast %and3A : i32 to vector<16xi32>
    %and3A_401 = arith.andi %get3A_397, %and3A_400 : vector<16xi32>
    %and3A_402 = arith.constant 127 : i32
    %and3A_403 = vector.broadcast %and3A_402 : i32 to vector<16xi32>
    %and3A_404 = arith.andi %get3A_399, %and3A_403 : vector<16xi32>
    %dma_wait3A = arith.constant 0 : i32
    %dma_wait3A_405 = arith.constant 0 : i32
    %dma_wait3A_406 = arith.constant 0 : i32
    %dma_wait3A_407 = arith.constant 0 : i32
    %dma_wait3A_408 = arith.constant 0 : i32
    %dma_wait3A_409 = tpu.memref_slice %arg10[%dma_wait3A, %dma_wait3A_405, %dma_wait3A_407, %dma_wait3A_408] : memref<2x4x32x128xf32, #tpu.memory_space<vmem>> -> memref<1x1x32x128xf32, #tpu.memory_space<vmem>>
    %dma_wait3A_410 = tpu.memref_squeeze %dma_wait3A_409 : memref<1x1x32x128xf32, #tpu.memory_space<vmem>> -> memref<32x128xf32, #tpu.memory_space<vmem>>
    %dma_wait3A_411 = arith.constant 0 : i32
    %dma_wait3A_412 = arith.constant 0 : i32
    %dma_wait3A_413 = tpu.memref_slice %arg4[%dma_wait3A_411, %dma_wait3A_412] : memref<32x1000000xf32, #tpu.memory_space<hbm>> -> memref<32x128xf32, #tpu.memory_space<hbm>>
    %dma_wait3A_414 = tpu.memref_slice %arg14[%dma_wait3A_406] : memref<2x!tpu.dma_semaphore, #tpu.memory_space<semaphore_mem>> -> memref<1x!tpu.dma_semaphore, #tpu.memory_space<semaphore_mem>>
    %dma_wait3A_415 = tpu.memref_squeeze %dma_wait3A_414 : memref<1x!tpu.dma_semaphore, #tpu.memory_space<semaphore_mem>> -> memref<!tpu.dma_semaphore, #tpu.memory_space<semaphore_mem>>
    %dma_wait3A_416 = arith.constant 0 : i32
    %dma_wait3A_417 = arith.constant 0 : i32
    %dma_wait3A_418 = tpu.memref_slice %arg10[%dma_wait3A, %dma_wait3A_405, %dma_wait3A_416, %dma_wait3A_417] : memref<2x4x32x128xf32, #tpu.memory_space<vmem>> -> memref<1x1x32x128xf32, #tpu.memory_space<vmem>>
    %dma_wait3A_419 = tpu.memref_squeeze %dma_wait3A_418 : memref<1x1x32x128xf32, #tpu.memory_space<vmem>> -> memref<32x128xf32, #tpu.memory_space<vmem>>
    %dma_wait3A_420 = arith.constant 0 : i32
    %dma_wait3A_421 = arith.constant 0 : i32
    %dma_wait3A_422 = tpu.memref_slice %arg4[%dma_wait3A_420, %dma_wait3A_421] : memref<32x1000000xf32, #tpu.memory_space<hbm>> -> memref<32x128xf32, #tpu.memory_space<hbm>>
    tpu.wait_dma2 semaphore(%dma_wait3A_415 : memref<!tpu.dma_semaphore, #tpu.memory_space<semaphore_mem>>) src(%dma_wait3A_422 : memref<32x128xf32, #tpu.memory_space<hbm>>) dst(%dma_wait3A_419 : memref<32x128xf32, #tpu.memory_space<vmem>>)
    %dma_wait3A_423 = arith.constant 0 : i32
    %dma_wait3A_424 = arith.constant 1 : i32
    %dma_wait3A_425 = arith.constant 0 : i32
    %dma_wait3A_426 = arith.constant 0 : i32
    %dma_wait3A_427 = arith.constant 0 : i32
    %dma_wait3A_428 = tpu.memref_slice %arg10[%dma_wait3A_423, %dma_wait3A_424, %dma_wait3A_426, %dma_wait3A_427] : memref<2x4x32x128xf32, #tpu.memory_space<vmem>> -> memref<1x1x32x128xf32, #tpu.memory_space<vmem>>
    %dma_wait3A_429 = tpu.memref_squeeze %dma_wait3A_428 : memref<1x1x32x128xf32, #tpu.memory_space<vmem>> -> memref<32x128xf32, #tpu.memory_space<vmem>>
    %dma_wait3A_430 = arith.constant 0 : i32
    %dma_wait3A_431 = arith.constant 0 : i32
    %dma_wait3A_432 = tpu.memref_slice %arg4[%dma_wait3A_430, %dma_wait3A_431] : memref<32x1000000xf32, #tpu.memory_space<hbm>> -> memref<32x128xf32, #tpu.memory_space<hbm>>
    %dma_wait3A_433 = tpu.memref_slice %arg14[%dma_wait3A_425] : memref<2x!tpu.dma_semaphore, #tpu.memory_space<semaphore_mem>> -> memref<1x!tpu.dma_semaphore, #tpu.memory_space<semaphore_mem>>
    %dma_wait3A_434 = tpu.memref_squeeze %dma_wait3A_433 : memref<1x!tpu.dma_semaphore, #tpu.memory_space<semaphore_mem>> -> memref<!tpu.dma_semaphore, #tpu.memory_space<semaphore_mem>>
    %dma_wait3A_435 = arith.constant 0 : i32
    %dma_wait3A_436 = arith.constant 0 : i32
    %dma_wait3A_437 = tpu.memref_slice %arg10[%dma_wait3A_423, %dma_wait3A_424, %dma_wait3A_435, %dma_wait3A_436] : memref<2x4x32x128xf32, #tpu.memory_space<vmem>> -> memref<1x1x32x128xf32, #tpu.memory_space<vmem>>
    %dma_wait3A_438 = tpu.memref_squeeze %dma_wait3A_437 : memref<1x1x32x128xf32, #tpu.memory_space<vmem>> -> memref<32x128xf32, #tpu.memory_space<vmem>>
    %dma_wait3A_439 = arith.constant 0 : i32
    %dma_wait3A_440 = arith.constant 0 : i32
    %dma_wait3A_441 = tpu.memref_slice %arg4[%dma_wait3A_439, %dma_wait3A_440] : memref<32x1000000xf32, #tpu.memory_space<hbm>> -> memref<32x128xf32, #tpu.memory_space<hbm>>
    tpu.wait_dma2 semaphore(%dma_wait3A_434 : memref<!tpu.dma_semaphore, #tpu.memory_space<semaphore_mem>>) src(%dma_wait3A_441 : memref<32x128xf32, #tpu.memory_space<hbm>>) dst(%dma_wait3A_438 : memref<32x128xf32, #tpu.memory_space<vmem>>)
    %dma_wait3A_442 = arith.constant 0 : i32
    %dma_wait3A_443 = arith.constant 2 : i32
    %dma_wait3A_444 = arith.constant 0 : i32
    %dma_wait3A_445 = arith.constant 0 : i32
    %dma_wait3A_446 = arith.constant 0 : i32
    %dma_wait3A_447 = tpu.memref_slice %arg10[%dma_wait3A_442, %dma_wait3A_443, %dma_wait3A_445, %dma_wait3A_446] : memref<2x4x32x128xf32, #tpu.memory_space<vmem>> -> memref<1x1x32x128xf32, #tpu.memory_space<vmem>>
    %dma_wait3A_448 = tpu.memref_squeeze %dma_wait3A_447 : memref<1x1x32x128xf32, #tpu.memory_space<vmem>> -> memref<32x128xf32, #tpu.memory_space<vmem>>
    %dma_wait3A_449 = arith.constant 0 : i32
    %dma_wait3A_450 = arith.constant 0 : i32
    %dma_wait3A_451 = tpu.memref_slice %arg4[%dma_wait3A_449, %dma_wait3A_450] : memref<32x1000000xf32, #tpu.memory_space<hbm>> -> memref<32x128xf32, #tpu.memory_space<hbm>>
    %dma_wait3A_452 = tpu.memref_slice %arg14[%dma_wait3A_444] : memref<2x!tpu.dma_semaphore, #tpu.memory_space<semaphore_mem>> -> memref<1x!tpu.dma_semaphore, #tpu.memory_space<semaphore_mem>>
    %dma_wait3A_453 = tpu.memref_squeeze %dma_wait3A_452 : memref<1x!tpu.dma_semaphore, #tpu.memory_space<semaphore_mem>> -> memref<!tpu.dma_semaphore, #tpu.memory_space<semaphore_mem>>
    %dma_wait3A_454 = arith.constant 0 : i32
    %dma_wait3A_455 = arith.constant 0 : i32
    %dma_wait3A_456 = tpu.memref_slice %arg10[%dma_wait3A_442, %dma_wait3A_443, %dma_wait3A_454, %dma_wait3A_455] : memref<2x4x32x128xf32, #tpu.memory_space<vmem>> -> memref<1x1x32x128xf32, #tpu.memory_space<vmem>>
    %dma_wait3A_457 = tpu.memref_squeeze %dma_wait3A_456 : memref<1x1x32x128xf32, #tpu.memory_space<vmem>> -> memref<32x128xf32, #tpu.memory_space<vmem>>
    %dma_wait3A_458 = arith.constant 0 : i32
    %dma_wait3A_459 = arith.constant 0 : i32
    %dma_wait3A_460 = tpu.memref_slice %arg4[%dma_wait3A_458, %dma_wait3A_459] : memref<32x1000000xf32, #tpu.memory_space<hbm>> -> memref<32x128xf32, #tpu.memory_space<hbm>>
    tpu.wait_dma2 semaphore(%dma_wait3A_453 : memref<!tpu.dma_semaphore, #tpu.memory_space<semaphore_mem>>) src(%dma_wait3A_460 : memref<32x128xf32, #tpu.memory_space<hbm>>) dst(%dma_wait3A_457 : memref<32x128xf32, #tpu.memory_space<vmem>>)
    %dma_wait3A_461 = arith.constant 0 : i32
    %dma_wait3A_462 = arith.constant 3 : i32
    %dma_wait3A_463 = arith.constant 0 : i32
    %dma_wait3A_464 = arith.constant 0 : i32
    %dma_wait3A_465 = arith.constant 0 : i32
    %dma_wait3A_466 = tpu.memref_slice %arg10[%dma_wait3A_461, %dma_wait3A_462, %dma_wait3A_464, %dma_wait3A_465] : memref<2x4x32x128xf32, #tpu.memory_space<vmem>> -> memref<1x1x32x128xf32, #tpu.memory_space<vmem>>
    %dma_wait3A_467 = tpu.memref_squeeze %dma_wait3A_466 : memref<1x1x32x128xf32, #tpu.memory_space<vmem>> -> memref<32x128xf32, #tpu.memory_space<vmem>>
    %dma_wait3A_468 = arith.constant 0 : i32
    %dma_wait3A_469 = arith.constant 0 : i32
    %dma_wait3A_470 = tpu.memref_slice %arg4[%dma_wait3A_468, %dma_wait3A_469] : memref<32x1000000xf32, #tpu.memory_space<hbm>> -> memref<32x128xf32, #tpu.memory_space<hbm>>
    %dma_wait3A_471 = tpu.memref_slice %arg14[%dma_wait3A_463] : memref<2x!tpu.dma_semaphore, #tpu.memory_space<semaphore_mem>> -> memref<1x!tpu.dma_semaphore, #tpu.memory_space<semaphore_mem>>
    %dma_wait3A_472 = tpu.memref_squeeze %dma_wait3A_471 : memref<1x!tpu.dma_semaphore, #tpu.memory_space<semaphore_mem>> -> memref<!tpu.dma_semaphore, #tpu.memory_space<semaphore_mem>>
    %dma_wait3A_473 = arith.constant 0 : i32
    %dma_wait3A_474 = arith.constant 0 : i32
    %dma_wait3A_475 = tpu.memref_slice %arg10[%dma_wait3A_461, %dma_wait3A_462, %dma_wait3A_473, %dma_wait3A_474] : memref<2x4x32x128xf32, #tpu.memory_space<vmem>> -> memref<1x1x32x128xf32, #tpu.memory_space<vmem>>
    %dma_wait3A_476 = tpu.memref_squeeze %dma_wait3A_475 : memref<1x1x32x128xf32, #tpu.memory_space<vmem>> -> memref<32x128xf32, #tpu.memory_space<vmem>>
    %dma_wait3A_477 = arith.constant 0 : i32
    %dma_wait3A_478 = arith.constant 0 : i32
    %dma_wait3A_479 = tpu.memref_slice %arg4[%dma_wait3A_477, %dma_wait3A_478] : memref<32x1000000xf32, #tpu.memory_space<hbm>> -> memref<32x128xf32, #tpu.memory_space<hbm>>
    tpu.wait_dma2 semaphore(%dma_wait3A_472 : memref<!tpu.dma_semaphore, #tpu.memory_space<semaphore_mem>>) src(%dma_wait3A_479 : memref<32x128xf32, #tpu.memory_space<hbm>>) dst(%dma_wait3A_476 : memref<32x128xf32, #tpu.memory_space<vmem>>)
    %broadcast_in_dim3A = arith.constant 0 : i32
    %broadcast_in_dim3A_480 = vector.broadcast %broadcast_in_dim3A : i32 to vector<16xi32>
    %broadcast_in_dim3A_481 = arith.constant 504 : i32
    %broadcast_in_dim3A_482 = vector.broadcast %broadcast_in_dim3A_481 : i32 to vector<16xi32>
    %slice3A_483 = vector.extract_strided_slice %and3A_401 {offsets = [0], sizes = [1], strides = [1]} : vector<16xi32> to vector<1xi32>
    %squeeze3A_484 = vector.extract %slice3A_483[0] : i32 from vector<1xi32>
    %broadcast_in_dim3A_485 = vector.broadcast %squeeze3A_484 : i32 to vector<16xi32>
    %broadcast_in_dim3A_486 = arith.constant 0 : i32
    %broadcast_in_dim3A_487 = vector.broadcast %broadcast_in_dim3A_486 : i32 to vector<16xi32>
    %gather3A = tpu.vector_load_idx %arg10[%broadcast_in_dim3A_480, %broadcast_in_dim3A_487, %iota3A, %broadcast_in_dim3A_485] : memref<2x4x32x128xf32, #tpu.memory_space<vmem>>[vector<16xi32>, vector<16xi32>, vector<16xi32>, vector<16xi32>], vector<16xf32>,
    %add3A_488 = arith.constant 16 : i32
    %add3A_489 = vector.broadcast %add3A_488 : i32 to vector<16xi32>
    %add3A_490 = arith.addi %iota3A, %add3A_489 : vector<16xi32>
    %gather3A_491 = tpu.vector_load_idx %arg10[%broadcast_in_dim3A_480, %broadcast_in_dim3A_487, %add3A_490, %broadcast_in_dim3A_485] : memref<2x4x32x128xf32, #tpu.memory_space<vmem>>[vector<16xi32>, vector<16xi32>, vector<16xi32>, vector<16xi32>], vector<16xf32>,
    tpu.vector_store_idx %arg12[%iota3A, %broadcast_in_dim3A_482], %gather3A : memref<32x512xf32, #tpu.memory_space<vmem>>[vector<16xi32>, vector<16xi32>], vector<16xf32>,
    %add3A_492 = arith.constant 16 : i32
    %add3A_493 = vector.broadcast %add3A_492 : i32 to vector<16xi32>
    %add3A_494 = arith.addi %iota3A, %add3A_493 : vector<16xi32>
    tpu.vector_store_idx %arg12[%add3A_494, %broadcast_in_dim3A_482], %gather3A_491 : memref<32x512xf32, #tpu.memory_space<vmem>>[vector<16xi32>, vector<16xi32>], vector<16xf32>,
    %broadcast_in_dim3A_495 = arith.constant 505 : i32
    %broadcast_in_dim3A_496 = vector.broadcast %broadcast_in_dim3A_495 : i32 to vector<16xi32>
    %slice3A_497 = vector.extract_strided_slice %and3A_401 {offsets = [1], sizes = [1], strides = [1]} : vector<16xi32> to vector<1xi32>
    %squeeze3A_498 = vector.extract %slice3A_497[0] : i32 from vector<1xi32>
    %broadcast_in_dim3A_499 = vector.broadcast %squeeze3A_498 : i32 to vector<16xi32>
    %broadcast_in_dim3A_500 = arith.constant 1 : i32
    %broadcast_in_dim3A_501 = vector.broadcast %broadcast_in_dim3A_500 : i32 to vector<16xi32>
    %gather3A_502 = tpu.vector_load_idx %arg10[%broadcast_in_dim3A_480, %broadcast_in_dim3A_501, %iota3A, %broadcast_in_dim3A_499] : memref<2x4x32x128xf32, #tpu.memory_space<vmem>>[vector<16xi32>, vector<16xi32>, vector<16xi32>, vector<16xi32>], vector<16xf32>,
    %add3A_503 = arith.constant 16 : i32
    %add3A_504 = vector.broadcast %add3A_503 : i32 to vector<16xi32>
    %add3A_505 = arith.addi %iota3A, %add3A_504 : vector<16xi32>
    %gather3A_506 = tpu.vector_load_idx %arg10[%broadcast_in_dim3A_480, %broadcast_in_dim3A_501, %add3A_505, %broadcast_in_dim3A_499] : memref<2x4x32x128xf32, #tpu.memory_space<vmem>>[vector<16xi32>, vector<16xi32>, vector<16xi32>, vector<16xi32>], vector<16xf32>,
    tpu.vector_store_idx %arg12[%iota3A, %broadcast_in_dim3A_496], %gather3A_502 : memref<32x512xf32, #tpu.memory_space<vmem>>[vector<16xi32>, vector<16xi32>], vector<16xf32>,
    %add3A_507 = arith.constant 16 : i32
    %add3A_508 = vector.broadcast %add3A_507 : i32 to vector<16xi32>
    %add3A_509 = arith.addi %iota3A, %add3A_508 : vector<16xi32>
    tpu.vector_store_idx %arg12[%add3A_509, %broadcast_in_dim3A_496], %gather3A_506 : memref<32x512xf32, #tpu.memory_space<vmem>>[vector<16xi32>, vector<16xi32>], vector<16xf32>,
    %broadcast_in_dim3A_510 = arith.constant 506 : i32
    %broadcast_in_dim3A_511 = vector.broadcast %broadcast_in_dim3A_510 : i32 to vector<16xi32>
    %slice3A_512 = vector.extract_strided_slice %and3A_401 {offsets = [2], sizes = [1], strides = [1]} : vector<16xi32> to vector<1xi32>
    %squeeze3A_513 = vector.extract %slice3A_512[0] : i32 from vector<1xi32>
    %broadcast_in_dim3A_514 = vector.broadcast %squeeze3A_513 : i32 to vector<16xi32>
    %broadcast_in_dim3A_515 = arith.constant 2 : i32
    %broadcast_in_dim3A_516 = vector.broadcast %broadcast_in_dim3A_515 : i32 to vector<16xi32>
    %gather3A_517 = tpu.vector_load_idx %arg10[%broadcast_in_dim3A_480, %broadcast_in_dim3A_516, %iota3A, %broadcast_in_dim3A_514] : memref<2x4x32x128xf32, #tpu.memory_space<vmem>>[vector<16xi32>, vector<16xi32>, vector<16xi32>, vector<16xi32>], vector<16xf32>,
    %add3A_518 = arith.constant 16 : i32
    %add3A_519 = vector.broadcast %add3A_518 : i32 to vector<16xi32>
    %add3A_520 = arith.addi %iota3A, %add3A_519 : vector<16xi32>
    %gather3A_521 = tpu.vector_load_idx %arg10[%broadcast_in_dim3A_480, %broadcast_in_dim3A_516, %add3A_520, %broadcast_in_dim3A_514] : memref<2x4x32x128xf32, #tpu.memory_space<vmem>>[vector<16xi32>, vector<16xi32>, vector<16xi32>, vector<16xi32>], vector<16xf32>,
    tpu.vector_store_idx %arg12[%iota3A, %broadcast_in_dim3A_511], %gather3A_517 : memref<32x512xf32, #tpu.memory_space<vmem>>[vector<16xi32>, vector<16xi32>], vector<16xf32>,
    %add3A_522 = arith.constant 16 : i32
    %add3A_523 = vector.broadcast %add3A_522 : i32 to vector<16xi32>
    %add3A_524 = arith.addi %iota3A, %add3A_523 : vector<16xi32>
    tpu.vector_store_idx %arg12[%add3A_524, %broadcast_in_dim3A_511], %gather3A_521 : memref<32x512xf32, #tpu.memory_space<vmem>>[vector<16xi32>, vector<16xi32>], vector<16xf32>,
    %broadcast_in_dim3A_525 = arith.constant 507 : i32
    %broadcast_in_dim3A_526 = vector.broadcast %broadcast_in_dim3A_525 : i32 to vector<16xi32>
    %slice3A_527 = vector.extract_strided_slice %and3A_401 {offsets = [3], sizes = [1], strides = [1]} : vector<16xi32> to vector<1xi32>
    %squeeze3A_528 = vector.extract %slice3A_527[0] : i32 from vector<1xi32>
    %broadcast_in_dim3A_529 = vector.broadcast %squeeze3A_528 : i32 to vector<16xi32>
    %broadcast_in_dim3A_530 = arith.constant 3 : i32
    %broadcast_in_dim3A_531 = vector.broadcast %broadcast_in_dim3A_530 : i32 to vector<16xi32>
    %gather3A_532 = tpu.vector_load_idx %arg10[%broadcast_in_dim3A_480, %broadcast_in_dim3A_531, %iota3A, %broadcast_in_dim3A_529] : memref<2x4x32x128xf32, #tpu.memory_space<vmem>>[vector<16xi32>, vector<16xi32>, vector<16xi32>, vector<16xi32>], vector<16xf32>,
    %add3A_533 = arith.constant 16 : i32
    %add3A_534 = vector.broadcast %add3A_533 : i32 to vector<16xi32>
    %add3A_535 = arith.addi %iota3A, %add3A_534 : vector<16xi32>
    %gather3A_536 = tpu.vector_load_idx %arg10[%broadcast_in_dim3A_480, %broadcast_in_dim3A_531, %add3A_535, %broadcast_in_dim3A_529] : memref<2x4x32x128xf32, #tpu.memory_space<vmem>>[vector<16xi32>, vector<16xi32>, vector<16xi32>, vector<16xi32>], vector<16xf32>,
    tpu.vector_store_idx %arg12[%iota3A, %broadcast_in_dim3A_526], %gather3A_532 : memref<32x512xf32, #tpu.memory_space<vmem>>[vector<16xi32>, vector<16xi32>], vector<16xf32>,
    %add3A_537 = arith.constant 16 : i32
    %add3A_538 = vector.broadcast %add3A_537 : i32 to vector<16xi32>
    %add3A_539 = arith.addi %iota3A, %add3A_538 : vector<16xi32>
    tpu.vector_store_idx %arg12[%add3A_539, %broadcast_in_dim3A_526], %gather3A_536 : memref<32x512xf32, #tpu.memory_space<vmem>>[vector<16xi32>, vector<16xi32>], vector<16xf32>,
    %dma_wait3A_540 = arith.constant 0 : i32
    %dma_wait3A_541 = arith.constant 0 : i32
    %dma_wait3A_542 = arith.constant 0 : i32
    %dma_wait3A_543 = arith.constant 0 : i32
    %dma_wait3A_544 = arith.constant 0 : i32
    %dma_wait3A_545 = tpu.memref_slice %arg11[%dma_wait3A_540, %dma_wait3A_541, %dma_wait3A_543, %dma_wait3A_544] : memref<2x4x32x128xf32, #tpu.memory_space<vmem>> -> memref<1x1x32x128xf32, #tpu.memory_space<vmem>>
    %dma_wait3A_546 = tpu.memref_squeeze %dma_wait3A_545 : memref<1x1x32x128xf32, #tpu.memory_space<vmem>> -> memref<32x128xf32, #tpu.memory_space<vmem>>
    %dma_wait3A_547 = arith.constant 0 : i32
    %dma_wait3A_548 = arith.constant 0 : i32
    %dma_wait3A_549 = tpu.memref_slice %arg5[%dma_wait3A_547, %dma_wait3A_548] : memref<32x1000000xf32, #tpu.memory_space<hbm>> -> memref<32x128xf32, #tpu.memory_space<hbm>>
    %dma_wait3A_550 = tpu.memref_slice %arg15[%dma_wait3A_542] : memref<2x!tpu.dma_semaphore, #tpu.memory_space<semaphore_mem>> -> memref<1x!tpu.dma_semaphore, #tpu.memory_space<semaphore_mem>>
    %dma_wait3A_551 = tpu.memref_squeeze %dma_wait3A_550 : memref<1x!tpu.dma_semaphore, #tpu.memory_space<semaphore_mem>> -> memref<!tpu.dma_semaphore, #tpu.memory_space<semaphore_mem>>
    %dma_wait3A_552 = arith.constant 0 : i32
    %dma_wait3A_553 = arith.constant 0 : i32
    %dma_wait3A_554 = tpu.memref_slice %arg11[%dma_wait3A_540, %dma_wait3A_541, %dma_wait3A_552, %dma_wait3A_553] : memref<2x4x32x128xf32, #tpu.memory_space<vmem>> -> memref<1x1x32x128xf32, #tpu.memory_space<vmem>>
    %dma_wait3A_555 = tpu.memref_squeeze %dma_wait3A_554 : memref<1x1x32x128xf32, #tpu.memory_space<vmem>> -> memref<32x128xf32, #tpu.memory_space<vmem>>
    %dma_wait3A_556 = arith.constant 0 : i32
    %dma_wait3A_557 = arith.constant 0 : i32
    %dma_wait3A_558 = tpu.memref_slice %arg5[%dma_wait3A_556, %dma_wait3A_557] : memref<32x1000000xf32, #tpu.memory_space<hbm>> -> memref<32x128xf32, #tpu.memory_space<hbm>>
    tpu.wait_dma2 semaphore(%dma_wait3A_551 : memref<!tpu.dma_semaphore, #tpu.memory_space<semaphore_mem>>) src(%dma_wait3A_558 : memref<32x128xf32, #tpu.memory_space<hbm>>) dst(%dma_wait3A_555 : memref<32x128xf32, #tpu.memory_space<vmem>>)
    %dma_wait3A_559 = arith.constant 0 : i32
    %dma_wait3A_560 = arith.constant 1 : i32
    %dma_wait3A_561 = arith.constant 0 : i32
    %dma_wait3A_562 = arith.constant 0 : i32
    %dma_wait3A_563 = arith.constant 0 : i32
    %dma_wait3A_564 = tpu.memref_slice %arg11[%dma_wait3A_559, %dma_wait3A_560, %dma_wait3A_562, %dma_wait3A_563] : memref<2x4x32x128xf32, #tpu.memory_space<vmem>> -> memref<1x1x32x128xf32, #tpu.memory_space<vmem>>
    %dma_wait3A_565 = tpu.memref_squeeze %dma_wait3A_564 : memref<1x1x32x128xf32, #tpu.memory_space<vmem>> -> memref<32x128xf32, #tpu.memory_space<vmem>>
    %dma_wait3A_566 = arith.constant 0 : i32
    %dma_wait3A_567 = arith.constant 0 : i32
    %dma_wait3A_568 = tpu.memref_slice %arg5[%dma_wait3A_566, %dma_wait3A_567] : memref<32x1000000xf32, #tpu.memory_space<hbm>> -> memref<32x128xf32, #tpu.memory_space<hbm>>
    %dma_wait3A_569 = tpu.memref_slice %arg15[%dma_wait3A_561] : memref<2x!tpu.dma_semaphore, #tpu.memory_space<semaphore_mem>> -> memref<1x!tpu.dma_semaphore, #tpu.memory_space<semaphore_mem>>
    %dma_wait3A_570 = tpu.memref_squeeze %dma_wait3A_569 : memref<1x!tpu.dma_semaphore, #tpu.memory_space<semaphore_mem>> -> memref<!tpu.dma_semaphore, #tpu.memory_space<semaphore_mem>>
    %dma_wait3A_571 = arith.constant 0 : i32
    %dma_wait3A_572 = arith.constant 0 : i32
    %dma_wait3A_573 = tpu.memref_slice %arg11[%dma_wait3A_559, %dma_wait3A_560, %dma_wait3A_571, %dma_wait3A_572] : memref<2x4x32x128xf32, #tpu.memory_space<vmem>> -> memref<1x1x32x128xf32, #tpu.memory_space<vmem>>
    %dma_wait3A_574 = tpu.memref_squeeze %dma_wait3A_573 : memref<1x1x32x128xf32, #tpu.memory_space<vmem>> -> memref<32x128xf32, #tpu.memory_space<vmem>>
    %dma_wait3A_575 = arith.constant 0 : i32
    %dma_wait3A_576 = arith.constant 0 : i32
    %dma_wait3A_577 = tpu.memref_slice %arg5[%dma_wait3A_575, %dma_wait3A_576] : memref<32x1000000xf32, #tpu.memory_space<hbm>> -> memref<32x128xf32, #tpu.memory_space<hbm>>
    tpu.wait_dma2 semaphore(%dma_wait3A_570 : memref<!tpu.dma_semaphore, #tpu.memory_space<semaphore_mem>>) src(%dma_wait3A_577 : memref<32x128xf32, #tpu.memory_space<hbm>>) dst(%dma_wait3A_574 : memref<32x128xf32, #tpu.memory_space<vmem>>)
    %dma_wait3A_578 = arith.constant 0 : i32
    %dma_wait3A_579 = arith.constant 2 : i32
    %dma_wait3A_580 = arith.constant 0 : i32
    %dma_wait3A_581 = arith.constant 0 : i32
    %dma_wait3A_582 = arith.constant 0 : i32
    %dma_wait3A_583 = tpu.memref_slice %arg11[%dma_wait3A_578, %dma_wait3A_579, %dma_wait3A_581, %dma_wait3A_582] : memref<2x4x32x128xf32, #tpu.memory_space<vmem>> -> memref<1x1x32x128xf32, #tpu.memory_space<vmem>>
    %dma_wait3A_584 = tpu.memref_squeeze %dma_wait3A_583 : memref<1x1x32x128xf32, #tpu.memory_space<vmem>> -> memref<32x128xf32, #tpu.memory_space<vmem>>
    %dma_wait3A_585 = arith.constant 0 : i32
    %dma_wait3A_586 = arith.constant 0 : i32
    %dma_wait3A_587 = tpu.memref_slice %arg5[%dma_wait3A_585, %dma_wait3A_586] : memref<32x1000000xf32, #tpu.memory_space<hbm>> -> memref<32x128xf32, #tpu.memory_space<hbm>>
    %dma_wait3A_588 = tpu.memref_slice %arg15[%dma_wait3A_580] : memref<2x!tpu.dma_semaphore, #tpu.memory_space<semaphore_mem>> -> memref<1x!tpu.dma_semaphore, #tpu.memory_space<semaphore_mem>>
    %dma_wait3A_589 = tpu.memref_squeeze %dma_wait3A_588 : memref<1x!tpu.dma_semaphore, #tpu.memory_space<semaphore_mem>> -> memref<!tpu.dma_semaphore, #tpu.memory_space<semaphore_mem>>
    %dma_wait3A_590 = arith.constant 0 : i32
    %dma_wait3A_591 = arith.constant 0 : i32
    %dma_wait3A_592 = tpu.memref_slice %arg11[%dma_wait3A_578, %dma_wait3A_579, %dma_wait3A_590, %dma_wait3A_591] : memref<2x4x32x128xf32, #tpu.memory_space<vmem>> -> memref<1x1x32x128xf32, #tpu.memory_space<vmem>>
    %dma_wait3A_593 = tpu.memref_squeeze %dma_wait3A_592 : memref<1x1x32x128xf32, #tpu.memory_space<vmem>> -> memref<32x128xf32, #tpu.memory_space<vmem>>
    %dma_wait3A_594 = arith.constant 0 : i32
    %dma_wait3A_595 = arith.constant 0 : i32
    %dma_wait3A_596 = tpu.memref_slice %arg5[%dma_wait3A_594, %dma_wait3A_595] : memref<32x1000000xf32, #tpu.memory_space<hbm>> -> memref<32x128xf32, #tpu.memory_space<hbm>>
    tpu.wait_dma2 semaphore(%dma_wait3A_589 : memref<!tpu.dma_semaphore, #tpu.memory_space<semaphore_mem>>) src(%dma_wait3A_596 : memref<32x128xf32, #tpu.memory_space<hbm>>) dst(%dma_wait3A_593 : memref<32x128xf32, #tpu.memory_space<vmem>>)
    %dma_wait3A_597 = arith.constant 0 : i32
    %dma_wait3A_598 = arith.constant 3 : i32
    %dma_wait3A_599 = arith.constant 0 : i32
    %dma_wait3A_600 = arith.constant 0 : i32
    %dma_wait3A_601 = arith.constant 0 : i32
    %dma_wait3A_602 = tpu.memref_slice %arg11[%dma_wait3A_597, %dma_wait3A_598, %dma_wait3A_600, %dma_wait3A_601] : memref<2x4x32x128xf32, #tpu.memory_space<vmem>> -> memref<1x1x32x128xf32, #tpu.memory_space<vmem>>
    %dma_wait3A_603 = tpu.memref_squeeze %dma_wait3A_602 : memref<1x1x32x128xf32, #tpu.memory_space<vmem>> -> memref<32x128xf32, #tpu.memory_space<vmem>>
    %dma_wait3A_604 = arith.constant 0 : i32
    %dma_wait3A_605 = arith.constant 0 : i32
    %dma_wait3A_606 = tpu.memref_slice %arg5[%dma_wait3A_604, %dma_wait3A_605] : memref<32x1000000xf32, #tpu.memory_space<hbm>> -> memref<32x128xf32, #tpu.memory_space<hbm>>
    %dma_wait3A_607 = tpu.memref_slice %arg15[%dma_wait3A_599] : memref<2x!tpu.dma_semaphore, #tpu.memory_space<semaphore_mem>> -> memref<1x!tpu.dma_semaphore, #tpu.memory_space<semaphore_mem>>
    %dma_wait3A_608 = tpu.memref_squeeze %dma_wait3A_607 : memref<1x!tpu.dma_semaphore, #tpu.memory_space<semaphore_mem>> -> memref<!tpu.dma_semaphore, #tpu.memory_space<semaphore_mem>>
    %dma_wait3A_609 = arith.constant 0 : i32
    %dma_wait3A_610 = arith.constant 0 : i32
    %dma_wait3A_611 = tpu.memref_slice %arg11[%dma_wait3A_597, %dma_wait3A_598, %dma_wait3A_609, %dma_wait3A_610] : memref<2x4x32x128xf32, #tpu.memory_space<vmem>> -> memref<1x1x32x128xf32, #tpu.memory_space<vmem>>
    %dma_wait3A_612 = tpu.memref_squeeze %dma_wait3A_611 : memref<1x1x32x128xf32, #tpu.memory_space<vmem>> -> memref<32x128xf32, #tpu.memory_space<vmem>>
    %dma_wait3A_613 = arith.constant 0 : i32
    %dma_wait3A_614 = arith.constant 0 : i32
    %dma_wait3A_615 = tpu.memref_slice %arg5[%dma_wait3A_613, %dma_wait3A_614] : memref<32x1000000xf32, #tpu.memory_space<hbm>> -> memref<32x128xf32, #tpu.memory_space<hbm>>
    tpu.wait_dma2 semaphore(%dma_wait3A_608 : memref<!tpu.dma_semaphore, #tpu.memory_space<semaphore_mem>>) src(%dma_wait3A_615 : memref<32x128xf32, #tpu.memory_space<hbm>>) dst(%dma_wait3A_612 : memref<32x128xf32, #tpu.memory_space<vmem>>)
    %broadcast_in_dim3A_616 = arith.constant 0 : i32
    %broadcast_in_dim3A_617 = vector.broadcast %broadcast_in_dim3A_616 : i32 to vector<16xi32>
    %broadcast_in_dim3A_618 = arith.constant 504 : i32
    %broadcast_in_dim3A_619 = vector.broadcast %broadcast_in_dim3A_618 : i32 to vector<16xi32>
    %slice3A_620 = vector.extract_strided_slice %and3A_404 {offsets = [0], sizes = [1], strides = [1]} : vector<16xi32> to vector<1xi32>
    %squeeze3A_621 = vector.extract %slice3A_620[0] : i32 from vector<1xi32>
    %broadcast_in_dim3A_622 = vector.broadcast %squeeze3A_621 : i32 to vector<16xi32>
    %broadcast_in_dim3A_623 = arith.constant 0 : i32
    %broadcast_in_dim3A_624 = vector.broadcast %broadcast_in_dim3A_623 : i32 to vector<16xi32>
    %gather3A_625 = tpu.vector_load_idx %arg11[%broadcast_in_dim3A_617, %broadcast_in_dim3A_624, %iota3A, %broadcast_in_dim3A_622] : memref<2x4x32x128xf32, #tpu.memory_space<vmem>>[vector<16xi32>, vector<16xi32>, vector<16xi32>, vector<16xi32>], vector<16xf32>,
    %add3A_626 = arith.constant 16 : i32
    %add3A_627 = vector.broadcast %add3A_626 : i32 to vector<16xi32>
    %add3A_628 = arith.addi %iota3A, %add3A_627 : vector<16xi32>
    %gather3A_629 = tpu.vector_load_idx %arg11[%broadcast_in_dim3A_617, %broadcast_in_dim3A_624, %add3A_628, %broadcast_in_dim3A_622] : memref<2x4x32x128xf32, #tpu.memory_space<vmem>>[vector<16xi32>, vector<16xi32>, vector<16xi32>, vector<16xi32>], vector<16xf32>,
    tpu.vector_store_idx %arg13[%iota3A, %broadcast_in_dim3A_619], %gather3A_625 : memref<32x512xf32, #tpu.memory_space<vmem>>[vector<16xi32>, vector<16xi32>], vector<16xf32>,
    %add3A_630 = arith.constant 16 : i32
    %add3A_631 = vector.broadcast %add3A_630 : i32 to vector<16xi32>
    %add3A_632 = arith.addi %iota3A, %add3A_631 : vector<16xi32>
    tpu.vector_store_idx %arg13[%add3A_632, %broadcast_in_dim3A_619], %gather3A_629 : memref<32x512xf32, #tpu.memory_space<vmem>>[vector<16xi32>, vector<16xi32>], vector<16xf32>,
    %broadcast_in_dim3A_633 = arith.constant 505 : i32
    %broadcast_in_dim3A_634 = vector.broadcast %broadcast_in_dim3A_633 : i32 to vector<16xi32>
    %slice3A_635 = vector.extract_strided_slice %and3A_404 {offsets = [1], sizes = [1], strides = [1]} : vector<16xi32> to vector<1xi32>
    %squeeze3A_636 = vector.extract %slice3A_635[0] : i32 from vector<1xi32>
    %broadcast_in_dim3A_637 = vector.broadcast %squeeze3A_636 : i32 to vector<16xi32>
    %broadcast_in_dim3A_638 = arith.constant 1 : i32
    %broadcast_in_dim3A_639 = vector.broadcast %broadcast_in_dim3A_638 : i32 to vector<16xi32>
    %gather3A_640 = tpu.vector_load_idx %arg11[%broadcast_in_dim3A_617, %broadcast_in_dim3A_639, %iota3A, %broadcast_in_dim3A_637] : memref<2x4x32x128xf32, #tpu.memory_space<vmem>>[vector<16xi32>, vector<16xi32>, vector<16xi32>, vector<16xi32>], vector<16xf32>,
    %add3A_641 = arith.constant 16 : i32
    %add3A_642 = vector.broadcast %add3A_641 : i32 to vector<16xi32>
    %add3A_643 = arith.addi %iota3A, %add3A_642 : vector<16xi32>
    %gather3A_644 = tpu.vector_load_idx %arg11[%broadcast_in_dim3A_617, %broadcast_in_dim3A_639, %add3A_643, %broadcast_in_dim3A_637] : memref<2x4x32x128xf32, #tpu.memory_space<vmem>>[vector<16xi32>, vector<16xi32>, vector<16xi32>, vector<16xi32>], vector<16xf32>,
    tpu.vector_store_idx %arg13[%iota3A, %broadcast_in_dim3A_634], %gather3A_640 : memref<32x512xf32, #tpu.memory_space<vmem>>[vector<16xi32>, vector<16xi32>], vector<16xf32>,
    %add3A_645 = arith.constant 16 : i32
    %add3A_646 = vector.broadcast %add3A_645 : i32 to vector<16xi32>
    %add3A_647 = arith.addi %iota3A, %add3A_646 : vector<16xi32>
    tpu.vector_store_idx %arg13[%add3A_647, %broadcast_in_dim3A_634], %gather3A_644 : memref<32x512xf32, #tpu.memory_space<vmem>>[vector<16xi32>, vector<16xi32>], vector<16xf32>,
    %broadcast_in_dim3A_648 = arith.constant 506 : i32
    %broadcast_in_dim3A_649 = vector.broadcast %broadcast_in_dim3A_648 : i32 to vector<16xi32>
    %slice3A_650 = vector.extract_strided_slice %and3A_404 {offsets = [2], sizes = [1], strides = [1]} : vector<16xi32> to vector<1xi32>
    %squeeze3A_651 = vector.extract %slice3A_650[0] : i32 from vector<1xi32>
    %broadcast_in_dim3A_652 = vector.broadcast %squeeze3A_651 : i32 to vector<16xi32>
    %broadcast_in_dim3A_653 = arith.constant 2 : i32
    %broadcast_in_dim3A_654 = vector.broadcast %broadcast_in_dim3A_653 : i32 to vector<16xi32>
    %gather3A_655 = tpu.vector_load_idx %arg11[%broadcast_in_dim3A_617, %broadcast_in_dim3A_654, %iota3A, %broadcast_in_dim3A_652] : memref<2x4x32x128xf32, #tpu.memory_space<vmem>>[vector<16xi32>, vector<16xi32>, vector<16xi32>, vector<16xi32>], vector<16xf32>,
    %add3A_656 = arith.constant 16 : i32
    %add3A_657 = vector.broadcast %add3A_656 : i32 to vector<16xi32>
    %add3A_658 = arith.addi %iota3A, %add3A_657 : vector<16xi32>
    %gather3A_659 = tpu.vector_load_idx %arg11[%broadcast_in_dim3A_617, %broadcast_in_dim3A_654, %add3A_658, %broadcast_in_dim3A_652] : memref<2x4x32x128xf32, #tpu.memory_space<vmem>>[vector<16xi32>, vector<16xi32>, vector<16xi32>, vector<16xi32>], vector<16xf32>,
    tpu.vector_store_idx %arg13[%iota3A, %broadcast_in_dim3A_649], %gather3A_655 : memref<32x512xf32, #tpu.memory_space<vmem>>[vector<16xi32>, vector<16xi32>], vector<16xf32>,
    %add3A_660 = arith.constant 16 : i32
    %add3A_661 = vector.broadcast %add3A_660 : i32 to vector<16xi32>
    %add3A_662 = arith.addi %iota3A, %add3A_661 : vector<16xi32>
    tpu.vector_store_idx %arg13[%add3A_662, %broadcast_in_dim3A_649], %gather3A_659 : memref<32x512xf32, #tpu.memory_space<vmem>>[vector<16xi32>, vector<16xi32>], vector<16xf32>,
    %broadcast_in_dim3A_663 = arith.constant 507 : i32
    %broadcast_in_dim3A_664 = vector.broadcast %broadcast_in_dim3A_663 : i32 to vector<16xi32>
    %slice3A_665 = vector.extract_strided_slice %and3A_404 {offsets = [3], sizes = [1], strides = [1]} : vector<16xi32> to vector<1xi32>
    %squeeze3A_666 = vector.extract %slice3A_665[0] : i32 from vector<1xi32>
    %broadcast_in_dim3A_667 = vector.broadcast %squeeze3A_666 : i32 to vector<16xi32>
    %broadcast_in_dim3A_668 = arith.constant 3 : i32
    %broadcast_in_dim3A_669 = vector.broadcast %broadcast_in_dim3A_668 : i32 to vector<16xi32>
    %gather3A_670 = tpu.vector_load_idx %arg11[%broadcast_in_dim3A_617, %broadcast_in_dim3A_669, %iota3A, %broadcast_in_dim3A_667] : memref<2x4x32x128xf32, #tpu.memory_space<vmem>>[vector<16xi32>, vector<16xi32>, vector<16xi32>, vector<16xi32>], vector<16xf32>,
    %add3A_671 = arith.constant 16 : i32
    %add3A_672 = vector.broadcast %add3A_671 : i32 to vector<16xi32>
    %add3A_673 = arith.addi %iota3A, %add3A_672 : vector<16xi32>
    %gather3A_674 = tpu.vector_load_idx %arg11[%broadcast_in_dim3A_617, %broadcast_in_dim3A_669, %add3A_673, %broadcast_in_dim3A_667] : memref<2x4x32x128xf32, #tpu.memory_space<vmem>>[vector<16xi32>, vector<16xi32>, vector<16xi32>, vector<16xi32>], vector<16xf32>,
    tpu.vector_store_idx %arg13[%iota3A, %broadcast_in_dim3A_664], %gather3A_670 : memref<32x512xf32, #tpu.memory_space<vmem>>[vector<16xi32>, vector<16xi32>], vector<16xf32>,
    %add3A_675 = arith.constant 16 : i32
    %add3A_676 = vector.broadcast %add3A_675 : i32 to vector<16xi32>
    %add3A_677 = arith.addi %iota3A, %add3A_676 : vector<16xi32>
    tpu.vector_store_idx %arg13[%add3A_677, %broadcast_in_dim3A_664], %gather3A_674 : memref<32x512xf32, #tpu.memory_space<vmem>>[vector<16xi32>, vector<16xi32>], vector<16xf32>,
    %get3A_678 = arith.constant 508 : index
    %get3A_679 = tpu.vector_load %arg8[%get3A_678] {strides = array<i32>} : memref<528xi32, #tpu.memory_space<vmem>>, vector<16xi32>,
    %get3A_680 = arith.constant 508 : index
    %get3A_681 = tpu.vector_load %arg9[%get3A_680] {strides = array<i32>} : memref<528xi32, #tpu.memory_space<vmem>>, vector<16xi32>,
    %and3A_682 = arith.constant 127 : i32
    %and3A_683 = vector.broadcast %and3A_682 : i32 to vector<16xi32>
    %and3A_684 = arith.andi %get3A_679, %and3A_683 : vector<16xi32>
    %and3A_685 = arith.constant 127 : i32
    %and3A_686 = vector.broadcast %and3A_685 : i32 to vector<16xi32>
    %and3A_687 = arith.andi %get3A_681, %and3A_686 : vector<16xi32>
    %dma_wait3A_688 = arith.constant 1 : i32
    %dma_wait3A_689 = arith.constant 0 : i32
    %dma_wait3A_690 = arith.constant 1 : i32
    %dma_wait3A_691 = arith.constant 0 : i32
    %dma_wait3A_692 = arith.constant 0 : i32
    %dma_wait3A_693 = tpu.memref_slice %arg10[%dma_wait3A_688, %dma_wait3A_689, %dma_wait3A_691, %dma_wait3A_692] : memref<2x4x32x128xf32, #tpu.memory_space<vmem>> -> memref<1x1x32x128xf32, #tpu.memory_space<vmem>>
    %dma_wait3A_694 = tpu.memref_squeeze %dma_wait3A_693 : memref<1x1x32x128xf32, #tpu.memory_space<vmem>> -> memref<32x128xf32, #tpu.memory_space<vmem>>
    %dma_wait3A_695 = arith.constant 0 : i32
    %dma_wait3A_696 = arith.constant 0 : i32
    %dma_wait3A_697 = tpu.memref_slice %arg4[%dma_wait3A_695, %dma_wait3A_696] : memref<32x1000000xf32, #tpu.memory_space<hbm>> -> memref<32x128xf32, #tpu.memory_space<hbm>>
    %dma_wait3A_698 = tpu.memref_slice %arg14[%dma_wait3A_690] : memref<2x!tpu.dma_semaphore, #tpu.memory_space<semaphore_mem>> -> memref<1x!tpu.dma_semaphore, #tpu.memory_space<semaphore_mem>>
    %dma_wait3A_699 = tpu.memref_squeeze %dma_wait3A_698 : memref<1x!tpu.dma_semaphore, #tpu.memory_space<semaphore_mem>> -> memref<!tpu.dma_semaphore, #tpu.memory_space<semaphore_mem>>
    %dma_wait3A_700 = arith.constant 0 : i32
    %dma_wait3A_701 = arith.constant 0 : i32
    %dma_wait3A_702 = tpu.memref_slice %arg10[%dma_wait3A_688, %dma_wait3A_689, %dma_wait3A_700, %dma_wait3A_701] : memref<2x4x32x128xf32, #tpu.memory_space<vmem>> -> memref<1x1x32x128xf32, #tpu.memory_space<vmem>>
    %dma_wait3A_703 = tpu.memref_squeeze %dma_wait3A_702 : memref<1x1x32x128xf32, #tpu.memory_space<vmem>> -> memref<32x128xf32, #tpu.memory_space<vmem>>
    %dma_wait3A_704 = arith.constant 0 : i32
    %dma_wait3A_705 = arith.constant 0 : i32
    %dma_wait3A_706 = tpu.memref_slice %arg4[%dma_wait3A_704, %dma_wait3A_705] : memref<32x1000000xf32, #tpu.memory_space<hbm>> -> memref<32x128xf32, #tpu.memory_space<hbm>>
    tpu.wait_dma2 semaphore(%dma_wait3A_699 : memref<!tpu.dma_semaphore, #tpu.memory_space<semaphore_mem>>) src(%dma_wait3A_706 : memref<32x128xf32, #tpu.memory_space<hbm>>) dst(%dma_wait3A_703 : memref<32x128xf32, #tpu.memory_space<vmem>>)
    %dma_wait3A_707 = arith.constant 1 : i32
    %dma_wait3A_708 = arith.constant 1 : i32
    %dma_wait3A_709 = arith.constant 1 : i32
    %dma_wait3A_710 = arith.constant 0 : i32
    %dma_wait3A_711 = arith.constant 0 : i32
    %dma_wait3A_712 = tpu.memref_slice %arg10[%dma_wait3A_707, %dma_wait3A_708, %dma_wait3A_710, %dma_wait3A_711] : memref<2x4x32x128xf32, #tpu.memory_space<vmem>> -> memref<1x1x32x128xf32, #tpu.memory_space<vmem>>
    %dma_wait3A_713 = tpu.memref_squeeze %dma_wait3A_712 : memref<1x1x32x128xf32, #tpu.memory_space<vmem>> -> memref<32x128xf32, #tpu.memory_space<vmem>>
    %dma_wait3A_714 = arith.constant 0 : i32
    %dma_wait3A_715 = arith.constant 0 : i32
    %dma_wait3A_716 = tpu.memref_slice %arg4[%dma_wait3A_714, %dma_wait3A_715] : memref<32x1000000xf32, #tpu.memory_space<hbm>> -> memref<32x128xf32, #tpu.memory_space<hbm>>
    %dma_wait3A_717 = tpu.memref_slice %arg14[%dma_wait3A_709] : memref<2x!tpu.dma_semaphore, #tpu.memory_space<semaphore_mem>> -> memref<1x!tpu.dma_semaphore, #tpu.memory_space<semaphore_mem>>
    %dma_wait3A_718 = tpu.memref_squeeze %dma_wait3A_717 : memref<1x!tpu.dma_semaphore, #tpu.memory_space<semaphore_mem>> -> memref<!tpu.dma_semaphore, #tpu.memory_space<semaphore_mem>>
    %dma_wait3A_719 = arith.constant 0 : i32
    %dma_wait3A_720 = arith.constant 0 : i32
    %dma_wait3A_721 = tpu.memref_slice %arg10[%dma_wait3A_707, %dma_wait3A_708, %dma_wait3A_719, %dma_wait3A_720] : memref<2x4x32x128xf32, #tpu.memory_space<vmem>> -> memref<1x1x32x128xf32, #tpu.memory_space<vmem>>
    %dma_wait3A_722 = tpu.memref_squeeze %dma_wait3A_721 : memref<1x1x32x128xf32, #tpu.memory_space<vmem>> -> memref<32x128xf32, #tpu.memory_space<vmem>>
    %dma_wait3A_723 = arith.constant 0 : i32
    %dma_wait3A_724 = arith.constant 0 : i32
    %dma_wait3A_725 = tpu.memref_slice %arg4[%dma_wait3A_723, %dma_wait3A_724] : memref<32x1000000xf32, #tpu.memory_space<hbm>> -> memref<32x128xf32, #tpu.memory_space<hbm>>
    tpu.wait_dma2 semaphore(%dma_wait3A_718 : memref<!tpu.dma_semaphore, #tpu.memory_space<semaphore_mem>>) src(%dma_wait3A_725 : memref<32x128xf32, #tpu.memory_space<hbm>>) dst(%dma_wait3A_722 : memref<32x128xf32, #tpu.memory_space<vmem>>)
    %dma_wait3A_726 = arith.constant 1 : i32
    %dma_wait3A_727 = arith.constant 2 : i32
    %dma_wait3A_728 = arith.constant 1 : i32
    %dma_wait3A_729 = arith.constant 0 : i32
    %dma_wait3A_730 = arith.constant 0 : i32
    %dma_wait3A_731 = tpu.memref_slice %arg10[%dma_wait3A_726, %dma_wait3A_727, %dma_wait3A_729, %dma_wait3A_730] : memref<2x4x32x128xf32, #tpu.memory_space<vmem>> -> memref<1x1x32x128xf32, #tpu.memory_space<vmem>>
    %dma_wait3A_732 = tpu.memref_squeeze %dma_wait3A_731 : memref<1x1x32x128xf32, #tpu.memory_space<vmem>> -> memref<32x128xf32, #tpu.memory_space<vmem>>
    %dma_wait3A_733 = arith.constant 0 : i32
    %dma_wait3A_734 = arith.constant 0 : i32
    %dma_wait3A_735 = tpu.memref_slice %arg4[%dma_wait3A_733, %dma_wait3A_734] : memref<32x1000000xf32, #tpu.memory_space<hbm>> -> memref<32x128xf32, #tpu.memory_space<hbm>>
    %dma_wait3A_736 = tpu.memref_slice %arg14[%dma_wait3A_728] : memref<2x!tpu.dma_semaphore, #tpu.memory_space<semaphore_mem>> -> memref<1x!tpu.dma_semaphore, #tpu.memory_space<semaphore_mem>>
    %dma_wait3A_737 = tpu.memref_squeeze %dma_wait3A_736 : memref<1x!tpu.dma_semaphore, #tpu.memory_space<semaphore_mem>> -> memref<!tpu.dma_semaphore, #tpu.memory_space<semaphore_mem>>
    %dma_wait3A_738 = arith.constant 0 : i32
    %dma_wait3A_739 = arith.constant 0 : i32
    %dma_wait3A_740 = tpu.memref_slice %arg10[%dma_wait3A_726, %dma_wait3A_727, %dma_wait3A_738, %dma_wait3A_739] : memref<2x4x32x128xf32, #tpu.memory_space<vmem>> -> memref<1x1x32x128xf32, #tpu.memory_space<vmem>>
    %dma_wait3A_741 = tpu.memref_squeeze %dma_wait3A_740 : memref<1x1x32x128xf32, #tpu.memory_space<vmem>> -> memref<32x128xf32, #tpu.memory_space<vmem>>
    %dma_wait3A_742 = arith.constant 0 : i32
    %dma_wait3A_743 = arith.constant 0 : i32
    %dma_wait3A_744 = tpu.memref_slice %arg4[%dma_wait3A_742, %dma_wait3A_743] : memref<32x1000000xf32, #tpu.memory_space<hbm>> -> memref<32x128xf32, #tpu.memory_space<hbm>>
    tpu.wait_dma2 semaphore(%dma_wait3A_737 : memref<!tpu.dma_semaphore, #tpu.memory_space<semaphore_mem>>) src(%dma_wait3A_744 : memref<32x128xf32, #tpu.memory_space<hbm>>) dst(%dma_wait3A_741 : memref<32x128xf32, #tpu.memory_space<vmem>>)
    %dma_wait3A_745 = arith.constant 1 : i32
    %dma_wait3A_746 = arith.constant 3 : i32
    %dma_wait3A_747 = arith.constant 1 : i32
    %dma_wait3A_748 = arith.constant 0 : i32
    %dma_wait3A_749 = arith.constant 0 : i32
    %dma_wait3A_750 = tpu.memref_slice %arg10[%dma_wait3A_745, %dma_wait3A_746, %dma_wait3A_748, %dma_wait3A_749] : memref<2x4x32x128xf32, #tpu.memory_space<vmem>> -> memref<1x1x32x128xf32, #tpu.memory_space<vmem>>
    %dma_wait3A_751 = tpu.memref_squeeze %dma_wait3A_750 : memref<1x1x32x128xf32, #tpu.memory_space<vmem>> -> memref<32x128xf32, #tpu.memory_space<vmem>>
    %dma_wait3A_752 = arith.constant 0 : i32
    %dma_wait3A_753 = arith.constant 0 : i32
    %dma_wait3A_754 = tpu.memref_slice %arg4[%dma_wait3A_752, %dma_wait3A_753] : memref<32x1000000xf32, #tpu.memory_space<hbm>> -> memref<32x128xf32, #tpu.memory_space<hbm>>
    %dma_wait3A_755 = tpu.memref_slice %arg14[%dma_wait3A_747] : memref<2x!tpu.dma_semaphore, #tpu.memory_space<semaphore_mem>> -> memref<1x!tpu.dma_semaphore, #tpu.memory_space<semaphore_mem>>
    %dma_wait3A_756 = tpu.memref_squeeze %dma_wait3A_755 : memref<1x!tpu.dma_semaphore, #tpu.memory_space<semaphore_mem>> -> memref<!tpu.dma_semaphore, #tpu.memory_space<semaphore_mem>>
    %dma_wait3A_757 = arith.constant 0 : i32
    %dma_wait3A_758 = arith.constant 0 : i32
    %dma_wait3A_759 = tpu.memref_slice %arg10[%dma_wait3A_745, %dma_wait3A_746, %dma_wait3A_757, %dma_wait3A_758] : memref<2x4x32x128xf32, #tpu.memory_space<vmem>> -> memref<1x1x32x128xf32, #tpu.memory_space<vmem>>
    %dma_wait3A_760 = tpu.memref_squeeze %dma_wait3A_759 : memref<1x1x32x128xf32, #tpu.memory_space<vmem>> -> memref<32x128xf32, #tpu.memory_space<vmem>>
    %dma_wait3A_761 = arith.constant 0 : i32
    %dma_wait3A_762 = arith.constant 0 : i32
    %dma_wait3A_763 = tpu.memref_slice %arg4[%dma_wait3A_761, %dma_wait3A_762] : memref<32x1000000xf32, #tpu.memory_space<hbm>> -> memref<32x128xf32, #tpu.memory_space<hbm>>
    tpu.wait_dma2 semaphore(%dma_wait3A_756 : memref<!tpu.dma_semaphore, #tpu.memory_space<semaphore_mem>>) src(%dma_wait3A_763 : memref<32x128xf32, #tpu.memory_space<hbm>>) dst(%dma_wait3A_760 : memref<32x128xf32, #tpu.memory_space<vmem>>)
    %broadcast_in_dim3A_764 = arith.constant 1 : i32
    %broadcast_in_dim3A_765 = vector.broadcast %broadcast_in_dim3A_764 : i32 to vector<16xi32>
    %broadcast_in_dim3A_766 = arith.constant 508 : i32
    %broadcast_in_dim3A_767 = vector.broadcast %broadcast_in_dim3A_766 : i32 to vector<16xi32>
    %slice3A_768 = vector.extract_strided_slice %and3A_684 {offsets = [0], sizes = [1], strides = [1]} : vector<16xi32> to vector<1xi32>
    %squeeze3A_769 = vector.extract %slice3A_768[0] : i32 from vector<1xi32>
    %broadcast_in_dim3A_770 = vector.broadcast %squeeze3A_769 : i32 to vector<16xi32>
    %broadcast_in_dim3A_771 = arith.constant 0 : i32
    %broadcast_in_dim3A_772 = vector.broadcast %broadcast_in_dim3A_771 : i32 to vector<16xi32>
    %gather3A_773 = tpu.vector_load_idx %arg10[%broadcast_in_dim3A_765, %broadcast_in_dim3A_772, %iota3A, %broadcast_in_dim3A_770] : memref<2x4x32x128xf32, #tpu.memory_space<vmem>>[vector<16xi32>, vector<16xi32>, vector<16xi32>, vector<16xi32>], vector<16xf32>,
    %add3A_774 = arith.constant 16 : i32
    %add3A_775 = vector.broadcast %add3A_774 : i32 to vector<16xi32>
    %add3A_776 = arith.addi %iota3A, %add3A_775 : vector<16xi32>
    %gather3A_777 = tpu.vector_load_idx %arg10[%broadcast_in_dim3A_765, %broadcast_in_dim3A_772, %add3A_776, %broadcast_in_dim3A_770] : memref<2x4x32x128xf32, #tpu.memory_space<vmem>>[vector<16xi32>, vector<16xi32>, vector<16xi32>, vector<16xi32>], vector<16xf32>,
    tpu.vector_store_idx %arg12[%iota3A, %broadcast_in_dim3A_767], %gather3A_773 : memref<32x512xf32, #tpu.memory_space<vmem>>[vector<16xi32>, vector<16xi32>], vector<16xf32>,
    %add3A_778 = arith.constant 16 : i32
    %add3A_779 = vector.broadcast %add3A_778 : i32 to vector<16xi32>
    %add3A_780 = arith.addi %iota3A, %add3A_779 : vector<16xi32>
    tpu.vector_store_idx %arg12[%add3A_780, %broadcast_in_dim3A_767], %gather3A_777 : memref<32x512xf32, #tpu.memory_space<vmem>>[vector<16xi32>, vector<16xi32>], vector<16xf32>,
    %broadcast_in_dim3A_781 = arith.constant 509 : i32
    %broadcast_in_dim3A_782 = vector.broadcast %broadcast_in_dim3A_781 : i32 to vector<16xi32>
    %slice3A_783 = vector.extract_strided_slice %and3A_684 {offsets = [1], sizes = [1], strides = [1]} : vector<16xi32> to vector<1xi32>
    %squeeze3A_784 = vector.extract %slice3A_783[0] : i32 from vector<1xi32>
    %broadcast_in_dim3A_785 = vector.broadcast %squeeze3A_784 : i32 to vector<16xi32>
    %broadcast_in_dim3A_786 = arith.constant 1 : i32
    %broadcast_in_dim3A_787 = vector.broadcast %broadcast_in_dim3A_786 : i32 to vector<16xi32>
    %gather3A_788 = tpu.vector_load_idx %arg10[%broadcast_in_dim3A_765, %broadcast_in_dim3A_787, %iota3A, %broadcast_in_dim3A_785] : memref<2x4x32x128xf32, #tpu.memory_space<vmem>>[vector<16xi32>, vector<16xi32>, vector<16xi32>, vector<16xi32>], vector<16xf32>,
    %add3A_789 = arith.constant 16 : i32
    %add3A_790 = vector.broadcast %add3A_789 : i32 to vector<16xi32>
    %add3A_791 = arith.addi %iota3A, %add3A_790 : vector<16xi32>
    %gather3A_792 = tpu.vector_load_idx %arg10[%broadcast_in_dim3A_765, %broadcast_in_dim3A_787, %add3A_791, %broadcast_in_dim3A_785] : memref<2x4x32x128xf32, #tpu.memory_space<vmem>>[vector<16xi32>, vector<16xi32>, vector<16xi32>, vector<16xi32>], vector<16xf32>,
    tpu.vector_store_idx %arg12[%iota3A, %broadcast_in_dim3A_782], %gather3A_788 : memref<32x512xf32, #tpu.memory_space<vmem>>[vector<16xi32>, vector<16xi32>], vector<16xf32>,
    %add3A_793 = arith.constant 16 : i32
    %add3A_794 = vector.broadcast %add3A_793 : i32 to vector<16xi32>
    %add3A_795 = arith.addi %iota3A, %add3A_794 : vector<16xi32>
    tpu.vector_store_idx %arg12[%add3A_795, %broadcast_in_dim3A_782], %gather3A_792 : memref<32x512xf32, #tpu.memory_space<vmem>>[vector<16xi32>, vector<16xi32>], vector<16xf32>,
    %broadcast_in_dim3A_796 = arith.constant 510 : i32
    %broadcast_in_dim3A_797 = vector.broadcast %broadcast_in_dim3A_796 : i32 to vector<16xi32>
    %slice3A_798 = vector.extract_strided_slice %and3A_684 {offsets = [2], sizes = [1], strides = [1]} : vector<16xi32> to vector<1xi32>
    %squeeze3A_799 = vector.extract %slice3A_798[0] : i32 from vector<1xi32>
    %broadcast_in_dim3A_800 = vector.broadcast %squeeze3A_799 : i32 to vector<16xi32>
    %broadcast_in_dim3A_801 = arith.constant 2 : i32
    %broadcast_in_dim3A_802 = vector.broadcast %broadcast_in_dim3A_801 : i32 to vector<16xi32>
    %gather3A_803 = tpu.vector_load_idx %arg10[%broadcast_in_dim3A_765, %broadcast_in_dim3A_802, %iota3A, %broadcast_in_dim3A_800] : memref<2x4x32x128xf32, #tpu.memory_space<vmem>>[vector<16xi32>, vector<16xi32>, vector<16xi32>, vector<16xi32>], vector<16xf32>,
    %add3A_804 = arith.constant 16 : i32
    %add3A_805 = vector.broadcast %add3A_804 : i32 to vector<16xi32>
    %add3A_806 = arith.addi %iota3A, %add3A_805 : vector<16xi32>
    %gather3A_807 = tpu.vector_load_idx %arg10[%broadcast_in_dim3A_765, %broadcast_in_dim3A_802, %add3A_806, %broadcast_in_dim3A_800] : memref<2x4x32x128xf32, #tpu.memory_space<vmem>>[vector<16xi32>, vector<16xi32>, vector<16xi32>, vector<16xi32>], vector<16xf32>,
    tpu.vector_store_idx %arg12[%iota3A, %broadcast_in_dim3A_797], %gather3A_803 : memref<32x512xf32, #tpu.memory_space<vmem>>[vector<16xi32>, vector<16xi32>], vector<16xf32>,
    %add3A_808 = arith.constant 16 : i32
    %add3A_809 = vector.broadcast %add3A_808 : i32 to vector<16xi32>
    %add3A_810 = arith.addi %iota3A, %add3A_809 : vector<16xi32>
    tpu.vector_store_idx %arg12[%add3A_810, %broadcast_in_dim3A_797], %gather3A_807 : memref<32x512xf32, #tpu.memory_space<vmem>>[vector<16xi32>, vector<16xi32>], vector<16xf32>,
    %broadcast_in_dim3A_811 = arith.constant 511 : i32
    %broadcast_in_dim3A_812 = vector.broadcast %broadcast_in_dim3A_811 : i32 to vector<16xi32>
    %slice3A_813 = vector.extract_strided_slice %and3A_684 {offsets = [3], sizes = [1], strides = [1]} : vector<16xi32> to vector<1xi32>
    %squeeze3A_814 = vector.extract %slice3A_813[0] : i32 from vector<1xi32>
    %broadcast_in_dim3A_815 = vector.broadcast %squeeze3A_814 : i32 to vector<16xi32>
    %broadcast_in_dim3A_816 = arith.constant 3 : i32
    %broadcast_in_dim3A_817 = vector.broadcast %broadcast_in_dim3A_816 : i32 to vector<16xi32>
    %gather3A_818 = tpu.vector_load_idx %arg10[%broadcast_in_dim3A_765, %broadcast_in_dim3A_817, %iota3A, %broadcast_in_dim3A_815] : memref<2x4x32x128xf32, #tpu.memory_space<vmem>>[vector<16xi32>, vector<16xi32>, vector<16xi32>, vector<16xi32>], vector<16xf32>,
    %add3A_819 = arith.constant 16 : i32
    %add3A_820 = vector.broadcast %add3A_819 : i32 to vector<16xi32>
    %add3A_821 = arith.addi %iota3A, %add3A_820 : vector<16xi32>
    %gather3A_822 = tpu.vector_load_idx %arg10[%broadcast_in_dim3A_765, %broadcast_in_dim3A_817, %add3A_821, %broadcast_in_dim3A_815] : memref<2x4x32x128xf32, #tpu.memory_space<vmem>>[vector<16xi32>, vector<16xi32>, vector<16xi32>, vector<16xi32>], vector<16xf32>,
    tpu.vector_store_idx %arg12[%iota3A, %broadcast_in_dim3A_812], %gather3A_818 : memref<32x512xf32, #tpu.memory_space<vmem>>[vector<16xi32>, vector<16xi32>], vector<16xf32>,
    %add3A_823 = arith.constant 16 : i32
    %add3A_824 = vector.broadcast %add3A_823 : i32 to vector<16xi32>
    %add3A_825 = arith.addi %iota3A, %add3A_824 : vector<16xi32>
    tpu.vector_store_idx %arg12[%add3A_825, %broadcast_in_dim3A_812], %gather3A_822 : memref<32x512xf32, #tpu.memory_space<vmem>>[vector<16xi32>, vector<16xi32>], vector<16xf32>,
    %dma_wait3A_826 = arith.constant 1 : i32
    %dma_wait3A_827 = arith.constant 0 : i32
    %dma_wait3A_828 = arith.constant 1 : i32
    %dma_wait3A_829 = arith.constant 0 : i32
    %dma_wait3A_830 = arith.constant 0 : i32
    %dma_wait3A_831 = tpu.memref_slice %arg11[%dma_wait3A_826, %dma_wait3A_827, %dma_wait3A_829, %dma_wait3A_830] : memref<2x4x32x128xf32, #tpu.memory_space<vmem>> -> memref<1x1x32x128xf32, #tpu.memory_space<vmem>>
    %dma_wait3A_832 = tpu.memref_squeeze %dma_wait3A_831 : memref<1x1x32x128xf32, #tpu.memory_space<vmem>> -> memref<32x128xf32, #tpu.memory_space<vmem>>
    %dma_wait3A_833 = arith.constant 0 : i32
    %dma_wait3A_834 = arith.constant 0 : i32
    %dma_wait3A_835 = tpu.memref_slice %arg5[%dma_wait3A_833, %dma_wait3A_834] : memref<32x1000000xf32, #tpu.memory_space<hbm>> -> memref<32x128xf32, #tpu.memory_space<hbm>>
    %dma_wait3A_836 = tpu.memref_slice %arg15[%dma_wait3A_828] : memref<2x!tpu.dma_semaphore, #tpu.memory_space<semaphore_mem>> -> memref<1x!tpu.dma_semaphore, #tpu.memory_space<semaphore_mem>>
    %dma_wait3A_837 = tpu.memref_squeeze %dma_wait3A_836 : memref<1x!tpu.dma_semaphore, #tpu.memory_space<semaphore_mem>> -> memref<!tpu.dma_semaphore, #tpu.memory_space<semaphore_mem>>
    %dma_wait3A_838 = arith.constant 0 : i32
    %dma_wait3A_839 = arith.constant 0 : i32
    %dma_wait3A_840 = tpu.memref_slice %arg11[%dma_wait3A_826, %dma_wait3A_827, %dma_wait3A_838, %dma_wait3A_839] : memref<2x4x32x128xf32, #tpu.memory_space<vmem>> -> memref<1x1x32x128xf32, #tpu.memory_space<vmem>>
    %dma_wait3A_841 = tpu.memref_squeeze %dma_wait3A_840 : memref<1x1x32x128xf32, #tpu.memory_space<vmem>> -> memref<32x128xf32, #tpu.memory_space<vmem>>
    %dma_wait3A_842 = arith.constant 0 : i32
    %dma_wait3A_843 = arith.constant 0 : i32
    %dma_wait3A_844 = tpu.memref_slice %arg5[%dma_wait3A_842, %dma_wait3A_843] : memref<32x1000000xf32, #tpu.memory_space<hbm>> -> memref<32x128xf32, #tpu.memory_space<hbm>>
    tpu.wait_dma2 semaphore(%dma_wait3A_837 : memref<!tpu.dma_semaphore, #tpu.memory_space<semaphore_mem>>) src(%dma_wait3A_844 : memref<32x128xf32, #tpu.memory_space<hbm>>) dst(%dma_wait3A_841 : memref<32x128xf32, #tpu.memory_space<vmem>>)
    %dma_wait3A_845 = arith.constant 1 : i32
    %dma_wait3A_846 = arith.constant 1 : i32
    %dma_wait3A_847 = arith.constant 1 : i32
    %dma_wait3A_848 = arith.constant 0 : i32
    %dma_wait3A_849 = arith.constant 0 : i32
    %dma_wait3A_850 = tpu.memref_slice %arg11[%dma_wait3A_845, %dma_wait3A_846, %dma_wait3A_848, %dma_wait3A_849] : memref<2x4x32x128xf32, #tpu.memory_space<vmem>> -> memref<1x1x32x128xf32, #tpu.memory_space<vmem>>
    %dma_wait3A_851 = tpu.memref_squeeze %dma_wait3A_850 : memref<1x1x32x128xf32, #tpu.memory_space<vmem>> -> memref<32x128xf32, #tpu.memory_space<vmem>>
    %dma_wait3A_852 = arith.constant 0 : i32
    %dma_wait3A_853 = arith.constant 0 : i32
    %dma_wait3A_854 = tpu.memref_slice %arg5[%dma_wait3A_852, %dma_wait3A_853] : memref<32x1000000xf32, #tpu.memory_space<hbm>> -> memref<32x128xf32, #tpu.memory_space<hbm>>
    %dma_wait3A_855 = tpu.memref_slice %arg15[%dma_wait3A_847] : memref<2x!tpu.dma_semaphore, #tpu.memory_space<semaphore_mem>> -> memref<1x!tpu.dma_semaphore, #tpu.memory_space<semaphore_mem>>
    %dma_wait3A_856 = tpu.memref_squeeze %dma_wait3A_855 : memref<1x!tpu.dma_semaphore, #tpu.memory_space<semaphore_mem>> -> memref<!tpu.dma_semaphore, #tpu.memory_space<semaphore_mem>>
    %dma_wait3A_857 = arith.constant 0 : i32
    %dma_wait3A_858 = arith.constant 0 : i32
    %dma_wait3A_859 = tpu.memref_slice %arg11[%dma_wait3A_845, %dma_wait3A_846, %dma_wait3A_857, %dma_wait3A_858] : memref<2x4x32x128xf32, #tpu.memory_space<vmem>> -> memref<1x1x32x128xf32, #tpu.memory_space<vmem>>
    %dma_wait3A_860 = tpu.memref_squeeze %dma_wait3A_859 : memref<1x1x32x128xf32, #tpu.memory_space<vmem>> -> memref<32x128xf32, #tpu.memory_space<vmem>>
    %dma_wait3A_861 = arith.constant 0 : i32
    %dma_wait3A_862 = arith.constant 0 : i32
    %dma_wait3A_863 = tpu.memref_slice %arg5[%dma_wait3A_861, %dma_wait3A_862] : memref<32x1000000xf32, #tpu.memory_space<hbm>> -> memref<32x128xf32, #tpu.memory_space<hbm>>
    tpu.wait_dma2 semaphore(%dma_wait3A_856 : memref<!tpu.dma_semaphore, #tpu.memory_space<semaphore_mem>>) src(%dma_wait3A_863 : memref<32x128xf32, #tpu.memory_space<hbm>>) dst(%dma_wait3A_860 : memref<32x128xf32, #tpu.memory_space<vmem>>)
    %dma_wait3A_864 = arith.constant 1 : i32
    %dma_wait3A_865 = arith.constant 2 : i32
    %dma_wait3A_866 = arith.constant 1 : i32
    %dma_wait3A_867 = arith.constant 0 : i32
    %dma_wait3A_868 = arith.constant 0 : i32
    %dma_wait3A_869 = tpu.memref_slice %arg11[%dma_wait3A_864, %dma_wait3A_865, %dma_wait3A_867, %dma_wait3A_868] : memref<2x4x32x128xf32, #tpu.memory_space<vmem>> -> memref<1x1x32x128xf32, #tpu.memory_space<vmem>>
    %dma_wait3A_870 = tpu.memref_squeeze %dma_wait3A_869 : memref<1x1x32x128xf32, #tpu.memory_space<vmem>> -> memref<32x128xf32, #tpu.memory_space<vmem>>
    %dma_wait3A_871 = arith.constant 0 : i32
    %dma_wait3A_872 = arith.constant 0 : i32
    %dma_wait3A_873 = tpu.memref_slice %arg5[%dma_wait3A_871, %dma_wait3A_872] : memref<32x1000000xf32, #tpu.memory_space<hbm>> -> memref<32x128xf32, #tpu.memory_space<hbm>>
    %dma_wait3A_874 = tpu.memref_slice %arg15[%dma_wait3A_866] : memref<2x!tpu.dma_semaphore, #tpu.memory_space<semaphore_mem>> -> memref<1x!tpu.dma_semaphore, #tpu.memory_space<semaphore_mem>>
    %dma_wait3A_875 = tpu.memref_squeeze %dma_wait3A_874 : memref<1x!tpu.dma_semaphore, #tpu.memory_space<semaphore_mem>> -> memref<!tpu.dma_semaphore, #tpu.memory_space<semaphore_mem>>
    %dma_wait3A_876 = arith.constant 0 : i32
    %dma_wait3A_877 = arith.constant 0 : i32
    %dma_wait3A_878 = tpu.memref_slice %arg11[%dma_wait3A_864, %dma_wait3A_865, %dma_wait3A_876, %dma_wait3A_877] : memref<2x4x32x128xf32, #tpu.memory_space<vmem>> -> memref<1x1x32x128xf32, #tpu.memory_space<vmem>>
    %dma_wait3A_879 = tpu.memref_squeeze %dma_wait3A_878 : memref<1x1x32x128xf32, #tpu.memory_space<vmem>> -> memref<32x128xf32, #tpu.memory_space<vmem>>
    %dma_wait3A_880 = arith.constant 0 : i32
    %dma_wait3A_881 = arith.constant 0 : i32
    %dma_wait3A_882 = tpu.memref_slice %arg5[%dma_wait3A_880, %dma_wait3A_881] : memref<32x1000000xf32, #tpu.memory_space<hbm>> -> memref<32x128xf32, #tpu.memory_space<hbm>>
    tpu.wait_dma2 semaphore(%dma_wait3A_875 : memref<!tpu.dma_semaphore, #tpu.memory_space<semaphore_mem>>) src(%dma_wait3A_882 : memref<32x128xf32, #tpu.memory_space<hbm>>) dst(%dma_wait3A_879 : memref<32x128xf32, #tpu.memory_space<vmem>>)
    %dma_wait3A_883 = arith.constant 1 : i32
    %dma_wait3A_884 = arith.constant 3 : i32
    %dma_wait3A_885 = arith.constant 1 : i32
    %dma_wait3A_886 = arith.constant 0 : i32
    %dma_wait3A_887 = arith.constant 0 : i32
    %dma_wait3A_888 = tpu.memref_slice %arg11[%dma_wait3A_883, %dma_wait3A_884, %dma_wait3A_886, %dma_wait3A_887] : memref<2x4x32x128xf32, #tpu.memory_space<vmem>> -> memref<1x1x32x128xf32, #tpu.memory_space<vmem>>
    %dma_wait3A_889 = tpu.memref_squeeze %dma_wait3A_888 : memref<1x1x32x128xf32, #tpu.memory_space<vmem>> -> memref<32x128xf32, #tpu.memory_space<vmem>>
    %dma_wait3A_890 = arith.constant 0 : i32
    %dma_wait3A_891 = arith.constant 0 : i32
    %dma_wait3A_892 = tpu.memref_slice %arg5[%dma_wait3A_890, %dma_wait3A_891] : memref<32x1000000xf32, #tpu.memory_space<hbm>> -> memref<32x128xf32, #tpu.memory_space<hbm>>
    %dma_wait3A_893 = tpu.memref_slice %arg15[%dma_wait3A_885] : memref<2x!tpu.dma_semaphore, #tpu.memory_space<semaphore_mem>> -> memref<1x!tpu.dma_semaphore, #tpu.memory_space<semaphore_mem>>
    %dma_wait3A_894 = tpu.memref_squeeze %dma_wait3A_893 : memref<1x!tpu.dma_semaphore, #tpu.memory_space<semaphore_mem>> -> memref<!tpu.dma_semaphore, #tpu.memory_space<semaphore_mem>>
    %dma_wait3A_895 = arith.constant 0 : i32
    %dma_wait3A_896 = arith.constant 0 : i32
    %dma_wait3A_897 = tpu.memref_slice %arg11[%dma_wait3A_883, %dma_wait3A_884, %dma_wait3A_895, %dma_wait3A_896] : memref<2x4x32x128xf32, #tpu.memory_space<vmem>> -> memref<1x1x32x128xf32, #tpu.memory_space<vmem>>
    %dma_wait3A_898 = tpu.memref_squeeze %dma_wait3A_897 : memref<1x1x32x128xf32, #tpu.memory_space<vmem>> -> memref<32x128xf32, #tpu.memory_space<vmem>>
    %dma_wait3A_899 = arith.constant 0 : i32
    %dma_wait3A_900 = arith.constant 0 : i32
    %dma_wait3A_901 = tpu.memref_slice %arg5[%dma_wait3A_899, %dma_wait3A_900] : memref<32x1000000xf32, #tpu.memory_space<hbm>> -> memref<32x128xf32, #tpu.memory_space<hbm>>
    tpu.wait_dma2 semaphore(%dma_wait3A_894 : memref<!tpu.dma_semaphore, #tpu.memory_space<semaphore_mem>>) src(%dma_wait3A_901 : memref<32x128xf32, #tpu.memory_space<hbm>>) dst(%dma_wait3A_898 : memref<32x128xf32, #tpu.memory_space<vmem>>)
    %broadcast_in_dim3A_902 = arith.constant 1 : i32
    %broadcast_in_dim3A_903 = vector.broadcast %broadcast_in_dim3A_902 : i32 to vector<16xi32>
    %broadcast_in_dim3A_904 = arith.constant 508 : i32
    %broadcast_in_dim3A_905 = vector.broadcast %broadcast_in_dim3A_904 : i32 to vector<16xi32>
    %slice3A_906 = vector.extract_strided_slice %and3A_687 {offsets = [0], sizes = [1], strides = [1]} : vector<16xi32> to vector<1xi32>
    %squeeze3A_907 = vector.extract %slice3A_906[0] : i32 from vector<1xi32>
    %broadcast_in_dim3A_908 = vector.broadcast %squeeze3A_907 : i32 to vector<16xi32>
    %broadcast_in_dim3A_909 = arith.constant 0 : i32
    %broadcast_in_dim3A_910 = vector.broadcast %broadcast_in_dim3A_909 : i32 to vector<16xi32>
    %gather3A_911 = tpu.vector_load_idx %arg11[%broadcast_in_dim3A_903, %broadcast_in_dim3A_910, %iota3A, %broadcast_in_dim3A_908] : memref<2x4x32x128xf32, #tpu.memory_space<vmem>>[vector<16xi32>, vector<16xi32>, vector<16xi32>, vector<16xi32>], vector<16xf32>,
    %add3A_912 = arith.constant 16 : i32
    %add3A_913 = vector.broadcast %add3A_912 : i32 to vector<16xi32>
    %add3A_914 = arith.addi %iota3A, %add3A_913 : vector<16xi32>
    %gather3A_915 = tpu.vector_load_idx %arg11[%broadcast_in_dim3A_903, %broadcast_in_dim3A_910, %add3A_914, %broadcast_in_dim3A_908] : memref<2x4x32x128xf32, #tpu.memory_space<vmem>>[vector<16xi32>, vector<16xi32>, vector<16xi32>, vector<16xi32>], vector<16xf32>,
    tpu.vector_store_idx %arg13[%iota3A, %broadcast_in_dim3A_905], %gather3A_911 : memref<32x512xf32, #tpu.memory_space<vmem>>[vector<16xi32>, vector<16xi32>], vector<16xf32>,
    %add3A_916 = arith.constant 16 : i32
    %add3A_917 = vector.broadcast %add3A_916 : i32 to vector<16xi32>
    %add3A_918 = arith.addi %iota3A, %add3A_917 : vector<16xi32>
    tpu.vector_store_idx %arg13[%add3A_918, %broadcast_in_dim3A_905], %gather3A_915 : memref<32x512xf32, #tpu.memory_space<vmem>>[vector<16xi32>, vector<16xi32>], vector<16xf32>,
    %broadcast_in_dim3A_919 = arith.constant 509 : i32
    %broadcast_in_dim3A_920 = vector.broadcast %broadcast_in_dim3A_919 : i32 to vector<16xi32>
    %slice3A_921 = vector.extract_strided_slice %and3A_687 {offsets = [1], sizes = [1], strides = [1]} : vector<16xi32> to vector<1xi32>
    %squeeze3A_922 = vector.extract %slice3A_921[0] : i32 from vector<1xi32>
    %broadcast_in_dim3A_923 = vector.broadcast %squeeze3A_922 : i32 to vector<16xi32>
    %broadcast_in_dim3A_924 = arith.constant 1 : i32
    %broadcast_in_dim3A_925 = vector.broadcast %broadcast_in_dim3A_924 : i32 to vector<16xi32>
    %gather3A_926 = tpu.vector_load_idx %arg11[%broadcast_in_dim3A_903, %broadcast_in_dim3A_925, %iota3A, %broadcast_in_dim3A_923] : memref<2x4x32x128xf32, #tpu.memory_space<vmem>>[vector<16xi32>, vector<16xi32>, vector<16xi32>, vector<16xi32>], vector<16xf32>,
    %add3A_927 = arith.constant 16 : i32
    %add3A_928 = vector.broadcast %add3A_927 : i32 to vector<16xi32>
    %add3A_929 = arith.addi %iota3A, %add3A_928 : vector<16xi32>
    %gather3A_930 = tpu.vector_load_idx %arg11[%broadcast_in_dim3A_903, %broadcast_in_dim3A_925, %add3A_929, %broadcast_in_dim3A_923] : memref<2x4x32x128xf32, #tpu.memory_space<vmem>>[vector<16xi32>, vector<16xi32>, vector<16xi32>, vector<16xi32>], vector<16xf32>,
    tpu.vector_store_idx %arg13[%iota3A, %broadcast_in_dim3A_920], %gather3A_926 : memref<32x512xf32, #tpu.memory_space<vmem>>[vector<16xi32>, vector<16xi32>], vector<16xf32>,
    %add3A_931 = arith.constant 16 : i32
    %add3A_932 = vector.broadcast %add3A_931 : i32 to vector<16xi32>
    %add3A_933 = arith.addi %iota3A, %add3A_932 : vector<16xi32>
    tpu.vector_store_idx %arg13[%add3A_933, %broadcast_in_dim3A_920], %gather3A_930 : memref<32x512xf32, #tpu.memory_space<vmem>>[vector<16xi32>, vector<16xi32>], vector<16xf32>,
    %broadcast_in_dim3A_934 = arith.constant 510 : i32
    %broadcast_in_dim3A_935 = vector.broadcast %broadcast_in_dim3A_934 : i32 to vector<16xi32>
    %slice3A_936 = vector.extract_strided_slice %and3A_687 {offsets = [2], sizes = [1], strides = [1]} : vector<16xi32> to vector<1xi32>
    %squeeze3A_937 = vector.extract %slice3A_936[0] : i32 from vector<1xi32>
    %broadcast_in_dim3A_938 = vector.broadcast %squeeze3A_937 : i32 to vector<16xi32>
    %broadcast_in_dim3A_939 = arith.constant 2 : i32
    %broadcast_in_dim3A_940 = vector.broadcast %broadcast_in_dim3A_939 : i32 to vector<16xi32>
    %gather3A_941 = tpu.vector_load_idx %arg11[%broadcast_in_dim3A_903, %broadcast_in_dim3A_940, %iota3A, %broadcast_in_dim3A_938] : memref<2x4x32x128xf32, #tpu.memory_space<vmem>>[vector<16xi32>, vector<16xi32>, vector<16xi32>, vector<16xi32>], vector<16xf32>,
    %add3A_942 = arith.constant 16 : i32
    %add3A_943 = vector.broadcast %add3A_942 : i32 to vector<16xi32>
    %add3A_944 = arith.addi %iota3A, %add3A_943 : vector<16xi32>
    %gather3A_945 = tpu.vector_load_idx %arg11[%broadcast_in_dim3A_903, %broadcast_in_dim3A_940, %add3A_944, %broadcast_in_dim3A_938] : memref<2x4x32x128xf32, #tpu.memory_space<vmem>>[vector<16xi32>, vector<16xi32>, vector<16xi32>, vector<16xi32>], vector<16xf32>,
    tpu.vector_store_idx %arg13[%iota3A, %broadcast_in_dim3A_935], %gather3A_941 : memref<32x512xf32, #tpu.memory_space<vmem>>[vector<16xi32>, vector<16xi32>], vector<16xf32>,
    %add3A_946 = arith.constant 16 : i32
    %add3A_947 = vector.broadcast %add3A_946 : i32 to vector<16xi32>
    %add3A_948 = arith.addi %iota3A, %add3A_947 : vector<16xi32>
    tpu.vector_store_idx %arg13[%add3A_948, %broadcast_in_dim3A_935], %gather3A_945 : memref<32x512xf32, #tpu.memory_space<vmem>>[vector<16xi32>, vector<16xi32>], vector<16xf32>,
    %broadcast_in_dim3A_949 = arith.constant 511 : i32
    %broadcast_in_dim3A_950 = vector.broadcast %broadcast_in_dim3A_949 : i32 to vector<16xi32>
    %slice3A_951 = vector.extract_strided_slice %and3A_687 {offsets = [3], sizes = [1], strides = [1]} : vector<16xi32> to vector<1xi32>
    %squeeze3A_952 = vector.extract %slice3A_951[0] : i32 from vector<1xi32>
    %broadcast_in_dim3A_953 = vector.broadcast %squeeze3A_952 : i32 to vector<16xi32>
    %broadcast_in_dim3A_954 = arith.constant 3 : i32
    %broadcast_in_dim3A_955 = vector.broadcast %broadcast_in_dim3A_954 : i32 to vector<16xi32>
    %gather3A_956 = tpu.vector_load_idx %arg11[%broadcast_in_dim3A_903, %broadcast_in_dim3A_955, %iota3A, %broadcast_in_dim3A_953] : memref<2x4x32x128xf32, #tpu.memory_space<vmem>>[vector<16xi32>, vector<16xi32>, vector<16xi32>, vector<16xi32>], vector<16xf32>,
    %add3A_957 = arith.constant 16 : i32
    %add3A_958 = vector.broadcast %add3A_957 : i32 to vector<16xi32>
    %add3A_959 = arith.addi %iota3A, %add3A_958 : vector<16xi32>
    %gather3A_960 = tpu.vector_load_idx %arg11[%broadcast_in_dim3A_903, %broadcast_in_dim3A_955, %add3A_959, %broadcast_in_dim3A_953] : memref<2x4x32x128xf32, #tpu.memory_space<vmem>>[vector<16xi32>, vector<16xi32>, vector<16xi32>, vector<16xi32>], vector<16xf32>,
    tpu.vector_store_idx %arg13[%iota3A, %broadcast_in_dim3A_950], %gather3A_956 : memref<32x512xf32, #tpu.memory_space<vmem>>[vector<16xi32>, vector<16xi32>], vector<16xf32>,
    %add3A_961 = arith.constant 16 : i32
    %add3A_962 = vector.broadcast %add3A_961 : i32 to vector<16xi32>
    %add3A_963 = arith.addi %iota3A, %add3A_962 : vector<16xi32>
    tpu.vector_store_idx %arg13[%add3A_963, %broadcast_in_dim3A_950], %gather3A_960 : memref<32x512xf32, #tpu.memory_space<vmem>>[vector<16xi32>, vector<16xi32>], vector<16xf32>,
    "tpu.region"() ({
      %run_scoped3A = tpu.sem_alloc : memref<!tpu.dma_semaphore, #tpu.memory_space<semaphore_mem>>
      %dma_start3A_964 = arith.constant 0 : i32
      %dma_start3A_965 = tpu.memref_slice %arg6[%dma_start3A_964, %multiple_of3A] : memref<32x16384xf32, #tpu.memory_space<hbm>> -> memref<32x512xf32, #tpu.memory_space<hbm>>
      %dma_start3A_966 = arith.constant 0 : i32
      %dma_start3A_967 = tpu.memref_slice %arg6[%dma_start3A_966, %multiple_of3A] : memref<32x16384xf32, #tpu.memory_space<hbm>> -> memref<32x512xf32, #tpu.memory_space<hbm>>
      tpu.enqueue_dma source(%arg12 : memref<32x512xf32, #tpu.memory_space<vmem>>) target(%dma_start3A_967 : memref<32x512xf32, #tpu.memory_space<hbm>>) target_semaphore(%run_scoped3A : memref<!tpu.dma_semaphore, #tpu.memory_space<semaphore_mem>>)
      %dma_wait3A_968 = arith.constant 0 : i32
      %dma_wait3A_969 = tpu.memref_slice %arg6[%dma_wait3A_968, %multiple_of3A] : memref<32x16384xf32, #tpu.memory_space<hbm>> -> memref<32x512xf32, #tpu.memory_space<hbm>>
      %dma_wait3A_970 = arith.constant 0 : i32
      %dma_wait3A_971 = tpu.memref_slice %arg6[%dma_wait3A_970, %multiple_of3A] : memref<32x16384xf32, #tpu.memory_space<hbm>> -> memref<32x512xf32, #tpu.memory_space<hbm>>
      tpu.wait_dma2 semaphore(%run_scoped3A : memref<!tpu.dma_semaphore, #tpu.memory_space<semaphore_mem>>) src(%arg12 : memref<32x512xf32, #tpu.memory_space<vmem>>) dst(%dma_wait3A_971 : memref<32x512xf32, #tpu.memory_space<hbm>>)
      tpu.yield
    }) : () -> ()
    "tpu.region"() ({
      %run_scoped3A = tpu.sem_alloc : memref<!tpu.dma_semaphore, #tpu.memory_space<semaphore_mem>>
      %dma_start3A_964 = arith.constant 0 : i32
      %dma_start3A_965 = tpu.memref_slice %arg7[%dma_start3A_964, %multiple_of3A] : memref<32x16384xf32, #tpu.memory_space<hbm>> -> memref<32x512xf32, #tpu.memory_space<hbm>>
      %dma_start3A_966 = arith.constant 0 : i32
      %dma_start3A_967 = tpu.memref_slice %arg7[%dma_start3A_966, %multiple_of3A] : memref<32x16384xf32, #tpu.memory_space<hbm>> -> memref<32x512xf32, #tpu.memory_space<hbm>>
      tpu.enqueue_dma source(%arg13 : memref<32x512xf32, #tpu.memory_space<vmem>>) target(%dma_start3A_967 : memref<32x512xf32, #tpu.memory_space<hbm>>) target_semaphore(%run_scoped3A : memref<!tpu.dma_semaphore, #tpu.memory_space<semaphore_mem>>)
      %dma_wait3A_968 = arith.constant 0 : i32
      %dma_wait3A_969 = tpu.memref_slice %arg7[%dma_wait3A_968, %multiple_of3A] : memref<32x16384xf32, #tpu.memory_space<hbm>> -> memref<32x512xf32, #tpu.memory_space<hbm>>
      %dma_wait3A_970 = arith.constant 0 : i32
      %dma_wait3A_971 = tpu.memref_slice %arg7[%dma_wait3A_970, %multiple_of3A] : memref<32x16384xf32, #tpu.memory_space<hbm>> -> memref<32x512xf32, #tpu.memory_space<hbm>>
      tpu.wait_dma2 semaphore(%run_scoped3A : memref<!tpu.dma_semaphore, #tpu.memory_space<semaphore_mem>>) src(%arg13 : memref<32x512xf32, #tpu.memory_space<vmem>>) dst(%dma_wait3A_971 : memref<32x512xf32, #tpu.memory_space<hbm>>)
      tpu.yield
    }) : () -> ()
    return
  }
}

</mosaic_0001>

<sc_bundles>
// kernel: _gather.3.cloned.1.call-start
scs
__scs_entry_jumppad:
0x0: {  	(pc) =	sbr.rel $0x88, $3  }
0x1: {  	(tag) =	ssettag $0x0;
	lr =	simm.s32 $0x1  }
0x2: {  	[smem:$0x3F9D] =	sst lr;
	_ =	strace $0xD0000000  }
0x3: {  	_ = 	snop  }
0x4: {  	_ = 	snop  }
0x5: {  	_ = 	snop  }
0x6: {  	_ = 	snop  }
0x7: {  	_ = 	snop  }
__scs_overlays_trampoline_lowered:
0x8: {  	[smem:$0x3FAC] =	sst s0  }
0x9: {  	[smem:$0x3FAD] =	sst s1  }
0xa: {  	[smem:$0x3FAE] =	sst s2  }
0xb: {  	[smem:$0x3FAF] =	sst s3  }
0xc: {  	[smem:$0x3FB0] =	sst s4  }
0xd: {  	[smem:$0x3FB1] =	sst s5  }
0xe: {  	[smem:$0x3FB2] =	sst s6  }
0xf: {  	[smem:$0x3FB3] =	sst s7  }
0x10: {  	[smem:$0x3FB4] =	sst s8  }
0x11: {  	[smem:$0x3FB5] =	sst s9;
	s0 =	simm.s32 @!p0 $0x0  }
0x12: {  	s1 =	sld [smem:$0x3F9B];
	s0 =	simm.s32 @p0 $0x1  }
0x13: {  	[smem:$0x3FB6] =	sst s0;
	s0 =	simm.s32 @!p1 $0x0  }
0x14: {  	s2 =	sld [smem:$0x3F9A];
	s0 =	simm.s32 @p1 $0x1  }
0x15: {  	[smem:$0x3FB7] =	sst s0;
	s0 =	simm.s32 @!p2 $0x0  }
0x16: {  	s3 =	sld [smem:$0x3FDB];
	s0 =	simm.s32 @p2 $0x1  }
0x17: {  	s4 =	simm.s32 $0x1BF5;
	[smem:$0x3FB9] =	sst s0  }
0x18: {  	s0 =	sld [smem:$0x3F9C];
	_ =	swait.ge [sflag:s4], $0x0  }
0x19: {  	s7 =	sld [smem:$0x3F9D]  }
0x1a: {  	s8 =	sadd.s32 $0xFFFFE003, lr  }
0x1b: {  	s9 =	sadd.s32 $0xFFFFFEF7, lr;
	s5 =	simm.s32 $0xFFFFFFFF;
	p2 =	slt.u32 s8, $0xFFFFF086  }
0x1c: {  	p1 =	slt.u32 s9, $0xF7A;
	s5 =	simm.s32 @!p2 $0x0  }
0x1d: {  	s5 =	simm.s32 @p1 $0x1;
	p0 =	seq.s32 s7, s2  }
0x1e: {  	s7 =	smul.u32 @!p0 $0xF7A, s2;
	p2 =	seq.s32 @!p0 s5, $0x0  }
0x1f: {  	s9 =	smul.u32 $0xF7A, s1;
	s8 =	simm.s32 @!p0 $0x1BF5;
	p2 =	por !p2, p0  }
0x20: {  	[sflag:s8] =	ssyncset.s32 @!p0 $0xFFFFF086;
	s6 =	sadd.s32 @!p0 s3, s7;
	s7 =	simm.s32 @!p0 $0x108  }
0x21: {  	s3 =	sadd.s32 s3, s9;
	s6 =	sadd.s32 @!p0 $0x88, s6;
	s7 =	simm.s32 @p2 $0x1082  }
0x22: {  	[simem:s7], [sflag:s8] =	dma.local @!p0 [hbm:s6], $0xF7A  }
0x23: {  	s9 =	sor.u32 $0xD0000000, s2;
	s6 =	simm.s32 $0x108;
	_ =	swait.ge @!p0 [sflag:s8], $0x0  }
0x24: {  	s3 =	sadd.s32 $0x88, s3;
	s6 =	simm.s32 @!p1 $0x1082;
	[sflag:s4] =	ssyncset.s32 $0xFFFFF086  }
0x25: {  	[simem:s6], [sflag:s4] =	dma.local [hbm:s3], $0xF7A  }
0x26: {  	[smem:$0x3F9D] =	sst s1;
	(tag) =	ssettag s2;
	_ =	strace s9  }
0x27: {  	s1 =	sld [smem:$0x3FAD]  }
0x28: {  	s2 =	sld [smem:$0x3FAE]  }
0x29: {  	s4 =	sld [smem:$0x3FB0]  }
0x2a: {  	p0 =	seq.s32 s5, $0x0;
	s5 =	sld [smem:$0x3FB1]  }
0x2b: {  	s6 =	sld [smem:$0x3FB2]  }
0x2c: {  	s7 =	sld [smem:$0x3FB3]  }
0x2d: {  	s3 =	simm.s32 $0x108;
	s8 =	sld [smem:$0x3FB4]  }
0x2e: {  	s3 =	simm.s32 @!p0 $0x1082;
	s9 =	sld [smem:$0x3FB5]  }
0x2f: {  	lr =	sadd.s32 s0, s3;
	s0 =	sld [smem:$0x3FAC]  }
0x30: {  	s3 =	sld [smem:$0x3FAF]  }
0x31: {  	[smem:$0x3FB8] =	sst s10  }
0x32: {  	s10 =	sld [smem:$0x3FB6];
	_ =	sdelay $0x3  }
0x33: {  	p0 =	seq.s32 s10, $0x1;
	s10 =	sld [smem:$0x3FB8];
	_ =	sdelay $0x3  }
0x34: {  	[smem:$0x3FB8] =	sst s10  }
0x35: {  	s10 =	sld [smem:$0x3FB7];
	_ =	sdelay $0x3  }
0x36: {  	p1 =	seq.s32 s10, $0x1;
	s10 =	sld [smem:$0x3FB8];
	_ =	sdelay $0x3  }
0x37: {  	[smem:$0x3FB8] =	sst s10  }
0x38: {  	s10 =	sld [smem:$0x3FB9]  }
0x39: {  	_ = 	snop;
	(pc) =	sbr.ind lr, $3  }
0x3a: {  	_ = 	snop  }
0x3b: {  	_ = 	snop  }
0x3c: {  	p2 =	seq.s32 s10, $0x1;
	s10 =	sld [smem:$0x3FB8]  }
0x3d: {  	_ =	shalt  }
0x3e: {  	_ =	shalt  }
0x3f: {  	_ =	shalt  }
0x40: {  	_ =	shalt  }
0x41: {  	_ =	shalt  }
0x42: {  	_ =	shalt  }
0x43: {  	_ =	shalt  }
0x44: {  	_ =	shalt  }
0x45: {  	_ =	shalt  }
0x46: {  	_ =	shalt  }
0x47: {  	_ =	shalt  }
0x48: {  	_ =	shalt  }
0x49: {  	_ =	shalt  }
0x4a: {  	_ =	shalt  }
0x4b: {  	_ =	shalt  }
0x4c: {  	_ =	shalt  }
0x4d: {  	_ =	shalt  }
0x4e: {  	_ =	shalt  }
0x4f: {  	_ =	shalt  }
0x50: {  	_ =	shalt  }
0x51: {  	_ =	shalt  }
0x52: {  	_ =	shalt  }
0x53: {  	_ =	shalt  }
0x54: {  	_ =	shalt  }
0x55: {  	_ =	shalt  }
0x56: {  	_ =	shalt  }
0x57: {  	_ =	shalt  }
0x58: {  	_ =	shalt  }
0x59: {  	_ =	shalt  }
0x5a: {  	_ =	shalt  }
0x5b: {  	_ =	shalt  }
0x5c: {  	_ =	shalt  }
0x5d: {  	_ =	shalt  }
0x5e: {  	_ =	shalt  }
0x5f: {  	_ =	shalt  }
0x60: {  	_ =	shalt  }
0x61: {  	_ =	shalt  }
0x62: {  	_ =	shalt  }
0x63: {  	_ =	shalt  }
0x64: {  	_ =	shalt  }
0x65: {  	_ =	shalt  }
0x66: {  	_ =	shalt  }
0x67: {  	_ =	shalt  }
0x68: {  	_ =	shalt  }
0x69: {  	_ =	shalt  }
0x6a: {  	_ =	shalt  }
0x6b: {  	_ =	shalt  }
0x6c: {  	_ =	shalt  }
0x6d: {  	_ =	shalt  }
0x6e: {  	_ =	shalt  }
0x6f: {  	_ =	shalt  }
0x70: {  	_ =	shalt  }
0x71: {  	_ =	shalt  }
0x72: {  	_ =	shalt  }
0x73: {  	_ =	shalt  }
0x74: {  	_ =	shalt  }
0x75: {  	_ =	shalt  }
0x76: {  	_ =	shalt  }
0x77: {  	_ =	shalt  }
0x78: {  	_ =	shalt  }
0x79: {  	_ =	shalt  }
0x7a: {  	_ =	shalt  }
0x7b: {  	_ =	shalt  }
0x7c: {  	_ =	shalt  }
0x7d: {  	_ =	shalt  }
0x7e: {  	_ =	shalt  }
0x7f: {  	_ =	shalt  }
0x80: {  	_ =	shalt  }
0x81: {  	_ =	shalt  }
0x82: {  	_ =	shalt  }
0x83: {  	_ =	shalt  }
0x84: {  	_ =	shalt  }
0x85: {  	_ =	shalt  }
0x86: {  	_ =	shalt  }
0x87: {  	_ =	shalt  }
.Lfunc_end0:
.L_simem_size_0:
called_computation_lowered:
.L_overlay_start_0:
0x88: {  	s2 =	sld [smem:$0x3FD9]  }
0x89: {  	s3 =	sld [smem:$0x3FFE];
	_ =	sdelay $0x1  }
0x8a: {  	s1 =	srdreg.scid  }
0x8b: {  	s0 =	sand.u32 $0x1, s1  }
0x8c: {  	s15 =	sshll.u32 s0, $0xA;
	s2 =	sadd.s32 s3, s2  }
0x8d: {  	s2 =	sadd.s32 s2, s15  }
0x8e: {  	[smem:$0x3FC4] =	sst s2  }
0x8f: {  	_ = 	snop  }
0x90: {  	s2 =	sld [smem:$0x3FC9]  }
0x91: {  	s16 =	sld [smem:$0x3FD0]  }
0x92: {  	s4 =	sld [smem:$0x3FC8]  }
0x93: {  	s5 =	sld [smem:$0x3FC7]  }
0x94: {  	s7 =	simm.s32 $0xA;
	s8 =	simm.s32 $0x10;
	s6 =	sld [smem:$0x3FC6]  }
0x95: {  	[smem:s8], [sflag:s7] =	dma.local [hbm:s16], $0x1  }
0x96: {  	_ =	swait.eq [sflag:s7], $0x1  }
0x97: {  	[sflag:s7] =	ssyncset.done $0x0  }
0x98: {  	s17 =	sld [smem:$0x10];
	[sflag:s7] =	ssyncadd.s32 $0xFFFFFFFF  }
0x99: {  	s18 =	sld [smem:$0x11];
	(tm) =	ssettm $0x1  }
0x9a: {  	s19 =	sld [smem:$0x3FFB];
	_ =	sdelay $0x3  }
0x9b: {  	_ =	strace s19  }
0x9c: {  	s8 =	sld [smem:$0x3FFC];
	_ =	sdelay $0x3  }
0x9d: {  	_ =	strace s8  }
0x9e: {  	s8 =	sld [smem:$0x3FFD];
	_ =	sdelay $0x3  }
0x9f: {  	_ =	strace s8  }
0xa0: {  	_ =	strace $0x8FFFFFFF  }
0xa1: {  	s20 =	sld [smem:$0x3FDB];
	_ =	sdelay $0x1  }
0xa2: {  	s9 =	simm.s32 $_scs_section_size  }
0xa3: {  	s10 =	simm.s32 $_size__tile_overlayer_lowered;
	s11 =	simm.s32 $_tile_overlayer_lowered  }
0xa4: {  	s23 =	simm.s32 $0x1BFF;
	s22 =	sshll.u32 s11, $0x1;
	s8 =	sadd.s32 s9, s20  }
0xa5: {  	s12 =	simm.s32 $0x0;
	s21 =	sshll.u32 s10, $0x1;
	s10 =	sadd.s32 s22, s8  }
0xa6: {  	[timem:s12], [sflag:s23] =	dma.local [hbm:s10], s21  }
0xa7: {  	_ =	swait.ge [sflag:s23], s21  }
0xa8: {  	s9 =	ssub.s32 $0x0, s21;
	[sflag:s23] =	ssyncset.done $0x0  }
0xa9: {  	[sflag:s23] =	ssyncadd.s32 s9;
	_ =	sdelay $0x1  }
0xaa: {  	s24 =	simm.s32 $0x1B8B  }
0xab: {  	_ =	swait.ge [sflag:s24], $0x1  }
0xac: {  	[sflag:s24] =	ssyncset.done $0x0  }
0xad: {  	s25 =	simm.s32 $0x1B8E;
	[sflag:s24] =	ssyncadd.s32 $0xFFFFFFFF  }
0xae: {  	s26 =	simm.s32 $execute0_lowered;
	[smem:$0x3FD2] =	sst s25  }
0xaf: {  	s9 =	sshll.u32 s26, $0x1;
	_ =	strace $0x80000046;
	[dreg:$0x1] =	wrdreg $0xFFFFFFFF  }
0xb0: {  	s28 =	simm.s32 $_size_execute0_lowered;
	s8 =	sadd.s32 s8, s9;
	[dreg:$0x0] =	wrdreg $0x0  }
0xb1: {  	s9 =	sshll.u32 s28, $0x1;
	[dreg:$0x2] =	wrdreg s8  }
0xb2: {  	[dreg:$0x3] =	wrdreg s9  }
0xb3: {  	[dreg:$0x4] =	wrdreg $0xC0  }
0xb4: {  	_ =	task [dreg:s12], $0x5FFFF  }
0xb5: {  	[dreg:$0x1] =	wrdreg $0xFFFFFFFF  }
0xb6: {  	[dreg:$0x0] =	wrdreg $0x60  }
0xb7: {  	[dreg:$0x2] =	wrdreg s2  }
0xb8: {  	[dreg:$0x3] =	wrdreg s4  }
0xb9: {  	[dreg:$0x4] =	wrdreg s5  }
0xba: {  	[dreg:$0x5] =	wrdreg s6  }
0xbb: {  	[dreg:$0x6] =	wrdreg s17  }
0xbc: {  	[dreg:$0x7] =	wrdreg s18  }
0xbd: {  	[dreg:$0x8] =	wrdreg $0x9  }
0xbe: {  	_ =	task.clear_ibuf [dreg:s12], $0x9FFFF;
	_ =	strace $0x90000046  }
0xbf: {  	s29 =	simm.s32 $0x9;
	_ =	strace $0x80000048  }
0xc0: {  	_ =	swait.ge [sflag:s29], $0x1  }
0xc1: {  	[sflag:s29] =	ssyncadd.s32 $0xFFFFFFFF  }
0xc2: {  	_ =	strace $0x90000048  }
0xc3: {  	_ =	sfence  }
0xc4: {  	s30 =	sld [smem:$0x0];
	_ =	sdelay $0x2  }
0xc5: {  	s31 =	sshll.u32 s1, $0xD;
	s1 =	sshrl.u32 s1, $0x2  }
0xc6: {  	s3 =	sand.u32 $0x4000, s31;
	s1 =	sadd.s32 s1, s30  }
0xc7: {  	s0 =	sor.u32 s3, s0;
	s1 =	sshll.u32 s1, $0x11  }
0xc8: {  	s0 =	sor.u32 s1, s0  }
0xc9: {  	s0 =	sadd.s32 $0x8F2B, s0  }
0xca: {  	[sflag:s0] =	ssyncadd.remote.s32 $0x1  }
0xcb: {  	_ =	sfence.sel $0xFFFF  }
0xcc: {  	[dreg:$0x0] =	wrdreg $0xFFFFFFFF;
	(pc) =	sbr.abs _section_cstart, $3  }
0xcd: {  	[dreg:$0x1] =	wrdreg $0xFFFFFFFF  }
0xce: {  	_ =	task.clear_ibuf [dreg:s12], $0x2FFFF;
	_ =	strace $0x9FFFFFFF  }
0xcf: {  	(tm) =	ssettm $0x7FFFFFFF  }
tec
execute0_lowered:
.L_overlay_start_1:
0x0: {  	(tag) =	ssettag $0x1  }
0x1: {  	v0 =	vlaneseq.u32;
	v1 =	vimm.s32 $0x1380  }
0x2: {  	vm14 =	vcmask $0x300;
	vm13 =	vcmask $0x704;
	vm12 =	vcmask $0xB08  }
0x3: {  	vm11 =	vcmask $0xF0C;
	vm10 =	vcmask $0x1310;
	v3 =	vimm.s32 $0x3380  }
0x4: {  	vm9 =	vcmask $0x1714;
	vm8 =	vcmask $0x1B18;
	vm7 =	vcmask $0x1F1C  }
0x5: {  	vm6 =	vcmask $0x2320;
	vm5 =	vcmask $0x2724;
	vm0 =	vcmask $0x2B28  }
0x6: {  	v4 =	vimm.s32 $0x1FF8;
	vm1 =	vcmask $0x2F2C;
	vm2 =	vcmask $0x3330  }
0x7: {  	vm3 =	vcmask $0x3734;
	vm4 =	vcmask $0x3B38;
	v19 =	vimm.s32 $0x3FF8  }
0x8: {  	v20 =	vimm.s32 $0x1FF9;
	v21 =	vimm.s32 $0x3FF9;
	v22 =	vimm.s32 $0x1FFA  }
0x9: {  	v23 =	vimm.s32 $0x3FFA;
	v24 =	vimm.s32 $0x1FFB;
	v25 =	vimm.s32 $0x3FFB  }
0xa: {  	v26 =	vimm.s32 $0x1FFC;
	v27 =	vimm.s32 $0x3FFC;
	v28 =	vimm.s32 $0x1FFD  }
0xb: {  	v29 =	vimm.s32 $0x3FFD;
	v30 =	vimm.s32 $0x1FFE;
	v31 =	vimm.s32 $0x3FFE  }
0xc: {  	v32 =	vimm.s32 $0x1FFF;
	v33 =	vimm.s32 $0x3FFF;
	v0 =	vmul.u32 $0x80, v0  }
0xd: {  	v1 =	vsel vm14, $0x0, v1;
	v3 =	vsel vm14, $0x2000, v3;
	v4 =	vsel vm14, $0xC78, v4  }
0xe: {  	v19 =	vsel vm14, $0x2C78, v19;
	v20 =	vsel vm14, $0xC79, v20;
	v21 =	vsel vm14, $0x2C79, v21  }
0xf: {  	v22 =	vsel vm14, $0xC7A, v22;
	v23 =	vsel vm14, $0x2C7A, v23;
	v24 =	vsel vm14, $0xC7B, v24  }
0x10: {  	v25 =	vsel vm14, $0x2C7B, v25;
	v26 =	vsel vm14, $0xC7C, v26;
	v27 =	vsel vm14, $0x2C7C, v27  }
0x11: {  	v28 =	vsel vm14, $0xC7D, v28;
	v29 =	vsel vm14, $0x2C7D, v29;
	v30 =	vsel vm14, $0xC7E, v30  }
0x12: {  	v31 =	vsel vm14, $0x2C7E, v31;
	v32 =	vsel vm14, $0xC7F, v32;
	v33 =	vsel vm14, $0x2C7F, v33  }
0x13: {  	v2 =	vsel vm13, $0x80, v1;
	v3 =	vsel vm13, $0x2080, v3;
	v4 =	vsel vm13, $0xCF8, v4  }
0x14: {  	v19 =	vsel vm13, $0x2CF8, v19;
	v20 =	vsel vm13, $0xCF9, v20;
	v21 =	vsel vm13, $0x2CF9, v21  }
0x15: {  	v22 =	vsel vm13, $0xCFA, v22;
	v23 =	vsel vm13, $0x2CFA, v23;
	v24 =	vsel vm13, $0xCFB, v24  }
0x16: {  	v25 =	vsel vm13, $0x2CFB, v25;
	v26 =	vsel vm13, $0xCFC, v26;
	v27 =	vsel vm13, $0x2CFC, v27  }
0x17: {  	v28 =	vsel vm13, $0xCFD, v28;
	v29 =	vsel vm13, $0x2CFD, v29;
	v30 =	vsel vm13, $0xCFE, v30  }
0x18: {  	v31 =	vsel vm13, $0x2CFE, v31;
	v32 =	vsel vm13, $0xCFF, v32;
	v33 =	vsel vm13, $0x2CFF, v33  }
0x19: {  	v1 =	vor.u32 $0x800, v0;
	v2 =	vsel vm12, $0x100, v2;
	v3 =	vsel vm12, $0x2100, v3  }
0x1a: {  	v4 =	vsel vm12, $0xD78, v4;
	v5 =	vor.u32 $0x1800, v0;
	v7 =	vor.u32 $0x2800, v0  }
0x1b: {  	v9 =	vor.u32 $0x3800, v0;
	v11 =	vor.u32 $0x4800, v0;
	v13 =	vor.u32 $0x5800, v0  }
0x1c: {  	v15 =	vor.u32 $0x6800, v0;
	v17 =	vor.u32 $0x7800, v0;
	v19 =	vsel vm12, $0x2D78, v19  }
0x1d: {  	v20 =	vsel vm12, $0xD79, v20;
	v21 =	vsel vm12, $0x2D79, v21;
	v22 =	vsel vm12, $0xD7A, v22  }
0x1e: {  	v23 =	vsel vm12, $0x2D7A, v23;
	v24 =	vsel vm12, $0xD7B, v24;
	v25 =	vsel vm12, $0x2D7B, v25  }
0x1f: {  	v26 =	vsel vm12, $0xD7C, v26;
	v27 =	vsel vm12, $0x2D7C, v27;
	v28 =	vsel vm12, $0xD7D, v28  }
0x20: {  	v29 =	vsel vm12, $0x2D7D, v29;
	v30 =	vsel vm12, $0xD7E, v30;
	v31 =	vsel vm12, $0x2D7E, v31  }
0x21: {  	v32 =	vsel vm12, $0xD7F, v32;
	v33 =	vsel vm12, $0x2D7F, v33;
	v2 =	vsel vm11, $0x180, v2  }
0x22: {  	v3 =	vsel vm11, $0x2180, v3;
	v4 =	vsel vm11, $0xDF8, v4;
	v19 =	vsel vm11, $0x2DF8, v19  }
0x23: {  	v20 =	vsel vm11, $0xDF9, v20;
	v21 =	vsel vm11, $0x2DF9, v21;
	v22 =	vsel vm11, $0xDFA, v22  }
0x24: {  	v23 =	vsel vm11, $0x2DFA, v23;
	v24 =	vsel vm11, $0xDFB, v24;
	v25 =	vsel vm11, $0x2DFB, v25  }
0x25: {  	v26 =	vsel vm11, $0xDFC, v26;
	v27 =	vsel vm11, $0x2DFC, v27;
	v28 =	vsel vm11, $0xDFD, v28  }
0x26: {  	v29 =	vsel vm11, $0x2DFD, v29;
	v30 =	vsel vm11, $0xDFE, v30;
	v31 =	vsel vm11, $0x2DFE, v31  }
0x27: {  	v32 =	vsel vm11, $0xDFF, v32;
	v33 =	vsel vm11, $0x2DFF, v33;
	v2 =	vsel vm10, $0x200, v2  }
0x28: {  	v3 =	vsel vm10, $0x2200, v3;
	v4 =	vsel vm10, $0xE78, v4;
	v19 =	vsel vm10, $0x2E78, v19  }
0x29: {  	v20 =	vsel vm10, $0xE79, v20;
	v21 =	vsel vm10, $0x2E79, v21;
	v22 =	vsel vm10, $0xE7A, v22  }
0x2a: {  	v23 =	vsel vm10, $0x2E7A, v23;
	v24 =	vsel vm10, $0xE7B, v24;
	v25 =	vsel vm10, $0x2E7B, v25  }
0x2b: {  	v26 =	vsel vm10, $0xE7C, v26;
	v27 =	vsel vm10, $0x2E7C, v27;
	v28 =	vsel vm10, $0xE7D, v28  }
0x2c: {  	v29 =	vsel vm10, $0x2E7D, v29;
	v30 =	vsel vm10, $0xE7E, v30;
	v31 =	vsel vm10, $0x2E7E, v31  }
0x2d: {  	v32 =	vsel vm10, $0xE7F, v32;
	v33 =	vsel vm10, $0x2E7F, v33;
	v2 =	vsel vm9, $0x280, v2  }
0x2e: {  	v3 =	vsel vm9, $0x2280, v3;
	v4 =	vsel vm9, $0xEF8, v4;
	v19 =	vsel vm9, $0x2EF8, v19  }
0x2f: {  	v20 =	vsel vm9, $0xEF9, v20;
	v21 =	vsel vm9, $0x2EF9, v21;
	v22 =	vsel vm9, $0xEFA, v22  }
0x30: {  	v23 =	vsel vm9, $0x2EFA, v23;
	v24 =	vsel vm9, $0xEFB, v24;
	v25 =	vsel vm9, $0x2EFB, v25  }
0x31: {  	v26 =	vsel vm9, $0xEFC, v26;
	v27 =	vsel vm9, $0x2EFC, v27;
	v28 =	vsel vm9, $0xEFD, v28  }
0x32: {  	v29 =	vsel vm9, $0x2EFD, v29;
	v30 =	vsel vm9, $0xEFE, v30;
	v31 =	vsel vm9, $0x2EFE, v31  }
0x33: {  	v32 =	vsel vm9, $0xEFF, v32;
	v33 =	vsel vm9, $0x2EFF, v33;
	v2 =	vsel vm8, $0x300, v2  }
0x34: {  	v3 =	vsel vm8, $0x2300, v3;
	v4 =	vsel vm8, $0xF78, v4;
	v19 =	vsel vm8, $0x2F78, v19  }
0x35: {  	v20 =	vsel vm8, $0xF79, v20;
	v21 =	vsel vm8, $0x2F79, v21;
	v22 =	vsel vm8, $0xF7A, v22  }
0x36: {  	v23 =	vsel vm8, $0x2F7A, v23;
	v24 =	vsel vm8, $0xF7B, v24;
	v25 =	vsel vm8, $0x2F7B, v25  }
0x37: {  	v26 =	vsel vm8, $0xF7C, v26;
	v27 =	vsel vm8, $0x2F7C, v27;
	v28 =	vsel vm8, $0xF7D, v28  }
0x38: {  	v29 =	vsel vm8, $0x2F7D, v29;
	v30 =	vsel vm8, $0xF7E, v30;
	v31 =	vsel vm8, $0x2F7E, v31  }
0x39: {  	v32 =	vsel vm8, $0xF7F, v32;
	v33 =	vsel vm8, $0x2F7F, v33;
	v2 =	vsel vm7, $0x380, v2  }
0x3a: {  	v3 =	vsel vm7, $0x2380, v3;
	v6 =	vsel vm7, $0xFF8, v4;
	v4 =	vor.u32 $0x1000, v0  }
0x3b: {  	v19 =	vsel vm7, $0x2FF8, v19;
	v20 =	vsel vm7, $0xFF9, v20;
	v21 =	vsel vm7, $0x2FF9, v21  }
0x3c: {  	v22 =	vsel vm7, $0xFFA, v22;
	v23 =	vsel vm7, $0x2FFA, v23;
	v24 =	vsel vm7, $0xFFB, v24  }
0x3d: {  	v25 =	vsel vm7, $0x2FFB, v25;
	v26 =	vsel vm7, $0xFFC, v26;
	v27 =	vsel vm7, $0x2FFC, v27  }
0x3e: {  	v28 =	vsel vm7, $0xFFD, v28;
	v29 =	vsel vm7, $0x2FFD, v29;
	v30 =	vsel vm7, $0xFFE, v30  }
0x3f: {  	v31 =	vsel vm7, $0x2FFE, v31;
	v32 =	vsel vm7, $0xFFF, v32;
	v33 =	vsel vm7, $0x2FFF, v33  }
0x40: {  	v2 =	vsel vm6, $0x1000, v2;
	v3 =	vsel vm6, $0x3000, v3;
	v8 =	vsel vm6, $0x1C78, v6  }
0x41: {  	v6 =	vor.u32 $0x2000, v0;
	v19 =	vsel vm6, $0x3C78, v19;
	v20 =	vsel vm6, $0x1C79, v20  }
0x42: {  	v21 =	vsel vm6, $0x3C79, v21;
	v22 =	vsel vm6, $0x1C7A, v22;
	v23 =	vsel vm6, $0x3C7A, v23  }
0x43: {  	v24 =	vsel vm6, $0x1C7B, v24;
	v25 =	vsel vm6, $0x3C7B, v25;
	v26 =	vsel vm6, $0x1C7C, v26  }
0x44: {  	v27 =	vsel vm6, $0x3C7C, v27;
	v28 =	vsel vm6, $0x1C7D, v28;
	v29 =	vsel vm6, $0x3C7D, v29  }
0x45: {  	v30 =	vsel vm6, $0x1C7E, v30;
	v31 =	vsel vm6, $0x3C7E, v31;
	v32 =	vsel vm6, $0x1C7F, v32  }
0x46: {  	v33 =	vsel vm6, $0x3C7F, v33;
	v2 =	vsel vm5, $0x1080, v2;
	v3 =	vsel vm5, $0x3080, v3  }
0x47: {  	v10 =	vsel vm5, $0x1CF8, v8;
	v8 =	vor.u32 $0x3000, v0;
	v19 =	vsel vm5, $0x3CF8, v19  }
0x48: {  	v20 =	vsel vm5, $0x1CF9, v20;
	v21 =	vsel vm5, $0x3CF9, v21;
	v22 =	vsel vm5, $0x1CFA, v22  }
0x49: {  	v23 =	vsel vm5, $0x3CFA, v23;
	v24 =	vsel vm5, $0x1CFB, v24;
	v25 =	vsel vm5, $0x3CFB, v25  }
0x4a: {  	v26 =	vsel vm5, $0x1CFC, v26;
	v27 =	vsel vm5, $0x3CFC, v27;
	v28 =	vsel vm5, $0x1CFD, v28  }
0x4b: {  	v29 =	vsel vm5, $0x3CFD, v29;
	v30 =	vsel vm5, $0x1CFE, v30;
	v31 =	vsel vm5, $0x3CFE, v31  }
0x4c: {  	v32 =	vsel vm5, $0x1CFF, v32;
	v33 =	vsel vm5, $0x3CFF, v33;
	v2 =	vsel vm0, $0x1100, v2  }
0x4d: {  	v3 =	vsel vm0, $0x3100, v3;
	v12 =	vsel vm0, $0x1D78, v10;
	v10 =	vor.u32 $0x4000, v0  }
0x4e: {  	v19 =	vsel vm0, $0x3D78, v19;
	v20 =	vsel vm0, $0x1D79, v20;
	v21 =	vsel vm0, $0x3D79, v21  }
0x4f: {  	v22 =	vsel vm0, $0x1D7A, v22;
	v23 =	vsel vm0, $0x3D7A, v23;
	v24 =	vsel vm0, $0x1D7B, v24  }
0x50: {  	v25 =	vsel vm0, $0x3D7B, v25;
	v26 =	vsel vm0, $0x1D7C, v26;
	v27 =	vsel vm0, $0x3D7C, v27  }
0x51: {  	v28 =	vsel vm0, $0x1D7D, v28;
	v29 =	vsel vm0, $0x3D7D, v29;
	v30 =	vsel vm0, $0x1D7E, v30  }
0x52: {  	v31 =	vsel vm0, $0x3D7E, v31;
	v32 =	vsel vm0, $0x1D7F, v32;
	v33 =	vsel vm0, $0x3D7F, v33  }
0x53: {  	v2 =	vsel vm1, $0x1180, v2;
	v3 =	vsel vm1, $0x3180, v3;
	v14 =	vsel vm1, $0x1DF8, v12  }
0x54: {  	v12 =	vor.u32 $0x5000, v0;
	v19 =	vsel vm1, $0x3DF8, v19;
	v20 =	vsel vm1, $0x1DF9, v20  }
0x55: {  	v21 =	vsel vm1, $0x3DF9, v21;
	v22 =	vsel vm1, $0x1DFA, v22;
	v23 =	vsel vm1, $0x3DFA, v23  }
0x56: {  	v24 =	vsel vm1, $0x1DFB, v24;
	v25 =	vsel vm1, $0x3DFB, v25;
	v26 =	vsel vm1, $0x1DFC, v26  }
0x57: {  	s2 =	rddreg [dreg:$0x0];
	v27 =	vsel vm1, $0x3DFC, v27;
	v28 =	vsel vm1, $0x1DFD, v28;
	v29 =	vsel vm1, $0x3DFD, v29  }
0x58: {  	s3 =	rddreg [dreg:$0x1];
	v30 =	vsel vm1, $0x1DFE, v30;
	v31 =	vsel vm1, $0x3DFE, v31;
	v32 =	vsel vm1, $0x1DFF, v32  }
0x59: {  	s0 =	rddreg [dreg:$0x2];
	v33 =	vsel vm1, $0x3DFF, v33;
	v2 =	vsel vm2, $0x1200, v2;
	v3 =	vsel vm2, $0x3200, v3  }
0x5a: {  	s1 =	rddreg [dreg:$0x3];
	v16 =	vsel vm2, $0x1E78, v14;
	v14 =	vor.u32 $0x6000, v0;
	v19 =	vsel vm2, $0x3E78, v19  }
0x5b: {  	s4 =	rddreg [dreg:$0x4];
	s5 =	srdreg.scid;
	v20 =	vsel vm2, $0x1E79, v20;
	v21 =	vsel vm2, $0x3E79, v21;
	v22 =	vsel vm2, $0x1E7A, v22  }
0x5c: {  	s6 =	rddreg [dreg:$0x5];
	s7 =	stileid.u32;
	s11 =	simm.s32 $0x400;
	v23 =	vsel vm2, $0x3E7A, v23;
	v24 =	vsel vm2, $0x1E7B, v24;
	v25 =	vsel vm2, $0x3E7B, v25  }
0x5d: {  	s9 =	simm.s32 $0x0;
	s13 =	simm.s32 $0x7A1400;
	s14 =	simm.s32 $0x500;
	v26 =	vsel vm2, $0x1E7C, v26;
	v27 =	vsel vm2, $0x3E7C, v27;
	v28 =	vsel vm2, $0x1E7D, v28  }
0x5e: {  	s12 =	simm.s32 $0x1500;
	s15 =	simm.s32 $0x2500;
	s16 =	simm.s32 $0x3500;
	v29 =	vsel vm2, $0x3E7D, v29;
	v30 =	vsel vm2, $0x1E7E, v30;
	v31 =	vsel vm2, $0x3E7E, v31  }
0x5f: {  	s18 =	simm.s32 $0x8500;
	s17 =	simm.s32 $0x9500;
	s19 =	simm.s32 $0xA500;
	v32 =	vsel vm2, $0x1E7F, v32;
	v33 =	vsel vm2, $0x3E7F, v33;
	v2 =	vsel vm3, $0x1280, v2  }
0x60: {  	s20 =	simm.s32 $0xB500;
	s28 =	simm.s32 $0xD500;
	s29 =	simm.s32 $0xE500;
	v3 =	vsel vm3, $0x3280, v3;
	v18 =	vsel vm3, $0x1EF8, v16;
	v16 =	vor.u32 $0x7000, v0  }
0x61: {  	s30 =	simm.s32 $0xF500;
	s31 =	simm.s32 $0x1;
	s10 =	simm.s32 $0x14500;
	v19 =	vsel vm3, $0x3EF8, v19;
	v20 =	vsel vm3, $0x1EF9, v20;
	v21 =	vsel vm3, $0x3EF9, v21  }
0x62: {  	s5 =	sand.u32 $0x1, s5;
	s7 =	sshll.u32 s7, $0xA;
	[smem:$0x7FF] =	sst s9;
	v22 =	vsel vm3, $0x1EFA, v22;
	v23 =	vsel vm3, $0x3EFA, v23;
	v24 =	vsel vm3, $0x1EFB, v24  }
0x63: {  	s8 =	sshll.u32 s5, $0x9;
	s5 =	ssub.s32 $0x2, s5;
	_ =	strace $0x80000047;
	v25 =	vsel vm3, $0x3EFB, v25;
	v26 =	vsel vm3, $0x1EFC, v26;
	v27 =	vsel vm3, $0x3EFC, v27  }
0x64: {  	s7 =	sor.u32 s8, s7;
	s21 =	sshrl.u32 s5, $0x1;
	s8 =	simm.s32 $0x5;
	v28 =	vsel vm3, $0x1EFD, v28;
	v29 =	vsel vm3, $0x3EFD, v29;
	v30 =	vsel vm3, $0x1EFE, v30  }
0x65: {  	s22 =	sshrl.u32 s7, $0x3;
	s5 =	ssub.s32 s5, s21;
	s24 =	sadd.s32 s4, s7;
	v31 =	vsel vm3, $0x3EFE, v31;
	v32 =	vsel vm3, $0x1EFF, v32;
	v33 =	vsel vm3, $0x3EFF, v33  }
0x66: {  	s25 =	sadd.s32 s6, s7;
	s6 =	simm.s32 $0x4;
	[dreg:$0x9] =	wrdreg s24;
	v2 =	vsel vm4, $0x1300, v2;
	v3 =	vsel vm4, $0x3300, v3;
	v18 =	vsel vm4, $0x1F78, v18  }
0x67: {  	s7 =	simm.s32 $0x0;
	s2 =	sadd.s32 s2, s22;
	[dreg:$0xa] =	wrdreg s25;
	v19 =	vsel vm4, $0x3F78, v19;
	v20 =	vsel vm4, $0x1F79, v20;
	v21 =	vsel vm4, $0x3F79, v21  }
0x68: {  	s23 =	sadd.s32 s3, s22;
	s26 =	smax.u32 s5, $0x1;
	[dreg:$0x7] =	wrdreg s2;
	v22 =	vsel vm4, $0x1F7A, v22;
	v23 =	vsel vm4, $0x3F7A, v23;
	v24 =	vsel vm4, $0x1F7B, v24  }
0x69: {  	s25 =	simm.s32 $0x7500;
	s3 =	simm.s32 $0x10500;
	[dreg:$0x8] =	wrdreg s23;
	v25 =	vsel vm4, $0x3F7B, v25;
	v26 =	vsel vm4, $0x1F7C, v26;
	v27 =	vsel vm4, $0x3F7C, v27  }
0x6a: {  	s5 =	simm.s32 $0x2;
	s22 =	simm.s32 $0xA500;
	[dreg:$0xb] =	wrdreg s26;
	v28 =	vsel vm4, $0x1F7D, v28;
	v29 =	vsel vm4, $0x3F7D, v29;
	v30 =	vsel vm4, $0x1F7E, v30  }
0x6b: {  	s26 =	simm.s32 $0xC500;
	s2 =	simm.s32 $0x3;
	s23 =	simm.s32 $0xB500;
	v31 =	vsel vm4, $0x3F7E, v31;
	v32 =	vsel vm4, $0x1F7F, v32;
	v33 =	vsel vm4, $0x3F7F, v33  }
.LBB2_1:
0x6c: {  	[dreg:$0xc] =	wrdreg s7  }
0x6d: {  	s9 =	simm.s32 $0x0;
	s4 =	rddreg [dreg:$0x7]  }
0x6e: {  	[tilespmem:s9], [sflag:$0x5] =	stream.linear.gather [hbm4b:s4+s9], $0x200, $0x38;
	[tilespmem:$0x18500] =	vst v63  }
0x6f: {  	_ =	swait.ge [sflag:s8], $0x200  }
0x70: {  	[sflag:s8] =	ssyncset.done $0x0  }
0x71: {  	s24 =	simm.s32 $0x280;
	s21 =	rddreg [dreg:$0x8];
	[sflag:s8] =	ssyncadd.s32 $0xFFFFFE00  }
0x72: {  	[tilespmem:s24], [sflag:$0x5] =	stream.linear.gather [hbm4b:s21+s9], $0x200, $0x38;
	[tilespmem:$0x18500] =	vst v63  }
0x73: {  	_ =	swait.ge [sflag:s8], $0x200  }
0x74: {  	[sflag:s8] =	ssyncset.done $0x0  }
0x75: {  	[sflag:s8] =	ssyncadd.s32 $0xFFFFFE00  }
0x76: {  	v34 =	vld [tilespmem:$0x0];
	_ =	sdelay $0x4  }
0x77: {  	(v2sf) =	vpush v34, $0x0;
	_ =	sdelay $0x3  }
0x78: {  	(v2sf) =	vpush v34, $0x1;
	_ =	sdelay $0x2  }
0x79: {  	(v2sf) =	vpush v34, $0x2;
	_ =	sdelay $0x2  }
0x7a: {  	v35 =	vld [tilespmem:$0x280];
	(v2sf) =	vpush v34, $0x3;
	_ =	sdelay $0x4  }
0x7b: {  	s8 =	spop (v2sf);
	(v2sf) =	vpush v35, $0x0;
	_ =	sdelay $0x1  }
0x7c: {  	(v2sf) =	vpush v35, $0x1  }
0x7d: {  	s4 =	sand.u32 $0xFFFFF80, s8  }
0x7e: {  	s21 =	spop (v2sf);
	s4 =	sadd.s32 s0, s4  }
0x7f: {  	(v2sf) =	vpush v35, $0x2;
	[tilespmem:s14], [sflag:$0x1] =	stream.strided.gather [hbm4b:s4+s11], $0x1000, s13, s11, $0x38;
	[tilespmem:$0x18500] =	vst v63  }
0x80: {  	s4 =	sand.u32 $0xFFFFF80, s21  }
0x81: {  	s24 =	spop (v2sf);
	s4 =	sadd.s32 s0, s4  }
0x82: {  	(v2sf) =	vpush v35, $0x3;
	[tilespmem:s12], [sflag:$0x1] =	stream.strided.gather [hbm4b:s4+s11], $0x1000, s13, s11, $0x38;
	[tilespmem:$0x18500] =	vst v63  }
0x83: {  	s4 =	sand.u32 $0xFFFFF80, s24  }
0x84: {  	s7 =	spop (v2sf);
	s4 =	sadd.s32 s0, s4  }
0x85: {  	[tilespmem:s15], [sflag:$0x1] =	stream.strided.gather [hbm4b:s4+s11], $0x1000, s13, s11, $0x38;
	[tilespmem:$0x18500] =	vst v63  }
0x86: {  	s4 =	sand.u32 $0xFFFFF80, s7  }
0x87: {  	s4 =	sadd.s32 s0, s4  }
0x88: {  	[tilespmem:s16], [sflag:$0x1] =	stream.strided.gather [hbm4b:s4+s11], $0x1000, s13, s11, $0x38;
	[tilespmem:$0x18500] =	vst v63  }
0x89: {  	s8 =	spop (v2sf)  }
0x8a: {  	s4 =	sand.u32 $0xFFFFF80, s8  }
0x8b: {  	s21 =	spop (v2sf);
	s4 =	sadd.s32 s1, s4  }
0x8c: {  	[tilespmem:s18], [sflag:$0x3] =	stream.strided.gather [hbm4b:s4+s11], $0x1000, s13, s11, $0x38;
	[tilespmem:$0x18500] =	vst v63  }
0x8d: {  	s4 =	sand.u32 $0xFFFFF80, s21  }
0x8e: {  	s24 =	spop (v2sf);
	s4 =	sadd.s32 s1, s4  }
0x8f: {  	[tilespmem:s17], [sflag:$0x3] =	stream.strided.gather [hbm4b:s4+s11], $0x1000, s13, s11, $0x38;
	[tilespmem:$0x18500] =	vst v63  }
0x90: {  	s4 =	sand.u32 $0xFFFFF80, s24  }
0x91: {  	s7 =	spop (v2sf);
	s4 =	sadd.s32 s1, s4  }
0x92: {  	[tilespmem:s19], [sflag:$0x3] =	stream.strided.gather [hbm4b:s4+s11], $0x1000, s13, s11, $0x38;
	[tilespmem:$0x18500] =	vst v63  }
0x93: {  	s4 =	sand.u32 $0xFFFFF80, s7  }
0x94: {  	s4 =	sadd.s32 s1, s4  }
0x95: {  	[tilespmem:s20], [sflag:$0x3] =	stream.strided.gather [hbm4b:s4+s11], $0x1000, s13, s11, $0x38;
	[tilespmem:$0x18500] =	vst v63  }
0x96: {  	v54 =	vld [tilespmem:s6+$0x0];
	_ =	sdelay $0x4  }
0x97: {  	(v2sf) =	vpush v54, $0x0  }
0x98: {  	(v2sf) =	vpush v54, $0x1  }
0x99: {  	s7 =	simm.s32 $0x284  }
0x9a: {  	v55 =	vld [tilespmem:s7+$0x0]  }
0x9b: {  	(v2sf) =	vpush v54, $0x2;
	_ =	sdelay $0x2  }
0x9c: {  	(v2sf) =	vpush v54, $0x3  }
0x9d: {  	(v2sf) =	vpush v55, $0x0;
	_ =	sdelay $0x1  }
0x9e: {  	(v2sf) =	vpush v55, $0x1;
	_ =	sdelay $0x1  }
0x9f: {  	(v2sf) =	vpush v55, $0x2;
	_ =	sdelay $0x2  }
0xa0: {  	s8 =	spop (v2sf)  }
0xa1: {  	(v2sf) =	vpush v55, $0x3;
	s4 =	sand.u32 $0xFFFFF80, s8;
	s21 =	spop (v2sf)  }
0xa2: {  	s4 =	sadd.s32 s0, s4;
	s8 =	sand.u32 $0xFFFFF80, s21;
	s21 =	simm.s32 $0x4500  }
0xa3: {  	[tilespmem:s21], [sflag:$0x2] =	stream.strided.gather [hbm4b:s4+s11], $0x1000, s13, s11, $0x38;
	[tilespmem:$0x18500] =	vst v63  }
0xa4: {  	s4 =	spop (v2sf)  }
0xa5: {  	s24 =	simm.s32 $0x5500;
	s8 =	sadd.s32 s0, s8;
	s4 =	sand.u32 $0xFFFFF80, s4  }
0xa6: {  	[tilespmem:s24], [sflag:$0x2] =	stream.strided.gather [hbm4b:s8+s11], $0x1000, s13, s11, $0x38;
	[tilespmem:$0x18500] =	vst v63  }
0xa7: {  	s21 =	spop (v2sf);
	s4 =	sadd.s32 s0, s4  }
0xa8: {  	s8 =	sand.u32 $0xFFFFF80, s21;
	s24 =	simm.s32 $0x6500;
	s21 =	spop (v2sf)  }
0xa9: {  	[tilespmem:s24], [sflag:$0x2] =	stream.strided.gather [hbm4b:s4+s11], $0x1000, s13, s11, $0x38;
	[tilespmem:$0x18500] =	vst v63  }
0xaa: {  	s8 =	sadd.s32 s0, s8;
	s4 =	sand.u32 $0xFFFFF80, s21;
	s24 =	spop (v2sf)  }
0xab: {  	[tilespmem:s25], [sflag:$0x2] =	stream.strided.gather [hbm4b:s8+s11], $0x1000, s13, s11, $0x38;
	[tilespmem:$0x18500] =	vst v63  }
0xac: {  	s4 =	sadd.s32 s1, s4;
	s21 =	spop (v2sf);
	s8 =	sand.u32 $0xFFFFF80, s24  }
0xad: {  	[tilespmem:s26], [sflag:$0x4] =	stream.strided.gather [hbm4b:s4+s11], $0x1000, s13, s11, $0x38;
	[tilespmem:$0x18500] =	vst v63  }
0xae: {  	s8 =	sadd.s32 s1, s8;
	s4 =	sand.u32 $0xFFFFF80, s21  }
0xaf: {  	[tilespmem:s28], [sflag:$0x4] =	stream.strided.gather [hbm4b:s8+s11], $0x1000, s13, s11, $0x38;
	[tilespmem:$0x18500] =	vst v63  }
0xb0: {  	s4 =	sadd.s32 s1, s4;
	s24 =	spop (v2sf)  }
0xb1: {  	[tilespmem:s29], [sflag:$0x4] =	stream.strided.gather [hbm4b:s4+s11], $0x1000, s13, s11, $0x38;
	[tilespmem:$0x18500] =	vst v63  }
0xb2: {  	s8 =	sand.u32 $0xFFFFF80, s24  }
0xb3: {  	s8 =	sadd.s32 s1, s8  }
0xb4: {  	[tilespmem:s30], [sflag:$0x4] =	stream.strided.gather [hbm4b:s8+s11], $0x1000, s13, s11, $0x38;
	[tilespmem:$0x18500] =	vst v63  }
0xb5: {  	v56 =	vld [tilespmem:s6+$0xFFFFFFFC]  }
0xb6: {  	v35 =	vld [tilespmem:s7+$0xFFFFFFFC];
	_ =	swait.ge [sflag:s31], $0x1000  }
0xb7: {  	[sflag:s31] =	ssyncset.done $0x0  }
0xb8: {  	[sflag:s31] =	ssyncadd.s32 $0xFFFFF000  }
0xb9: {  	_ =	swait.ge [sflag:s31], $0x1000  }
0xba: {  	[sflag:s31] =	ssyncset.done $0x0;
	v34 =	vand.u32 $0x7F, v56  }
0xbb: {  	[sflag:s31] =	ssyncadd.s32 $0xFFFFF000;
	v36 =	vbroadcast v34, $0x0  }
0xbc: {  	_ =	swait.ge [sflag:s31], $0x1000  }
0xbd: {  	[sflag:s31] =	ssyncset.done $0x0;
	v37 =	vor.u32 v0, v36  }
0xbe: {  	v38 =	vmov s9;
	[sflag:s31] =	ssyncadd.s32 $0xFFFFF000;
	v36 =	vor.u32 v1, v36  }
0xbf: {  	v39 =	vshll.u32 v38, $0x3;
	_ =	swait.ge [sflag:s31], $0x1000  }
0xc0: {  	v38 =	vand.u32 $0x78, v38;
	v39 =	vand.u32 $0xC00, v39;
	[sflag:s31] =	ssyncset.done $0x0  }
0xc1: {  	v38 =	vor.u32 v38, v39;
	[sflag:s31] =	ssyncadd.s32 $0xFFFFF000  }
0xc2: {  	v40 =	vor.u32 v2, v38;
	v57 =	vbroadcast v34, $0x1;
	v37 =	vld.idx.msk [tilespmem:v37+s14+$0x0], $0xffff  }
0xc3: {  	v38 =	vor.u32 v3, v38;
	v36 =	vld.idx.msk [tilespmem:v36+s14+$0x0], $0xffff  }
0xc4: {  	s9 =	simm.s32 $0x1;
	v41 =	vor.u32 v4, v57  }
0xc5: {  	v42 =	vmov s9;
	v39 =	vor.u32 v5, v57  }
0xc6: {  	v43 =	vshll.u32 v42, $0x3  }
0xc7: {  	v58 =	vand.u32 $0x79, v42;
	v59 =	vand.u32 $0xC00, v43;
	[tilespmem:v40+s3+$0x0] =	vst.idx.msk $0xffff, v37  }
0xc8: {  	v60 =	vor.u32 v58, v59;
	[tilespmem:v38+s3+$0x0] =	vst.idx.msk $0xffff, v36  }
0xc9: {  	v42 =	vor.u32 v2, v60;
	v61 =	vbroadcast v34, $0x2;
	v41 =	vld.idx.msk [tilespmem:v41+s14+$0x0], $0xffff  }
0xca: {  	v36 =	vor.u32 v3, v60;
	v39 =	vld.idx.msk [tilespmem:v39+s14+$0x0], $0xffff  }
0xcb: {  	s21 =	simm.s32 $0x2;
	v62 =	vor.u32 v6, v61  }
0xcc: {  	v44 =	vmov s21;
	v37 =	vor.u32 v7, v61  }
0xcd: {  	v45 =	vshll.u32 v44, $0x3  }
0xce: {  	v63 =	vand.u32 $0x7A, v44;
	v48 =	vand.u32 $0xC00, v45;
	[tilespmem:v42+s3+$0x0] =	vst.idx.msk $0xffff, v41  }
0xcf: {  	v49 =	vor.u32 v63, v48;
	[tilespmem:v36+s3+$0x0] =	vst.idx.msk $0xffff, v39  }
0xd0: {  	v51 =	vor.u32 v2, v49;
	v34 =	vbroadcast v34, $0x3;
	v50 =	vld.idx.msk [tilespmem:v62+s14+$0x0], $0xffff  }
0xd1: {  	v39 =	vor.u32 v3, v49;
	v37 =	vld.idx.msk [tilespmem:v37+s14+$0x0], $0xffff  }
0xd2: {  	s24 =	simm.s32 $0x3;
	v52 =	vor.u32 v8, v34  }
0xd3: {  	v53 =	vmov s24;
	v34 =	vor.u32 v9, v34  }
0xd4: {  	v46 =	vshll.u32 v53, $0x3  }
0xd5: {  	v54 =	vand.u32 $0x7B, v53;
	v55 =	vand.u32 $0xC00, v46;
	[tilespmem:v51+s3+$0x0] =	vst.idx.msk $0xffff, v50  }
0xd6: {  	v56 =	vor.u32 v54, v55;
	[tilespmem:v39+s3+$0x0] =	vst.idx.msk $0xffff, v37  }
0xd7: {  	v58 =	vor.u32 v2, v56;
	v57 =	vld.idx.msk [tilespmem:v52+s14+$0x0], $0xffff  }
0xd8: {  	v37 =	vor.u32 v3, v56;
	v34 =	vld.idx.msk [tilespmem:v34+s14+$0x0], $0xffff;
	_ =	sdelay $0x3  }
0xd9: {  	[tilespmem:v58+s3+$0x0] =	vst.idx.msk $0xffff, v57  }
0xda: {  	[tilespmem:v37+s3+$0x0] =	vst.idx.msk $0xffff, v34  }
0xdb: {  	_ =	swait.ge [sflag:s2], $0x1000  }
0xdc: {  	[sflag:s2] =	ssyncset.done $0x0  }
0xdd: {  	[sflag:s2] =	ssyncadd.s32 $0xFFFFF000  }
0xde: {  	_ =	swait.ge [sflag:s2], $0x1000  }
0xdf: {  	v59 =	vand.u32 $0x7F, v35;
	[sflag:s2] =	ssyncset.done $0x0  }
0xe0: {  	v35 =	vbroadcast v59, $0x0;
	[sflag:s2] =	ssyncadd.s32 $0xFFFFF000  }
0xe1: {  	_ =	swait.ge [sflag:s2], $0x1000  }
0xe2: {  	v60 =	vor.u32 v0, v35;
	[sflag:s2] =	ssyncset.done $0x0  }
0xe3: {  	v35 =	vor.u32 v1, v35;
	[sflag:s2] =	ssyncadd.s32 $0xFFFFF000  }
0xe4: {  	_ =	swait.ge [sflag:s2], $0x1000  }
0xe5: {  	[sflag:s2] =	ssyncset.done $0x0  }
0xe6: {  	[sflag:s2] =	ssyncadd.s32 $0xFFFFF000  }
0xe7: {  	v61 =	vbroadcast v59, $0x1;
	v41 =	vld.idx.msk [tilespmem:v60+s18+$0x0], $0xffff  }
0xe8: {  	v35 =	vld.idx.msk [tilespmem:v35+s18+$0x0], $0xffff  }
0xe9: {  	v62 =	vor.u32 v4, v61  }
0xea: {  	v45 =	vor.u32 v5, v61;
	_ =	sdelay $0x1  }
0xeb: {  	[tilespmem:v40+s10+$0x0] =	vst.idx.msk $0xffff, v41  }
0xec: {  	[tilespmem:v38+s10+$0x0] =	vst.idx.msk $0xffff, v35  }
0xed: {  	v63 =	vbroadcast v59, $0x2;
	v38 =	vld.idx.msk [tilespmem:v62+s18+$0x0], $0xffff  }
0xee: {  	v40 =	vld.idx.msk [tilespmem:v45+s18+$0x0], $0xffff  }
0xef: {  	v47 =	vor.u32 v6, v63  }
0xf0: {  	v35 =	vor.u32 v7, v63;
	_ =	sdelay $0x1  }
0xf1: {  	[tilespmem:v42+s10+$0x0] =	vst.idx.msk $0xffff, v38  }
0xf2: {  	[tilespmem:v36+s10+$0x0] =	vst.idx.msk $0xffff, v40  }
0xf3: {  	v34 =	vbroadcast v59, $0x3;
	v36 =	vld.idx.msk [tilespmem:v47+s18+$0x0], $0xffff  }
0xf4: {  	v35 =	vld.idx.msk [tilespmem:v35+s18+$0x0], $0xffff  }
0xf5: {  	v48 =	vor.u32 v8, v34  }
0xf6: {  	v34 =	vor.u32 v9, v34;
	_ =	sdelay $0x1  }
0xf7: {  	[tilespmem:v51+s10+$0x0] =	vst.idx.msk $0xffff, v36  }
0xf8: {  	[tilespmem:v39+s10+$0x0] =	vst.idx.msk $0xffff, v35  }
0xf9: {  	v35 =	vld.idx.msk [tilespmem:v48+s18+$0x0], $0xffff  }
0xfa: {  	v34 =	vld.idx.msk [tilespmem:v34+s18+$0x0], $0xffff;
	_ =	sdelay $0x3  }
0xfb: {  	[tilespmem:v58+s10+$0x0] =	vst.idx.msk $0xffff, v35  }
0xfc: {  	[tilespmem:v37+s10+$0x0] =	vst.idx.msk $0xffff, v34  }
0xfd: {  	v34 =	vld [tilespmem:s6+$0x4];
	_ =	sdelay $0x4  }
0xfe: {  	(v2sf) =	vpush v34, $0x0;
	_ =	sdelay $0x1  }
0xff: {  	v35 =	vld [tilespmem:s7+$0x4];
	(v2sf) =	vpush v34, $0x1  }
0x100: {  	(v2sf) =	vpush v34, $0x2;
	_ =	sdelay $0x1  }
0x101: {  	(v2sf) =	vpush v34, $0x3;
	_ =	sdelay $0x1  }
0x102: {  	(v2sf) =	vpush v35, $0x0;
	_ =	sdelay $0x1  }
0x103: {  	(v2sf) =	vpush v35, $0x1;
	_ =	sdelay $0x1  }
0x104: {  	(v2sf) =	vpush v35, $0x2;
	_ =	sdelay $0x3  }
0x105: {  	s8 =	spop (v2sf);
	(v2sf) =	vpush v35, $0x3;
	_ =	sdelay $0x1  }
0x106: {  	s4 =	sand.u32 $0xFFFFF80, s8;
	s9 =	spop (v2sf)  }
0x107: {  	s4 =	sadd.s32 s0, s4;
	s8 =	sand.u32 $0xFFFFF80, s9;
	s21 =	spop (v2sf)  }
0x108: {  	[tilespmem:s14], [sflag:$0x1] =	stream.strided.gather [hbm4b:s4+s11], $0x1000, s13, s11, $0x38;
	[tilespmem:$0x18500] =	vst v63  }
0x109: {  	s8 =	sadd.s32 s0, s8;
	s4 =	sand.u32 $0xFFFFF80, s21;
	s24 =	spop (v2sf)  }
0x10a: {  	[tilespmem:s12], [sflag:$0x1] =	stream.strided.gather [hbm4b:s8+s11], $0x1000, s13, s11, $0x38;
	[tilespmem:$0x18500] =	vst v63  }
0x10b: {  	s4 =	sadd.s32 s0, s4;
	s9 =	spop (v2sf);
	s8 =	sand.u32 $0xFFFFF80, s24  }
0x10c: {  	[tilespmem:s15], [sflag:$0x1] =	stream.strided.gather [hbm4b:s4+s11], $0x1000, s13, s11, $0x38;
	[tilespmem:$0x18500] =	vst v63  }
0x10d: {  	s12 =	spop (v2sf);
	s8 =	sadd.s32 s0, s8;
	s4 =	sand.u32 $0xFFFFF80, s9  }
0x10e: {  	[tilespmem:s16], [sflag:$0x1] =	stream.strided.gather [hbm4b:s8+s11], $0x1000, s13, s11, $0x38;
	[tilespmem:$0x18500] =	vst v63  }
0x10f: {  	s15 =	spop (v2sf);
	s4 =	sadd.s32 s1, s4;
	s8 =	sand.u32 $0xFFFFF80, s12  }
0x110: {  	[tilespmem:s18], [sflag:$0x3] =	stream.strided.gather [hbm4b:s4+s11], $0x1000, s13, s11, $0x38;
	[tilespmem:$0x18500] =	vst v63  }
0x111: {  	s8 =	sadd.s32 s1, s8;
	s4 =	sand.u32 $0xFFFFF80, s15  }
0x112: {  	[tilespmem:s17], [sflag:$0x3] =	stream.strided.gather [hbm4b:s8+s11], $0x1000, s13, s11, $0x38;
	[tilespmem:$0x18500] =	vst v63  }
0x113: {  	s4 =	sadd.s32 s1, s4;
	s16 =	spop (v2sf)  }
0x114: {  	[tilespmem:s19], [sflag:$0x3] =	stream.strided.gather [hbm4b:s4+s11], $0x1000, s13, s11, $0x38;
	[tilespmem:$0x18500] =	vst v63  }
0x115: {  	s8 =	sand.u32 $0xFFFFF80, s16  }
0x116: {  	s17 =	sadd.s32 s1, s8  }
0x117: {  	[tilespmem:s20], [sflag:$0x3] =	stream.strided.gather [hbm4b:s17+s11], $0x1000, s13, s11, $0x38;
	[tilespmem:$0x18500] =	vst v63  }
0x118: {  	v49 =	vld [tilespmem:s6+$0x0]  }
0x119: {  	v35 =	vld [tilespmem:s7+$0x0];
	_ =	swait.ge [sflag:s5], $0x1000  }
0x11a: {  	[sflag:s5] =	ssyncset.done $0x0  }
0x11b: {  	[sflag:s5] =	ssyncadd.s32 $0xFFFFF000  }
0x11c: {  	_ =	swait.ge [sflag:s5], $0x1000  }
0x11d: {  	[sflag:s5] =	ssyncset.done $0x0;
	v34 =	vand.u32 $0x7F, v49  }
0x11e: {  	[sflag:s5] =	ssyncadd.s32 $0xFFFFF000;
	v50 =	vbroadcast v34, $0x0  }
0x11f: {  	_ =	swait.ge [sflag:s5], $0x1000  }
0x120: {  	s19 =	simm.s32 $0x4;
	[sflag:s5] =	ssyncset.done $0x0;
	v51 =	vor.u32 v10, v50  }
0x121: {  	v52 =	vmov s19;
	[sflag:s5] =	ssyncadd.s32 $0xFFFFF000;
	v36 =	vor.u32 v11, v50  }
0x122: {  	v53 =	vshll.u32 v52, $0x3;
	_ =	swait.ge [sflag:s5], $0x1000  }
0x123: {  	v38 =	vand.u32 $0x7C, v52;
	v39 =	vand.u32 $0xC00, v53;
	[sflag:s5] =	ssyncset.done $0x0  }
0x124: {  	v38 =	vor.u32 v38, v39;
	[sflag:s5] =	ssyncadd.s32 $0xFFFFF000  }
0x125: {  	v40 =	vor.u32 v2, v38;
	v54 =	vbroadcast v34, $0x1;
	v37 =	vld.idx.msk [tilespmem:v51+s14+$0x0], $0xffff  }
0x126: {  	v41 =	vor.u32 v3, v38;
	v36 =	vld.idx.msk [tilespmem:v36+s14+$0x0], $0xffff  }
0x127: {  	s20 =	simm.s32 $0x5;
	v55 =	vor.u32 v12, v54  }
0x128: {  	v56 =	vmov s20;
	v39 =	vor.u32 v13, v54  }
0x129: {  	v57 =	vshll.u32 v56, $0x3  }
0x12a: {  	v58 =	vand.u32 $0x7D, v56;
	v59 =	vand.u32 $0xC00, v57;
	[tilespmem:v40+s3+$0x0] =	vst.idx.msk $0xffff, v37  }
0x12b: {  	v60 =	vor.u32 v58, v59;
	[tilespmem:v41+s3+$0x0] =	vst.idx.msk $0xffff, v36  }
0x12c: {  	v42 =	vor.u32 v2, v60;
	v61 =	vbroadcast v34, $0x2;
	v38 =	vld.idx.msk [tilespmem:v55+s14+$0x0], $0xffff  }
0x12d: {  	v36 =	vor.u32 v3, v60;
	v39 =	vld.idx.msk [tilespmem:v39+s14+$0x0], $0xffff  }
0x12e: {  	s21 =	simm.s32 $0x6;
	v62 =	vor.u32 v14, v61  }
0x12f: {  	v63 =	vmov s21;
	v37 =	vor.u32 v15, v61  }
0x130: {  	v48 =	vshll.u32 v63, $0x3  }
0x131: {  	v49 =	vand.u32 $0x7E, v63;
	v50 =	vand.u32 $0xC00, v48;
	[tilespmem:v42+s3+$0x0] =	vst.idx.msk $0xffff, v38  }
0x132: {  	v38 =	vor.u32 v49, v50;
	[tilespmem:v36+s3+$0x0] =	vst.idx.msk $0xffff, v39  }
0x133: {  	v51 =	vbroadcast v34, $0x3;
	v44 =	vor.u32 v2, v38;
	v43 =	vld.idx.msk [tilespmem:v62+s14+$0x0], $0xffff  }
0x134: {  	v34 =	vor.u32 v3, v38;
	v37 =	vld.idx.msk [tilespmem:v37+s14+$0x0], $0xffff  }
0x135: {  	s24 =	simm.s32 $0x7;
	v52 =	vor.u32 v16, v51  }
0x136: {  	v53 =	vmov s24;
	v39 =	vor.u32 v17, v51  }
0x137: {  	v54 =	vshll.u32 v53, $0x3  }
0x138: {  	v56 =	vand.u32 $0xC00, v54;
	v55 =	vand.u32 $0x7F, v53;
	[tilespmem:v44+s3+$0x0] =	vst.idx.msk $0xffff, v43  }
0x139: {  	v43 =	vor.u32 v55, v56;
	[tilespmem:v34+s3+$0x0] =	vst.idx.msk $0xffff, v37  }
0x13a: {  	v37 =	vor.u32 v2, v43;
	v57 =	vld.idx.msk [tilespmem:v52+s14+$0x0], $0xffff  }
0x13b: {  	v38 =	vor.u32 v3, v43;
	v39 =	vld.idx.msk [tilespmem:v39+s14+$0x0], $0xffff;
	_ =	sdelay $0x3  }
0x13c: {  	[tilespmem:v37+s3+$0x0] =	vst.idx.msk $0xffff, v57  }
0x13d: {  	[tilespmem:v38+s3+$0x0] =	vst.idx.msk $0xffff, v39  }
0x13e: {  	_ =	swait.ge [sflag:s6], $0x1000  }
0x13f: {  	[sflag:s6] =	ssyncset.done $0x0  }
0x140: {  	[sflag:s6] =	ssyncadd.s32 $0xFFFFF000  }
0x141: {  	_ =	swait.ge [sflag:s6], $0x1000  }
0x142: {  	v35 =	vand.u32 $0x7F, v35;
	[sflag:s6] =	ssyncset.done $0x0  }
0x143: {  	v58 =	vbroadcast v35, $0x0;
	[sflag:s6] =	ssyncadd.s32 $0xFFFFF000  }
0x144: {  	_ =	swait.ge [sflag:s6], $0x1000  }
0x145: {  	v59 =	vor.u32 v10, v58;
	[sflag:s6] =	ssyncset.done $0x0  }
0x146: {  	v39 =	vor.u32 v11, v58;
	[sflag:s6] =	ssyncadd.s32 $0xFFFFF000  }
0x147: {  	_ =	swait.ge [sflag:s6], $0x1000  }
0x148: {  	[sflag:s6] =	ssyncset.done $0x0  }
0x149: {  	[sflag:s6] =	ssyncadd.s32 $0xFFFFF000  }
0x14a: {  	v60 =	vbroadcast v35, $0x1;
	v43 =	vld.idx.msk [tilespmem:v59+s18+$0x0], $0xffff  }
0x14b: {  	v39 =	vld.idx.msk [tilespmem:v39+s18+$0x0], $0xffff  }
0x14c: {  	v61 =	vor.u32 v12, v60  }
0x14d: {  	v45 =	vor.u32 v13, v60;
	_ =	sdelay $0x1  }
0x14e: {  	[tilespmem:v40+s10+$0x0] =	vst.idx.msk $0xffff, v43  }
0x14f: {  	[tilespmem:v41+s10+$0x0] =	vst.idx.msk $0xffff, v39  }
0x150: {  	v62 =	vbroadcast v35, $0x2;
	v40 =	vld.idx.msk [tilespmem:v61+s18+$0x0], $0xffff  }
0x151: {  	v41 =	vld.idx.msk [tilespmem:v45+s18+$0x0], $0xffff  }
0x152: {  	v63 =	vor.u32 v14, v62  }
0x153: {  	v39 =	vor.u32 v15, v62;
	_ =	sdelay $0x1  }
0x154: {  	[tilespmem:v42+s10+$0x0] =	vst.idx.msk $0xffff, v40  }
0x155: {  	[tilespmem:v36+s10+$0x0] =	vst.idx.msk $0xffff, v41  }
0x156: {  	v35 =	vbroadcast v35, $0x3;
	v40 =	vld.idx.msk [tilespmem:v63+s18+$0x0], $0xffff  }
0x157: {  	v36 =	vld.idx.msk [tilespmem:v39+s18+$0x0], $0xffff  }
0x158: {  	v39 =	vor.u32 v16, v35  }
0x159: {  	v35 =	vor.u32 v17, v35  }
0x15a: {  	s21 =	simm.s32 $0x9500;
	s4 =	simm.s32 $0x4;
	s19 =	simm.s32 $0x2500  }
0x15b: {  	s8 =	simm.s32 $0x8;
	s17 =	simm.s32 $0x1500;
	s20 =	simm.s32 $0x3500;
	[tilespmem:v44+s10+$0x0] =	vst.idx.msk $0xffff, v40  }
.LBB2_2:
0x15c: {  	p0 =	sne.s32 s8, $0x1F0;
	[tilespmem:v34+s10+$0x0] =	vst.idx.msk $0xffff, v36;
	s4 =	sadd.s32 $0x8, s4;
	s7 =	sadd.s32 $0x8, s7  }
0x15d: {  	s12 =	smov.u32 s8;
	s8 =	sadd.s32 $0x8, s8;
	v34 =	vld.idx.msk [tilespmem:v39+s18+$0x0], $0xffff  }
0x15e: {  	v35 =	vld.idx.msk [tilespmem:v35+s18+$0x0], $0xffff;
	_ =	sdelay $0x4  }
0x15f: {  	[tilespmem:v37+s10+$0x0] =	vst.idx.msk $0xffff, v34  }
0x160: {  	[tilespmem:v38+s10+$0x0] =	vst.idx.msk $0xffff, v35  }
0x161: {  	v34 =	vld [tilespmem:s4+$0x0];
	_ =	sdelay $0x1  }
0x162: {  	v35 =	vld [tilespmem:s7+$0x0];
	_ =	sdelay $0x2  }
0x163: {  	(v2sf) =	vpush v34, $0x0  }
0x164: {  	(v2sf) =	vpush v34, $0x1  }
0x165: {  	(v2sf) =	vpush v34, $0x2;
	_ =	sdelay $0x1  }
0x166: {  	(v2sf) =	vpush v34, $0x3;
	_ =	sdelay $0x1  }
0x167: {  	(v2sf) =	vpush v35, $0x0;
	_ =	sdelay $0x1  }
0x168: {  	(v2sf) =	vpush v35, $0x1;
	_ =	sdelay $0x1  }
0x169: {  	(v2sf) =	vpush v35, $0x2;
	_ =	sdelay $0x1  }
0x16a: {  	(v2sf) =	vpush v35, $0x3;
	_ =	sdelay $0x2  }
0x16b: {  	s9 =	spop (v2sf)  }
0x16c: {  	s24 =	simm.s32 $0x4500;
	s9 =	sand.u32 $0xFFFFF80, s9;
	s15 =	spop (v2sf)  }
0x16d: {  	s9 =	sadd.s32 s0, s9;
	s15 =	sand.u32 $0xFFFFF80, s15;
	s16 =	spop (v2sf)  }
0x16e: {  	[tilespmem:s24], [sflag:$0x2] =	stream.strided.gather [hbm4b:s9+s11], $0x1000, s13, s11, $0x38;
	[tilespmem:$0x18500] =	vst v63  }
0x16f: {  	s9 =	sadd.s32 s0, s15  }
0x170: {  	s15 =	sand.u32 $0xFFFFF80, s16;
	s24 =	simm.s32 $0x5500;
	s16 =	spop (v2sf)  }
0x171: {  	[tilespmem:s24], [sflag:$0x2] =	stream.strided.gather [hbm4b:s9+s11], $0x1000, s13, s11, $0x38;
	[tilespmem:$0x18500] =	vst v63  }
0x172: {  	s9 =	sadd.s32 s0, s15  }
0x173: {  	s15 =	sand.u32 $0xFFFFF80, s16;
	s24 =	simm.s32 $0x6500;
	s16 =	spop (v2sf)  }
0x174: {  	[tilespmem:s24], [sflag:$0x2] =	stream.strided.gather [hbm4b:s9+s11], $0x1000, s13, s11, $0x38;
	[tilespmem:$0x18500] =	vst v63  }
0x175: {  	s9 =	sadd.s32 s0, s15;
	s15 =	sand.u32 $0xFFFFF80, s16;
	s16 =	spop (v2sf)  }
0x176: {  	[tilespmem:s25], [sflag:$0x2] =	stream.strided.gather [hbm4b:s9+s11], $0x1000, s13, s11, $0x38;
	[tilespmem:$0x18500] =	vst v63  }
0x177: {  	s9 =	sadd.s32 s1, s15;
	s15 =	sand.u32 $0xFFFFF80, s16;
	s16 =	spop (v2sf)  }
0x178: {  	[tilespmem:s26], [sflag:$0x4] =	stream.strided.gather [hbm4b:s9+s11], $0x1000, s13, s11, $0x38;
	[tilespmem:$0x18500] =	vst v63  }
0x179: {  	s9 =	sadd.s32 s1, s15;
	s15 =	sand.u32 $0xFFFFF80, s16;
	s16 =	spop (v2sf)  }
0x17a: {  	[tilespmem:s28], [sflag:$0x4] =	stream.strided.gather [hbm4b:s9+s11], $0x1000, s13, s11, $0x38;
	[tilespmem:$0x18500] =	vst v63  }
0x17b: {  	s9 =	sadd.s32 s1, s15;
	s15 =	sand.u32 $0xFFFFF80, s16  }
0x17c: {  	[tilespmem:s29], [sflag:$0x4] =	stream.strided.gather [hbm4b:s9+s11], $0x1000, s13, s11, $0x38;
	[tilespmem:$0x18500] =	vst v63  }
0x17d: {  	s9 =	sadd.s32 s1, s15  }
0x17e: {  	[tilespmem:s30], [sflag:$0x4] =	stream.strided.gather [hbm4b:s9+s11], $0x1000, s13, s11, $0x38;
	[tilespmem:$0x18500] =	vst v63  }
0x17f: {  	v34 =	vld [tilespmem:s4+$0xFFFFFFFC]  }
0x180: {  	v35 =	vld [tilespmem:s7+$0xFFFFFFFC]  }
0x181: {  	_ =	swait.ge [sflag:s31], $0x1000  }
0x182: {  	[sflag:s31] =	ssyncset.done $0x0  }
0x183: {  	[sflag:s31] =	ssyncadd.s32 $0xFFFFF000  }
0x184: {  	v34 =	vand.u32 $0x7F, v34;
	_ =	swait.ge [sflag:s31], $0x1000  }
0x185: {  	v37 =	vand.u32 $0x7F, v35;
	[sflag:s31] =	ssyncset.done $0x0;
	v38 =	vbroadcast v34, $0x0;
	v39 =	vbroadcast v34, $0x1  }
0x186: {  	v40 =	vbroadcast v34, $0x2;
	v41 =	vbroadcast v34, $0x3;
	[sflag:s31] =	ssyncadd.s32 $0xFFFFF000  }
0x187: {  	v43 =	vbroadcast v37, $0x0;
	v36 =	vbroadcast v37, $0x1;
	_ =	swait.ge [sflag:s31], $0x1000;
	v42 =	vor.u32 v0, v38  }
0x188: {  	v35 =	vbroadcast v37, $0x2;
	v34 =	vbroadcast v37, $0x3;
	[sflag:s31] =	ssyncset.done $0x0  }
0x189: {  	v37 =	vor.u32 v1, v38;
	[sflag:s31] =	ssyncadd.s32 $0xFFFFF000  }
0x18a: {  	v38 =	vmov s12;
	_ =	swait.ge [sflag:s31], $0x1000  }
0x18b: {  	v44 =	vshll.u32 v38, $0x3;
	[sflag:s31] =	ssyncset.done $0x0  }
0x18c: {  	v38 =	vand.u32 $0x78, v38;
	v44 =	vand.u32 $0xC00, v44;
	[sflag:s31] =	ssyncadd.s32 $0xFFFFF000  }
0x18d: {  	v38 =	vor.u32 v38, v44;
	v42 =	vld.idx.msk [tilespmem:v42+s14+$0x0], $0xffff  }
0x18e: {  	v44 =	vor.u32 v2, v38;
	v37 =	vld.idx.msk [tilespmem:v37+s14+$0x0], $0xffff  }
0x18f: {  	v38 =	vor.u32 v3, v38  }
0x190: {  	v45 =	vor.u32 v4, v39  }
0x191: {  	s9 =	sadd.s32 $0x1, s12;
	v39 =	vor.u32 v5, v39  }
0x192: {  	v46 =	vmov s9  }
0x193: {  	[tilespmem:v44+s3+$0x0] =	vst.idx.msk $0xffff, v42;
	v42 =	vshll.u32 v46, $0x3  }
0x194: {  	[tilespmem:v38+s3+$0x0] =	vst.idx.msk $0xffff, v37;
	v37 =	vand.u32 $0x79, v46;
	v42 =	vand.u32 $0xC00, v42  }
0x195: {  	v45 =	vld.idx.msk [tilespmem:v45+s14+$0x0], $0xffff;
	v37 =	vor.u32 v37, v42  }
0x196: {  	v39 =	vld.idx.msk [tilespmem:v39+s14+$0x0], $0xffff;
	v42 =	vor.u32 v2, v37  }
0x197: {  	v37 =	vor.u32 v3, v37  }
0x198: {  	v46 =	vor.u32 v6, v40  }
0x199: {  	s9 =	sadd.s32 $0x2, s12;
	v40 =	vor.u32 v7, v40  }
0x19a: {  	v47 =	vmov s9  }
0x19b: {  	[tilespmem:v42+s3+$0x0] =	vst.idx.msk $0xffff, v45;
	v45 =	vshll.u32 v47, $0x3  }
0x19c: {  	[tilespmem:v37+s3+$0x0] =	vst.idx.msk $0xffff, v39;
	v39 =	vand.u32 $0x7A, v47;
	v45 =	vand.u32 $0xC00, v45  }
0x19d: {  	v46 =	vld.idx.msk [tilespmem:v46+s14+$0x0], $0xffff;
	v39 =	vor.u32 v39, v45  }
0x19e: {  	v40 =	vld.idx.msk [tilespmem:v40+s14+$0x0], $0xffff;
	v45 =	vor.u32 v2, v39  }
0x19f: {  	v39 =	vor.u32 v3, v39  }
0x1a0: {  	v47 =	vor.u32 v8, v41  }
0x1a1: {  	s9 =	sadd.s32 $0x3, s12;
	v41 =	vor.u32 v9, v41  }
0x1a2: {  	v48 =	vmov s9  }
0x1a3: {  	[tilespmem:v45+s3+$0x0] =	vst.idx.msk $0xffff, v46;
	v46 =	vshll.u32 v48, $0x3  }
0x1a4: {  	[tilespmem:v39+s3+$0x0] =	vst.idx.msk $0xffff, v40;
	v40 =	vand.u32 $0x7B, v48;
	v46 =	vand.u32 $0xC00, v46  }
0x1a5: {  	v47 =	vld.idx.msk [tilespmem:v47+s14+$0x0], $0xffff;
	v40 =	vor.u32 v40, v46  }
0x1a6: {  	v41 =	vld.idx.msk [tilespmem:v41+s14+$0x0], $0xffff;
	v46 =	vor.u32 v2, v40  }
0x1a7: {  	v40 =	vor.u32 v3, v40;
	_ =	sdelay $0x3  }
0x1a8: {  	[tilespmem:v46+s3+$0x0] =	vst.idx.msk $0xffff, v47  }
0x1a9: {  	[tilespmem:v40+s3+$0x0] =	vst.idx.msk $0xffff, v41  }
0x1aa: {  	_ =	swait.ge [sflag:s2], $0x1000  }
0x1ab: {  	[sflag:s2] =	ssyncset.done $0x0  }
0x1ac: {  	[sflag:s2] =	ssyncadd.s32 $0xFFFFF000  }
0x1ad: {  	_ =	swait.ge [sflag:s2], $0x1000  }
0x1ae: {  	[sflag:s2] =	ssyncset.done $0x0  }
0x1af: {  	[sflag:s2] =	ssyncadd.s32 $0xFFFFF000  }
0x1b0: {  	_ =	swait.ge [sflag:s2], $0x1000  }
0x1b1: {  	v41 =	vor.u32 v0, v43;
	[sflag:s2] =	ssyncset.done $0x0  }
0x1b2: {  	v43 =	vor.u32 v1, v43;
	[sflag:s2] =	ssyncadd.s32 $0xFFFFF000  }
0x1b3: {  	_ =	swait.ge [sflag:s2], $0x1000  }
0x1b4: {  	[sflag:s2] =	ssyncset.done $0x0  }
0x1b5: {  	[sflag:s2] =	ssyncadd.s32 $0xFFFFF000  }
0x1b6: {  	v41 =	vld.idx.msk [tilespmem:v41+s18+$0x0], $0xffff  }
0x1b7: {  	v43 =	vld.idx.msk [tilespmem:v43+s18+$0x0], $0xffff;
	_ =	sdelay $0x1  }
0x1b8: {  	v47 =	vor.u32 v4, v36  }
0x1b9: {  	v36 =	vor.u32 v5, v36;
	_ =	sdelay $0x1  }
0x1ba: {  	[tilespmem:v44+s10+$0x0] =	vst.idx.msk $0xffff, v41  }
0x1bb: {  	[tilespmem:v38+s10+$0x0] =	vst.idx.msk $0xffff, v43  }
0x1bc: {  	v38 =	vld.idx.msk [tilespmem:v47+s18+$0x0], $0xffff  }
0x1bd: {  	v36 =	vld.idx.msk [tilespmem:v36+s18+$0x0], $0xffff;
	_ =	sdelay $0x1  }
0x1be: {  	v41 =	vor.u32 v6, v35  }
0x1bf: {  	v35 =	vor.u32 v7, v35;
	_ =	sdelay $0x1  }
0x1c0: {  	[tilespmem:v42+s10+$0x0] =	vst.idx.msk $0xffff, v38  }
0x1c1: {  	[tilespmem:v37+s10+$0x0] =	vst.idx.msk $0xffff, v36  }
0x1c2: {  	v36 =	vld.idx.msk [tilespmem:v41+s18+$0x0], $0xffff  }
0x1c3: {  	v35 =	vld.idx.msk [tilespmem:v35+s18+$0x0], $0xffff;
	_ =	sdelay $0x1  }
0x1c4: {  	v37 =	vor.u32 v8, v34  }
0x1c5: {  	v34 =	vor.u32 v9, v34;
	_ =	sdelay $0x1  }
0x1c6: {  	[tilespmem:v45+s10+$0x0] =	vst.idx.msk $0xffff, v36  }
0x1c7: {  	[tilespmem:v39+s10+$0x0] =	vst.idx.msk $0xffff, v35  }
0x1c8: {  	v35 =	vld.idx.msk [tilespmem:v37+s18+$0x0], $0xffff  }
0x1c9: {  	v34 =	vld.idx.msk [tilespmem:v34+s18+$0x0], $0xffff;
	_ =	sdelay $0x4  }
0x1ca: {  	[tilespmem:v46+s10+$0x0] =	vst.idx.msk $0xffff, v35  }
0x1cb: {  	[tilespmem:v40+s10+$0x0] =	vst.idx.msk $0xffff, v34  }
0x1cc: {  	v34 =	vld [tilespmem:s4+$0x4]  }
0x1cd: {  	v35 =	vld [tilespmem:s7+$0x4];
	_ =	sdelay $0x3  }
0x1ce: {  	(v2sf) =	vpush v34, $0x0  }
0x1cf: {  	(v2sf) =	vpush v34, $0x1  }
0x1d0: {  	(v2sf) =	vpush v34, $0x2;
	_ =	sdelay $0x1  }
0x1d1: {  	(v2sf) =	vpush v34, $0x3;
	_ =	sdelay $0x1  }
0x1d2: {  	(v2sf) =	vpush v35, $0x0;
	_ =	sdelay $0x1  }
0x1d3: {  	(v2sf) =	vpush v35, $0x1;
	_ =	sdelay $0x1  }
0x1d4: {  	(v2sf) =	vpush v35, $0x2;
	_ =	sdelay $0x1  }
0x1d5: {  	(v2sf) =	vpush v35, $0x3;
	_ =	sdelay $0x2  }
0x1d6: {  	s9 =	spop (v2sf)  }
0x1d7: {  	s9 =	sand.u32 $0xFFFFF80, s9;
	s15 =	spop (v2sf)  }
0x1d8: {  	s9 =	sadd.s32 s0, s9;
	s15 =	sand.u32 $0xFFFFF80, s15;
	s16 =	spop (v2sf)  }
0x1d9: {  	[tilespmem:s14], [sflag:$0x1] =	stream.strided.gather [hbm4b:s9+s11], $0x1000, s13, s11, $0x38;
	[tilespmem:$0x18500] =	vst v63  }
0x1da: {  	s9 =	sadd.s32 s0, s15;
	s15 =	sand.u32 $0xFFFFF80, s16;
	s16 =	spop (v2sf)  }
0x1db: {  	[tilespmem:s17], [sflag:$0x1] =	stream.strided.gather [hbm4b:s9+s11], $0x1000, s13, s11, $0x38;
	[tilespmem:$0x18500] =	vst v63  }
0x1dc: {  	s9 =	sadd.s32 s0, s15;
	s15 =	sand.u32 $0xFFFFF80, s16;
	s16 =	spop (v2sf)  }
0x1dd: {  	[tilespmem:s19], [sflag:$0x1] =	stream.strided.gather [hbm4b:s9+s11], $0x1000, s13, s11, $0x38;
	[tilespmem:$0x18500] =	vst v63  }
0x1de: {  	s9 =	sadd.s32 s0, s15;
	s15 =	sand.u32 $0xFFFFF80, s16;
	s16 =	spop (v2sf)  }
0x1df: {  	[tilespmem:s20], [sflag:$0x1] =	stream.strided.gather [hbm4b:s9+s11], $0x1000, s13, s11, $0x38;
	[tilespmem:$0x18500] =	vst v63  }
0x1e0: {  	s9 =	sadd.s32 s1, s15;
	s15 =	sand.u32 $0xFFFFF80, s16;
	s16 =	spop (v2sf)  }
0x1e1: {  	[tilespmem:s18], [sflag:$0x3] =	stream.strided.gather [hbm4b:s9+s11], $0x1000, s13, s11, $0x38;
	[tilespmem:$0x18500] =	vst v63  }
0x1e2: {  	s9 =	sadd.s32 s1, s15;
	s15 =	sand.u32 $0xFFFFF80, s16;
	s16 =	spop (v2sf)  }
0x1e3: {  	[tilespmem:s21], [sflag:$0x3] =	stream.strided.gather [hbm4b:s9+s11], $0x1000, s13, s11, $0x38;
	[tilespmem:$0x18500] =	vst v63  }
0x1e4: {  	s9 =	sadd.s32 s1, s15;
	s15 =	sand.u32 $0xFFFFF80, s16  }
0x1e5: {  	[tilespmem:s22], [sflag:$0x3] =	stream.strided.gather [hbm4b:s9+s11], $0x1000, s13, s11, $0x38;
	[tilespmem:$0x18500] =	vst v63  }
0x1e6: {  	s9 =	sadd.s32 s1, s15  }
0x1e7: {  	[tilespmem:s23], [sflag:$0x3] =	stream.strided.gather [hbm4b:s9+s11], $0x1000, s13, s11, $0x38;
	[tilespmem:$0x18500] =	vst v63  }
0x1e8: {  	v34 =	vld [tilespmem:s4+$0x0]  }
0x1e9: {  	v35 =	vld [tilespmem:s7+$0x0]  }
0x1ea: {  	_ =	swait.ge [sflag:s5], $0x1000  }
0x1eb: {  	[sflag:s5] =	ssyncset.done $0x0  }
0x1ec: {  	[sflag:s5] =	ssyncadd.s32 $0xFFFFF000  }
0x1ed: {  	v34 =	vand.u32 $0x7F, v34;
	_ =	swait.ge [sflag:s5], $0x1000  }
0x1ee: {  	v35 =	vand.u32 $0x7F, v35;
	[sflag:s5] =	ssyncset.done $0x0;
	v37 =	vbroadcast v34, $0x0;
	v38 =	vbroadcast v34, $0x1  }
0x1ef: {  	v40 =	vbroadcast v34, $0x2;
	v41 =	vbroadcast v34, $0x3;
	[sflag:s5] =	ssyncadd.s32 $0xFFFFF000  }
0x1f0: {  	v42 =	vbroadcast v35, $0x0;
	v39 =	vbroadcast v35, $0x1;
	_ =	swait.ge [sflag:s5], $0x1000;
	v34 =	vor.u32 v10, v37  }
0x1f1: {  	s9 =	sadd.s32 $0x4, s12;
	v36 =	vbroadcast v35, $0x2;
	v35 =	vbroadcast v35, $0x3;
	[sflag:s5] =	ssyncset.done $0x0  }
0x1f2: {  	v43 =	vmov s9;
	v37 =	vor.u32 v11, v37;
	[sflag:s5] =	ssyncadd.s32 $0xFFFFF000  }
0x1f3: {  	v44 =	vshll.u32 v43, $0x3;
	_ =	swait.ge [sflag:s5], $0x1000  }
0x1f4: {  	v43 =	vand.u32 $0x7C, v43;
	v44 =	vand.u32 $0xC00, v44;
	[sflag:s5] =	ssyncset.done $0x0  }
0x1f5: {  	v43 =	vor.u32 v43, v44;
	[sflag:s5] =	ssyncadd.s32 $0xFFFFF000  }
0x1f6: {  	v44 =	vor.u32 v2, v43;
	v34 =	vld.idx.msk [tilespmem:v34+s14+$0x0], $0xffff  }
0x1f7: {  	v43 =	vor.u32 v3, v43;
	v37 =	vld.idx.msk [tilespmem:v37+s14+$0x0], $0xffff;
	_ =	sdelay $0x1  }
0x1f8: {  	s9 =	sadd.s32 $0x5, s12;
	v45 =	vor.u32 v12, v38  }
0x1f9: {  	v46 =	vmov s9;
	v38 =	vor.u32 v13, v38  }
0x1fa: {  	v47 =	vshll.u32 v46, $0x3  }
0x1fb: {  	[tilespmem:v44+s3+$0x0] =	vst.idx.msk $0xffff, v34;
	v34 =	vand.u32 $0x7D, v46;
	v46 =	vand.u32 $0xC00, v47  }
0x1fc: {  	[tilespmem:v43+s3+$0x0] =	vst.idx.msk $0xffff, v37;
	v34 =	vor.u32 v34, v46  }
0x1fd: {  	v37 =	vld.idx.msk [tilespmem:v45+s14+$0x0], $0xffff;
	v45 =	vor.u32 v2, v34  }
0x1fe: {  	v46 =	vor.u32 v3, v34;
	v38 =	vld.idx.msk [tilespmem:v38+s14+$0x0], $0xffff;
	_ =	sdelay $0x1  }
0x1ff: {  	s9 =	sadd.s32 $0x6, s12;
	v34 =	vor.u32 v14, v40  }
0x200: {  	v47 =	vmov s9;
	v40 =	vor.u32 v15, v40  }
0x201: {  	v48 =	vshll.u32 v47, $0x3  }
0x202: {  	[tilespmem:v45+s3+$0x0] =	vst.idx.msk $0xffff, v37;
	v37 =	vand.u32 $0x7E, v47;
	v47 =	vand.u32 $0xC00, v48  }
0x203: {  	[tilespmem:v46+s3+$0x0] =	vst.idx.msk $0xffff, v38;
	v37 =	vor.u32 v37, v47  }
0x204: {  	v38 =	vld.idx.msk [tilespmem:v34+s14+$0x0], $0xffff;
	v47 =	vor.u32 v2, v37  }
0x205: {  	v34 =	vor.u32 v3, v37;
	v40 =	vld.idx.msk [tilespmem:v40+s14+$0x0], $0xffff;
	_ =	sdelay $0x1  }
0x206: {  	s9 =	sadd.s32 $0x7, s12;
	v37 =	vor.u32 v16, v41  }
0x207: {  	v48 =	vmov s9;
	v41 =	vor.u32 v17, v41  }
0x208: {  	v49 =	vshll.u32 v48, $0x3  }
0x209: {  	[tilespmem:v47+s3+$0x0] =	vst.idx.msk $0xffff, v38;
	v38 =	vand.u32 $0x7F, v48;
	v48 =	vand.u32 $0xC00, v49  }
0x20a: {  	[tilespmem:v34+s3+$0x0] =	vst.idx.msk $0xffff, v40;
	v38 =	vor.u32 v38, v48  }
0x20b: {  	v40 =	vld.idx.msk [tilespmem:v37+s14+$0x0], $0xffff;
	v37 =	vor.u32 v2, v38  }
0x20c: {  	v38 =	vor.u32 v3, v38;
	v41 =	vld.idx.msk [tilespmem:v41+s14+$0x0], $0xffff;
	_ =	sdelay $0x4  }
0x20d: {  	[tilespmem:v37+s3+$0x0] =	vst.idx.msk $0xffff, v40  }
0x20e: {  	[tilespmem:v38+s3+$0x0] =	vst.idx.msk $0xffff, v41  }
0x20f: {  	_ =	swait.ge [sflag:s6], $0x1000  }
0x210: {  	[sflag:s6] =	ssyncset.done $0x0  }
0x211: {  	[sflag:s6] =	ssyncadd.s32 $0xFFFFF000  }
0x212: {  	_ =	swait.ge [sflag:s6], $0x1000  }
0x213: {  	[sflag:s6] =	ssyncset.done $0x0  }
0x214: {  	[sflag:s6] =	ssyncadd.s32 $0xFFFFF000  }
0x215: {  	_ =	swait.ge [sflag:s6], $0x1000  }
0x216: {  	v40 =	vor.u32 v10, v42;
	[sflag:s6] =	ssyncset.done $0x0  }
0x217: {  	v41 =	vor.u32 v11, v42;
	[sflag:s6] =	ssyncadd.s32 $0xFFFFF000  }
0x218: {  	_ =	swait.ge [sflag:s6], $0x1000  }
0x219: {  	[sflag:s6] =	ssyncset.done $0x0  }
0x21a: {  	[sflag:s6] =	ssyncadd.s32 $0xFFFFF000  }
0x21b: {  	v40 =	vld.idx.msk [tilespmem:v40+s18+$0x0], $0xffff  }
0x21c: {  	v41 =	vld.idx.msk [tilespmem:v41+s18+$0x0], $0xffff;
	_ =	sdelay $0x1  }
0x21d: {  	v42 =	vor.u32 v12, v39  }
0x21e: {  	v39 =	vor.u32 v13, v39;
	_ =	sdelay $0x1  }
0x21f: {  	[tilespmem:v44+s10+$0x0] =	vst.idx.msk $0xffff, v40  }
0x220: {  	[tilespmem:v43+s10+$0x0] =	vst.idx.msk $0xffff, v41  }
0x221: {  	v40 =	vld.idx.msk [tilespmem:v42+s18+$0x0], $0xffff  }
0x222: {  	v39 =	vld.idx.msk [tilespmem:v39+s18+$0x0], $0xffff;
	_ =	sdelay $0x1  }
0x223: {  	v41 =	vor.u32 v14, v36  }
0x224: {  	v36 =	vor.u32 v15, v36;
	_ =	sdelay $0x1  }
0x225: {  	[tilespmem:v45+s10+$0x0] =	vst.idx.msk $0xffff, v40  }
0x226: {  	[tilespmem:v46+s10+$0x0] =	vst.idx.msk $0xffff, v39  }
0x227: {  	v40 =	vld.idx.msk [tilespmem:v41+s18+$0x0], $0xffff  }
0x228: {  	v36 =	vld.idx.msk [tilespmem:v36+s18+$0x0], $0xffff  }
.Ltmp0:
0x229: {  	(pc) =	sbr.rel @p0 .LBB2_2-.Ltmp0, $3  }
0x22a: {  	v39 =	vor.u32 v16, v35  }
0x22b: {  	v35 =	vor.u32 v17, v35;
	_ =	sdelay $0x1  }
0x22c: {  	[tilespmem:v47+s10+$0x0] =	vst.idx.msk $0xffff, v40  }
0x22d: {  	_ =	sdelay $0x3  }
0x22e: {  	[tilespmem:v34+s10+$0x0] =	vst.idx.msk $0xffff, v36  }
0x22f: {  	v34 =	vld.idx.msk [tilespmem:v39+s18+$0x0], $0xffff  }
0x230: {  	v35 =	vld.idx.msk [tilespmem:v35+s18+$0x0], $0xffff;
	_ =	sdelay $0x3  }
0x231: {  	[tilespmem:v37+s10+$0x0] =	vst.idx.msk $0xffff, v34  }
0x232: {  	[tilespmem:v38+s10+$0x0] =	vst.idx.msk $0xffff, v35  }
0x233: {  	v34 =	vld [tilespmem:$0x1FC];
	_ =	sdelay $0x4  }
0x234: {  	(v2sf) =	vpush v34, $0x0;
	_ =	sdelay $0x1  }
0x235: {  	(v2sf) =	vpush v34, $0x1;
	_ =	sdelay $0x1  }
0x236: {  	(v2sf) =	vpush v34, $0x2;
	_ =	sdelay $0x2  }
0x237: {  	(v2sf) =	vpush v34, $0x3;
	_ =	sdelay $0x2  }
0x238: {  	v35 =	vld [tilespmem:$0x47C];
	_ =	sdelay $0x4  }
0x239: {  	s4 =	spop (v2sf);
	(v2sf) =	vpush v35, $0x0;
	_ =	sdelay $0x1  }
0x23a: {  	s19 =	spop (v2sf);
	(v2sf) =	vpush v35, $0x1  }
0x23b: {  	s4 =	sand.u32 $0xFFFFF80, s4  }
0x23c: {  	s7 =	simm.s32 $0x4500;
	s4 =	sadd.s32 s0, s4;
	s21 =	spop (v2sf)  }
0x23d: {  	(v2sf) =	vpush v35, $0x2;
	[tilespmem:s7], [sflag:$0x2] =	stream.strided.gather [hbm4b:s4+s11], $0x1000, s13, s11, $0x38;
	[tilespmem:$0x18500] =	vst v63  }
0x23e: {  	s4 =	sand.u32 $0xFFFFF80, s19  }
0x23f: {  	s20 =	simm.s32 $0x5500;
	s8 =	spop (v2sf);
	s4 =	sadd.s32 s0, s4  }
0x240: {  	(v2sf) =	vpush v35, $0x3;
	[tilespmem:s20], [sflag:$0x2] =	stream.strided.gather [hbm4b:s4+s11], $0x1000, s13, s11, $0x38;
	[tilespmem:$0x18500] =	vst v63  }
0x241: {  	s4 =	sand.u32 $0xFFFFF80, s21  }
0x242: {  	s24 =	simm.s32 $0x6500;
	s4 =	sadd.s32 s0, s4  }
0x243: {  	[tilespmem:s24], [sflag:$0x2] =	stream.strided.gather [hbm4b:s4+s11], $0x1000, s13, s11, $0x38;
	[tilespmem:$0x18500] =	vst v63  }
0x244: {  	s4 =	sand.u32 $0xFFFFF80, s8  }
0x245: {  	s4 =	sadd.s32 s0, s4  }
0x246: {  	[tilespmem:s25], [sflag:$0x2] =	stream.strided.gather [hbm4b:s4+s11], $0x1000, s13, s11, $0x38;
	[tilespmem:$0x18500] =	vst v63  }
0x247: {  	s9 =	spop (v2sf)  }
0x248: {  	s4 =	sand.u32 $0xFFFFF80, s9  }
0x249: {  	s12 =	spop (v2sf);
	s4 =	sadd.s32 s1, s4  }
0x24a: {  	[tilespmem:s26], [sflag:$0x4] =	stream.strided.gather [hbm4b:s4+s11], $0x1000, s13, s11, $0x38;
	[tilespmem:$0x18500] =	vst v63  }
0x24b: {  	s4 =	sand.u32 $0xFFFFF80, s12  }
0x24c: {  	s15 =	spop (v2sf);
	s4 =	sadd.s32 s1, s4  }
0x24d: {  	[tilespmem:s28], [sflag:$0x4] =	stream.strided.gather [hbm4b:s4+s11], $0x1000, s13, s11, $0x38;
	[tilespmem:$0x18500] =	vst v63  }
0x24e: {  	s4 =	sand.u32 $0xFFFFF80, s15  }
0x24f: {  	s16 =	spop (v2sf);
	s4 =	sadd.s32 s1, s4  }
0x250: {  	[tilespmem:s29], [sflag:$0x4] =	stream.strided.gather [hbm4b:s4+s11], $0x1000, s13, s11, $0x38;
	[tilespmem:$0x18500] =	vst v63  }
0x251: {  	s4 =	sand.u32 $0xFFFFF80, s16  }
0x252: {  	s4 =	sadd.s32 s1, s4  }
0x253: {  	[tilespmem:s30], [sflag:$0x4] =	stream.strided.gather [hbm4b:s4+s11], $0x1000, s13, s11, $0x38;
	[tilespmem:$0x18500] =	vst v63  }
0x254: {  	v56 =	vld [tilespmem:$0x1F8]  }
0x255: {  	v57 =	vld [tilespmem:$0x478];
	_ =	swait.ge [sflag:s31], $0x1000  }
0x256: {  	[sflag:s31] =	ssyncset.done $0x0  }
0x257: {  	[sflag:s31] =	ssyncadd.s32 $0xFFFFF000  }
0x258: {  	_ =	swait.ge [sflag:s31], $0x1000  }
0x259: {  	[sflag:s31] =	ssyncset.done $0x0;
	v34 =	vand.u32 $0x7F, v56  }
0x25a: {  	[sflag:s31] =	ssyncadd.s32 $0xFFFFF000;
	v58 =	vbroadcast v34, $0x0  }
0x25b: {  	_ =	swait.ge [sflag:s31], $0x1000  }
0x25c: {  	[sflag:s31] =	ssyncset.done $0x0;
	v59 =	vor.u32 v0, v58  }
0x25d: {  	[sflag:s31] =	ssyncadd.s32 $0xFFFFF000;
	v36 =	vor.u32 v1, v58  }
0x25e: {  	_ =	swait.ge [sflag:s31], $0x1000  }
0x25f: {  	[sflag:s31] =	ssyncset.done $0x0  }
0x260: {  	[sflag:s31] =	ssyncadd.s32 $0xFFFFF000  }
0x261: {  	v60 =	vbroadcast v34, $0x1;
	v37 =	vld.idx.msk [tilespmem:v59+s14+$0x0], $0xffff  }
0x262: {  	v36 =	vld.idx.msk [tilespmem:v36+s14+$0x0], $0xffff  }
0x263: {  	v61 =	vor.u32 v4, v60  }
0x264: {  	v38 =	vor.u32 v5, v60;
	_ =	sdelay $0x1  }
0x265: {  	[tilespmem:v18+s3+$0x0] =	vst.idx.msk $0xffff, v37  }
0x266: {  	[tilespmem:v19+s3+$0x0] =	vst.idx.msk $0xffff, v36  }
0x267: {  	v62 =	vbroadcast v34, $0x2;
	v36 =	vld.idx.msk [tilespmem:v61+s14+$0x0], $0xffff  }
0x268: {  	v38 =	vld.idx.msk [tilespmem:v38+s14+$0x0], $0xffff  }
0x269: {  	v63 =	vor.u32 v6, v62  }
0x26a: {  	v37 =	vor.u32 v7, v62;
	_ =	sdelay $0x1  }
0x26b: {  	[tilespmem:v20+s3+$0x0] =	vst.idx.msk $0xffff, v36  }
0x26c: {  	[tilespmem:v21+s3+$0x0] =	vst.idx.msk $0xffff, v38  }
0x26d: {  	v34 =	vbroadcast v34, $0x3;
	v36 =	vld.idx.msk [tilespmem:v63+s14+$0x0], $0xffff  }
0x26e: {  	v37 =	vld.idx.msk [tilespmem:v37+s14+$0x0], $0xffff  }
0x26f: {  	v42 =	vor.u32 v8, v34  }
0x270: {  	v34 =	vor.u32 v9, v34;
	_ =	sdelay $0x1  }
0x271: {  	[tilespmem:v22+s3+$0x0] =	vst.idx.msk $0xffff, v36  }
0x272: {  	[tilespmem:v23+s3+$0x0] =	vst.idx.msk $0xffff, v37  }
0x273: {  	v36 =	vld.idx.msk [tilespmem:v42+s14+$0x0], $0xffff  }
0x274: {  	v34 =	vld.idx.msk [tilespmem:v34+s14+$0x0], $0xffff;
	_ =	sdelay $0x3  }
0x275: {  	[tilespmem:v24+s3+$0x0] =	vst.idx.msk $0xffff, v36  }
0x276: {  	[tilespmem:v25+s3+$0x0] =	vst.idx.msk $0xffff, v34  }
0x277: {  	_ =	swait.ge [sflag:s2], $0x1000  }
0x278: {  	[sflag:s2] =	ssyncset.done $0x0  }
0x279: {  	[sflag:s2] =	ssyncadd.s32 $0xFFFFF000  }
0x27a: {  	_ =	swait.ge [sflag:s2], $0x1000  }
0x27b: {  	v43 =	vand.u32 $0x7F, v57;
	[sflag:s2] =	ssyncset.done $0x0  }
0x27c: {  	v35 =	vbroadcast v43, $0x0;
	[sflag:s2] =	ssyncadd.s32 $0xFFFFF000  }
0x27d: {  	_ =	swait.ge [sflag:s2], $0x1000  }
0x27e: {  	v44 =	vor.u32 v0, v35;
	[sflag:s2] =	ssyncset.done $0x0  }
0x27f: {  	v35 =	vor.u32 v1, v35;
	[sflag:s2] =	ssyncadd.s32 $0xFFFFF000  }
0x280: {  	_ =	swait.ge [sflag:s2], $0x1000  }
0x281: {  	[sflag:s2] =	ssyncset.done $0x0  }
0x282: {  	[sflag:s2] =	ssyncadd.s32 $0xFFFFF000  }
0x283: {  	v45 =	vbroadcast v43, $0x1;
	v36 =	vld.idx.msk [tilespmem:v44+s18+$0x0], $0xffff  }
0x284: {  	v35 =	vld.idx.msk [tilespmem:v35+s18+$0x0], $0xffff  }
0x285: {  	v46 =	vor.u32 v4, v45  }
0x286: {  	v37 =	vor.u32 v5, v45;
	_ =	sdelay $0x1  }
0x287: {  	[tilespmem:v18+s10+$0x0] =	vst.idx.msk $0xffff, v36  }
0x288: {  	[tilespmem:v19+s10+$0x0] =	vst.idx.msk $0xffff, v35  }
0x289: {  	v47 =	vbroadcast v43, $0x2;
	v35 =	vld.idx.msk [tilespmem:v46+s18+$0x0], $0xffff  }
0x28a: {  	v37 =	vld.idx.msk [tilespmem:v37+s18+$0x0], $0xffff  }
0x28b: {  	v48 =	vor.u32 v6, v47  }
0x28c: {  	v36 =	vor.u32 v7, v47;
	_ =	sdelay $0x1  }
0x28d: {  	[tilespmem:v20+s10+$0x0] =	vst.idx.msk $0xffff, v35  }
0x28e: {  	[tilespmem:v21+s10+$0x0] =	vst.idx.msk $0xffff, v37  }
0x28f: {  	v34 =	vbroadcast v43, $0x3;
	v35 =	vld.idx.msk [tilespmem:v48+s18+$0x0], $0xffff  }
0x290: {  	v36 =	vld.idx.msk [tilespmem:v36+s18+$0x0], $0xffff  }
0x291: {  	v49 =	vor.u32 v8, v34  }
0x292: {  	v34 =	vor.u32 v9, v34;
	_ =	sdelay $0x1  }
0x293: {  	[tilespmem:v22+s10+$0x0] =	vst.idx.msk $0xffff, v35  }
0x294: {  	[tilespmem:v23+s10+$0x0] =	vst.idx.msk $0xffff, v36  }
0x295: {  	v35 =	vld.idx.msk [tilespmem:v49+s18+$0x0], $0xffff  }
0x296: {  	v34 =	vld.idx.msk [tilespmem:v34+s18+$0x0], $0xffff;
	_ =	sdelay $0x3  }
0x297: {  	[tilespmem:v24+s10+$0x0] =	vst.idx.msk $0xffff, v35  }
0x298: {  	[tilespmem:v25+s10+$0x0] =	vst.idx.msk $0xffff, v34  }
0x299: {  	v34 =	vld [tilespmem:$0x1FC]  }
0x29a: {  	v35 =	vld [tilespmem:$0x47C];
	_ =	swait.ge [sflag:s5], $0x1000  }
0x29b: {  	[sflag:s5] =	ssyncset.done $0x0  }
0x29c: {  	[sflag:s5] =	ssyncadd.s32 $0xFFFFF000  }
0x29d: {  	_ =	swait.ge [sflag:s5], $0x1000  }
0x29e: {  	[sflag:s5] =	ssyncset.done $0x0;
	v34 =	vand.u32 $0x7F, v34  }
0x29f: {  	[sflag:s5] =	ssyncadd.s32 $0xFFFFF000;
	v50 =	vbroadcast v34, $0x0  }
0x2a0: {  	_ =	swait.ge [sflag:s5], $0x1000  }
0x2a1: {  	[sflag:s5] =	ssyncset.done $0x0;
	v51 =	vor.u32 v10, v50  }
0x2a2: {  	[sflag:s5] =	ssyncadd.s32 $0xFFFFF000;
	v36 =	vor.u32 v11, v50  }
0x2a3: {  	_ =	swait.ge [sflag:s5], $0x1000  }
0x2a4: {  	[sflag:s5] =	ssyncset.done $0x0  }
0x2a5: {  	[sflag:s5] =	ssyncadd.s32 $0xFFFFF000  }
0x2a6: {  	v52 =	vbroadcast v34, $0x1;
	v37 =	vld.idx.msk [tilespmem:v51+s14+$0x0], $0xffff  }
0x2a7: {  	v36 =	vld.idx.msk [tilespmem:v36+s14+$0x0], $0xffff  }
0x2a8: {  	v53 =	vor.u32 v12, v52  }
0x2a9: {  	v38 =	vor.u32 v13, v52;
	_ =	sdelay $0x1  }
0x2aa: {  	[tilespmem:v26+s3+$0x0] =	vst.idx.msk $0xffff, v37  }
0x2ab: {  	[tilespmem:v27+s3+$0x0] =	vst.idx.msk $0xffff, v36  }
0x2ac: {  	v54 =	vbroadcast v34, $0x2;
	v36 =	vld.idx.msk [tilespmem:v53+s14+$0x0], $0xffff  }
0x2ad: {  	v38 =	vld.idx.msk [tilespmem:v38+s14+$0x0], $0xffff  }
0x2ae: {  	v55 =	vor.u32 v14, v54  }
0x2af: {  	v37 =	vor.u32 v15, v54;
	_ =	sdelay $0x1  }
0x2b0: {  	[tilespmem:v28+s3+$0x0] =	vst.idx.msk $0xffff, v36  }
0x2b1: {  	[tilespmem:v29+s3+$0x0] =	vst.idx.msk $0xffff, v38  }
0x2b2: {  	v34 =	vbroadcast v34, $0x3;
	v36 =	vld.idx.msk [tilespmem:v55+s14+$0x0], $0xffff  }
0x2b3: {  	v37 =	vld.idx.msk [tilespmem:v37+s14+$0x0], $0xffff  }
0x2b4: {  	v56 =	vor.u32 v16, v34  }
0x2b5: {  	v34 =	vor.u32 v17, v34;
	_ =	sdelay $0x1  }
0x2b6: {  	[tilespmem:v30+s3+$0x0] =	vst.idx.msk $0xffff, v36  }
0x2b7: {  	[tilespmem:v31+s3+$0x0] =	vst.idx.msk $0xffff, v37  }
0x2b8: {  	v36 =	vld.idx.msk [tilespmem:v56+s14+$0x0], $0xffff  }
0x2b9: {  	v34 =	vld.idx.msk [tilespmem:v34+s14+$0x0], $0xffff;
	_ =	sdelay $0x3  }
0x2ba: {  	[tilespmem:v32+s3+$0x0] =	vst.idx.msk $0xffff, v36  }
0x2bb: {  	[tilespmem:v33+s3+$0x0] =	vst.idx.msk $0xffff, v34  }
0x2bc: {  	_ =	swait.ge [sflag:s6], $0x1000  }
0x2bd: {  	[sflag:s6] =	ssyncset.done $0x0  }
0x2be: {  	[sflag:s6] =	ssyncadd.s32 $0xFFFFF000  }
0x2bf: {  	_ =	swait.ge [sflag:s6], $0x1000  }
0x2c0: {  	v57 =	vand.u32 $0x7F, v35;
	[sflag:s6] =	ssyncset.done $0x0  }
0x2c1: {  	v35 =	vbroadcast v57, $0x0;
	[sflag:s6] =	ssyncadd.s32 $0xFFFFF000  }
0x2c2: {  	_ =	swait.ge [sflag:s6], $0x1000  }
0x2c3: {  	v58 =	vor.u32 v10, v35;
	[sflag:s6] =	ssyncset.done $0x0  }
0x2c4: {  	v35 =	vor.u32 v11, v35;
	[sflag:s6] =	ssyncadd.s32 $0xFFFFF000  }
0x2c5: {  	_ =	swait.ge [sflag:s6], $0x1000  }
0x2c6: {  	[sflag:s6] =	ssyncset.done $0x0  }
0x2c7: {  	[sflag:s6] =	ssyncadd.s32 $0xFFFFF000  }
0x2c8: {  	v59 =	vbroadcast v57, $0x1;
	v36 =	vld.idx.msk [tilespmem:v58+s18+$0x0], $0xffff  }
0x2c9: {  	v35 =	vld.idx.msk [tilespmem:v35+s18+$0x0], $0xffff  }
0x2ca: {  	v60 =	vor.u32 v12, v59  }
0x2cb: {  	v37 =	vor.u32 v13, v59;
	_ =	sdelay $0x1  }
0x2cc: {  	[tilespmem:v26+s10+$0x0] =	vst.idx.msk $0xffff, v36  }
0x2cd: {  	[tilespmem:v27+s10+$0x0] =	vst.idx.msk $0xffff, v35  }
0x2ce: {  	v61 =	vbroadcast v57, $0x2;
	v35 =	vld.idx.msk [tilespmem:v60+s18+$0x0], $0xffff  }
0x2cf: {  	v37 =	vld.idx.msk [tilespmem:v37+s18+$0x0], $0xffff  }
0x2d0: {  	v62 =	vor.u32 v14, v61  }
0x2d1: {  	v36 =	vor.u32 v15, v61;
	_ =	sdelay $0x1  }
0x2d2: {  	[tilespmem:v28+s10+$0x0] =	vst.idx.msk $0xffff, v35  }
0x2d3: {  	[tilespmem:v29+s10+$0x0] =	vst.idx.msk $0xffff, v37  }
0x2d4: {  	v34 =	vbroadcast v57, $0x3;
	v35 =	vld.idx.msk [tilespmem:v62+s18+$0x0], $0xffff  }
0x2d5: {  	v36 =	vld.idx.msk [tilespmem:v36+s18+$0x0], $0xffff  }
0x2d6: {  	v63 =	vor.u32 v16, v34  }
0x2d7: {  	v34 =	vor.u32 v17, v34;
	_ =	sdelay $0x1  }
0x2d8: {  	[tilespmem:v30+s10+$0x0] =	vst.idx.msk $0xffff, v35  }
0x2d9: {  	[tilespmem:v31+s10+$0x0] =	vst.idx.msk $0xffff, v36  }
0x2da: {  	v35 =	vld.idx.msk [tilespmem:v63+s18+$0x0], $0xffff  }
0x2db: {  	v34 =	vld.idx.msk [tilespmem:v34+s18+$0x0], $0xffff;
	_ =	sdelay $0x3  }
0x2dc: {  	s19 =	simm.s32 $0x1000;
	[tilespmem:v32+s10+$0x0] =	vst.idx.msk $0xffff, v35  }
0x2dd: {  	s8 =	simm.s32 $0x5;
	s9 =	simm.s32 $0x20000;
	s17 =	rddreg [dreg:$0x9];
	[tilespmem:v33+s10+$0x0] =	vst.idx.msk $0xffff, v34  }
0x2de: {  	[hbm4b:s17+s19] =	stream.strided.scatter [tilespmem:s3], [sflag:$0x5], $0x4000, s9, s19, $0x38;
	[tilespmem:$0x18500] =	vst v63  }
0x2df: {  	_ =	swait.ge [sflag:s8], $0x4000  }
0x2e0: {  	[sflag:s8] =	ssyncset.done $0x0  }
0x2e1: {  	s20 =	rddreg [dreg:$0xa];
	[sflag:s8] =	ssyncadd.s32 $0xFFFFC000  }
0x2e2: {  	[hbm4b:s20+s19] =	stream.strided.scatter [tilespmem:s10], [sflag:$0x5], $0x4000, s9, s19, $0x38;
	[tilespmem:$0x18500] =	vst v63  }
0x2e3: {  	_ =	swait.ge [sflag:s8], $0x4000  }
0x2e4: {  	s21 =	rddreg [dreg:$0xc]  }
0x2e5: {  	s24 =	rddreg [dreg:$0xb];
	s7 =	sadd.s32 $0x1, s21  }
0x2e6: {  	p0 =	sne.s32 s7, s24  }
.Ltmp1:
0x2e7: {  	_ = 	snop;
	(pc) =	sbr.rel @p0 .LBB2_1-.Ltmp1, $4  }
0x2e8: {  	_ = 	snop  }
0x2e9: {  	s12 =	simm.s32 $0x1500;
	s15 =	simm.s32 $0x2500  }
0x2ea: {  	s16 =	simm.s32 $0x3500;
	s17 =	simm.s32 $0x9500;
	[sflag:s8] =	ssyncset.done $0x0  }
0x2eb: {  	s19 =	simm.s32 $0xA500;
	s20 =	simm.s32 $0xB500;
	[sflag:s8] =	ssyncadd.s32 $0xFFFFC000  }
0x2ec: {  	_ =	sfence.sel $0x180000  }
0x2ed: {  	[bflag:$0x0] =	sbarrier.arrive $0xFFFF  }
0x2ee: {  	_ =	strace $0x90000047  }
0x2ef: {  	s0 =	stileid.u32;
	[bflag:$0x2] =	sbarrier.arrive $0xFFFF  }
0x2f0: {  	p0 =	sne.s32 s0, $0x0;
	s0 =	rddreg [dreg:$0x6]  }
0x2f1: {  	s0 =	sadd.s32 @!p0 $0x100000, s0  }
0x2f2: {  	[sflag:s0] =	ssyncadd.tile.s32 @!p0 $0x1;
	_ =	shalt  }
.Lfunc_end2:
_tile_overlayer_lowered:
.L_overlay_start_2:
0x2f3: {  	(tag) =	ssettag $0x2  }
0x2f4: {  	s0 =	rddreg [dreg:$0x0];
	s2 =	stileid.u32  }
0x2f5: {  	s1 =	rddreg [dreg:$0x1];
	p0 =	sne.s32 s2, $0x0  }
0x2f6: {  	s3 =	rddreg [dreg:$0x2];
	[bflag:$0x3] =	sbarrier.arrive $0xFFFF;
	s2 =	simm.s32 @!p0 $0x1C05  }
0x2f7: {  	[timem:s3], [sflag:s2] =	dma.local @!p0 [hbm:s0], s1  }
0x2f8: {  	s0 =	simm.s32 @!p0 $0x5  }
0x2f9: {  	_ =	swait.ge @!p0 [sflag:s0], s1  }
0x2fa: {  	s1 =	ssub.s32 @!p0 $0x0, s1;
	[sflag:s0] =	ssyncset.done @!p0 $0x0  }
0x2fb: {  	[sflag:s0] =	ssyncadd.s32 @!p0 s1  }
0x2fc: {  	[bflag:$0x3] =	sbarrier.arrive $0xFFFF  }
0x2fd: {  	_ =	shalt  }

</sc_bundles>
